<compile_context>
chip_gen: v7x
topology: tpu7x:2x2x1
jax: 0.10.2.dev20260603
libtpu: 0.0.44.dev20260713+nightly
codegen_flags: <defaults>
</compile_context>

<pallas_src>
import dataclasses
import functools

import jax
import jax.numpy as jnp
from jax import lax
from jax.experimental import pallas as pl
from jax.experimental.pallas import tpu as pltpu
from jax.experimental.pallas import tpu_sc as plsc

N = 10000
E = 320000
D = 128
H = 128
R = 8

NC = 2
NS = 16
NW = NC * NS
EPT = E // NW
RN = R * N
RN_PAD = 82944
N_PAD = 10240
CE1 = 400
CB3 = 2000
CB5 = 400

_mesh = plsc.VectorSubcoreMesh(core_axis_name="c", subcore_axis_name="s")

_GDIMS = lax.GatherDimensionNumbers(
    offset_dims=(), collapsed_slice_dims=(0,), start_index_map=(0,))


def _splat16(vec16, j):
    idx = jnp.full((16, 1), j, jnp.int32)
    return lax.gather(vec16, idx, _GDIMS, (1,),
                      mode=lax.GatherScatterMode.PROMISE_IN_BOUNDS)


_sc_params = pltpu.CompilerParams()
if "needs_layout_passes" in pltpu.CompilerParams.__dataclass_fields__:
    _sc_params = dataclasses.replace(_sc_params, needs_layout_passes=False)
if "use_tc_tiling_on_sc" in pltpu.CompilerParams.__dataclass_fields__:
    _sc_params = dataclasses.replace(_sc_params, use_tc_tiling_on_sc=False)


@functools.partial(
    pl.kernel,
    out_type=jax.ShapeDtypeStruct((NC, NS, RN_PAD // 128, 128), jnp.float32),
    mesh=_mesh,
    compiler_params=_sc_params,
    scratch_types=[
        pltpu.VMEM((CE1,), jnp.int32),
        pltpu.VMEM((RN_PAD // 128, 128), jnp.float32),
    ],
)
def _count_kernel(sidx_hbm, cnt_hbm, idx_v, tab_v):
    c = lax.axis_index("c")
    s = lax.axis_index("s")
    wid = c * NS + s
    iota16 = lax.iota(jnp.int32, 16)
    ones16 = jnp.ones((16,), jnp.float32)

    @pl.loop(0, RN_PAD // 128)
    def _zero(i):
        for q in range(8):
            tab_v[i, pl.ds(q * 16, 16)] = jnp.zeros((16,), jnp.float32)

    @pl.loop(0, EPT // CE1)
    def _hist(k):
        base = wid * EPT + k * CE1
        pltpu.sync_copy(sidx_hbm.at[pl.ds(base, CE1)], idx_v)

        @pl.loop(0, CE1 // 16)
        def _grp(g):
            idx16 = idx_v[pl.ds(g * 16, 16)]
            row16 = lax.shift_right_logical(idx16, 7)
            col16 = lax.bitwise_and(idx16, 127)
            for j in range(16):
                plsc.addupdate_scatter(tab_v, [row16, col16], ones16,
                                       mask=iota16 == j)

    pltpu.sync_copy(tab_v, cnt_hbm.at[c, s])


RB = 8


def _inv_body(c_ref, o_ref):
    tot = jnp.sum(c_ref[...], axis=(0, 1))
    o_ref[...] = 1.0 / jnp.maximum(tot, 1.0)


def _inv_counts(cnts):
    return pl.pallas_call(
        _inv_body,
        grid=(RN_PAD // 128 // RB,),
        in_specs=[pl.BlockSpec((NC, NS, RB, 128), lambda i: (0, 0, i, 0))],
        out_specs=pl.BlockSpec((RB, 128), lambda i: (i, 0)),
        out_shape=jax.ShapeDtypeStruct((RN_PAD // 128, 128), jnp.float32),
    )(cnts)


@functools.partial(
    pl.kernel,
    out_type=jax.ShapeDtypeStruct((E,), jnp.float32),
    mesh=_mesh,
    compiler_params=_sc_params,
    scratch_types=[
        pltpu.VMEM((RN_PAD // 128, 128), jnp.float32),
        pltpu.VMEM((CB3,), jnp.int32),
        pltpu.VMEM((CB3,), jnp.float32),
    ],
)
def _scale_kernel(inv_hbm, sidx_hbm, s_hbm, inv_v, sidx_v, s_v):
    c = lax.axis_index("c")
    s = lax.axis_index("s")
    wid = c * NS + s
    pltpu.sync_copy(inv_hbm, inv_v)

    @pl.loop(0, EPT // CB3)
    def _chunk(k):
        base = wid * EPT + k * CB3
        pltpu.sync_copy(sidx_hbm.at[pl.ds(base, CB3)], sidx_v)

        @pl.loop(0, CB3 // 16)
        def _gather(g):
            idx16 = sidx_v[pl.ds(g * 16, 16)]
            row16 = lax.shift_right_logical(idx16, 7)
            col16 = lax.bitwise_and(idx16, 127)
            s_v[pl.ds(g * 16, 16)] = plsc.load_gather(inv_v, [row16, col16])

        pltpu.sync_copy(s_v, s_hbm.at[pl.ds(base, CB3)])


MB = 400


def _mm_body(x_ref, w_ref, b_ref, o_ref):
    xb = x_ref[...]
    for r in range(R + 1):
        acc = jnp.dot(xb, w_ref[r], preferred_element_type=jnp.float32)
        if r == R:
            acc = acc + b_ref[...]
        for h in range(NC):
            o_ref[h, r] = acc[:, h * (H // NC):(h + 1) * (H // NC)]


def _mm_layer(x, wall, b):
    return pl.pallas_call(
        _mm_body,
        grid=(N // MB,),
        in_specs=[
            pl.BlockSpec((MB, D), lambda i: (i, 0)),
            pl.BlockSpec((R + 1, D, H), lambda i: (0, 0, 0)),
            pl.BlockSpec((1, H), lambda i: (0, 0)),
        ],
        out_specs=pl.BlockSpec((NC, R + 1, MB, H // NC),
                               lambda i: (0, 0, i, 0)),
        out_shape=jax.ShapeDtypeStruct((NC, R + 1, N, H // NC), jnp.float32),
    )(x, wall, b)


HC = H // NC
EPC = E // NS


@functools.partial(
    pl.kernel,
    out_type=jax.ShapeDtypeStruct((NC, N_PAD, HC), jnp.float32),
    mesh=_mesh,
    compiler_params=_sc_params,
    scratch_types=[
        pltpu.VMEM((CB5,), jnp.int32), pltpu.VMEM((CB5,), jnp.int32),
        pltpu.VMEM((CB5,), jnp.int32),
        pltpu.VMEM((CB5,), jnp.int32), pltpu.VMEM((CB5,), jnp.int32),
        pltpu.VMEM((CB5,), jnp.int32),
        pltpu.VMEM((CB5,), jnp.float32), pltpu.VMEM((CB5,), jnp.float32),
        pltpu.VMEM((CB5,), jnp.float32),
        pltpu.VMEM((CB5, HC), jnp.float32), pltpu.VMEM((CB5, HC), jnp.float32),
        pltpu.SemaphoreType.DMA, pltpu.SemaphoreType.DMA,
        pltpu.SemaphoreType.DMA, pltpu.SemaphoreType.DMA,
        pltpu.SemaphoreType.DMA, pltpu.SemaphoreType.DMA,
        pltpu.SemaphoreType.DMA,
        pltpu.VMEM_SHARED((N_PAD, HC), jnp.float32),
    ],
)
def _agg_kernel(xw_hbm, gidx_hbm, dst_hbm, s_hbm, init_hbm, out_hbm,
                gv0, gv1, gv2, dv0, dv1, dv2, sv0, sv1, sv2, rv0, rv1,
                si0, si1, si2, sg0, sg1, so0, so1, acc_sh):
    c = lax.axis_index("c")
    s = lax.axis_index("s")
    NR = N_PAD // NS
    NCH = EPC // CB5
    gvs, dvs, svs = (gv0, gv1, gv2), (dv0, dv1, dv2), (sv0, sv1, sv2)
    rvs = (rv0, rv1)
    sis, sgs, sos = (si0, si1, si2), (sg0, sg1), (so0, so1)

    pltpu.sync_copy(init_hbm.at[c, pl.ds(s * NR, NR)],
                    acc_sh.at[pl.ds(s * NR, NR)])
    plsc.subcore_barrier()

    def idx_cp(k, b3):
        base2 = c * E + s * EPC + k * CB5
        base = s * EPC + k * CB5
        return (pltpu.make_async_copy(gidx_hbm.at[pl.ds(base2, CB5)],
                                      gvs[b3], sis[b3]),
                pltpu.make_async_copy(dst_hbm.at[pl.ds(base, CB5)],
                                     dvs[b3], sis[b3]),
                pltpu.make_async_copy(s_hbm.at[pl.ds(base, CB5)],
                                     svs[b3], sis[b3]))

    def idx_start(k, b3):
        for d in idx_cp(k, b3):
            d.start()

    def idx_wait(k, b3):
        for d in idx_cp(k, b3):
            d.wait()

    def gat_cp(b3, b2):
        return pltpu.make_async_copy(xw_hbm.at[gvs[b3]], rvs[b2], sgs[b2])

    def out_cp(b3, b2):
        return pltpu.make_async_copy(rvs[b2], acc_sh.at[dvs[b3]], sos[b2])

    def scale(b3, b2):
        rv, sv = rvs[b2], svs[b3]

        @pl.loop(0, CB5)
        def _scale(e):
            spl = plsc.load_gather(sv, [jnp.full((16,), e, jnp.int32)])
            for hh in range(HC // 16):
                sl = pl.ds(hh * 16, 16)
                rv[e, sl] = rv[e, sl] * spl

    def body(k, p2, p3, first=False, last=False):
        q2, q3 = 1 - p2, (p3 + 2) % 3
        idx_wait(k, p3)
        if not first:
            out_cp((p3 + 1) % 3, p2).wait()
        if not last:
            idx_start(k + 1, (p3 + 1) % 3)
        gat_cp(p3, p2).start()
        gat_cp(q3, q2).wait()
        scale(q3, q2)
        out_cp(q3, q2).start(add=True)

    idx_start(0, 0)
    idx_start(1, 1)
    idx_wait(0, 0)
    gat_cp(0, 0).start()
    body(1, 1, 1, first=True)

    @pl.loop(0, (NCH - 8) // 6)
    def _steady(t):
        for o in range(6):
            body(6 * t + 2 + o, (2 + o) % 2, (2 + o) % 3)

    for k in range(NCH - 6, NCH - 1):
        body(k, k % 2, k % 3)
    body(NCH - 1, (NCH - 1) % 2, (NCH - 1) % 3, last=True)
    q2, q3 = (NCH - 1) % 2, (NCH - 1) % 3
    gat_cp(q3, q2).wait()
    scale(q3, q2)
    out_cp(q3, q2).start(add=True)
    out_cp((NCH - 2) % 3, (NCH - 2) % 2).wait()
    out_cp(q3, q2).wait()

    plsc.subcore_barrier()
    pltpu.sync_copy(acc_sh.at[pl.ds(s * NR, NR)],
                    out_hbm.at[c, pl.ds(s * NR, NR)])


def _combine_body(p_ref, f_ref, o_ref):
    out = jnp.concatenate([p_ref[0], p_ref[1]], axis=-1)
    o_ref[...] = jnp.where(f_ref[...] > 0.0, jnp.maximum(out, 0.0), out)


def _combine(parts, flag_row):
    return pl.pallas_call(
        _combine_body,
        grid=(N // MB,),
        in_specs=[pl.BlockSpec((NC, MB, HC), lambda i: (0, i, 0)),
                  pl.BlockSpec((1, H), lambda i: (0, 0))],
        out_specs=pl.BlockSpec((MB, H), lambda i: (i, 0)),
        out_shape=jax.ShapeDtypeStruct((N, H), jnp.float32),
    )(parts, flag_row)


def kernel(x, edge_index, edge_type, W0, root0, b0, W1, root1, b1):
    src = edge_index[0].astype(jnp.int32)
    dst = edge_index[1].astype(jnp.int32)
    et = edge_type.astype(jnp.int32)
    gidx = et * N + src
    sidx = et * N + dst
    gidx2 = jnp.concatenate([gidx, gidx + (R + 1) * N])

    cnts = _count_kernel(sidx)
    inv = _inv_counts(cnts)
    svals = _scale_kernel(inv, sidx)

    walls = jnp.stack([jnp.concatenate([W0, root0[None]], axis=0),
                       jnp.concatenate([W1, root1[None]], axis=0)])
    biases = jnp.stack([b0.reshape(1, H), b1.reshape(1, H)])
    flags = jnp.stack([jnp.ones((1, H), jnp.float32),
                       jnp.zeros((1, H), jnp.float32)])

    def layer(h, xs):
        wall, b, flag = xs
        xw = _mm_layer(h, wall, b)
        init = jnp.pad(xw[:, R], ((0, 0), (0, N_PAD - N), (0, 0)))
        parts = _agg_kernel(xw.reshape(NC * (R + 1) * N, HC),
                            gidx2, dst, svals, init)
        return _combine(parts[:, :N], flag), None

    h_out, _ = lax.scan(layer, x, (walls, biases, flags))
    return h_out

# --- scband reference (transcript-rebuilt; emitter-appended) ---
"""Pipeline reference for scband-rgcn-50938312130617 (READ-ONLY COPY).

The authoritative reference and input builder live on the scoring server;
editing this copy changes nothing except your own understanding.
"""

import jax, jax.numpy as jnp
import numpy as np

N = 10000
E = 320000
D = 128
H = 128
R = 8


def setup_inputs(seed: int = 0):
    key = jax.random.key(seed)
    ks = jax.random.split(key, 9)
    x = jax.random.normal(ks[0], (N, D), dtype=jnp.float32)
    edge_index = jax.random.randint(ks[1], (2, E), 0, N)
    edge_type = jax.random.randint(ks[2], (E,), 0, R)
    W0 = (jax.random.normal(ks[3], (R, D, H), dtype=jnp.float32) / np.sqrt(D)).astype(jnp.float32)
    root0 = (jax.random.normal(ks[4], (D, H), dtype=jnp.float32) / np.sqrt(D)).astype(jnp.float32)
    b0 = jnp.zeros((H,), dtype=jnp.float32)
    W1 = (jax.random.normal(ks[5], (R, H, H), dtype=jnp.float32) / np.sqrt(H)).astype(jnp.float32)
    root1 = (jax.random.normal(ks[6], (H, H), dtype=jnp.float32) / np.sqrt(H)).astype(jnp.float32)
    b1 = jnp.zeros((H,), dtype=jnp.float32)
    return {"x": x, "edge_index": edge_index, "edge_type": edge_type,
            "W0": W0, "root0": root0, "b0": b0,
            "W1": W1, "root1": root1, "b1": b1}


def _rgcn_layer(x, src, dst, edge_type, W, root, b):
    # PyG-style RGCNConv: per-relation mean aggregation + root weight + bias
    n = x.shape[0]
    out = x @ root + b
    num_rel = W.shape[0]
    out_dim = W.shape[2]
    for r in range(num_rel):
        m = (edge_type == r).astype(x.dtype)
        xw = x @ W[r]
        msg = jnp.take(xw, src, axis=0) * m[:, None]
        agg = jnp.zeros((n, out_dim), dtype=x.dtype).at[dst].add(msg)
        cnt = jnp.zeros((n,), dtype=x.dtype).at[dst].add(m)
        out = out + agg / jnp.clip(cnt, 1.0, None)[:, None]
    return out


def reference(x, edge_index, edge_type, W0, root0, b0, W1, root1, b1):
    src = edge_index[0]
    dst = edge_index[1]
    h = _rgcn_layer(x, src, dst, edge_type, W0, root0, b0)
    h = jax.nn.relu(h)
    h = _rgcn_layer(h, src, dst, edge_type, W1, root1, b1)
    return h

if __name__ == "__main__":
    import jax
    _d = setup_inputs()
    print(jax.jit(kernel)(*tuple(_d.values())))

</pallas_src>

<mosaic_0001>
#map = affine_map<(d0, d1) -> (0, 0)>
#map1 = affine_map<(d0, d1) -> (0)>
module attributes {stable_mosaic.version = 14 : i64} {
  func.func @_scale_kernel(%arg0: i32, %arg1: i32, %arg2: memref<648x128xf32, #tpu.memory_space<hbm>>, %arg3: memref<320000xi32, #tpu.memory_space<hbm>>, %arg4: memref<320000xf32, #tpu.memory_space<hbm>>, %arg5: memref<648x128xf32, #tpu.memory_space<vmem>>, %arg6: memref<2000xi32, #tpu.memory_space<vmem>>, %arg7: memref<2000xf32, #tpu.memory_space<vmem>>) attributes {dimension_semantics = [#tpu.dimension_semantics<core_parallel>, #tpu.dimension_semantics<subcore_parallel>], iteration_bounds = array<i64: 2, 16>, scalar_prefetch = 0 : i64, scratch_operands = 3 : i64, tpu.core_type = #tpu.core_type<sc_vector_subcore>, window_params = [{transform_indices = #map}, {transform_indices = #map1}, {transform_indices = #map1}]} {
    %mul3A = arith.constant 16 : i32
    %mul3A_0 = arith.muli %arg0, %mul3A : i32
    %add3A = arith.addi %mul3A_0, %arg1 : i32
    "tpu.region"() ({
      %run_scoped3A = tpu.sem_alloc : memref<!tpu.dma_semaphore, #tpu.memory_space<semaphore_mem>>
      tpu.enqueue_dma source(%arg2 : memref<648x128xf32, #tpu.memory_space<hbm>>) target(%arg5 : memref<648x128xf32, #tpu.memory_space<vmem>>) target_semaphore(%run_scoped3A : memref<!tpu.dma_semaphore, #tpu.memory_space<semaphore_mem>>)
      tpu.wait_dma2 semaphore(%run_scoped3A : memref<!tpu.dma_semaphore, #tpu.memory_space<semaphore_mem>>) src(%arg2 : memref<648x128xf32, #tpu.memory_space<hbm>>) dst(%arg5 : memref<648x128xf32, #tpu.memory_space<vmem>>)
      tpu.yield
    }) : () -> ()
    %scan3A = arith.constant 0 : i32
    %scan3A_1 = arith.constant 5 : i32
    %scan3A_2 = arith.addi %scan3A, %scan3A_1 : i32
    %scan3A_3 = arith.constant 1 : i32
    scf.for %scan3A_5 = %scan3A to %scan3A_2 step %scan3A_3  : i32 {
      %mul3A_6 = arith.constant 1 : i32
      %mul3A_7 = arith.muli %scan3A_5, %mul3A_6 : i32
      %add3A_8 = arith.constant 0 : i32
      %add3A_9 = arith.addi %add3A_8, %mul3A_7 : i32
      %mul3A_10 = arith.constant 10000 : i32
      %mul3A_11 = arith.muli %add3A, %mul3A_10 : i32
      %mul3A_12 = arith.constant 2000 : i32
      %mul3A_13 = arith.muli %add3A_9, %mul3A_12 : i32
      %add3A_14 = arith.addi %mul3A_11, %mul3A_13 : i32
      "tpu.region"() ({
        %run_scoped3A = tpu.sem_alloc : memref<!tpu.dma_semaphore, #tpu.memory_space<semaphore_mem>>
        %dma_start3A = tpu.memref_slice %arg3[%add3A_14] : memref<320000xi32, #tpu.memory_space<hbm>> -> memref<2000xi32, #tpu.memory_space<hbm>>
        %dma_start3A_20 = tpu.memref_slice %arg3[%add3A_14] : memref<320000xi32, #tpu.memory_space<hbm>> -> memref<2000xi32, #tpu.memory_space<hbm>>
        tpu.enqueue_dma source(%dma_start3A_20 : memref<2000xi32, #tpu.memory_space<hbm>>) target(%arg6 : memref<2000xi32, #tpu.memory_space<vmem>>) target_semaphore(%run_scoped3A : memref<!tpu.dma_semaphore, #tpu.memory_space<semaphore_mem>>)
        %dma_wait3A = tpu.memref_slice %arg3[%add3A_14] : memref<320000xi32, #tpu.memory_space<hbm>> -> memref<2000xi32, #tpu.memory_space<hbm>>
        %dma_wait3A_21 = tpu.memref_slice %arg3[%add3A_14] : memref<320000xi32, #tpu.memory_space<hbm>> -> memref<2000xi32, #tpu.memory_space<hbm>>
        tpu.wait_dma2 semaphore(%run_scoped3A : memref<!tpu.dma_semaphore, #tpu.memory_space<semaphore_mem>>) src(%dma_wait3A_21 : memref<2000xi32, #tpu.memory_space<hbm>>) dst(%arg6 : memref<2000xi32, #tpu.memory_space<vmem>>)
        tpu.yield
      }) : () -> ()
      %scan3A_15 = arith.constant 0 : i32
      %scan3A_16 = arith.constant 125 : i32
      %scan3A_17 = arith.addi %scan3A_15, %scan3A_16 : i32
      %scan3A_18 = arith.constant 1 : i32
      scf.for %scan3A_20 = %scan3A_15 to %scan3A_17 step %scan3A_18  : i32 {
        %mul3A_21 = arith.constant 1 : i32
        %mul3A_22 = arith.muli %scan3A_20, %mul3A_21 : i32
        %add3A_23 = arith.constant 0 : i32
        %add3A_24 = arith.addi %add3A_23, %mul3A_22 : i32
        %mul3A_25 = arith.constant 16 : i32
        %mul3A_26 = arith.muli %add3A_24, %mul3A_25 : i32
        %get3A = arith.index_cast %mul3A_26 : i32 to index
        %get3A_27 = tpu.vector_load %arg6[%get3A] {strides = array<i32>} : memref<2000xi32, #tpu.memory_space<vmem>>, vector<16xi32>,
        %shift_right_logical3A = arith.constant 7 : i32
        %shift_right_logical3A_28 = vector.broadcast %shift_right_logical3A : i32 to vector<16xi32>
        %shift_right_logical3A_29 = arith.shrui %get3A_27, %shift_right_logical3A_28 : vector<16xi32>
        %and3A = arith.constant 127 : i32
        %and3A_30 = vector.broadcast %and3A : i32 to vector<16xi32>
        %and3A_31 = arith.andi %get3A_27, %and3A_30 : vector<16xi32>
        %gather3A = tpu.vector_load_idx %arg5[%shift_right_logical3A_29, %and3A_31] : memref<648x128xf32, #tpu.memory_space<vmem>>[vector<16xi32>, vector<16xi32>], vector<16xf32>,
        %mul3A_32 = arith.constant 16 : i32
        %mul3A_33 = arith.muli %add3A_24, %mul3A_32 : i32
        %swap3A = arith.index_cast %mul3A_33 : i32 to index
        %swap3A_34 = tpu.vector_load %arg7[%swap3A] {strides = array<i32>} : memref<2000xf32, #tpu.memory_space<vmem>>, vector<16xf32>,
        tpu.vector_store %arg7[%swap3A], %gather3A {strides = array<i32>} : memref<2000xf32, #tpu.memory_space<vmem>>, vector<16xf32>,
      }
      %scan3A_19 = arith.constant 125 : i32
      "tpu.region"() ({
        %run_scoped3A = tpu.sem_alloc : memref<!tpu.dma_semaphore, #tpu.memory_space<semaphore_mem>>
        %dma_start3A = tpu.memref_slice %arg4[%add3A_14] : memref<320000xf32, #tpu.memory_space<hbm>> -> memref<2000xf32, #tpu.memory_space<hbm>>
        %dma_start3A_20 = tpu.memref_slice %arg4[%add3A_14] : memref<320000xf32, #tpu.memory_space<hbm>> -> memref<2000xf32, #tpu.memory_space<hbm>>
        tpu.enqueue_dma source(%arg7 : memref<2000xf32, #tpu.memory_space<vmem>>) target(%dma_start3A_20 : memref<2000xf32, #tpu.memory_space<hbm>>) target_semaphore(%run_scoped3A : memref<!tpu.dma_semaphore, #tpu.memory_space<semaphore_mem>>)
        %dma_wait3A = tpu.memref_slice %arg4[%add3A_14] : memref<320000xf32, #tpu.memory_space<hbm>> -> memref<2000xf32, #tpu.memory_space<hbm>>
        %dma_wait3A_21 = tpu.memref_slice %arg4[%add3A_14] : memref<320000xf32, #tpu.memory_space<hbm>> -> memref<2000xf32, #tpu.memory_space<hbm>>
        tpu.wait_dma2 semaphore(%run_scoped3A : memref<!tpu.dma_semaphore, #tpu.memory_space<semaphore_mem>>) src(%arg7 : memref<2000xf32, #tpu.memory_space<vmem>>) dst(%dma_wait3A_21 : memref<2000xf32, #tpu.memory_space<hbm>>)
        tpu.yield
      }) : () -> ()
    }
    %scan3A_4 = arith.constant 5 : i32
    return
  }
}

#map = affine_map<(d0, d1) -> (0)>
#map1 = affine_map<(d0, d1) -> (0, 0, 0, 0)>
module attributes {stable_mosaic.version = 14 : i64} {
  func.func @_count_kernel(%arg0: i32, %arg1: i32, %arg2: memref<320000xi32, #tpu.memory_space<hbm>>, %arg3: memref<2x16x648x128xf32, #tpu.memory_space<hbm>>, %arg4: memref<400xi32, #tpu.memory_space<vmem>>, %arg5: memref<648x128xf32, #tpu.memory_space<vmem>>) attributes {dimension_semantics = [#tpu.dimension_semantics<core_parallel>, #tpu.dimension_semantics<subcore_parallel>], iteration_bounds = array<i64: 2, 16>, scalar_prefetch = 0 : i64, scratch_operands = 2 : i64, tpu.core_type = #tpu.core_type<sc_vector_subcore>, window_params = [{transform_indices = #map}, {transform_indices = #map1}]} {
    %mul3A = arith.constant 16 : i32
    %mul3A_0 = arith.muli %arg0, %mul3A : i32
    %add3A = arith.addi %mul3A_0, %arg1 : i32
    %iota3A = tpu.iota {dimensions = array<i32: 0>} : vector<16xi32>
    %broadcast_in_dim3A = arith.constant 1.000000e+00 : f32
    %broadcast_in_dim3A_1 = vector.broadcast %broadcast_in_dim3A : f32 to vector<16xf32>
    %scan3A = arith.constant 0 : i32
    %scan3A_2 = arith.constant 648 : i32
    %scan3A_3 = arith.addi %scan3A, %scan3A_2 : i32
    %scan3A_4 = arith.constant 1 : i32
    scf.for %scan3A_11 = %scan3A to %scan3A_3 step %scan3A_4  : i32 {
      %mul3A_12 = arith.constant 1 : i32
      %mul3A_13 = arith.muli %scan3A_11, %mul3A_12 : i32
      %add3A_14 = arith.constant 0 : i32
      %add3A_15 = arith.addi %add3A_14, %mul3A_13 : i32
      %broadcast_in_dim3A_16 = arith.constant 0.000000e+00 : f32
      %broadcast_in_dim3A_17 = vector.broadcast %broadcast_in_dim3A_16 : f32 to vector<16xf32>
      %swap3A = arith.index_cast %add3A_15 : i32 to index
      %swap3A_18 = arith.constant 0 : index
      %swap3A_19 = tpu.vector_load %arg5[%swap3A, %swap3A_18] {strides = array<i32>} : memref<648x128xf32, #tpu.memory_space<vmem>>, vector<16xf32>,
      tpu.vector_store %arg5[%swap3A, %swap3A_18], %broadcast_in_dim3A_17 {strides = array<i32>} : memref<648x128xf32, #tpu.memory_space<vmem>>, vector<16xf32>,
      %broadcast_in_dim3A_20 = arith.constant 0.000000e+00 : f32
      %broadcast_in_dim3A_21 = vector.broadcast %broadcast_in_dim3A_20 : f32 to vector<16xf32>
      %swap3A_22 = arith.index_cast %add3A_15 : i32 to index
      %swap3A_23 = arith.constant 16 : index
      %swap3A_24 = tpu.vector_load %arg5[%swap3A_22, %swap3A_23] {strides = array<i32>} : memref<648x128xf32, #tpu.memory_space<vmem>>, vector<16xf32>,
      tpu.vector_store %arg5[%swap3A_22, %swap3A_23], %broadcast_in_dim3A_21 {strides = array<i32>} : memref<648x128xf32, #tpu.memory_space<vmem>>, vector<16xf32>,
      %broadcast_in_dim3A_25 = arith.constant 0.000000e+00 : f32
      %broadcast_in_dim3A_26 = vector.broadcast %broadcast_in_dim3A_25 : f32 to vector<16xf32>
      %swap3A_27 = arith.index_cast %add3A_15 : i32 to index
      %swap3A_28 = arith.constant 32 : index
      %swap3A_29 = tpu.vector_load %arg5[%swap3A_27, %swap3A_28] {strides = array<i32>} : memref<648x128xf32, #tpu.memory_space<vmem>>, vector<16xf32>,
      tpu.vector_store %arg5[%swap3A_27, %swap3A_28], %broadcast_in_dim3A_26 {strides = array<i32>} : memref<648x128xf32, #tpu.memory_space<vmem>>, vector<16xf32>,
      %broadcast_in_dim3A_30 = arith.constant 0.000000e+00 : f32
      %broadcast_in_dim3A_31 = vector.broadcast %broadcast_in_dim3A_30 : f32 to vector<16xf32>
      %swap3A_32 = arith.index_cast %add3A_15 : i32 to index
      %swap3A_33 = arith.constant 48 : index
      %swap3A_34 = tpu.vector_load %arg5[%swap3A_32, %swap3A_33] {strides = array<i32>} : memref<648x128xf32, #tpu.memory_space<vmem>>, vector<16xf32>,
      tpu.vector_store %arg5[%swap3A_32, %swap3A_33], %broadcast_in_dim3A_31 {strides = array<i32>} : memref<648x128xf32, #tpu.memory_space<vmem>>, vector<16xf32>,
      %broadcast_in_dim3A_35 = arith.constant 0.000000e+00 : f32
      %broadcast_in_dim3A_36 = vector.broadcast %broadcast_in_dim3A_35 : f32 to vector<16xf32>
      %swap3A_37 = arith.index_cast %add3A_15 : i32 to index
      %swap3A_38 = arith.constant 64 : index
      %swap3A_39 = tpu.vector_load %arg5[%swap3A_37, %swap3A_38] {strides = array<i32>} : memref<648x128xf32, #tpu.memory_space<vmem>>, vector<16xf32>,
      tpu.vector_store %arg5[%swap3A_37, %swap3A_38], %broadcast_in_dim3A_36 {strides = array<i32>} : memref<648x128xf32, #tpu.memory_space<vmem>>, vector<16xf32>,
      %broadcast_in_dim3A_40 = arith.constant 0.000000e+00 : f32
      %broadcast_in_dim3A_41 = vector.broadcast %broadcast_in_dim3A_40 : f32 to vector<16xf32>
      %swap3A_42 = arith.index_cast %add3A_15 : i32 to index
      %swap3A_43 = arith.constant 80 : index
      %swap3A_44 = tpu.vector_load %arg5[%swap3A_42, %swap3A_43] {strides = array<i32>} : memref<648x128xf32, #tpu.memory_space<vmem>>, vector<16xf32>,
      tpu.vector_store %arg5[%swap3A_42, %swap3A_43], %broadcast_in_dim3A_41 {strides = array<i32>} : memref<648x128xf32, #tpu.memory_space<vmem>>, vector<16xf32>,
      %broadcast_in_dim3A_45 = arith.constant 0.000000e+00 : f32
      %broadcast_in_dim3A_46 = vector.broadcast %broadcast_in_dim3A_45 : f32 to vector<16xf32>
      %swap3A_47 = arith.index_cast %add3A_15 : i32 to index
      %swap3A_48 = arith.constant 96 : index
      %swap3A_49 = tpu.vector_load %arg5[%swap3A_47, %swap3A_48] {strides = array<i32>} : memref<648x128xf32, #tpu.memory_space<vmem>>, vector<16xf32>,
      tpu.vector_store %arg5[%swap3A_47, %swap3A_48], %broadcast_in_dim3A_46 {strides = array<i32>} : memref<648x128xf32, #tpu.memory_space<vmem>>, vector<16xf32>,
      %broadcast_in_dim3A_50 = arith.constant 0.000000e+00 : f32
      %broadcast_in_dim3A_51 = vector.broadcast %broadcast_in_dim3A_50 : f32 to vector<16xf32>
      %swap3A_52 = arith.index_cast %add3A_15 : i32 to index
      %swap3A_53 = arith.constant 112 : index
      %swap3A_54 = tpu.vector_load %arg5[%swap3A_52, %swap3A_53] {strides = array<i32>} : memref<648x128xf32, #tpu.memory_space<vmem>>, vector<16xf32>,
      tpu.vector_store %arg5[%swap3A_52, %swap3A_53], %broadcast_in_dim3A_51 {strides = array<i32>} : memref<648x128xf32, #tpu.memory_space<vmem>>, vector<16xf32>,
    }
    %scan3A_5 = arith.constant 648 : i32
    %scan3A_6 = arith.constant 0 : i32
    %scan3A_7 = arith.constant 25 : i32
    %scan3A_8 = arith.addi %scan3A_6, %scan3A_7 : i32
    %scan3A_9 = arith.constant 1 : i32
    scf.for %scan3A_11 = %scan3A_6 to %scan3A_8 step %scan3A_9  : i32 {
      %mul3A_12 = arith.constant 1 : i32
      %mul3A_13 = arith.muli %scan3A_11, %mul3A_12 : i32
      %add3A_14 = arith.constant 0 : i32
      %add3A_15 = arith.addi %add3A_14, %mul3A_13 : i32
      %mul3A_16 = arith.constant 10000 : i32
      %mul3A_17 = arith.muli %add3A, %mul3A_16 : i32
      %mul3A_18 = arith.constant 400 : i32
      %mul3A_19 = arith.muli %add3A_15, %mul3A_18 : i32
      %add3A_20 = arith.addi %mul3A_17, %mul3A_19 : i32
      "tpu.region"() ({
        %run_scoped3A = tpu.sem_alloc : memref<!tpu.dma_semaphore, #tpu.memory_space<semaphore_mem>>
        %dma_start3A = tpu.memref_slice %arg2[%add3A_20] : memref<320000xi32, #tpu.memory_space<hbm>> -> memref<400xi32, #tpu.memory_space<hbm>>
        %dma_start3A_26 = tpu.memref_slice %arg2[%add3A_20] : memref<320000xi32, #tpu.memory_space<hbm>> -> memref<400xi32, #tpu.memory_space<hbm>>
        tpu.enqueue_dma source(%dma_start3A_26 : memref<400xi32, #tpu.memory_space<hbm>>) target(%arg4 : memref<400xi32, #tpu.memory_space<vmem>>) target_semaphore(%run_scoped3A : memref<!tpu.dma_semaphore, #tpu.memory_space<semaphore_mem>>)
        %dma_wait3A = tpu.memref_slice %arg2[%add3A_20] : memref<320000xi32, #tpu.memory_space<hbm>> -> memref<400xi32, #tpu.memory_space<hbm>>
        %dma_wait3A_27 = tpu.memref_slice %arg2[%add3A_20] : memref<320000xi32, #tpu.memory_space<hbm>> -> memref<400xi32, #tpu.memory_space<hbm>>
        tpu.wait_dma2 semaphore(%run_scoped3A : memref<!tpu.dma_semaphore, #tpu.memory_space<semaphore_mem>>) src(%dma_wait3A_27 : memref<400xi32, #tpu.memory_space<hbm>>) dst(%arg4 : memref<400xi32, #tpu.memory_space<vmem>>)
        tpu.yield
      }) : () -> ()
      %scan3A_21 = arith.constant 0 : i32
      %scan3A_22 = arith.constant 25 : i32
      %scan3A_23 = arith.addi %scan3A_21, %scan3A_22 : i32
      %scan3A_24 = arith.constant 1 : i32
      scf.for %scan3A_26 = %scan3A_21 to %scan3A_23 step %scan3A_24  : i32 {
        %mul3A_27 = arith.constant 1 : i32
        %mul3A_28 = arith.muli %scan3A_26, %mul3A_27 : i32
        %add3A_29 = arith.constant 0 : i32
        %add3A_30 = arith.addi %add3A_29, %mul3A_28 : i32
        %mul3A_31 = arith.constant 16 : i32
        %mul3A_32 = arith.muli %add3A_30, %mul3A_31 : i32
        %get3A = arith.index_cast %mul3A_32 : i32 to index
        %get3A_33 = tpu.vector_load %arg4[%get3A] {strides = array<i32>} : memref<400xi32, #tpu.memory_space<vmem>>, vector<16xi32>,
        %shift_right_logical3A = arith.constant 7 : i32
        %shift_right_logical3A_34 = vector.broadcast %shift_right_logical3A : i32 to vector<16xi32>
        %shift_right_logical3A_35 = arith.shrui %get3A_33, %shift_right_logical3A_34 : vector<16xi32>
        %and3A = arith.constant 127 : i32
        %and3A_36 = vector.broadcast %and3A : i32 to vector<16xi32>
        %and3A_37 = arith.andi %get3A_33, %and3A_36 : vector<16xi32>
        %eq3A = arith.constant 0 : i32
        %eq3A_38 = vector.broadcast %eq3A : i32 to vector<16xi32>
        %eq3A_39 = arith.cmpi eq, %iota3A, %eq3A_38 : vector<16xi32>
        tpu.vector_store_idx %arg5[%shift_right_logical3A_35, %and3A_37], %broadcast_in_dim3A_1 masked %eq3A_39 {add = true} : memref<648x128xf32, #tpu.memory_space<vmem>>[vector<16xi32>, vector<16xi32>], vector<16xf32>, vector<16xi1>
        %eq3A_40 = arith.constant 1 : i32
        %eq3A_41 = vector.broadcast %eq3A_40 : i32 to vector<16xi32>
        %eq3A_42 = arith.cmpi eq, %iota3A, %eq3A_41 : vector<16xi32>
        tpu.vector_store_idx %arg5[%shift_right_logical3A_35, %and3A_37], %broadcast_in_dim3A_1 masked %eq3A_42 {add = true} : memref<648x128xf32, #tpu.memory_space<vmem>>[vector<16xi32>, vector<16xi32>], vector<16xf32>, vector<16xi1>
        %eq3A_43 = arith.constant 2 : i32
        %eq3A_44 = vector.broadcast %eq3A_43 : i32 to vector<16xi32>
        %eq3A_45 = arith.cmpi eq, %iota3A, %eq3A_44 : vector<16xi32>
        tpu.vector_store_idx %arg5[%shift_right_logical3A_35, %and3A_37], %broadcast_in_dim3A_1 masked %eq3A_45 {add = true} : memref<648x128xf32, #tpu.memory_space<vmem>>[vector<16xi32>, vector<16xi32>], vector<16xf32>, vector<16xi1>
        %eq3A_46 = arith.constant 3 : i32
        %eq3A_47 = vector.broadcast %eq3A_46 : i32 to vector<16xi32>
        %eq3A_48 = arith.cmpi eq, %iota3A, %eq3A_47 : vector<16xi32>
        tpu.vector_store_idx %arg5[%shift_right_logical3A_35, %and3A_37], %broadcast_in_dim3A_1 masked %eq3A_48 {add = true} : memref<648x128xf32, #tpu.memory_space<vmem>>[vector<16xi32>, vector<16xi32>], vector<16xf32>, vector<16xi1>
        %eq3A_49 = arith.constant 4 : i32
        %eq3A_50 = vector.broadcast %eq3A_49 : i32 to vector<16xi32>
        %eq3A_51 = arith.cmpi eq, %iota3A, %eq3A_50 : vector<16xi32>
        tpu.vector_store_idx %arg5[%shift_right_logical3A_35, %and3A_37], %broadcast_in_dim3A_1 masked %eq3A_51 {add = true} : memref<648x128xf32, #tpu.memory_space<vmem>>[vector<16xi32>, vector<16xi32>], vector<16xf32>, vector<16xi1>
        %eq3A_52 = arith.constant 5 : i32
        %eq3A_53 = vector.broadcast %eq3A_52 : i32 to vector<16xi32>
        %eq3A_54 = arith.cmpi eq, %iota3A, %eq3A_53 : vector<16xi32>
        tpu.vector_store_idx %arg5[%shift_right_logical3A_35, %and3A_37], %broadcast_in_dim3A_1 masked %eq3A_54 {add = true} : memref<648x128xf32, #tpu.memory_space<vmem>>[vector<16xi32>, vector<16xi32>], vector<16xf32>, vector<16xi1>
        %eq3A_55 = arith.constant 6 : i32
        %eq3A_56 = vector.broadcast %eq3A_55 : i32 to vector<16xi32>
        %eq3A_57 = arith.cmpi eq, %iota3A, %eq3A_56 : vector<16xi32>
        tpu.vector_store_idx %arg5[%shift_right_logical3A_35, %and3A_37], %broadcast_in_dim3A_1 masked %eq3A_57 {add = true} : memref<648x128xf32, #tpu.memory_space<vmem>>[vector<16xi32>, vector<16xi32>], vector<16xf32>, vector<16xi1>
        %eq3A_58 = arith.constant 7 : i32
        %eq3A_59 = vector.broadcast %eq3A_58 : i32 to vector<16xi32>
        %eq3A_60 = arith.cmpi eq, %iota3A, %eq3A_59 : vector<16xi32>
        tpu.vector_store_idx %arg5[%shift_right_logical3A_35, %and3A_37], %broadcast_in_dim3A_1 masked %eq3A_60 {add = true} : memref<648x128xf32, #tpu.memory_space<vmem>>[vector<16xi32>, vector<16xi32>], vector<16xf32>, vector<16xi1>
        %eq3A_61 = arith.constant 8 : i32
        %eq3A_62 = vector.broadcast %eq3A_61 : i32 to vector<16xi32>
        %eq3A_63 = arith.cmpi eq, %iota3A, %eq3A_62 : vector<16xi32>
        tpu.vector_store_idx %arg5[%shift_right_logical3A_35, %and3A_37], %broadcast_in_dim3A_1 masked %eq3A_63 {add = true} : memref<648x128xf32, #tpu.memory_space<vmem>>[vector<16xi32>, vector<16xi32>], vector<16xf32>, vector<16xi1>
        %eq3A_64 = arith.constant 9 : i32
        %eq3A_65 = vector.broadcast %eq3A_64 : i32 to vector<16xi32>
        %eq3A_66 = arith.cmpi eq, %iota3A, %eq3A_65 : vector<16xi32>
        tpu.vector_store_idx %arg5[%shift_right_logical3A_35, %and3A_37], %broadcast_in_dim3A_1 masked %eq3A_66 {add = true} : memref<648x128xf32, #tpu.memory_space<vmem>>[vector<16xi32>, vector<16xi32>], vector<16xf32>, vector<16xi1>
        %eq3A_67 = arith.constant 10 : i32
        %eq3A_68 = vector.broadcast %eq3A_67 : i32 to vector<16xi32>
        %eq3A_69 = arith.cmpi eq, %iota3A, %eq3A_68 : vector<16xi32>
        tpu.vector_store_idx %arg5[%shift_right_logical3A_35, %and3A_37], %broadcast_in_dim3A_1 masked %eq3A_69 {add = true} : memref<648x128xf32, #tpu.memory_space<vmem>>[vector<16xi32>, vector<16xi32>], vector<16xf32>, vector<16xi1>
        %eq3A_70 = arith.constant 11 : i32
        %eq3A_71 = vector.broadcast %eq3A_70 : i32 to vector<16xi32>
        %eq3A_72 = arith.cmpi eq, %iota3A, %eq3A_71 : vector<16xi32>
        tpu.vector_store_idx %arg5[%shift_right_logical3A_35, %and3A_37], %broadcast_in_dim3A_1 masked %eq3A_72 {add = true} : memref<648x128xf32, #tpu.memory_space<vmem>>[vector<16xi32>, vector<16xi32>], vector<16xf32>, vector<16xi1>
        %eq3A_73 = arith.constant 12 : i32
        %eq3A_74 = vector.broadcast %eq3A_73 : i32 to vector<16xi32>
        %eq3A_75 = arith.cmpi eq, %iota3A, %eq3A_74 : vector<16xi32>
        tpu.vector_store_idx %arg5[%shift_right_logical3A_35, %and3A_37], %broadcast_in_dim3A_1 masked %eq3A_75 {add = true} : memref<648x128xf32, #tpu.memory_space<vmem>>[vector<16xi32>, vector<16xi32>], vector<16xf32>, vector<16xi1>
        %eq3A_76 = arith.constant 13 : i32
        %eq3A_77 = vector.broadcast %eq3A_76 : i32 to vector<16xi32>
        %eq3A_78 = arith.cmpi eq, %iota3A, %eq3A_77 : vector<16xi32>
        tpu.vector_store_idx %arg5[%shift_right_logical3A_35, %and3A_37], %broadcast_in_dim3A_1 masked %eq3A_78 {add = true} : memref<648x128xf32, #tpu.memory_space<vmem>>[vector<16xi32>, vector<16xi32>], vector<16xf32>, vector<16xi1>
        %eq3A_79 = arith.constant 14 : i32
        %eq3A_80 = vector.broadcast %eq3A_79 : i32 to vector<16xi32>
        %eq3A_81 = arith.cmpi eq, %iota3A, %eq3A_80 : vector<16xi32>
        tpu.vector_store_idx %arg5[%shift_right_logical3A_35, %and3A_37], %broadcast_in_dim3A_1 masked %eq3A_81 {add = true} : memref<648x128xf32, #tpu.memory_space<vmem>>[vector<16xi32>, vector<16xi32>], vector<16xf32>, vector<16xi1>
        %eq3A_82 = arith.constant 15 : i32
        %eq3A_83 = vector.broadcast %eq3A_82 : i32 to vector<16xi32>
        %eq3A_84 = arith.cmpi eq, %iota3A, %eq3A_83 : vector<16xi32>
        tpu.vector_store_idx %arg5[%shift_right_logical3A_35, %and3A_37], %broadcast_in_dim3A_1 masked %eq3A_84 {add = true} : memref<648x128xf32, #tpu.memory_space<vmem>>[vector<16xi32>, vector<16xi32>], vector<16xf32>, vector<16xi1>
      }
      %scan3A_25 = arith.constant 25 : i32
    }
    %scan3A_10 = arith.constant 25 : i32
    "tpu.region"() ({
      %run_scoped3A = tpu.sem_alloc : memref<!tpu.dma_semaphore, #tpu.memory_space<semaphore_mem>>
      %dma_start3A = arith.constant 0 : i32
      %dma_start3A_11 = arith.constant 0 : i32
      %dma_start3A_12 = tpu.memref_slice %arg3[%arg0, %arg1, %dma_start3A, %dma_start3A_11] : memref<2x16x648x128xf32, #tpu.memory_space<hbm>> -> memref<1x1x648x128xf32, #tpu.memory_space<hbm>>
      %dma_start3A_13 = tpu.memref_squeeze %dma_start3A_12 : memref<1x1x648x128xf32, #tpu.memory_space<hbm>> -> memref<648x128xf32, #tpu.memory_space<hbm>>
      %dma_start3A_14 = arith.constant 0 : i32
      %dma_start3A_15 = arith.constant 0 : i32
      %dma_start3A_16 = tpu.memref_slice %arg3[%arg0, %arg1, %dma_start3A_14, %dma_start3A_15] : memref<2x16x648x128xf32, #tpu.memory_space<hbm>> -> memref<1x1x648x128xf32, #tpu.memory_space<hbm>>
      %dma_start3A_17 = tpu.memref_squeeze %dma_start3A_16 : memref<1x1x648x128xf32, #tpu.memory_space<hbm>> -> memref<648x128xf32, #tpu.memory_space<hbm>>
      tpu.enqueue_dma source(%arg5 : memref<648x128xf32, #tpu.memory_space<vmem>>) target(%dma_start3A_17 : memref<648x128xf32, #tpu.memory_space<hbm>>) target_semaphore(%run_scoped3A : memref<!tpu.dma_semaphore, #tpu.memory_space<semaphore_mem>>)
      %dma_wait3A = arith.constant 0 : i32
      %dma_wait3A_18 = arith.constant 0 : i32
      %dma_wait3A_19 = tpu.memref_slice %arg3[%arg0, %arg1, %dma_wait3A, %dma_wait3A_18] : memref<2x16x648x128xf32, #tpu.memory_space<hbm>> -> memref<1x1x648x128xf32, #tpu.memory_space<hbm>>
      %dma_wait3A_20 = tpu.memref_squeeze %dma_wait3A_19 : memref<1x1x648x128xf32, #tpu.memory_space<hbm>> -> memref<648x128xf32, #tpu.memory_space<hbm>>
      %dma_wait3A_21 = arith.constant 0 : i32
      %dma_wait3A_22 = arith.constant 0 : i32
      %dma_wait3A_23 = tpu.memref_slice %arg3[%arg0, %arg1, %dma_wait3A_21, %dma_wait3A_22] : memref<2x16x648x128xf32, #tpu.memory_space<hbm>> -> memref<1x1x648x128xf32, #tpu.memory_space<hbm>>
      %dma_wait3A_24 = tpu.memref_squeeze %dma_wait3A_23 : memref<1x1x648x128xf32, #tpu.memory_space<hbm>> -> memref<648x128xf32, #tpu.memory_space<hbm>>
      tpu.wait_dma2 semaphore(%run_scoped3A : memref<!tpu.dma_semaphore, #tpu.memory_space<semaphore_mem>>) src(%arg5 : memref<648x128xf32, #tpu.memory_space<vmem>>) dst(%dma_wait3A_24 : memref<648x128xf32, #tpu.memory_space<hbm>>)
      tpu.yield
    }) : () -> ()
    return
  }
}

#map = affine_map<(d0, d1) -> (0, 0)>
#map1 = affine_map<(d0, d1) -> (0)>
#map2 = affine_map<(d0, d1) -> (0, 0, 0)>
module attributes {stable_mosaic.version = 14 : i64} {
  func.func @_agg_kernel(%arg0: i32, %arg1: i32, %arg2: memref<180000x64xf32, #tpu.memory_space<hbm>>, %arg3: memref<640000xi32, #tpu.memory_space<hbm>>, %arg4: memref<320000xi32, #tpu.memory_space<hbm>>, %arg5: memref<320000xf32, #tpu.memory_space<hbm>>, %arg6: memref<2x10240x64xf32, #tpu.memory_space<hbm>>, %arg7: memref<2x10240x64xf32, #tpu.memory_space<hbm>>, %arg8: memref<400xi32, #tpu.memory_space<vmem>>, %arg9: memref<400xi32, #tpu.memory_space<vmem>>, %arg10: memref<400xi32, #tpu.memory_space<vmem>>, %arg11: memref<400xi32, #tpu.memory_space<vmem>>, %arg12: memref<400xi32, #tpu.memory_space<vmem>>, %arg13: memref<400xi32, #tpu.memory_space<vmem>>, %arg14: memref<400xf32, #tpu.memory_space<vmem>>, %arg15: memref<400xf32, #tpu.memory_space<vmem>>, %arg16: memref<400xf32, #tpu.memory_space<vmem>>, %arg17: memref<400x64xf32, #tpu.memory_space<vmem>>, %arg18: memref<400x64xf32, #tpu.memory_space<vmem>>, %arg19: memref<!tpu.dma_semaphore, #tpu.memory_space<semaphore_mem>>, %arg20: memref<!tpu.dma_semaphore, #tpu.memory_space<semaphore_mem>>, %arg21: memref<!tpu.dma_semaphore, #tpu.memory_space<semaphore_mem>>, %arg22: memref<!tpu.dma_semaphore, #tpu.memory_space<semaphore_mem>>, %arg23: memref<!tpu.dma_semaphore, #tpu.memory_space<semaphore_mem>>, %arg24: memref<!tpu.dma_semaphore, #tpu.memory_space<semaphore_mem>>, %arg25: memref<!tpu.dma_semaphore, #tpu.memory_space<semaphore_mem>>, %arg26: memref<10240x64xf32, #tpu.memory_space<vmem_shared>>) attributes {dimension_semantics = [#tpu.dimension_semantics<core_parallel>, #tpu.dimension_semantics<subcore_parallel>], iteration_bounds = array<i64: 2, 16>, scalar_prefetch = 0 : i64, scratch_operands = 19 : i64, tpu.core_type = #tpu.core_type<sc_vector_subcore>, window_params = [{transform_indices = #map}, {transform_indices = #map1}, {transform_indices = #map1}, {transform_indices = #map1}, {transform_indices = #map2}, {transform_indices = #map2}]} {
    %mul3A = arith.constant 640 : i32
    %mul3A_0 = arith.muli %arg1, %mul3A : i32
    %mul3A_1 = arith.constant 640 : i32
    %mul3A_2 = arith.muli %arg1, %mul3A_1 : i32
    "tpu.region"() ({
      %run_scoped3A = tpu.sem_alloc : memref<!tpu.dma_semaphore, #tpu.memory_space<semaphore_mem>>
      %dma_start3A_417 = arith.constant 0 : i32
      %dma_start3A_418 = tpu.memref_slice %arg26[%mul3A_2, %dma_start3A_417] : memref<10240x64xf32, #tpu.memory_space<vmem_shared>> -> memref<640x64xf32, #tpu.memory_space<vmem_shared>>
      %dma_start3A_419 = arith.constant 0 : i32
      %dma_start3A_420 = tpu.memref_slice %arg6[%arg0, %mul3A_0, %dma_start3A_419] : memref<2x10240x64xf32, #tpu.memory_space<hbm>> -> memref<1x640x64xf32, #tpu.memory_space<hbm>>
      %dma_start3A_421 = tpu.memref_squeeze %dma_start3A_420 : memref<1x640x64xf32, #tpu.memory_space<hbm>> -> memref<640x64xf32, #tpu.memory_space<hbm>>
      tpu.enqueue_dma source(%dma_start3A_421 : memref<640x64xf32, #tpu.memory_space<hbm>>) target(%dma_start3A_418 : memref<640x64xf32, #tpu.memory_space<vmem_shared>>) target_semaphore(%run_scoped3A : memref<!tpu.dma_semaphore, #tpu.memory_space<semaphore_mem>>)
      %dma_wait3A_422 = arith.constant 0 : i32
      %dma_wait3A_423 = tpu.memref_slice %arg26[%mul3A_2, %dma_wait3A_422] : memref<10240x64xf32, #tpu.memory_space<vmem_shared>> -> memref<640x64xf32, #tpu.memory_space<vmem_shared>>
      %dma_wait3A_424 = arith.constant 0 : i32
      %dma_wait3A_425 = tpu.memref_slice %arg6[%arg0, %mul3A_0, %dma_wait3A_424] : memref<2x10240x64xf32, #tpu.memory_space<hbm>> -> memref<1x640x64xf32, #tpu.memory_space<hbm>>
      %dma_wait3A_426 = tpu.memref_squeeze %dma_wait3A_425 : memref<1x640x64xf32, #tpu.memory_space<hbm>> -> memref<640x64xf32, #tpu.memory_space<hbm>>
      tpu.wait_dma2 semaphore(%run_scoped3A : memref<!tpu.dma_semaphore, #tpu.memory_space<semaphore_mem>>) src(%dma_wait3A_426 : memref<640x64xf32, #tpu.memory_space<hbm>>) dst(%dma_wait3A_423 : memref<640x64xf32, #tpu.memory_space<vmem_shared>>)
      tpu.yield
    }) : () -> ()
    %barrier3A = arith.constant 0 : index
    tpu.barrier barrier_id(%barrier3A)
    %mul3A_3 = arith.constant 320000 : i32
    %mul3A_4 = arith.muli %arg0, %mul3A_3 : i32
    %mul3A_5 = arith.constant 20000 : i32
    %mul3A_6 = arith.muli %arg1, %mul3A_5 : i32
    %add3A = arith.addi %mul3A_4, %mul3A_6 : i32
    %add3A_7 = arith.constant 0 : i32
    %add3A_8 = arith.addi %add3A, %add3A_7 : i32
    %mul3A_9 = arith.constant 20000 : i32
    %mul3A_10 = arith.muli %arg1, %mul3A_9 : i32
    %add3A_11 = arith.constant 0 : i32
    %add3A_12 = arith.addi %mul3A_10, %add3A_11 : i32
    %dma_start3A = tpu.memref_slice %arg3[%add3A_8] : memref<640000xi32, #tpu.memory_space<hbm>> -> memref<400xi32, #tpu.memory_space<hbm>>
    %dma_start3A_13 = tpu.memref_slice %arg3[%add3A_8] : memref<640000xi32, #tpu.memory_space<hbm>> -> memref<400xi32, #tpu.memory_space<hbm>>
    tpu.enqueue_dma source(%dma_start3A_13 : memref<400xi32, #tpu.memory_space<hbm>>) target(%arg8 : memref<400xi32, #tpu.memory_space<vmem>>) target_semaphore(%arg19 : memref<!tpu.dma_semaphore, #tpu.memory_space<semaphore_mem>>)
    %dma_start3A_14 = tpu.memref_slice %arg4[%add3A_12] : memref<320000xi32, #tpu.memory_space<hbm>> -> memref<400xi32, #tpu.memory_space<hbm>>
    %dma_start3A_15 = tpu.memref_slice %arg4[%add3A_12] : memref<320000xi32, #tpu.memory_space<hbm>> -> memref<400xi32, #tpu.memory_space<hbm>>
    tpu.enqueue_dma source(%dma_start3A_15 : memref<400xi32, #tpu.memory_space<hbm>>) target(%arg11 : memref<400xi32, #tpu.memory_space<vmem>>) target_semaphore(%arg19 : memref<!tpu.dma_semaphore, #tpu.memory_space<semaphore_mem>>)
    %dma_start3A_16 = tpu.memref_slice %arg5[%add3A_12] : memref<320000xf32, #tpu.memory_space<hbm>> -> memref<400xf32, #tpu.memory_space<hbm>>
    %dma_start3A_17 = tpu.memref_slice %arg5[%add3A_12] : memref<320000xf32, #tpu.memory_space<hbm>> -> memref<400xf32, #tpu.memory_space<hbm>>
    tpu.enqueue_dma source(%dma_start3A_17 : memref<400xf32, #tpu.memory_space<hbm>>) target(%arg14 : memref<400xf32, #tpu.memory_space<vmem>>) target_semaphore(%arg19 : memref<!tpu.dma_semaphore, #tpu.memory_space<semaphore_mem>>)
    %mul3A_18 = arith.constant 320000 : i32
    %mul3A_19 = arith.muli %arg0, %mul3A_18 : i32
    %mul3A_20 = arith.constant 20000 : i32
    %mul3A_21 = arith.muli %arg1, %mul3A_20 : i32
    %add3A_22 = arith.addi %mul3A_19, %mul3A_21 : i32
    %add3A_23 = arith.constant 400 : i32
    %add3A_24 = arith.addi %add3A_22, %add3A_23 : i32
    %mul3A_25 = arith.constant 20000 : i32
    %mul3A_26 = arith.muli %arg1, %mul3A_25 : i32
    %add3A_27 = arith.constant 400 : i32
    %add3A_28 = arith.addi %mul3A_26, %add3A_27 : i32
    %dma_start3A_29 = tpu.memref_slice %arg3[%add3A_24] : memref<640000xi32, #tpu.memory_space<hbm>> -> memref<400xi32, #tpu.memory_space<hbm>>
    %dma_start3A_30 = tpu.memref_slice %arg3[%add3A_24] : memref<640000xi32, #tpu.memory_space<hbm>> -> memref<400xi32, #tpu.memory_space<hbm>>
    tpu.enqueue_dma source(%dma_start3A_30 : memref<400xi32, #tpu.memory_space<hbm>>) target(%arg9 : memref<400xi32, #tpu.memory_space<vmem>>) target_semaphore(%arg20 : memref<!tpu.dma_semaphore, #tpu.memory_space<semaphore_mem>>)
    %dma_start3A_31 = tpu.memref_slice %arg4[%add3A_28] : memref<320000xi32, #tpu.memory_space<hbm>> -> memref<400xi32, #tpu.memory_space<hbm>>
    %dma_start3A_32 = tpu.memref_slice %arg4[%add3A_28] : memref<320000xi32, #tpu.memory_space<hbm>> -> memref<400xi32, #tpu.memory_space<hbm>>
    tpu.enqueue_dma source(%dma_start3A_32 : memref<400xi32, #tpu.memory_space<hbm>>) target(%arg12 : memref<400xi32, #tpu.memory_space<vmem>>) target_semaphore(%arg20 : memref<!tpu.dma_semaphore, #tpu.memory_space<semaphore_mem>>)
    %dma_start3A_33 = tpu.memref_slice %arg5[%add3A_28] : memref<320000xf32, #tpu.memory_space<hbm>> -> memref<400xf32, #tpu.memory_space<hbm>>
    %dma_start3A_34 = tpu.memref_slice %arg5[%add3A_28] : memref<320000xf32, #tpu.memory_space<hbm>> -> memref<400xf32, #tpu.memory_space<hbm>>
    tpu.enqueue_dma source(%dma_start3A_34 : memref<400xf32, #tpu.memory_space<hbm>>) target(%arg15 : memref<400xf32, #tpu.memory_space<vmem>>) target_semaphore(%arg20 : memref<!tpu.dma_semaphore, #tpu.memory_space<semaphore_mem>>)
    %mul3A_35 = arith.constant 320000 : i32
    %mul3A_36 = arith.muli %arg0, %mul3A_35 : i32
    %mul3A_37 = arith.constant 20000 : i32
    %mul3A_38 = arith.muli %arg1, %mul3A_37 : i32
    %add3A_39 = arith.addi %mul3A_36, %mul3A_38 : i32
    %add3A_40 = arith.constant 0 : i32
    %add3A_41 = arith.addi %add3A_39, %add3A_40 : i32
    %mul3A_42 = arith.constant 20000 : i32
    %mul3A_43 = arith.muli %arg1, %mul3A_42 : i32
    %add3A_44 = arith.constant 0 : i32
    %add3A_45 = arith.addi %mul3A_43, %add3A_44 : i32
    %dma_wait3A = tpu.memref_slice %arg3[%add3A_41] : memref<640000xi32, #tpu.memory_space<hbm>> -> memref<400xi32, #tpu.memory_space<hbm>>
    %dma_wait3A_46 = tpu.memref_slice %arg3[%add3A_41] : memref<640000xi32, #tpu.memory_space<hbm>> -> memref<400xi32, #tpu.memory_space<hbm>>
    tpu.wait_dma2 semaphore(%arg19 : memref<!tpu.dma_semaphore, #tpu.memory_space<semaphore_mem>>) src(%dma_wait3A_46 : memref<400xi32, #tpu.memory_space<hbm>>) dst(%arg8 : memref<400xi32, #tpu.memory_space<vmem>>)
    %dma_wait3A_47 = tpu.memref_slice %arg4[%add3A_45] : memref<320000xi32, #tpu.memory_space<hbm>> -> memref<400xi32, #tpu.memory_space<hbm>>
    %dma_wait3A_48 = tpu.memref_slice %arg4[%add3A_45] : memref<320000xi32, #tpu.memory_space<hbm>> -> memref<400xi32, #tpu.memory_space<hbm>>
    tpu.wait_dma2 semaphore(%arg19 : memref<!tpu.dma_semaphore, #tpu.memory_space<semaphore_mem>>) src(%dma_wait3A_48 : memref<400xi32, #tpu.memory_space<hbm>>) dst(%arg11 : memref<400xi32, #tpu.memory_space<vmem>>)
    %dma_wait3A_49 = tpu.memref_slice %arg5[%add3A_45] : memref<320000xf32, #tpu.memory_space<hbm>> -> memref<400xf32, #tpu.memory_space<hbm>>
    %dma_wait3A_50 = tpu.memref_slice %arg5[%add3A_45] : memref<320000xf32, #tpu.memory_space<hbm>> -> memref<400xf32, #tpu.memory_space<hbm>>
    tpu.wait_dma2 semaphore(%arg19 : memref<!tpu.dma_semaphore, #tpu.memory_space<semaphore_mem>>) src(%dma_wait3A_50 : memref<400xf32, #tpu.memory_space<hbm>>) dst(%arg14 : memref<400xf32, #tpu.memory_space<vmem>>)
    %dma_start3A_51 = arith.constant 0 : i32
    %dma_start3A_52 = arith.constant 0 : i32
    %dma_start3A_53 = tpu.memref_slice %arg2[%dma_start3A_51, %dma_start3A_52] : memref<180000x64xf32, #tpu.memory_space<hbm>> -> memref<180000x64xf32, #tpu.memory_space<hbm>>
    tpu.enqueue_indirect_dma source(%dma_start3A_53 : memref<180000x64xf32, #tpu.memory_space<hbm>>) target(%arg17 : memref<400x64xf32, #tpu.memory_space<vmem>>) offsets(%arg8 : memref<400xi32, #tpu.memory_space<vmem>>) semaphore(%arg22 : memref<!tpu.dma_semaphore, #tpu.memory_space<semaphore_mem>>)
    %mul3A_54 = arith.constant 320000 : i32
    %mul3A_55 = arith.muli %arg0, %mul3A_54 : i32
    %mul3A_56 = arith.constant 20000 : i32
    %mul3A_57 = arith.muli %arg1, %mul3A_56 : i32
    %add3A_58 = arith.addi %mul3A_55, %mul3A_57 : i32
    %add3A_59 = arith.constant 400 : i32
    %add3A_60 = arith.addi %add3A_58, %add3A_59 : i32
    %mul3A_61 = arith.constant 20000 : i32
    %mul3A_62 = arith.muli %arg1, %mul3A_61 : i32
    %add3A_63 = arith.constant 400 : i32
    %add3A_64 = arith.addi %mul3A_62, %add3A_63 : i32
    %dma_wait3A_65 = tpu.memref_slice %arg3[%add3A_60] : memref<640000xi32, #tpu.memory_space<hbm>> -> memref<400xi32, #tpu.memory_space<hbm>>
    %dma_wait3A_66 = tpu.memref_slice %arg3[%add3A_60] : memref<640000xi32, #tpu.memory_space<hbm>> -> memref<400xi32, #tpu.memory_space<hbm>>
    tpu.wait_dma2 semaphore(%arg20 : memref<!tpu.dma_semaphore, #tpu.memory_space<semaphore_mem>>) src(%dma_wait3A_66 : memref<400xi32, #tpu.memory_space<hbm>>) dst(%arg9 : memref<400xi32, #tpu.memory_space<vmem>>)
    %dma_wait3A_67 = tpu.memref_slice %arg4[%add3A_64] : memref<320000xi32, #tpu.memory_space<hbm>> -> memref<400xi32, #tpu.memory_space<hbm>>
    %dma_wait3A_68 = tpu.memref_slice %arg4[%add3A_64] : memref<320000xi32, #tpu.memory_space<hbm>> -> memref<400xi32, #tpu.memory_space<hbm>>
    tpu.wait_dma2 semaphore(%arg20 : memref<!tpu.dma_semaphore, #tpu.memory_space<semaphore_mem>>) src(%dma_wait3A_68 : memref<400xi32, #tpu.memory_space<hbm>>) dst(%arg12 : memref<400xi32, #tpu.memory_space<vmem>>)
    %dma_wait3A_69 = tpu.memref_slice %arg5[%add3A_64] : memref<320000xf32, #tpu.memory_space<hbm>> -> memref<400xf32, #tpu.memory_space<hbm>>
    %dma_wait3A_70 = tpu.memref_slice %arg5[%add3A_64] : memref<320000xf32, #tpu.memory_space<hbm>> -> memref<400xf32, #tpu.memory_space<hbm>>
    tpu.wait_dma2 semaphore(%arg20 : memref<!tpu.dma_semaphore, #tpu.memory_space<semaphore_mem>>) src(%dma_wait3A_70 : memref<400xf32, #tpu.memory_space<hbm>>) dst(%arg15 : memref<400xf32, #tpu.memory_space<vmem>>)
    %mul3A_71 = arith.constant 320000 : i32
    %mul3A_72 = arith.muli %arg0, %mul3A_71 : i32
    %mul3A_73 = arith.constant 20000 : i32
    %mul3A_74 = arith.muli %arg1, %mul3A_73 : i32
    %add3A_75 = arith.addi %mul3A_72, %mul3A_74 : i32
    %add3A_76 = arith.constant 800 : i32
    %add3A_77 = arith.addi %add3A_75, %add3A_76 : i32
    %mul3A_78 = arith.constant 20000 : i32
    %mul3A_79 = arith.muli %arg1, %mul3A_78 : i32
    %add3A_80 = arith.constant 800 : i32
    %add3A_81 = arith.addi %mul3A_79, %add3A_80 : i32
    %dma_start3A_82 = tpu.memref_slice %arg3[%add3A_77] : memref<640000xi32, #tpu.memory_space<hbm>> -> memref<400xi32, #tpu.memory_space<hbm>>
    %dma_start3A_83 = tpu.memref_slice %arg3[%add3A_77] : memref<640000xi32, #tpu.memory_space<hbm>> -> memref<400xi32, #tpu.memory_space<hbm>>
    tpu.enqueue_dma source(%dma_start3A_83 : memref<400xi32, #tpu.memory_space<hbm>>) target(%arg10 : memref<400xi32, #tpu.memory_space<vmem>>) target_semaphore(%arg21 : memref<!tpu.dma_semaphore, #tpu.memory_space<semaphore_mem>>)
    %dma_start3A_84 = tpu.memref_slice %arg4[%add3A_81] : memref<320000xi32, #tpu.memory_space<hbm>> -> memref<400xi32, #tpu.memory_space<hbm>>
    %dma_start3A_85 = tpu.memref_slice %arg4[%add3A_81] : memref<320000xi32, #tpu.memory_space<hbm>> -> memref<400xi32, #tpu.memory_space<hbm>>
    tpu.enqueue_dma source(%dma_start3A_85 : memref<400xi32, #tpu.memory_space<hbm>>) target(%arg13 : memref<400xi32, #tpu.memory_space<vmem>>) target_semaphore(%arg21 : memref<!tpu.dma_semaphore, #tpu.memory_space<semaphore_mem>>)
    %dma_start3A_86 = tpu.memref_slice %arg5[%add3A_81] : memref<320000xf32, #tpu.memory_space<hbm>> -> memref<400xf32, #tpu.memory_space<hbm>>
    %dma_start3A_87 = tpu.memref_slice %arg5[%add3A_81] : memref<320000xf32, #tpu.memory_space<hbm>> -> memref<400xf32, #tpu.memory_space<hbm>>
    tpu.enqueue_dma source(%dma_start3A_87 : memref<400xf32, #tpu.memory_space<hbm>>) target(%arg16 : memref<400xf32, #tpu.memory_space<vmem>>) target_semaphore(%arg21 : memref<!tpu.dma_semaphore, #tpu.memory_space<semaphore_mem>>)
    %dma_start3A_88 = arith.constant 0 : i32
    %dma_start3A_89 = arith.constant 0 : i32
    %dma_start3A_90 = tpu.memref_slice %arg2[%dma_start3A_88, %dma_start3A_89] : memref<180000x64xf32, #tpu.memory_space<hbm>> -> memref<180000x64xf32, #tpu.memory_space<hbm>>
    tpu.enqueue_indirect_dma source(%dma_start3A_90 : memref<180000x64xf32, #tpu.memory_space<hbm>>) target(%arg18 : memref<400x64xf32, #tpu.memory_space<vmem>>) offsets(%arg9 : memref<400xi32, #tpu.memory_space<vmem>>) semaphore(%arg23 : memref<!tpu.dma_semaphore, #tpu.memory_space<semaphore_mem>>)
    %dma_wait3A_91 = arith.constant 0 : i32
    %dma_wait3A_92 = arith.constant 0 : i32
    %dma_wait3A_93 = tpu.memref_slice %arg2[%dma_wait3A_91, %dma_wait3A_92] : memref<180000x64xf32, #tpu.memory_space<hbm>> -> memref<180000x64xf32, #tpu.memory_space<hbm>>
    tpu.wait_indirect_dma semaphore(%arg22 : memref<!tpu.dma_semaphore, #tpu.memory_space<semaphore_mem>>) src(%dma_wait3A_93 : memref<180000x64xf32, #tpu.memory_space<hbm>>) dst(%arg17 : memref<400x64xf32, #tpu.memory_space<vmem>>)
    %scan3A = arith.constant 0 : i32
    %scan3A_94 = arith.constant 400 : i32
    %scan3A_95 = arith.addi %scan3A, %scan3A_94 : i32
    %scan3A_96 = arith.constant 1 : i32
    scf.for %scan3A_417 = %scan3A to %scan3A_95 step %scan3A_96  : i32 {
      %mul3A_418 = arith.constant 1 : i32
      %mul3A_419 = arith.muli %scan3A_417, %mul3A_418 : i32
      %add3A_420 = arith.constant 0 : i32
      %add3A_421 = arith.addi %add3A_420, %mul3A_419 : i32
      %broadcast_in_dim3A = vector.broadcast %add3A_421 : i32 to vector<16xi32>
      %gather3A = tpu.vector_load_idx %arg14[%broadcast_in_dim3A] : memref<400xf32, #tpu.memory_space<vmem>>[vector<16xi32>], vector<16xf32>,
      %get3A = arith.index_cast %add3A_421 : i32 to index
      %get3A_422 = arith.constant 0 : index
      %get3A_423 = tpu.vector_load %arg17[%get3A, %get3A_422] {strides = array<i32>} : memref<400x64xf32, #tpu.memory_space<vmem>>, vector<16xf32>,
      %mul3A_424 = arith.mulf %get3A_423, %gather3A : vector<16xf32>
      %swap3A = arith.index_cast %add3A_421 : i32 to index
      %swap3A_425 = arith.constant 0 : index
      %swap3A_426 = tpu.vector_load %arg17[%swap3A, %swap3A_425] {strides = array<i32>} : memref<400x64xf32, #tpu.memory_space<vmem>>, vector<16xf32>,
      tpu.vector_store %arg17[%swap3A, %swap3A_425], %mul3A_424 {strides = array<i32>} : memref<400x64xf32, #tpu.memory_space<vmem>>, vector<16xf32>,
      %get3A_427 = arith.index_cast %add3A_421 : i32 to index
      %get3A_428 = arith.constant 16 : index
      %get3A_429 = tpu.vector_load %arg17[%get3A_427, %get3A_428] {strides = array<i32>} : memref<400x64xf32, #tpu.memory_space<vmem>>, vector<16xf32>,
      %mul3A_430 = arith.mulf %get3A_429, %gather3A : vector<16xf32>
      %swap3A_431 = arith.index_cast %add3A_421 : i32 to index
      %swap3A_432 = arith.constant 16 : index
      %swap3A_433 = tpu.vector_load %arg17[%swap3A_431, %swap3A_432] {strides = array<i32>} : memref<400x64xf32, #tpu.memory_space<vmem>>, vector<16xf32>,
      tpu.vector_store %arg17[%swap3A_431, %swap3A_432], %mul3A_430 {strides = array<i32>} : memref<400x64xf32, #tpu.memory_space<vmem>>, vector<16xf32>,
      %get3A_434 = arith.index_cast %add3A_421 : i32 to index
      %get3A_435 = arith.constant 32 : index
      %get3A_436 = tpu.vector_load %arg17[%get3A_434, %get3A_435] {strides = array<i32>} : memref<400x64xf32, #tpu.memory_space<vmem>>, vector<16xf32>,
      %mul3A_437 = arith.mulf %get3A_436, %gather3A : vector<16xf32>
      %swap3A_438 = arith.index_cast %add3A_421 : i32 to index
      %swap3A_439 = arith.constant 32 : index
      %swap3A_440 = tpu.vector_load %arg17[%swap3A_438, %swap3A_439] {strides = array<i32>} : memref<400x64xf32, #tpu.memory_space<vmem>>, vector<16xf32>,
      tpu.vector_store %arg17[%swap3A_438, %swap3A_439], %mul3A_437 {strides = array<i32>} : memref<400x64xf32, #tpu.memory_space<vmem>>, vector<16xf32>,
      %get3A_441 = arith.index_cast %add3A_421 : i32 to index
      %get3A_442 = arith.constant 48 : index
      %get3A_443 = tpu.vector_load %arg17[%get3A_441, %get3A_442] {strides = array<i32>} : memref<400x64xf32, #tpu.memory_space<vmem>>, vector<16xf32>,
      %mul3A_444 = arith.mulf %get3A_443, %gather3A : vector<16xf32>
      %swap3A_445 = arith.index_cast %add3A_421 : i32 to index
      %swap3A_446 = arith.constant 48 : index
      %swap3A_447 = tpu.vector_load %arg17[%swap3A_445, %swap3A_446] {strides = array<i32>} : memref<400x64xf32, #tpu.memory_space<vmem>>, vector<16xf32>,
      tpu.vector_store %arg17[%swap3A_445, %swap3A_446], %mul3A_444 {strides = array<i32>} : memref<400x64xf32, #tpu.memory_space<vmem>>, vector<16xf32>,
    }
    %scan3A_97 = arith.constant 400 : i32
    %dma_start3A_98 = arith.constant 0 : i32
    %dma_start3A_99 = arith.constant 0 : i32
    %dma_start3A_100 = tpu.memref_slice %arg26[%dma_start3A_98, %dma_start3A_99] : memref<10240x64xf32, #tpu.memory_space<vmem_shared>> -> memref<10240x64xf32, #tpu.memory_space<vmem_shared>>
    tpu.enqueue_indirect_dma source(%arg17 : memref<400x64xf32, #tpu.memory_space<vmem>>) target(%dma_start3A_100 : memref<10240x64xf32, #tpu.memory_space<vmem_shared>>) offsets(%arg11 : memref<400xi32, #tpu.memory_space<vmem>>) semaphore(%arg24 : memref<!tpu.dma_semaphore, #tpu.memory_space<semaphore_mem>>) {add = true}
    %scan3A_101 = arith.constant 0 : i32
    %scan3A_102 = arith.constant 7 : i32
    %scan3A_103 = arith.addi %scan3A_101, %scan3A_102 : i32
    %scan3A_104 = arith.constant 1 : i32
    scf.for %scan3A_417 = %scan3A_101 to %scan3A_103 step %scan3A_104  : i32 {
      %mul3A_418 = arith.constant 1 : i32
      %mul3A_419 = arith.muli %scan3A_417, %mul3A_418 : i32
      %add3A_420 = arith.constant 0 : i32
      %add3A_421 = arith.addi %add3A_420, %mul3A_419 : i32
      %mul3A_422 = arith.constant 6 : i32
      %mul3A_423 = arith.muli %mul3A_422, %add3A_421 : i32
      %add3A_424 = arith.constant 2 : i32
      %add3A_425 = arith.addi %mul3A_423, %add3A_424 : i32
      %add3A_426 = arith.constant 0 : i32
      %add3A_427 = arith.addi %add3A_425, %add3A_426 : i32
      %mul3A_428 = arith.constant 320000 : i32
      %mul3A_429 = arith.muli %arg0, %mul3A_428 : i32
      %mul3A_430 = arith.constant 20000 : i32
      %mul3A_431 = arith.muli %arg1, %mul3A_430 : i32
      %add3A_432 = arith.addi %mul3A_429, %mul3A_431 : i32
      %mul3A_433 = arith.constant 400 : i32
      %mul3A_434 = arith.muli %add3A_427, %mul3A_433 : i32
      %add3A_435 = arith.addi %add3A_432, %mul3A_434 : i32
      %mul3A_436 = arith.constant 20000 : i32
      %mul3A_437 = arith.muli %arg1, %mul3A_436 : i32
      %mul3A_438 = arith.constant 400 : i32
      %mul3A_439 = arith.muli %add3A_427, %mul3A_438 : i32
      %add3A_440 = arith.addi %mul3A_437, %mul3A_439 : i32
      %dma_wait3A_441 = tpu.memref_slice %arg3[%add3A_435] : memref<640000xi32, #tpu.memory_space<hbm>> -> memref<400xi32, #tpu.memory_space<hbm>>
      %dma_wait3A_442 = tpu.memref_slice %arg3[%add3A_435] : memref<640000xi32, #tpu.memory_space<hbm>> -> memref<400xi32, #tpu.memory_space<hbm>>
      tpu.wait_dma2 semaphore(%arg21 : memref<!tpu.dma_semaphore, #tpu.memory_space<semaphore_mem>>) src(%dma_wait3A_442 : memref<400xi32, #tpu.memory_space<hbm>>) dst(%arg10 : memref<400xi32, #tpu.memory_space<vmem>>)
      %dma_wait3A_443 = tpu.memref_slice %arg4[%add3A_440] : memref<320000xi32, #tpu.memory_space<hbm>> -> memref<400xi32, #tpu.memory_space<hbm>>
      %dma_wait3A_444 = tpu.memref_slice %arg4[%add3A_440] : memref<320000xi32, #tpu.memory_space<hbm>> -> memref<400xi32, #tpu.memory_space<hbm>>
      tpu.wait_dma2 semaphore(%arg21 : memref<!tpu.dma_semaphore, #tpu.memory_space<semaphore_mem>>) src(%dma_wait3A_444 : memref<400xi32, #tpu.memory_space<hbm>>) dst(%arg13 : memref<400xi32, #tpu.memory_space<vmem>>)
      %dma_wait3A_445 = tpu.memref_slice %arg5[%add3A_440] : memref<320000xf32, #tpu.memory_space<hbm>> -> memref<400xf32, #tpu.memory_space<hbm>>
      %dma_wait3A_446 = tpu.memref_slice %arg5[%add3A_440] : memref<320000xf32, #tpu.memory_space<hbm>> -> memref<400xf32, #tpu.memory_space<hbm>>
      tpu.wait_dma2 semaphore(%arg21 : memref<!tpu.dma_semaphore, #tpu.memory_space<semaphore_mem>>) src(%dma_wait3A_446 : memref<400xf32, #tpu.memory_space<hbm>>) dst(%arg16 : memref<400xf32, #tpu.memory_space<vmem>>)
      %dma_wait3A_447 = arith.constant 0 : i32
      %dma_wait3A_448 = arith.constant 0 : i32
      %dma_wait3A_449 = tpu.memref_slice %arg26[%dma_wait3A_447, %dma_wait3A_448] : memref<10240x64xf32, #tpu.memory_space<vmem_shared>> -> memref<10240x64xf32, #tpu.memory_space<vmem_shared>>
      tpu.wait_indirect_dma semaphore(%arg24 : memref<!tpu.dma_semaphore, #tpu.memory_space<semaphore_mem>>) src(%arg17 : memref<400x64xf32, #tpu.memory_space<vmem>>) dst(%dma_wait3A_449 : memref<10240x64xf32, #tpu.memory_space<vmem_shared>>)
      %add3A_450 = arith.constant 1 : i32
      %add3A_451 = arith.addi %add3A_427, %add3A_450 : i32
      %mul3A_452 = arith.constant 320000 : i32
      %mul3A_453 = arith.muli %arg0, %mul3A_452 : i32
      %mul3A_454 = arith.constant 20000 : i32
      %mul3A_455 = arith.muli %arg1, %mul3A_454 : i32
      %add3A_456 = arith.addi %mul3A_453, %mul3A_455 : i32
      %mul3A_457 = arith.constant 400 : i32
      %mul3A_458 = arith.muli %add3A_451, %mul3A_457 : i32
      %add3A_459 = arith.addi %add3A_456, %mul3A_458 : i32
      %mul3A_460 = arith.constant 20000 : i32
      %mul3A_461 = arith.muli %arg1, %mul3A_460 : i32
      %mul3A_462 = arith.constant 400 : i32
      %mul3A_463 = arith.muli %add3A_451, %mul3A_462 : i32
      %add3A_464 = arith.addi %mul3A_461, %mul3A_463 : i32
      %dma_start3A_465 = tpu.memref_slice %arg3[%add3A_459] : memref<640000xi32, #tpu.memory_space<hbm>> -> memref<400xi32, #tpu.memory_space<hbm>>
      %dma_start3A_466 = tpu.memref_slice %arg3[%add3A_459] : memref<640000xi32, #tpu.memory_space<hbm>> -> memref<400xi32, #tpu.memory_space<hbm>>
      tpu.enqueue_dma source(%dma_start3A_466 : memref<400xi32, #tpu.memory_space<hbm>>) target(%arg8 : memref<400xi32, #tpu.memory_space<vmem>>) target_semaphore(%arg19 : memref<!tpu.dma_semaphore, #tpu.memory_space<semaphore_mem>>)
      %dma_start3A_467 = tpu.memref_slice %arg4[%add3A_464] : memref<320000xi32, #tpu.memory_space<hbm>> -> memref<400xi32, #tpu.memory_space<hbm>>
      %dma_start3A_468 = tpu.memref_slice %arg4[%add3A_464] : memref<320000xi32, #tpu.memory_space<hbm>> -> memref<400xi32, #tpu.memory_space<hbm>>
      tpu.enqueue_dma source(%dma_start3A_468 : memref<400xi32, #tpu.memory_space<hbm>>) target(%arg11 : memref<400xi32, #tpu.memory_space<vmem>>) target_semaphore(%arg19 : memref<!tpu.dma_semaphore, #tpu.memory_space<semaphore_mem>>)
      %dma_start3A_469 = tpu.memref_slice %arg5[%add3A_464] : memref<320000xf32, #tpu.memory_space<hbm>> -> memref<400xf32, #tpu.memory_space<hbm>>
      %dma_start3A_470 = tpu.memref_slice %arg5[%add3A_464] : memref<320000xf32, #tpu.memory_space<hbm>> -> memref<400xf32, #tpu.memory_space<hbm>>
      tpu.enqueue_dma source(%dma_start3A_470 : memref<400xf32, #tpu.memory_space<hbm>>) target(%arg14 : memref<400xf32, #tpu.memory_space<vmem>>) target_semaphore(%arg19 : memref<!tpu.dma_semaphore, #tpu.memory_space<semaphore_mem>>)
      %dma_start3A_471 = arith.constant 0 : i32
      %dma_start3A_472 = arith.constant 0 : i32
      %dma_start3A_473 = tpu.memref_slice %arg2[%dma_start3A_471, %dma_start3A_472] : memref<180000x64xf32, #tpu.memory_space<hbm>> -> memref<180000x64xf32, #tpu.memory_space<hbm>>
      tpu.enqueue_indirect_dma source(%dma_start3A_473 : memref<180000x64xf32, #tpu.memory_space<hbm>>) target(%arg17 : memref<400x64xf32, #tpu.memory_space<vmem>>) offsets(%arg10 : memref<400xi32, #tpu.memory_space<vmem>>) semaphore(%arg22 : memref<!tpu.dma_semaphore, #tpu.memory_space<semaphore_mem>>)
      %dma_wait3A_474 = arith.constant 0 : i32
      %dma_wait3A_475 = arith.constant 0 : i32
      %dma_wait3A_476 = tpu.memref_slice %arg2[%dma_wait3A_474, %dma_wait3A_475] : memref<180000x64xf32, #tpu.memory_space<hbm>> -> memref<180000x64xf32, #tpu.memory_space<hbm>>
      tpu.wait_indirect_dma semaphore(%arg23 : memref<!tpu.dma_semaphore, #tpu.memory_space<semaphore_mem>>) src(%dma_wait3A_476 : memref<180000x64xf32, #tpu.memory_space<hbm>>) dst(%arg18 : memref<400x64xf32, #tpu.memory_space<vmem>>)
      %scan3A_477 = arith.constant 0 : i32
      %scan3A_478 = arith.constant 400 : i32
      %scan3A_479 = arith.addi %scan3A_477, %scan3A_478 : i32
      %scan3A_480 = arith.constant 1 : i32
      scf.for %scan3A_800 = %scan3A_477 to %scan3A_479 step %scan3A_480  : i32 {
        %mul3A_801 = arith.constant 1 : i32
        %mul3A_802 = arith.muli %scan3A_800, %mul3A_801 : i32
        %add3A_803 = arith.constant 0 : i32
        %add3A_804 = arith.addi %add3A_803, %mul3A_802 : i32
        %broadcast_in_dim3A = vector.broadcast %add3A_804 : i32 to vector<16xi32>
        %gather3A = tpu.vector_load_idx %arg15[%broadcast_in_dim3A] : memref<400xf32, #tpu.memory_space<vmem>>[vector<16xi32>], vector<16xf32>,
        %get3A = arith.index_cast %add3A_804 : i32 to index
        %get3A_805 = arith.constant 0 : index
        %get3A_806 = tpu.vector_load %arg18[%get3A, %get3A_805] {strides = array<i32>} : memref<400x64xf32, #tpu.memory_space<vmem>>, vector<16xf32>,
        %mul3A_807 = arith.mulf %get3A_806, %gather3A : vector<16xf32>
        %swap3A = arith.index_cast %add3A_804 : i32 to index
        %swap3A_808 = arith.constant 0 : index
        %swap3A_809 = tpu.vector_load %arg18[%swap3A, %swap3A_808] {strides = array<i32>} : memref<400x64xf32, #tpu.memory_space<vmem>>, vector<16xf32>,
        tpu.vector_store %arg18[%swap3A, %swap3A_808], %mul3A_807 {strides = array<i32>} : memref<400x64xf32, #tpu.memory_space<vmem>>, vector<16xf32>,
        %get3A_810 = arith.index_cast %add3A_804 : i32 to index
        %get3A_811 = arith.constant 16 : index
        %get3A_812 = tpu.vector_load %arg18[%get3A_810, %get3A_811] {strides = array<i32>} : memref<400x64xf32, #tpu.memory_space<vmem>>, vector<16xf32>,
        %mul3A_813 = arith.mulf %get3A_812, %gather3A : vector<16xf32>
        %swap3A_814 = arith.index_cast %add3A_804 : i32 to index
        %swap3A_815 = arith.constant 16 : index
        %swap3A_816 = tpu.vector_load %arg18[%swap3A_814, %swap3A_815] {strides = array<i32>} : memref<400x64xf32, #tpu.memory_space<vmem>>, vector<16xf32>,
        tpu.vector_store %arg18[%swap3A_814, %swap3A_815], %mul3A_813 {strides = array<i32>} : memref<400x64xf32, #tpu.memory_space<vmem>>, vector<16xf32>,
        %get3A_817 = arith.index_cast %add3A_804 : i32 to index
        %get3A_818 = arith.constant 32 : index
        %get3A_819 = tpu.vector_load %arg18[%get3A_817, %get3A_818] {strides = array<i32>} : memref<400x64xf32, #tpu.memory_space<vmem>>, vector<16xf32>,
        %mul3A_820 = arith.mulf %get3A_819, %gather3A : vector<16xf32>
        %swap3A_821 = arith.index_cast %add3A_804 : i32 to index
        %swap3A_822 = arith.constant 32 : index
        %swap3A_823 = tpu.vector_load %arg18[%swap3A_821, %swap3A_822] {strides = array<i32>} : memref<400x64xf32, #tpu.memory_space<vmem>>, vector<16xf32>,
        tpu.vector_store %arg18[%swap3A_821, %swap3A_822], %mul3A_820 {strides = array<i32>} : memref<400x64xf32, #tpu.memory_space<vmem>>, vector<16xf32>,
        %get3A_824 = arith.index_cast %add3A_804 : i32 to index
        %get3A_825 = arith.constant 48 : index
        %get3A_826 = tpu.vector_load %arg18[%get3A_824, %get3A_825] {strides = array<i32>} : memref<400x64xf32, #tpu.memory_space<vmem>>, vector<16xf32>,
        %mul3A_827 = arith.mulf %get3A_826, %gather3A : vector<16xf32>
        %swap3A_828 = arith.index_cast %add3A_804 : i32 to index
        %swap3A_829 = arith.constant 48 : index
        %swap3A_830 = tpu.vector_load %arg18[%swap3A_828, %swap3A_829] {strides = array<i32>} : memref<400x64xf32, #tpu.memory_space<vmem>>, vector<16xf32>,
        tpu.vector_store %arg18[%swap3A_828, %swap3A_829], %mul3A_827 {strides = array<i32>} : memref<400x64xf32, #tpu.memory_space<vmem>>, vector<16xf32>,
      }
      %scan3A_481 = arith.constant 400 : i32
      %dma_start3A_482 = arith.constant 0 : i32
      %dma_start3A_483 = arith.constant 0 : i32
      %dma_start3A_484 = tpu.memref_slice %arg26[%dma_start3A_482, %dma_start3A_483] : memref<10240x64xf32, #tpu.memory_space<vmem_shared>> -> memref<10240x64xf32, #tpu.memory_space<vmem_shared>>
      tpu.enqueue_indirect_dma source(%arg18 : memref<400x64xf32, #tpu.memory_space<vmem>>) target(%dma_start3A_484 : memref<10240x64xf32, #tpu.memory_space<vmem_shared>>) offsets(%arg12 : memref<400xi32, #tpu.memory_space<vmem>>) semaphore(%arg25 : memref<!tpu.dma_semaphore, #tpu.memory_space<semaphore_mem>>) {add = true}
      %mul3A_485 = arith.constant 6 : i32
      %mul3A_486 = arith.muli %mul3A_485, %add3A_421 : i32
      %add3A_487 = arith.constant 2 : i32
      %add3A_488 = arith.addi %mul3A_486, %add3A_487 : i32
      %add3A_489 = arith.constant 1 : i32
      %add3A_490 = arith.addi %add3A_488, %add3A_489 : i32
      %mul3A_491 = arith.constant 320000 : i32
      %mul3A_492 = arith.muli %arg0, %mul3A_491 : i32
      %mul3A_493 = arith.constant 20000 : i32
      %mul3A_494 = arith.muli %arg1, %mul3A_493 : i32
      %add3A_495 = arith.addi %mul3A_492, %mul3A_494 : i32
      %mul3A_496 = arith.constant 400 : i32
      %mul3A_497 = arith.muli %add3A_490, %mul3A_496 : i32
      %add3A_498 = arith.addi %add3A_495, %mul3A_497 : i32
      %mul3A_499 = arith.constant 20000 : i32
      %mul3A_500 = arith.muli %arg1, %mul3A_499 : i32
      %mul3A_501 = arith.constant 400 : i32
      %mul3A_502 = arith.muli %add3A_490, %mul3A_501 : i32
      %add3A_503 = arith.addi %mul3A_500, %mul3A_502 : i32
      %dma_wait3A_504 = tpu.memref_slice %arg3[%add3A_498] : memref<640000xi32, #tpu.memory_space<hbm>> -> memref<400xi32, #tpu.memory_space<hbm>>
      %dma_wait3A_505 = tpu.memref_slice %arg3[%add3A_498] : memref<640000xi32, #tpu.memory_space<hbm>> -> memref<400xi32, #tpu.memory_space<hbm>>
      tpu.wait_dma2 semaphore(%arg19 : memref<!tpu.dma_semaphore, #tpu.memory_space<semaphore_mem>>) src(%dma_wait3A_505 : memref<400xi32, #tpu.memory_space<hbm>>) dst(%arg8 : memref<400xi32, #tpu.memory_space<vmem>>)
      %dma_wait3A_506 = tpu.memref_slice %arg4[%add3A_503] : memref<320000xi32, #tpu.memory_space<hbm>> -> memref<400xi32, #tpu.memory_space<hbm>>
      %dma_wait3A_507 = tpu.memref_slice %arg4[%add3A_503] : memref<320000xi32, #tpu.memory_space<hbm>> -> memref<400xi32, #tpu.memory_space<hbm>>
      tpu.wait_dma2 semaphore(%arg19 : memref<!tpu.dma_semaphore, #tpu.memory_space<semaphore_mem>>) src(%dma_wait3A_507 : memref<400xi32, #tpu.memory_space<hbm>>) dst(%arg11 : memref<400xi32, #tpu.memory_space<vmem>>)
      %dma_wait3A_508 = tpu.memref_slice %arg5[%add3A_503] : memref<320000xf32, #tpu.memory_space<hbm>> -> memref<400xf32, #tpu.memory_space<hbm>>
      %dma_wait3A_509 = tpu.memref_slice %arg5[%add3A_503] : memref<320000xf32, #tpu.memory_space<hbm>> -> memref<400xf32, #tpu.memory_space<hbm>>
      tpu.wait_dma2 semaphore(%arg19 : memref<!tpu.dma_semaphore, #tpu.memory_space<semaphore_mem>>) src(%dma_wait3A_509 : memref<400xf32, #tpu.memory_space<hbm>>) dst(%arg14 : memref<400xf32, #tpu.memory_space<vmem>>)
      %dma_wait3A_510 = arith.constant 0 : i32
      %dma_wait3A_511 = arith.constant 0 : i32
      %dma_wait3A_512 = tpu.memref_slice %arg26[%dma_wait3A_510, %dma_wait3A_511] : memref<10240x64xf32, #tpu.memory_space<vmem_shared>> -> memref<10240x64xf32, #tpu.memory_space<vmem_shared>>
      tpu.wait_indirect_dma semaphore(%arg25 : memref<!tpu.dma_semaphore, #tpu.memory_space<semaphore_mem>>) src(%arg18 : memref<400x64xf32, #tpu.memory_space<vmem>>) dst(%dma_wait3A_512 : memref<10240x64xf32, #tpu.memory_space<vmem_shared>>)
      %add3A_513 = arith.constant 1 : i32
      %add3A_514 = arith.addi %add3A_490, %add3A_513 : i32
      %mul3A_515 = arith.constant 320000 : i32
      %mul3A_516 = arith.muli %arg0, %mul3A_515 : i32
      %mul3A_517 = arith.constant 20000 : i32
      %mul3A_518 = arith.muli %arg1, %mul3A_517 : i32
      %add3A_519 = arith.addi %mul3A_516, %mul3A_518 : i32
      %mul3A_520 = arith.constant 400 : i32
      %mul3A_521 = arith.muli %add3A_514, %mul3A_520 : i32
      %add3A_522 = arith.addi %add3A_519, %mul3A_521 : i32
      %mul3A_523 = arith.constant 20000 : i32
      %mul3A_524 = arith.muli %arg1, %mul3A_523 : i32
      %mul3A_525 = arith.constant 400 : i32
      %mul3A_526 = arith.muli %add3A_514, %mul3A_525 : i32
      %add3A_527 = arith.addi %mul3A_524, %mul3A_526 : i32
      %dma_start3A_528 = tpu.memref_slice %arg3[%add3A_522] : memref<640000xi32, #tpu.memory_space<hbm>> -> memref<400xi32, #tpu.memory_space<hbm>>
      %dma_start3A_529 = tpu.memref_slice %arg3[%add3A_522] : memref<640000xi32, #tpu.memory_space<hbm>> -> memref<400xi32, #tpu.memory_space<hbm>>
      tpu.enqueue_dma source(%dma_start3A_529 : memref<400xi32, #tpu.memory_space<hbm>>) target(%arg9 : memref<400xi32, #tpu.memory_space<vmem>>) target_semaphore(%arg20 : memref<!tpu.dma_semaphore, #tpu.memory_space<semaphore_mem>>)
      %dma_start3A_530 = tpu.memref_slice %arg4[%add3A_527] : memref<320000xi32, #tpu.memory_space<hbm>> -> memref<400xi32, #tpu.memory_space<hbm>>
      %dma_start3A_531 = tpu.memref_slice %arg4[%add3A_527] : memref<320000xi32, #tpu.memory_space<hbm>> -> memref<400xi32, #tpu.memory_space<hbm>>
      tpu.enqueue_dma source(%dma_start3A_531 : memref<400xi32, #tpu.memory_space<hbm>>) target(%arg12 : memref<400xi32, #tpu.memory_space<vmem>>) target_semaphore(%arg20 : memref<!tpu.dma_semaphore, #tpu.memory_space<semaphore_mem>>)
      %dma_start3A_532 = tpu.memref_slice %arg5[%add3A_527] : memref<320000xf32, #tpu.memory_space<hbm>> -> memref<400xf32, #tpu.memory_space<hbm>>
      %dma_start3A_533 = tpu.memref_slice %arg5[%add3A_527] : memref<320000xf32, #tpu.memory_space<hbm>> -> memref<400xf32, #tpu.memory_space<hbm>>
      tpu.enqueue_dma source(%dma_start3A_533 : memref<400xf32, #tpu.memory_space<hbm>>) target(%arg15 : memref<400xf32, #tpu.memory_space<vmem>>) target_semaphore(%arg20 : memref<!tpu.dma_semaphore, #tpu.memory_space<semaphore_mem>>)
      %dma_start3A_534 = arith.constant 0 : i32
      %dma_start3A_535 = arith.constant 0 : i32
      %dma_start3A_536 = tpu.memref_slice %arg2[%dma_start3A_534, %dma_start3A_535] : memref<180000x64xf32, #tpu.memory_space<hbm>> -> memref<180000x64xf32, #tpu.memory_space<hbm>>
      tpu.enqueue_indirect_dma source(%dma_start3A_536 : memref<180000x64xf32, #tpu.memory_space<hbm>>) target(%arg18 : memref<400x64xf32, #tpu.memory_space<vmem>>) offsets(%arg8 : memref<400xi32, #tpu.memory_space<vmem>>) semaphore(%arg23 : memref<!tpu.dma_semaphore, #tpu.memory_space<semaphore_mem>>)
      %dma_wait3A_537 = arith.constant 0 : i32
      %dma_wait3A_538 = arith.constant 0 : i32
      %dma_wait3A_539 = tpu.memref_slice %arg2[%dma_wait3A_537, %dma_wait3A_538] : memref<180000x64xf32, #tpu.memory_space<hbm>> -> memref<180000x64xf32, #tpu.memory_space<hbm>>
      tpu.wait_indirect_dma semaphore(%arg22 : memref<!tpu.dma_semaphore, #tpu.memory_space<semaphore_mem>>) src(%dma_wait3A_539 : memref<180000x64xf32, #tpu.memory_space<hbm>>) dst(%arg17 : memref<400x64xf32, #tpu.memory_space<vmem>>)
      %scan3A_540 = arith.constant 0 : i32
      %scan3A_541 = arith.constant 400 : i32
      %scan3A_542 = arith.addi %scan3A_540, %scan3A_541 : i32
      %scan3A_543 = arith.constant 1 : i32
      scf.for %scan3A_800 = %scan3A_540 to %scan3A_542 step %scan3A_543  : i32 {
        %mul3A_801 = arith.constant 1 : i32
        %mul3A_802 = arith.muli %scan3A_800, %mul3A_801 : i32
        %add3A_803 = arith.constant 0 : i32
        %add3A_804 = arith.addi %add3A_803, %mul3A_802 : i32
        %broadcast_in_dim3A = vector.broadcast %add3A_804 : i32 to vector<16xi32>
        %gather3A = tpu.vector_load_idx %arg16[%broadcast_in_dim3A] : memref<400xf32, #tpu.memory_space<vmem>>[vector<16xi32>], vector<16xf32>,
        %get3A = arith.index_cast %add3A_804 : i32 to index
        %get3A_805 = arith.constant 0 : index
        %get3A_806 = tpu.vector_load %arg17[%get3A, %get3A_805] {strides = array<i32>} : memref<400x64xf32, #tpu.memory_space<vmem>>, vector<16xf32>,
        %mul3A_807 = arith.mulf %get3A_806, %gather3A : vector<16xf32>
        %swap3A = arith.index_cast %add3A_804 : i32 to index
        %swap3A_808 = arith.constant 0 : index
        %swap3A_809 = tpu.vector_load %arg17[%swap3A, %swap3A_808] {strides = array<i32>} : memref<400x64xf32, #tpu.memory_space<vmem>>, vector<16xf32>,
        tpu.vector_store %arg17[%swap3A, %swap3A_808], %mul3A_807 {strides = array<i32>} : memref<400x64xf32, #tpu.memory_space<vmem>>, vector<16xf32>,
        %get3A_810 = arith.index_cast %add3A_804 : i32 to index
        %get3A_811 = arith.constant 16 : index
        %get3A_812 = tpu.vector_load %arg17[%get3A_810, %get3A_811] {strides = array<i32>} : memref<400x64xf32, #tpu.memory_space<vmem>>, vector<16xf32>,
        %mul3A_813 = arith.mulf %get3A_812, %gather3A : vector<16xf32>
        %swap3A_814 = arith.index_cast %add3A_804 : i32 to index
        %swap3A_815 = arith.constant 16 : index
        %swap3A_816 = tpu.vector_load %arg17[%swap3A_814, %swap3A_815] {strides = array<i32>} : memref<400x64xf32, #tpu.memory_space<vmem>>, vector<16xf32>,
        tpu.vector_store %arg17[%swap3A_814, %swap3A_815], %mul3A_813 {strides = array<i32>} : memref<400x64xf32, #tpu.memory_space<vmem>>, vector<16xf32>,
        %get3A_817 = arith.index_cast %add3A_804 : i32 to index
        %get3A_818 = arith.constant 32 : index
        %get3A_819 = tpu.vector_load %arg17[%get3A_817, %get3A_818] {strides = array<i32>} : memref<400x64xf32, #tpu.memory_space<vmem>>, vector<16xf32>,
        %mul3A_820 = arith.mulf %get3A_819, %gather3A : vector<16xf32>
        %swap3A_821 = arith.index_cast %add3A_804 : i32 to index
        %swap3A_822 = arith.constant 32 : index
        %swap3A_823 = tpu.vector_load %arg17[%swap3A_821, %swap3A_822] {strides = array<i32>} : memref<400x64xf32, #tpu.memory_space<vmem>>, vector<16xf32>,
        tpu.vector_store %arg17[%swap3A_821, %swap3A_822], %mul3A_820 {strides = array<i32>} : memref<400x64xf32, #tpu.memory_space<vmem>>, vector<16xf32>,
        %get3A_824 = arith.index_cast %add3A_804 : i32 to index
        %get3A_825 = arith.constant 48 : index
        %get3A_826 = tpu.vector_load %arg17[%get3A_824, %get3A_825] {strides = array<i32>} : memref<400x64xf32, #tpu.memory_space<vmem>>, vector<16xf32>,
        %mul3A_827 = arith.mulf %get3A_826, %gather3A : vector<16xf32>
        %swap3A_828 = arith.index_cast %add3A_804 : i32 to index
        %swap3A_829 = arith.constant 48 : index
        %swap3A_830 = tpu.vector_load %arg17[%swap3A_828, %swap3A_829] {strides = array<i32>} : memref<400x64xf32, #tpu.memory_space<vmem>>, vector<16xf32>,
        tpu.vector_store %arg17[%swap3A_828, %swap3A_829], %mul3A_827 {strides = array<i32>} : memref<400x64xf32, #tpu.memory_space<vmem>>, vector<16xf32>,
      }
      %scan3A_544 = arith.constant 400 : i32
      %dma_start3A_545 = arith.constant 0 : i32
      %dma_start3A_546 = arith.constant 0 : i32
      %dma_start3A_547 = tpu.memref_slice %arg26[%dma_start3A_545, %dma_start3A_546] : memref<10240x64xf32, #tpu.memory_space<vmem_shared>> -> memref<10240x64xf32, #tpu.memory_space<vmem_shared>>
      tpu.enqueue_indirect_dma source(%arg17 : memref<400x64xf32, #tpu.memory_space<vmem>>) target(%dma_start3A_547 : memref<10240x64xf32, #tpu.memory_space<vmem_shared>>) offsets(%arg13 : memref<400xi32, #tpu.memory_space<vmem>>) semaphore(%arg24 : memref<!tpu.dma_semaphore, #tpu.memory_space<semaphore_mem>>) {add = true}
      %mul3A_548 = arith.constant 6 : i32
      %mul3A_549 = arith.muli %mul3A_548, %add3A_421 : i32
      %add3A_550 = arith.constant 2 : i32
      %add3A_551 = arith.addi %mul3A_549, %add3A_550 : i32
      %add3A_552 = arith.constant 2 : i32
      %add3A_553 = arith.addi %add3A_551, %add3A_552 : i32
      %mul3A_554 = arith.constant 320000 : i32
      %mul3A_555 = arith.muli %arg0, %mul3A_554 : i32
      %mul3A_556 = arith.constant 20000 : i32
      %mul3A_557 = arith.muli %arg1, %mul3A_556 : i32
      %add3A_558 = arith.addi %mul3A_555, %mul3A_557 : i32
      %mul3A_559 = arith.constant 400 : i32
      %mul3A_560 = arith.muli %add3A_553, %mul3A_559 : i32
      %add3A_561 = arith.addi %add3A_558, %mul3A_560 : i32
      %mul3A_562 = arith.constant 20000 : i32
      %mul3A_563 = arith.muli %arg1, %mul3A_562 : i32
      %mul3A_564 = arith.constant 400 : i32
      %mul3A_565 = arith.muli %add3A_553, %mul3A_564 : i32
      %add3A_566 = arith.addi %mul3A_563, %mul3A_565 : i32
      %dma_wait3A_567 = tpu.memref_slice %arg3[%add3A_561] : memref<640000xi32, #tpu.memory_space<hbm>> -> memref<400xi32, #tpu.memory_space<hbm>>
      %dma_wait3A_568 = tpu.memref_slice %arg3[%add3A_561] : memref<640000xi32, #tpu.memory_space<hbm>> -> memref<400xi32, #tpu.memory_space<hbm>>
      tpu.wait_dma2 semaphore(%arg20 : memref<!tpu.dma_semaphore, #tpu.memory_space<semaphore_mem>>) src(%dma_wait3A_568 : memref<400xi32, #tpu.memory_space<hbm>>) dst(%arg9 : memref<400xi32, #tpu.memory_space<vmem>>)
      %dma_wait3A_569 = tpu.memref_slice %arg4[%add3A_566] : memref<320000xi32, #tpu.memory_space<hbm>> -> memref<400xi32, #tpu.memory_space<hbm>>
      %dma_wait3A_570 = tpu.memref_slice %arg4[%add3A_566] : memref<320000xi32, #tpu.memory_space<hbm>> -> memref<400xi32, #tpu.memory_space<hbm>>
      tpu.wait_dma2 semaphore(%arg20 : memref<!tpu.dma_semaphore, #tpu.memory_space<semaphore_mem>>) src(%dma_wait3A_570 : memref<400xi32, #tpu.memory_space<hbm>>) dst(%arg12 : memref<400xi32, #tpu.memory_space<vmem>>)
      %dma_wait3A_571 = tpu.memref_slice %arg5[%add3A_566] : memref<320000xf32, #tpu.memory_space<hbm>> -> memref<400xf32, #tpu.memory_space<hbm>>
      %dma_wait3A_572 = tpu.memref_slice %arg5[%add3A_566] : memref<320000xf32, #tpu.memory_space<hbm>> -> memref<400xf32, #tpu.memory_space<hbm>>
      tpu.wait_dma2 semaphore(%arg20 : memref<!tpu.dma_semaphore, #tpu.memory_space<semaphore_mem>>) src(%dma_wait3A_572 : memref<400xf32, #tpu.memory_space<hbm>>) dst(%arg15 : memref<400xf32, #tpu.memory_space<vmem>>)
      %dma_wait3A_573 = arith.constant 0 : i32
      %dma_wait3A_574 = arith.constant 0 : i32
      %dma_wait3A_575 = tpu.memref_slice %arg26[%dma_wait3A_573, %dma_wait3A_574] : memref<10240x64xf32, #tpu.memory_space<vmem_shared>> -> memref<10240x64xf32, #tpu.memory_space<vmem_shared>>
      tpu.wait_indirect_dma semaphore(%arg24 : memref<!tpu.dma_semaphore, #tpu.memory_space<semaphore_mem>>) src(%arg17 : memref<400x64xf32, #tpu.memory_space<vmem>>) dst(%dma_wait3A_575 : memref<10240x64xf32, #tpu.memory_space<vmem_shared>>)
      %add3A_576 = arith.constant 1 : i32
      %add3A_577 = arith.addi %add3A_553, %add3A_576 : i32
      %mul3A_578 = arith.constant 320000 : i32
      %mul3A_579 = arith.muli %arg0, %mul3A_578 : i32
      %mul3A_580 = arith.constant 20000 : i32
      %mul3A_581 = arith.muli %arg1, %mul3A_580 : i32
      %add3A_582 = arith.addi %mul3A_579, %mul3A_581 : i32
      %mul3A_583 = arith.constant 400 : i32
      %mul3A_584 = arith.muli %add3A_577, %mul3A_583 : i32
      %add3A_585 = arith.addi %add3A_582, %mul3A_584 : i32
      %mul3A_586 = arith.constant 20000 : i32
      %mul3A_587 = arith.muli %arg1, %mul3A_586 : i32
      %mul3A_588 = arith.constant 400 : i32
      %mul3A_589 = arith.muli %add3A_577, %mul3A_588 : i32
      %add3A_590 = arith.addi %mul3A_587, %mul3A_589 : i32
      %dma_start3A_591 = tpu.memref_slice %arg3[%add3A_585] : memref<640000xi32, #tpu.memory_space<hbm>> -> memref<400xi32, #tpu.memory_space<hbm>>
      %dma_start3A_592 = tpu.memref_slice %arg3[%add3A_585] : memref<640000xi32, #tpu.memory_space<hbm>> -> memref<400xi32, #tpu.memory_space<hbm>>
      tpu.enqueue_dma source(%dma_start3A_592 : memref<400xi32, #tpu.memory_space<hbm>>) target(%arg10 : memref<400xi32, #tpu.memory_space<vmem>>) target_semaphore(%arg21 : memref<!tpu.dma_semaphore, #tpu.memory_space<semaphore_mem>>)
      %dma_start3A_593 = tpu.memref_slice %arg4[%add3A_590] : memref<320000xi32, #tpu.memory_space<hbm>> -> memref<400xi32, #tpu.memory_space<hbm>>
      %dma_start3A_594 = tpu.memref_slice %arg4[%add3A_590] : memref<320000xi32, #tpu.memory_space<hbm>> -> memref<400xi32, #tpu.memory_space<hbm>>
      tpu.enqueue_dma source(%dma_start3A_594 : memref<400xi32, #tpu.memory_space<hbm>>) target(%arg13 : memref<400xi32, #tpu.memory_space<vmem>>) target_semaphore(%arg21 : memref<!tpu.dma_semaphore, #tpu.memory_space<semaphore_mem>>)
      %dma_start3A_595 = tpu.memref_slice %arg5[%add3A_590] : memref<320000xf32, #tpu.memory_space<hbm>> -> memref<400xf32, #tpu.memory_space<hbm>>
      %dma_start3A_596 = tpu.memref_slice %arg5[%add3A_590] : memref<320000xf32, #tpu.memory_space<hbm>> -> memref<400xf32, #tpu.memory_space<hbm>>
      tpu.enqueue_dma source(%dma_start3A_596 : memref<400xf32, #tpu.memory_space<hbm>>) target(%arg16 : memref<400xf32, #tpu.memory_space<vmem>>) target_semaphore(%arg21 : memref<!tpu.dma_semaphore, #tpu.memory_space<semaphore_mem>>)
      %dma_start3A_597 = arith.constant 0 : i32
      %dma_start3A_598 = arith.constant 0 : i32
      %dma_start3A_599 = tpu.memref_slice %arg2[%dma_start3A_597, %dma_start3A_598] : memref<180000x64xf32, #tpu.memory_space<hbm>> -> memref<180000x64xf32, #tpu.memory_space<hbm>>
      tpu.enqueue_indirect_dma source(%dma_start3A_599 : memref<180000x64xf32, #tpu.memory_space<hbm>>) target(%arg17 : memref<400x64xf32, #tpu.memory_space<vmem>>) offsets(%arg9 : memref<400xi32, #tpu.memory_space<vmem>>) semaphore(%arg22 : memref<!tpu.dma_semaphore, #tpu.memory_space<semaphore_mem>>)
      %dma_wait3A_600 = arith.constant 0 : i32
      %dma_wait3A_601 = arith.constant 0 : i32
      %dma_wait3A_602 = tpu.memref_slice %arg2[%dma_wait3A_600, %dma_wait3A_601] : memref<180000x64xf32, #tpu.memory_space<hbm>> -> memref<180000x64xf32, #tpu.memory_space<hbm>>
      tpu.wait_indirect_dma semaphore(%arg23 : memref<!tpu.dma_semaphore, #tpu.memory_space<semaphore_mem>>) src(%dma_wait3A_602 : memref<180000x64xf32, #tpu.memory_space<hbm>>) dst(%arg18 : memref<400x64xf32, #tpu.memory_space<vmem>>)
      %scan3A_603 = arith.constant 0 : i32
      %scan3A_604 = arith.constant 400 : i32
      %scan3A_605 = arith.addi %scan3A_603, %scan3A_604 : i32
      %scan3A_606 = arith.constant 1 : i32
      scf.for %scan3A_800 = %scan3A_603 to %scan3A_605 step %scan3A_606  : i32 {
        %mul3A_801 = arith.constant 1 : i32
        %mul3A_802 = arith.muli %scan3A_800, %mul3A_801 : i32
        %add3A_803 = arith.constant 0 : i32
        %add3A_804 = arith.addi %add3A_803, %mul3A_802 : i32
        %broadcast_in_dim3A = vector.broadcast %add3A_804 : i32 to vector<16xi32>
        %gather3A = tpu.vector_load_idx %arg14[%broadcast_in_dim3A] : memref<400xf32, #tpu.memory_space<vmem>>[vector<16xi32>], vector<16xf32>,
        %get3A = arith.index_cast %add3A_804 : i32 to index
        %get3A_805 = arith.constant 0 : index
        %get3A_806 = tpu.vector_load %arg18[%get3A, %get3A_805] {strides = array<i32>} : memref<400x64xf32, #tpu.memory_space<vmem>>, vector<16xf32>,
        %mul3A_807 = arith.mulf %get3A_806, %gather3A : vector<16xf32>
        %swap3A = arith.index_cast %add3A_804 : i32 to index
        %swap3A_808 = arith.constant 0 : index
        %swap3A_809 = tpu.vector_load %arg18[%swap3A, %swap3A_808] {strides = array<i32>} : memref<400x64xf32, #tpu.memory_space<vmem>>, vector<16xf32>,
        tpu.vector_store %arg18[%swap3A, %swap3A_808], %mul3A_807 {strides = array<i32>} : memref<400x64xf32, #tpu.memory_space<vmem>>, vector<16xf32>,
        %get3A_810 = arith.index_cast %add3A_804 : i32 to index
        %get3A_811 = arith.constant 16 : index
        %get3A_812 = tpu.vector_load %arg18[%get3A_810, %get3A_811] {strides = array<i32>} : memref<400x64xf32, #tpu.memory_space<vmem>>, vector<16xf32>,
        %mul3A_813 = arith.mulf %get3A_812, %gather3A : vector<16xf32>
        %swap3A_814 = arith.index_cast %add3A_804 : i32 to index
        %swap3A_815 = arith.constant 16 : index
        %swap3A_816 = tpu.vector_load %arg18[%swap3A_814, %swap3A_815] {strides = array<i32>} : memref<400x64xf32, #tpu.memory_space<vmem>>, vector<16xf32>,
        tpu.vector_store %arg18[%swap3A_814, %swap3A_815], %mul3A_813 {strides = array<i32>} : memref<400x64xf32, #tpu.memory_space<vmem>>, vector<16xf32>,
        %get3A_817 = arith.index_cast %add3A_804 : i32 to index
        %get3A_818 = arith.constant 32 : index
        %get3A_819 = tpu.vector_load %arg18[%get3A_817, %get3A_818] {strides = array<i32>} : memref<400x64xf32, #tpu.memory_space<vmem>>, vector<16xf32>,
        %mul3A_820 = arith.mulf %get3A_819, %gather3A : vector<16xf32>
        %swap3A_821 = arith.index_cast %add3A_804 : i32 to index
        %swap3A_822 = arith.constant 32 : index
        %swap3A_823 = tpu.vector_load %arg18[%swap3A_821, %swap3A_822] {strides = array<i32>} : memref<400x64xf32, #tpu.memory_space<vmem>>, vector<16xf32>,
        tpu.vector_store %arg18[%swap3A_821, %swap3A_822], %mul3A_820 {strides = array<i32>} : memref<400x64xf32, #tpu.memory_space<vmem>>, vector<16xf32>,
        %get3A_824 = arith.index_cast %add3A_804 : i32 to index
        %get3A_825 = arith.constant 48 : index
        %get3A_826 = tpu.vector_load %arg18[%get3A_824, %get3A_825] {strides = array<i32>} : memref<400x64xf32, #tpu.memory_space<vmem>>, vector<16xf32>,
        %mul3A_827 = arith.mulf %get3A_826, %gather3A : vector<16xf32>
        %swap3A_828 = arith.index_cast %add3A_804 : i32 to index
        %swap3A_829 = arith.constant 48 : index
        %swap3A_830 = tpu.vector_load %arg18[%swap3A_828, %swap3A_829] {strides = array<i32>} : memref<400x64xf32, #tpu.memory_space<vmem>>, vector<16xf32>,
        tpu.vector_store %arg18[%swap3A_828, %swap3A_829], %mul3A_827 {strides = array<i32>} : memref<400x64xf32, #tpu.memory_space<vmem>>, vector<16xf32>,
      }
      %scan3A_607 = arith.constant 400 : i32
      %dma_start3A_608 = arith.constant 0 : i32
      %dma_start3A_609 = arith.constant 0 : i32
      %dma_start3A_610 = tpu.memref_slice %arg26[%dma_start3A_608, %dma_start3A_609] : memref<10240x64xf32, #tpu.memory_space<vmem_shared>> -> memref<10240x64xf32, #tpu.memory_space<vmem_shared>>
      tpu.enqueue_indirect_dma source(%arg18 : memref<400x64xf32, #tpu.memory_space<vmem>>) target(%dma_start3A_610 : memref<10240x64xf32, #tpu.memory_space<vmem_shared>>) offsets(%arg11 : memref<400xi32, #tpu.memory_space<vmem>>) semaphore(%arg25 : memref<!tpu.dma_semaphore, #tpu.memory_space<semaphore_mem>>) {add = true}
      %mul3A_611 = arith.constant 6 : i32
      %mul3A_612 = arith.muli %mul3A_611, %add3A_421 : i32
      %add3A_613 = arith.constant 2 : i32
      %add3A_614 = arith.addi %mul3A_612, %add3A_613 : i32
      %add3A_615 = arith.constant 3 : i32
      %add3A_616 = arith.addi %add3A_614, %add3A_615 : i32
      %mul3A_617 = arith.constant 320000 : i32
      %mul3A_618 = arith.muli %arg0, %mul3A_617 : i32
      %mul3A_619 = arith.constant 20000 : i32
      %mul3A_620 = arith.muli %arg1, %mul3A_619 : i32
      %add3A_621 = arith.addi %mul3A_618, %mul3A_620 : i32
      %mul3A_622 = arith.constant 400 : i32
      %mul3A_623 = arith.muli %add3A_616, %mul3A_622 : i32
      %add3A_624 = arith.addi %add3A_621, %mul3A_623 : i32
      %mul3A_625 = arith.constant 20000 : i32
      %mul3A_626 = arith.muli %arg1, %mul3A_625 : i32
      %mul3A_627 = arith.constant 400 : i32
      %mul3A_628 = arith.muli %add3A_616, %mul3A_627 : i32
      %add3A_629 = arith.addi %mul3A_626, %mul3A_628 : i32
      %dma_wait3A_630 = tpu.memref_slice %arg3[%add3A_624] : memref<640000xi32, #tpu.memory_space<hbm>> -> memref<400xi32, #tpu.memory_space<hbm>>
      %dma_wait3A_631 = tpu.memref_slice %arg3[%add3A_624] : memref<640000xi32, #tpu.memory_space<hbm>> -> memref<400xi32, #tpu.memory_space<hbm>>
      tpu.wait_dma2 semaphore(%arg21 : memref<!tpu.dma_semaphore, #tpu.memory_space<semaphore_mem>>) src(%dma_wait3A_631 : memref<400xi32, #tpu.memory_space<hbm>>) dst(%arg10 : memref<400xi32, #tpu.memory_space<vmem>>)
      %dma_wait3A_632 = tpu.memref_slice %arg4[%add3A_629] : memref<320000xi32, #tpu.memory_space<hbm>> -> memref<400xi32, #tpu.memory_space<hbm>>
      %dma_wait3A_633 = tpu.memref_slice %arg4[%add3A_629] : memref<320000xi32, #tpu.memory_space<hbm>> -> memref<400xi32, #tpu.memory_space<hbm>>
      tpu.wait_dma2 semaphore(%arg21 : memref<!tpu.dma_semaphore, #tpu.memory_space<semaphore_mem>>) src(%dma_wait3A_633 : memref<400xi32, #tpu.memory_space<hbm>>) dst(%arg13 : memref<400xi32, #tpu.memory_space<vmem>>)
      %dma_wait3A_634 = tpu.memref_slice %arg5[%add3A_629] : memref<320000xf32, #tpu.memory_space<hbm>> -> memref<400xf32, #tpu.memory_space<hbm>>
      %dma_wait3A_635 = tpu.memref_slice %arg5[%add3A_629] : memref<320000xf32, #tpu.memory_space<hbm>> -> memref<400xf32, #tpu.memory_space<hbm>>
      tpu.wait_dma2 semaphore(%arg21 : memref<!tpu.dma_semaphore, #tpu.memory_space<semaphore_mem>>) src(%dma_wait3A_635 : memref<400xf32, #tpu.memory_space<hbm>>) dst(%arg16 : memref<400xf32, #tpu.memory_space<vmem>>)
      %dma_wait3A_636 = arith.constant 0 : i32
      %dma_wait3A_637 = arith.constant 0 : i32
      %dma_wait3A_638 = tpu.memref_slice %arg26[%dma_wait3A_636, %dma_wait3A_637] : memref<10240x64xf32, #tpu.memory_space<vmem_shared>> -> memref<10240x64xf32, #tpu.memory_space<vmem_shared>>
      tpu.wait_indirect_dma semaphore(%arg25 : memref<!tpu.dma_semaphore, #tpu.memory_space<semaphore_mem>>) src(%arg18 : memref<400x64xf32, #tpu.memory_space<vmem>>) dst(%dma_wait3A_638 : memref<10240x64xf32, #tpu.memory_space<vmem_shared>>)
      %add3A_639 = arith.constant 1 : i32
      %add3A_640 = arith.addi %add3A_616, %add3A_639 : i32
      %mul3A_641 = arith.constant 320000 : i32
      %mul3A_642 = arith.muli %arg0, %mul3A_641 : i32
      %mul3A_643 = arith.constant 20000 : i32
      %mul3A_644 = arith.muli %arg1, %mul3A_643 : i32
      %add3A_645 = arith.addi %mul3A_642, %mul3A_644 : i32
      %mul3A_646 = arith.constant 400 : i32
      %mul3A_647 = arith.muli %add3A_640, %mul3A_646 : i32
      %add3A_648 = arith.addi %add3A_645, %mul3A_647 : i32
      %mul3A_649 = arith.constant 20000 : i32
      %mul3A_650 = arith.muli %arg1, %mul3A_649 : i32
      %mul3A_651 = arith.constant 400 : i32
      %mul3A_652 = arith.muli %add3A_640, %mul3A_651 : i32
      %add3A_653 = arith.addi %mul3A_650, %mul3A_652 : i32
      %dma_start3A_654 = tpu.memref_slice %arg3[%add3A_648] : memref<640000xi32, #tpu.memory_space<hbm>> -> memref<400xi32, #tpu.memory_space<hbm>>
      %dma_start3A_655 = tpu.memref_slice %arg3[%add3A_648] : memref<640000xi32, #tpu.memory_space<hbm>> -> memref<400xi32, #tpu.memory_space<hbm>>
      tpu.enqueue_dma source(%dma_start3A_655 : memref<400xi32, #tpu.memory_space<hbm>>) target(%arg8 : memref<400xi32, #tpu.memory_space<vmem>>) target_semaphore(%arg19 : memref<!tpu.dma_semaphore, #tpu.memory_space<semaphore_mem>>)
      %dma_start3A_656 = tpu.memref_slice %arg4[%add3A_653] : memref<320000xi32, #tpu.memory_space<hbm>> -> memref<400xi32, #tpu.memory_space<hbm>>
      %dma_start3A_657 = tpu.memref_slice %arg4[%add3A_653] : memref<320000xi32, #tpu.memory_space<hbm>> -> memref<400xi32, #tpu.memory_space<hbm>>
      tpu.enqueue_dma source(%dma_start3A_657 : memref<400xi32, #tpu.memory_space<hbm>>) target(%arg11 : memref<400xi32, #tpu.memory_space<vmem>>) target_semaphore(%arg19 : memref<!tpu.dma_semaphore, #tpu.memory_space<semaphore_mem>>)
      %dma_start3A_658 = tpu.memref_slice %arg5[%add3A_653] : memref<320000xf32, #tpu.memory_space<hbm>> -> memref<400xf32, #tpu.memory_space<hbm>>
      %dma_start3A_659 = tpu.memref_slice %arg5[%add3A_653] : memref<320000xf32, #tpu.memory_space<hbm>> -> memref<400xf32, #tpu.memory_space<hbm>>
      tpu.enqueue_dma source(%dma_start3A_659 : memref<400xf32, #tpu.memory_space<hbm>>) target(%arg14 : memref<400xf32, #tpu.memory_space<vmem>>) target_semaphore(%arg19 : memref<!tpu.dma_semaphore, #tpu.memory_space<semaphore_mem>>)
      %dma_start3A_660 = arith.constant 0 : i32
      %dma_start3A_661 = arith.constant 0 : i32
      %dma_start3A_662 = tpu.memref_slice %arg2[%dma_start3A_660, %dma_start3A_661] : memref<180000x64xf32, #tpu.memory_space<hbm>> -> memref<180000x64xf32, #tpu.memory_space<hbm>>
      tpu.enqueue_indirect_dma source(%dma_start3A_662 : memref<180000x64xf32, #tpu.memory_space<hbm>>) target(%arg18 : memref<400x64xf32, #tpu.memory_space<vmem>>) offsets(%arg10 : memref<400xi32, #tpu.memory_space<vmem>>) semaphore(%arg23 : memref<!tpu.dma_semaphore, #tpu.memory_space<semaphore_mem>>)
      %dma_wait3A_663 = arith.constant 0 : i32
      %dma_wait3A_664 = arith.constant 0 : i32
      %dma_wait3A_665 = tpu.memref_slice %arg2[%dma_wait3A_663, %dma_wait3A_664] : memref<180000x64xf32, #tpu.memory_space<hbm>> -> memref<180000x64xf32, #tpu.memory_space<hbm>>
      tpu.wait_indirect_dma semaphore(%arg22 : memref<!tpu.dma_semaphore, #tpu.memory_space<semaphore_mem>>) src(%dma_wait3A_665 : memref<180000x64xf32, #tpu.memory_space<hbm>>) dst(%arg17 : memref<400x64xf32, #tpu.memory_space<vmem>>)
      %scan3A_666 = arith.constant 0 : i32
      %scan3A_667 = arith.constant 400 : i32
      %scan3A_668 = arith.addi %scan3A_666, %scan3A_667 : i32
      %scan3A_669 = arith.constant 1 : i32
      scf.for %scan3A_800 = %scan3A_666 to %scan3A_668 step %scan3A_669  : i32 {
        %mul3A_801 = arith.constant 1 : i32
        %mul3A_802 = arith.muli %scan3A_800, %mul3A_801 : i32
        %add3A_803 = arith.constant 0 : i32
        %add3A_804 = arith.addi %add3A_803, %mul3A_802 : i32
        %broadcast_in_dim3A = vector.broadcast %add3A_804 : i32 to vector<16xi32>
        %gather3A = tpu.vector_load_idx %arg15[%broadcast_in_dim3A] : memref<400xf32, #tpu.memory_space<vmem>>[vector<16xi32>], vector<16xf32>,
        %get3A = arith.index_cast %add3A_804 : i32 to index
        %get3A_805 = arith.constant 0 : index
        %get3A_806 = tpu.vector_load %arg17[%get3A, %get3A_805] {strides = array<i32>} : memref<400x64xf32, #tpu.memory_space<vmem>>, vector<16xf32>,
        %mul3A_807 = arith.mulf %get3A_806, %gather3A : vector<16xf32>
        %swap3A = arith.index_cast %add3A_804 : i32 to index
        %swap3A_808 = arith.constant 0 : index
        %swap3A_809 = tpu.vector_load %arg17[%swap3A, %swap3A_808] {strides = array<i32>} : memref<400x64xf32, #tpu.memory_space<vmem>>, vector<16xf32>,
        tpu.vector_store %arg17[%swap3A, %swap3A_808], %mul3A_807 {strides = array<i32>} : memref<400x64xf32, #tpu.memory_space<vmem>>, vector<16xf32>,
        %get3A_810 = arith.index_cast %add3A_804 : i32 to index
        %get3A_811 = arith.constant 16 : index
        %get3A_812 = tpu.vector_load %arg17[%get3A_810, %get3A_811] {strides = array<i32>} : memref<400x64xf32, #tpu.memory_space<vmem>>, vector<16xf32>,
        %mul3A_813 = arith.mulf %get3A_812, %gather3A : vector<16xf32>
        %swap3A_814 = arith.index_cast %add3A_804 : i32 to index
        %swap3A_815 = arith.constant 16 : index
        %swap3A_816 = tpu.vector_load %arg17[%swap3A_814, %swap3A_815] {strides = array<i32>} : memref<400x64xf32, #tpu.memory_space<vmem>>, vector<16xf32>,
        tpu.vector_store %arg17[%swap3A_814, %swap3A_815], %mul3A_813 {strides = array<i32>} : memref<400x64xf32, #tpu.memory_space<vmem>>, vector<16xf32>,
        %get3A_817 = arith.index_cast %add3A_804 : i32 to index
        %get3A_818 = arith.constant 32 : index
        %get3A_819 = tpu.vector_load %arg17[%get3A_817, %get3A_818] {strides = array<i32>} : memref<400x64xf32, #tpu.memory_space<vmem>>, vector<16xf32>,
        %mul3A_820 = arith.mulf %get3A_819, %gather3A : vector<16xf32>
        %swap3A_821 = arith.index_cast %add3A_804 : i32 to index
        %swap3A_822 = arith.constant 32 : index
        %swap3A_823 = tpu.vector_load %arg17[%swap3A_821, %swap3A_822] {strides = array<i32>} : memref<400x64xf32, #tpu.memory_space<vmem>>, vector<16xf32>,
        tpu.vector_store %arg17[%swap3A_821, %swap3A_822], %mul3A_820 {strides = array<i32>} : memref<400x64xf32, #tpu.memory_space<vmem>>, vector<16xf32>,
        %get3A_824 = arith.index_cast %add3A_804 : i32 to index
        %get3A_825 = arith.constant 48 : index
        %get3A_826 = tpu.vector_load %arg17[%get3A_824, %get3A_825] {strides = array<i32>} : memref<400x64xf32, #tpu.memory_space<vmem>>, vector<16xf32>,
        %mul3A_827 = arith.mulf %get3A_826, %gather3A : vector<16xf32>
        %swap3A_828 = arith.index_cast %add3A_804 : i32 to index
        %swap3A_829 = arith.constant 48 : index
        %swap3A_830 = tpu.vector_load %arg17[%swap3A_828, %swap3A_829] {strides = array<i32>} : memref<400x64xf32, #tpu.memory_space<vmem>>, vector<16xf32>,
        tpu.vector_store %arg17[%swap3A_828, %swap3A_829], %mul3A_827 {strides = array<i32>} : memref<400x64xf32, #tpu.memory_space<vmem>>, vector<16xf32>,
      }
      %scan3A_670 = arith.constant 400 : i32
      %dma_start3A_671 = arith.constant 0 : i32
      %dma_start3A_672 = arith.constant 0 : i32
      %dma_start3A_673 = tpu.memref_slice %arg26[%dma_start3A_671, %dma_start3A_672] : memref<10240x64xf32, #tpu.memory_space<vmem_shared>> -> memref<10240x64xf32, #tpu.memory_space<vmem_shared>>
      tpu.enqueue_indirect_dma source(%arg17 : memref<400x64xf32, #tpu.memory_space<vmem>>) target(%dma_start3A_673 : memref<10240x64xf32, #tpu.memory_space<vmem_shared>>) offsets(%arg12 : memref<400xi32, #tpu.memory_space<vmem>>) semaphore(%arg24 : memref<!tpu.dma_semaphore, #tpu.memory_space<semaphore_mem>>) {add = true}
      %mul3A_674 = arith.constant 6 : i32
      %mul3A_675 = arith.muli %mul3A_674, %add3A_421 : i32
      %add3A_676 = arith.constant 2 : i32
      %add3A_677 = arith.addi %mul3A_675, %add3A_676 : i32
      %add3A_678 = arith.constant 4 : i32
      %add3A_679 = arith.addi %add3A_677, %add3A_678 : i32
      %mul3A_680 = arith.constant 320000 : i32
      %mul3A_681 = arith.muli %arg0, %mul3A_680 : i32
      %mul3A_682 = arith.constant 20000 : i32
      %mul3A_683 = arith.muli %arg1, %mul3A_682 : i32
      %add3A_684 = arith.addi %mul3A_681, %mul3A_683 : i32
      %mul3A_685 = arith.constant 400 : i32
      %mul3A_686 = arith.muli %add3A_679, %mul3A_685 : i32
      %add3A_687 = arith.addi %add3A_684, %mul3A_686 : i32
      %mul3A_688 = arith.constant 20000 : i32
      %mul3A_689 = arith.muli %arg1, %mul3A_688 : i32
      %mul3A_690 = arith.constant 400 : i32
      %mul3A_691 = arith.muli %add3A_679, %mul3A_690 : i32
      %add3A_692 = arith.addi %mul3A_689, %mul3A_691 : i32
      %dma_wait3A_693 = tpu.memref_slice %arg3[%add3A_687] : memref<640000xi32, #tpu.memory_space<hbm>> -> memref<400xi32, #tpu.memory_space<hbm>>
      %dma_wait3A_694 = tpu.memref_slice %arg3[%add3A_687] : memref<640000xi32, #tpu.memory_space<hbm>> -> memref<400xi32, #tpu.memory_space<hbm>>
      tpu.wait_dma2 semaphore(%arg19 : memref<!tpu.dma_semaphore, #tpu.memory_space<semaphore_mem>>) src(%dma_wait3A_694 : memref<400xi32, #tpu.memory_space<hbm>>) dst(%arg8 : memref<400xi32, #tpu.memory_space<vmem>>)
      %dma_wait3A_695 = tpu.memref_slice %arg4[%add3A_692] : memref<320000xi32, #tpu.memory_space<hbm>> -> memref<400xi32, #tpu.memory_space<hbm>>
      %dma_wait3A_696 = tpu.memref_slice %arg4[%add3A_692] : memref<320000xi32, #tpu.memory_space<hbm>> -> memref<400xi32, #tpu.memory_space<hbm>>
      tpu.wait_dma2 semaphore(%arg19 : memref<!tpu.dma_semaphore, #tpu.memory_space<semaphore_mem>>) src(%dma_wait3A_696 : memref<400xi32, #tpu.memory_space<hbm>>) dst(%arg11 : memref<400xi32, #tpu.memory_space<vmem>>)
      %dma_wait3A_697 = tpu.memref_slice %arg5[%add3A_692] : memref<320000xf32, #tpu.memory_space<hbm>> -> memref<400xf32, #tpu.memory_space<hbm>>
      %dma_wait3A_698 = tpu.memref_slice %arg5[%add3A_692] : memref<320000xf32, #tpu.memory_space<hbm>> -> memref<400xf32, #tpu.memory_space<hbm>>
      tpu.wait_dma2 semaphore(%arg19 : memref<!tpu.dma_semaphore, #tpu.memory_space<semaphore_mem>>) src(%dma_wait3A_698 : memref<400xf32, #tpu.memory_space<hbm>>) dst(%arg14 : memref<400xf32, #tpu.memory_space<vmem>>)
      %dma_wait3A_699 = arith.constant 0 : i32
      %dma_wait3A_700 = arith.constant 0 : i32
      %dma_wait3A_701 = tpu.memref_slice %arg26[%dma_wait3A_699, %dma_wait3A_700] : memref<10240x64xf32, #tpu.memory_space<vmem_shared>> -> memref<10240x64xf32, #tpu.memory_space<vmem_shared>>
      tpu.wait_indirect_dma semaphore(%arg24 : memref<!tpu.dma_semaphore, #tpu.memory_space<semaphore_mem>>) src(%arg17 : memref<400x64xf32, #tpu.memory_space<vmem>>) dst(%dma_wait3A_701 : memref<10240x64xf32, #tpu.memory_space<vmem_shared>>)
      %add3A_702 = arith.constant 1 : i32
      %add3A_703 = arith.addi %add3A_679, %add3A_702 : i32
      %mul3A_704 = arith.constant 320000 : i32
      %mul3A_705 = arith.muli %arg0, %mul3A_704 : i32
      %mul3A_706 = arith.constant 20000 : i32
      %mul3A_707 = arith.muli %arg1, %mul3A_706 : i32
      %add3A_708 = arith.addi %mul3A_705, %mul3A_707 : i32
      %mul3A_709 = arith.constant 400 : i32
      %mul3A_710 = arith.muli %add3A_703, %mul3A_709 : i32
      %add3A_711 = arith.addi %add3A_708, %mul3A_710 : i32
      %mul3A_712 = arith.constant 20000 : i32
      %mul3A_713 = arith.muli %arg1, %mul3A_712 : i32
      %mul3A_714 = arith.constant 400 : i32
      %mul3A_715 = arith.muli %add3A_703, %mul3A_714 : i32
      %add3A_716 = arith.addi %mul3A_713, %mul3A_715 : i32
      %dma_start3A_717 = tpu.memref_slice %arg3[%add3A_711] : memref<640000xi32, #tpu.memory_space<hbm>> -> memref<400xi32, #tpu.memory_space<hbm>>
      %dma_start3A_718 = tpu.memref_slice %arg3[%add3A_711] : memref<640000xi32, #tpu.memory_space<hbm>> -> memref<400xi32, #tpu.memory_space<hbm>>
      tpu.enqueue_dma source(%dma_start3A_718 : memref<400xi32, #tpu.memory_space<hbm>>) target(%arg9 : memref<400xi32, #tpu.memory_space<vmem>>) target_semaphore(%arg20 : memref<!tpu.dma_semaphore, #tpu.memory_space<semaphore_mem>>)
      %dma_start3A_719 = tpu.memref_slice %arg4[%add3A_716] : memref<320000xi32, #tpu.memory_space<hbm>> -> memref<400xi32, #tpu.memory_space<hbm>>
      %dma_start3A_720 = tpu.memref_slice %arg4[%add3A_716] : memref<320000xi32, #tpu.memory_space<hbm>> -> memref<400xi32, #tpu.memory_space<hbm>>
      tpu.enqueue_dma source(%dma_start3A_720 : memref<400xi32, #tpu.memory_space<hbm>>) target(%arg12 : memref<400xi32, #tpu.memory_space<vmem>>) target_semaphore(%arg20 : memref<!tpu.dma_semaphore, #tpu.memory_space<semaphore_mem>>)
      %dma_start3A_721 = tpu.memref_slice %arg5[%add3A_716] : memref<320000xf32, #tpu.memory_space<hbm>> -> memref<400xf32, #tpu.memory_space<hbm>>
      %dma_start3A_722 = tpu.memref_slice %arg5[%add3A_716] : memref<320000xf32, #tpu.memory_space<hbm>> -> memref<400xf32, #tpu.memory_space<hbm>>
      tpu.enqueue_dma source(%dma_start3A_722 : memref<400xf32, #tpu.memory_space<hbm>>) target(%arg15 : memref<400xf32, #tpu.memory_space<vmem>>) target_semaphore(%arg20 : memref<!tpu.dma_semaphore, #tpu.memory_space<semaphore_mem>>)
      %dma_start3A_723 = arith.constant 0 : i32
      %dma_start3A_724 = arith.constant 0 : i32
      %dma_start3A_725 = tpu.memref_slice %arg2[%dma_start3A_723, %dma_start3A_724] : memref<180000x64xf32, #tpu.memory_space<hbm>> -> memref<180000x64xf32, #tpu.memory_space<hbm>>
      tpu.enqueue_indirect_dma source(%dma_start3A_725 : memref<180000x64xf32, #tpu.memory_space<hbm>>) target(%arg17 : memref<400x64xf32, #tpu.memory_space<vmem>>) offsets(%arg8 : memref<400xi32, #tpu.memory_space<vmem>>) semaphore(%arg22 : memref<!tpu.dma_semaphore, #tpu.memory_space<semaphore_mem>>)
      %dma_wait3A_726 = arith.constant 0 : i32
      %dma_wait3A_727 = arith.constant 0 : i32
      %dma_wait3A_728 = tpu.memref_slice %arg2[%dma_wait3A_726, %dma_wait3A_727] : memref<180000x64xf32, #tpu.memory_space<hbm>> -> memref<180000x64xf32, #tpu.memory_space<hbm>>
      tpu.wait_indirect_dma semaphore(%arg23 : memref<!tpu.dma_semaphore, #tpu.memory_space<semaphore_mem>>) src(%dma_wait3A_728 : memref<180000x64xf32, #tpu.memory_space<hbm>>) dst(%arg18 : memref<400x64xf32, #tpu.memory_space<vmem>>)
      %scan3A_729 = arith.constant 0 : i32
      %scan3A_730 = arith.constant 400 : i32
      %scan3A_731 = arith.addi %scan3A_729, %scan3A_730 : i32
      %scan3A_732 = arith.constant 1 : i32
      scf.for %scan3A_800 = %scan3A_729 to %scan3A_731 step %scan3A_732  : i32 {
        %mul3A_801 = arith.constant 1 : i32
        %mul3A_802 = arith.muli %scan3A_800, %mul3A_801 : i32
        %add3A_803 = arith.constant 0 : i32
        %add3A_804 = arith.addi %add3A_803, %mul3A_802 : i32
        %broadcast_in_dim3A = vector.broadcast %add3A_804 : i32 to vector<16xi32>
        %gather3A = tpu.vector_load_idx %arg16[%broadcast_in_dim3A] : memref<400xf32, #tpu.memory_space<vmem>>[vector<16xi32>], vector<16xf32>,
        %get3A = arith.index_cast %add3A_804 : i32 to index
        %get3A_805 = arith.constant 0 : index
        %get3A_806 = tpu.vector_load %arg18[%get3A, %get3A_805] {strides = array<i32>} : memref<400x64xf32, #tpu.memory_space<vmem>>, vector<16xf32>,
        %mul3A_807 = arith.mulf %get3A_806, %gather3A : vector<16xf32>
        %swap3A = arith.index_cast %add3A_804 : i32 to index
        %swap3A_808 = arith.constant 0 : index
        %swap3A_809 = tpu.vector_load %arg18[%swap3A, %swap3A_808] {strides = array<i32>} : memref<400x64xf32, #tpu.memory_space<vmem>>, vector<16xf32>,
        tpu.vector_store %arg18[%swap3A, %swap3A_808], %mul3A_807 {strides = array<i32>} : memref<400x64xf32, #tpu.memory_space<vmem>>, vector<16xf32>,
        %get3A_810 = arith.index_cast %add3A_804 : i32 to index
        %get3A_811 = arith.constant 16 : index
        %get3A_812 = tpu.vector_load %arg18[%get3A_810, %get3A_811] {strides = array<i32>} : memref<400x64xf32, #tpu.memory_space<vmem>>, vector<16xf32>,
        %mul3A_813 = arith.mulf %get3A_812, %gather3A : vector<16xf32>
        %swap3A_814 = arith.index_cast %add3A_804 : i32 to index
        %swap3A_815 = arith.constant 16 : index
        %swap3A_816 = tpu.vector_load %arg18[%swap3A_814, %swap3A_815] {strides = array<i32>} : memref<400x64xf32, #tpu.memory_space<vmem>>, vector<16xf32>,
        tpu.vector_store %arg18[%swap3A_814, %swap3A_815], %mul3A_813 {strides = array<i32>} : memref<400x64xf32, #tpu.memory_space<vmem>>, vector<16xf32>,
        %get3A_817 = arith.index_cast %add3A_804 : i32 to index
        %get3A_818 = arith.constant 32 : index
        %get3A_819 = tpu.vector_load %arg18[%get3A_817, %get3A_818] {strides = array<i32>} : memref<400x64xf32, #tpu.memory_space<vmem>>, vector<16xf32>,
        %mul3A_820 = arith.mulf %get3A_819, %gather3A : vector<16xf32>
        %swap3A_821 = arith.index_cast %add3A_804 : i32 to index
        %swap3A_822 = arith.constant 32 : index
        %swap3A_823 = tpu.vector_load %arg18[%swap3A_821, %swap3A_822] {strides = array<i32>} : memref<400x64xf32, #tpu.memory_space<vmem>>, vector<16xf32>,
        tpu.vector_store %arg18[%swap3A_821, %swap3A_822], %mul3A_820 {strides = array<i32>} : memref<400x64xf32, #tpu.memory_space<vmem>>, vector<16xf32>,
        %get3A_824 = arith.index_cast %add3A_804 : i32 to index
        %get3A_825 = arith.constant 48 : index
        %get3A_826 = tpu.vector_load %arg18[%get3A_824, %get3A_825] {strides = array<i32>} : memref<400x64xf32, #tpu.memory_space<vmem>>, vector<16xf32>,
        %mul3A_827 = arith.mulf %get3A_826, %gather3A : vector<16xf32>
        %swap3A_828 = arith.index_cast %add3A_804 : i32 to index
        %swap3A_829 = arith.constant 48 : index
        %swap3A_830 = tpu.vector_load %arg18[%swap3A_828, %swap3A_829] {strides = array<i32>} : memref<400x64xf32, #tpu.memory_space<vmem>>, vector<16xf32>,
        tpu.vector_store %arg18[%swap3A_828, %swap3A_829], %mul3A_827 {strides = array<i32>} : memref<400x64xf32, #tpu.memory_space<vmem>>, vector<16xf32>,
      }
      %scan3A_733 = arith.constant 400 : i32
      %dma_start3A_734 = arith.constant 0 : i32
      %dma_start3A_735 = arith.constant 0 : i32
      %dma_start3A_736 = tpu.memref_slice %arg26[%dma_start3A_734, %dma_start3A_735] : memref<10240x64xf32, #tpu.memory_space<vmem_shared>> -> memref<10240x64xf32, #tpu.memory_space<vmem_shared>>
      tpu.enqueue_indirect_dma source(%arg18 : memref<400x64xf32, #tpu.memory_space<vmem>>) target(%dma_start3A_736 : memref<10240x64xf32, #tpu.memory_space<vmem_shared>>) offsets(%arg13 : memref<400xi32, #tpu.memory_space<vmem>>) semaphore(%arg25 : memref<!tpu.dma_semaphore, #tpu.memory_space<semaphore_mem>>) {add = true}
      %mul3A_737 = arith.constant 6 : i32
      %mul3A_738 = arith.muli %mul3A_737, %add3A_421 : i32
      %add3A_739 = arith.constant 2 : i32
      %add3A_740 = arith.addi %mul3A_738, %add3A_739 : i32
      %add3A_741 = arith.constant 5 : i32
      %add3A_742 = arith.addi %add3A_740, %add3A_741 : i32
      %mul3A_743 = arith.constant 320000 : i32
      %mul3A_744 = arith.muli %arg0, %mul3A_743 : i32
      %mul3A_745 = arith.constant 20000 : i32
      %mul3A_746 = arith.muli %arg1, %mul3A_745 : i32
      %add3A_747 = arith.addi %mul3A_744, %mul3A_746 : i32
      %mul3A_748 = arith.constant 400 : i32
      %mul3A_749 = arith.muli %add3A_742, %mul3A_748 : i32
      %add3A_750 = arith.addi %add3A_747, %mul3A_749 : i32
      %mul3A_751 = arith.constant 20000 : i32
      %mul3A_752 = arith.muli %arg1, %mul3A_751 : i32
      %mul3A_753 = arith.constant 400 : i32
      %mul3A_754 = arith.muli %add3A_742, %mul3A_753 : i32
      %add3A_755 = arith.addi %mul3A_752, %mul3A_754 : i32
      %dma_wait3A_756 = tpu.memref_slice %arg3[%add3A_750] : memref<640000xi32, #tpu.memory_space<hbm>> -> memref<400xi32, #tpu.memory_space<hbm>>
      %dma_wait3A_757 = tpu.memref_slice %arg3[%add3A_750] : memref<640000xi32, #tpu.memory_space<hbm>> -> memref<400xi32, #tpu.memory_space<hbm>>
      tpu.wait_dma2 semaphore(%arg20 : memref<!tpu.dma_semaphore, #tpu.memory_space<semaphore_mem>>) src(%dma_wait3A_757 : memref<400xi32, #tpu.memory_space<hbm>>) dst(%arg9 : memref<400xi32, #tpu.memory_space<vmem>>)
      %dma_wait3A_758 = tpu.memref_slice %arg4[%add3A_755] : memref<320000xi32, #tpu.memory_space<hbm>> -> memref<400xi32, #tpu.memory_space<hbm>>
      %dma_wait3A_759 = tpu.memref_slice %arg4[%add3A_755] : memref<320000xi32, #tpu.memory_space<hbm>> -> memref<400xi32, #tpu.memory_space<hbm>>
      tpu.wait_dma2 semaphore(%arg20 : memref<!tpu.dma_semaphore, #tpu.memory_space<semaphore_mem>>) src(%dma_wait3A_759 : memref<400xi32, #tpu.memory_space<hbm>>) dst(%arg12 : memref<400xi32, #tpu.memory_space<vmem>>)
      %dma_wait3A_760 = tpu.memref_slice %arg5[%add3A_755] : memref<320000xf32, #tpu.memory_space<hbm>> -> memref<400xf32, #tpu.memory_space<hbm>>
      %dma_wait3A_761 = tpu.memref_slice %arg5[%add3A_755] : memref<320000xf32, #tpu.memory_space<hbm>> -> memref<400xf32, #tpu.memory_space<hbm>>
      tpu.wait_dma2 semaphore(%arg20 : memref<!tpu.dma_semaphore, #tpu.memory_space<semaphore_mem>>) src(%dma_wait3A_761 : memref<400xf32, #tpu.memory_space<hbm>>) dst(%arg15 : memref<400xf32, #tpu.memory_space<vmem>>)
      %dma_wait3A_762 = arith.constant 0 : i32
      %dma_wait3A_763 = arith.constant 0 : i32
      %dma_wait3A_764 = tpu.memref_slice %arg26[%dma_wait3A_762, %dma_wait3A_763] : memref<10240x64xf32, #tpu.memory_space<vmem_shared>> -> memref<10240x64xf32, #tpu.memory_space<vmem_shared>>
      tpu.wait_indirect_dma semaphore(%arg25 : memref<!tpu.dma_semaphore, #tpu.memory_space<semaphore_mem>>) src(%arg18 : memref<400x64xf32, #tpu.memory_space<vmem>>) dst(%dma_wait3A_764 : memref<10240x64xf32, #tpu.memory_space<vmem_shared>>)
      %add3A_765 = arith.constant 1 : i32
      %add3A_766 = arith.addi %add3A_742, %add3A_765 : i32
      %mul3A_767 = arith.constant 320000 : i32
      %mul3A_768 = arith.muli %arg0, %mul3A_767 : i32
      %mul3A_769 = arith.constant 20000 : i32
      %mul3A_770 = arith.muli %arg1, %mul3A_769 : i32
      %add3A_771 = arith.addi %mul3A_768, %mul3A_770 : i32
      %mul3A_772 = arith.constant 400 : i32
      %mul3A_773 = arith.muli %add3A_766, %mul3A_772 : i32
      %add3A_774 = arith.addi %add3A_771, %mul3A_773 : i32
      %mul3A_775 = arith.constant 20000 : i32
      %mul3A_776 = arith.muli %arg1, %mul3A_775 : i32
      %mul3A_777 = arith.constant 400 : i32
      %mul3A_778 = arith.muli %add3A_766, %mul3A_777 : i32
      %add3A_779 = arith.addi %mul3A_776, %mul3A_778 : i32
      %dma_start3A_780 = tpu.memref_slice %arg3[%add3A_774] : memref<640000xi32, #tpu.memory_space<hbm>> -> memref<400xi32, #tpu.memory_space<hbm>>
      %dma_start3A_781 = tpu.memref_slice %arg3[%add3A_774] : memref<640000xi32, #tpu.memory_space<hbm>> -> memref<400xi32, #tpu.memory_space<hbm>>
      tpu.enqueue_dma source(%dma_start3A_781 : memref<400xi32, #tpu.memory_space<hbm>>) target(%arg10 : memref<400xi32, #tpu.memory_space<vmem>>) target_semaphore(%arg21 : memref<!tpu.dma_semaphore, #tpu.memory_space<semaphore_mem>>)
      %dma_start3A_782 = tpu.memref_slice %arg4[%add3A_779] : memref<320000xi32, #tpu.memory_space<hbm>> -> memref<400xi32, #tpu.memory_space<hbm>>
      %dma_start3A_783 = tpu.memref_slice %arg4[%add3A_779] : memref<320000xi32, #tpu.memory_space<hbm>> -> memref<400xi32, #tpu.memory_space<hbm>>
      tpu.enqueue_dma source(%dma_start3A_783 : memref<400xi32, #tpu.memory_space<hbm>>) target(%arg13 : memref<400xi32, #tpu.memory_space<vmem>>) target_semaphore(%arg21 : memref<!tpu.dma_semaphore, #tpu.memory_space<semaphore_mem>>)
      %dma_start3A_784 = tpu.memref_slice %arg5[%add3A_779] : memref<320000xf32, #tpu.memory_space<hbm>> -> memref<400xf32, #tpu.memory_space<hbm>>
      %dma_start3A_785 = tpu.memref_slice %arg5[%add3A_779] : memref<320000xf32, #tpu.memory_space<hbm>> -> memref<400xf32, #tpu.memory_space<hbm>>
      tpu.enqueue_dma source(%dma_start3A_785 : memref<400xf32, #tpu.memory_space<hbm>>) target(%arg16 : memref<400xf32, #tpu.memory_space<vmem>>) target_semaphore(%arg21 : memref<!tpu.dma_semaphore, #tpu.memory_space<semaphore_mem>>)
      %dma_start3A_786 = arith.constant 0 : i32
      %dma_start3A_787 = arith.constant 0 : i32
      %dma_start3A_788 = tpu.memref_slice %arg2[%dma_start3A_786, %dma_start3A_787] : memref<180000x64xf32, #tpu.memory_space<hbm>> -> memref<180000x64xf32, #tpu.memory_space<hbm>>
      tpu.enqueue_indirect_dma source(%dma_start3A_788 : memref<180000x64xf32, #tpu.memory_space<hbm>>) target(%arg18 : memref<400x64xf32, #tpu.memory_space<vmem>>) offsets(%arg9 : memref<400xi32, #tpu.memory_space<vmem>>) semaphore(%arg23 : memref<!tpu.dma_semaphore, #tpu.memory_space<semaphore_mem>>)
      %dma_wait3A_789 = arith.constant 0 : i32
      %dma_wait3A_790 = arith.constant 0 : i32
      %dma_wait3A_791 = tpu.memref_slice %arg2[%dma_wait3A_789, %dma_wait3A_790] : memref<180000x64xf32, #tpu.memory_space<hbm>> -> memref<180000x64xf32, #tpu.memory_space<hbm>>
      tpu.wait_indirect_dma semaphore(%arg22 : memref<!tpu.dma_semaphore, #tpu.memory_space<semaphore_mem>>) src(%dma_wait3A_791 : memref<180000x64xf32, #tpu.memory_space<hbm>>) dst(%arg17 : memref<400x64xf32, #tpu.memory_space<vmem>>)
      %scan3A_792 = arith.constant 0 : i32
      %scan3A_793 = arith.constant 400 : i32
      %scan3A_794 = arith.addi %scan3A_792, %scan3A_793 : i32
      %scan3A_795 = arith.constant 1 : i32
      scf.for %scan3A_800 = %scan3A_792 to %scan3A_794 step %scan3A_795  : i32 {
        %mul3A_801 = arith.constant 1 : i32
        %mul3A_802 = arith.muli %scan3A_800, %mul3A_801 : i32
        %add3A_803 = arith.constant 0 : i32
        %add3A_804 = arith.addi %add3A_803, %mul3A_802 : i32
        %broadcast_in_dim3A = vector.broadcast %add3A_804 : i32 to vector<16xi32>
        %gather3A = tpu.vector_load_idx %arg14[%broadcast_in_dim3A] : memref<400xf32, #tpu.memory_space<vmem>>[vector<16xi32>], vector<16xf32>,
        %get3A = arith.index_cast %add3A_804 : i32 to index
        %get3A_805 = arith.constant 0 : index
        %get3A_806 = tpu.vector_load %arg17[%get3A, %get3A_805] {strides = array<i32>} : memref<400x64xf32, #tpu.memory_space<vmem>>, vector<16xf32>,
        %mul3A_807 = arith.mulf %get3A_806, %gather3A : vector<16xf32>
        %swap3A = arith.index_cast %add3A_804 : i32 to index
        %swap3A_808 = arith.constant 0 : index
        %swap3A_809 = tpu.vector_load %arg17[%swap3A, %swap3A_808] {strides = array<i32>} : memref<400x64xf32, #tpu.memory_space<vmem>>, vector<16xf32>,
        tpu.vector_store %arg17[%swap3A, %swap3A_808], %mul3A_807 {strides = array<i32>} : memref<400x64xf32, #tpu.memory_space<vmem>>, vector<16xf32>,
        %get3A_810 = arith.index_cast %add3A_804 : i32 to index
        %get3A_811 = arith.constant 16 : index
        %get3A_812 = tpu.vector_load %arg17[%get3A_810, %get3A_811] {strides = array<i32>} : memref<400x64xf32, #tpu.memory_space<vmem>>, vector<16xf32>,
        %mul3A_813 = arith.mulf %get3A_812, %gather3A : vector<16xf32>
        %swap3A_814 = arith.index_cast %add3A_804 : i32 to index
        %swap3A_815 = arith.constant 16 : index
        %swap3A_816 = tpu.vector_load %arg17[%swap3A_814, %swap3A_815] {strides = array<i32>} : memref<400x64xf32, #tpu.memory_space<vmem>>, vector<16xf32>,
        tpu.vector_store %arg17[%swap3A_814, %swap3A_815], %mul3A_813 {strides = array<i32>} : memref<400x64xf32, #tpu.memory_space<vmem>>, vector<16xf32>,
        %get3A_817 = arith.index_cast %add3A_804 : i32 to index
        %get3A_818 = arith.constant 32 : index
        %get3A_819 = tpu.vector_load %arg17[%get3A_817, %get3A_818] {strides = array<i32>} : memref<400x64xf32, #tpu.memory_space<vmem>>, vector<16xf32>,
        %mul3A_820 = arith.mulf %get3A_819, %gather3A : vector<16xf32>
        %swap3A_821 = arith.index_cast %add3A_804 : i32 to index
        %swap3A_822 = arith.constant 32 : index
        %swap3A_823 = tpu.vector_load %arg17[%swap3A_821, %swap3A_822] {strides = array<i32>} : memref<400x64xf32, #tpu.memory_space<vmem>>, vector<16xf32>,
        tpu.vector_store %arg17[%swap3A_821, %swap3A_822], %mul3A_820 {strides = array<i32>} : memref<400x64xf32, #tpu.memory_space<vmem>>, vector<16xf32>,
        %get3A_824 = arith.index_cast %add3A_804 : i32 to index
        %get3A_825 = arith.constant 48 : index
        %get3A_826 = tpu.vector_load %arg17[%get3A_824, %get3A_825] {strides = array<i32>} : memref<400x64xf32, #tpu.memory_space<vmem>>, vector<16xf32>,
        %mul3A_827 = arith.mulf %get3A_826, %gather3A : vector<16xf32>
        %swap3A_828 = arith.index_cast %add3A_804 : i32 to index
        %swap3A_829 = arith.constant 48 : index
        %swap3A_830 = tpu.vector_load %arg17[%swap3A_828, %swap3A_829] {strides = array<i32>} : memref<400x64xf32, #tpu.memory_space<vmem>>, vector<16xf32>,
        tpu.vector_store %arg17[%swap3A_828, %swap3A_829], %mul3A_827 {strides = array<i32>} : memref<400x64xf32, #tpu.memory_space<vmem>>, vector<16xf32>,
      }
      %scan3A_796 = arith.constant 400 : i32
      %dma_start3A_797 = arith.constant 0 : i32
      %dma_start3A_798 = arith.constant 0 : i32
      %dma_start3A_799 = tpu.memref_slice %arg26[%dma_start3A_797, %dma_start3A_798] : memref<10240x64xf32, #tpu.memory_space<vmem_shared>> -> memref<10240x64xf32, #tpu.memory_space<vmem_shared>>
      tpu.enqueue_indirect_dma source(%arg17 : memref<400x64xf32, #tpu.memory_space<vmem>>) target(%dma_start3A_799 : memref<10240x64xf32, #tpu.memory_space<vmem_shared>>) offsets(%arg11 : memref<400xi32, #tpu.memory_space<vmem>>) semaphore(%arg24 : memref<!tpu.dma_semaphore, #tpu.memory_space<semaphore_mem>>) {add = true}
    }
    %scan3A_105 = arith.constant 7 : i32
    %mul3A_106 = arith.constant 320000 : i32
    %mul3A_107 = arith.muli %arg0, %mul3A_106 : i32
    %mul3A_108 = arith.constant 20000 : i32
    %mul3A_109 = arith.muli %arg1, %mul3A_108 : i32
    %add3A_110 = arith.addi %mul3A_107, %mul3A_109 : i32
    %add3A_111 = arith.constant 17600 : i32
    %add3A_112 = arith.addi %add3A_110, %add3A_111 : i32
    %mul3A_113 = arith.constant 20000 : i32
    %mul3A_114 = arith.muli %arg1, %mul3A_113 : i32
    %add3A_115 = arith.constant 17600 : i32
    %add3A_116 = arith.addi %mul3A_114, %add3A_115 : i32
    %dma_wait3A_117 = tpu.memref_slice %arg3[%add3A_112] : memref<640000xi32, #tpu.memory_space<hbm>> -> memref<400xi32, #tpu.memory_space<hbm>>
    %dma_wait3A_118 = tpu.memref_slice %arg3[%add3A_112] : memref<640000xi32, #tpu.memory_space<hbm>> -> memref<400xi32, #tpu.memory_space<hbm>>
    tpu.wait_dma2 semaphore(%arg21 : memref<!tpu.dma_semaphore, #tpu.memory_space<semaphore_mem>>) src(%dma_wait3A_118 : memref<400xi32, #tpu.memory_space<hbm>>) dst(%arg10 : memref<400xi32, #tpu.memory_space<vmem>>)
    %dma_wait3A_119 = tpu.memref_slice %arg4[%add3A_116] : memref<320000xi32, #tpu.memory_space<hbm>> -> memref<400xi32, #tpu.memory_space<hbm>>
    %dma_wait3A_120 = tpu.memref_slice %arg4[%add3A_116] : memref<320000xi32, #tpu.memory_space<hbm>> -> memref<400xi32, #tpu.memory_space<hbm>>
    tpu.wait_dma2 semaphore(%arg21 : memref<!tpu.dma_semaphore, #tpu.memory_space<semaphore_mem>>) src(%dma_wait3A_120 : memref<400xi32, #tpu.memory_space<hbm>>) dst(%arg13 : memref<400xi32, #tpu.memory_space<vmem>>)
    %dma_wait3A_121 = tpu.memref_slice %arg5[%add3A_116] : memref<320000xf32, #tpu.memory_space<hbm>> -> memref<400xf32, #tpu.memory_space<hbm>>
    %dma_wait3A_122 = tpu.memref_slice %arg5[%add3A_116] : memref<320000xf32, #tpu.memory_space<hbm>> -> memref<400xf32, #tpu.memory_space<hbm>>
    tpu.wait_dma2 semaphore(%arg21 : memref<!tpu.dma_semaphore, #tpu.memory_space<semaphore_mem>>) src(%dma_wait3A_122 : memref<400xf32, #tpu.memory_space<hbm>>) dst(%arg16 : memref<400xf32, #tpu.memory_space<vmem>>)
    %dma_wait3A_123 = arith.constant 0 : i32
    %dma_wait3A_124 = arith.constant 0 : i32
    %dma_wait3A_125 = tpu.memref_slice %arg26[%dma_wait3A_123, %dma_wait3A_124] : memref<10240x64xf32, #tpu.memory_space<vmem_shared>> -> memref<10240x64xf32, #tpu.memory_space<vmem_shared>>
    tpu.wait_indirect_dma semaphore(%arg24 : memref<!tpu.dma_semaphore, #tpu.memory_space<semaphore_mem>>) src(%arg17 : memref<400x64xf32, #tpu.memory_space<vmem>>) dst(%dma_wait3A_125 : memref<10240x64xf32, #tpu.memory_space<vmem_shared>>)
    %mul3A_126 = arith.constant 320000 : i32
    %mul3A_127 = arith.muli %arg0, %mul3A_126 : i32
    %mul3A_128 = arith.constant 20000 : i32
    %mul3A_129 = arith.muli %arg1, %mul3A_128 : i32
    %add3A_130 = arith.addi %mul3A_127, %mul3A_129 : i32
    %add3A_131 = arith.constant 18000 : i32
    %add3A_132 = arith.addi %add3A_130, %add3A_131 : i32
    %mul3A_133 = arith.constant 20000 : i32
    %mul3A_134 = arith.muli %arg1, %mul3A_133 : i32
    %add3A_135 = arith.constant 18000 : i32
    %add3A_136 = arith.addi %mul3A_134, %add3A_135 : i32
    %dma_start3A_137 = tpu.memref_slice %arg3[%add3A_132] : memref<640000xi32, #tpu.memory_space<hbm>> -> memref<400xi32, #tpu.memory_space<hbm>>
    %dma_start3A_138 = tpu.memref_slice %arg3[%add3A_132] : memref<640000xi32, #tpu.memory_space<hbm>> -> memref<400xi32, #tpu.memory_space<hbm>>
    tpu.enqueue_dma source(%dma_start3A_138 : memref<400xi32, #tpu.memory_space<hbm>>) target(%arg8 : memref<400xi32, #tpu.memory_space<vmem>>) target_semaphore(%arg19 : memref<!tpu.dma_semaphore, #tpu.memory_space<semaphore_mem>>)
    %dma_start3A_139 = tpu.memref_slice %arg4[%add3A_136] : memref<320000xi32, #tpu.memory_space<hbm>> -> memref<400xi32, #tpu.memory_space<hbm>>
    %dma_start3A_140 = tpu.memref_slice %arg4[%add3A_136] : memref<320000xi32, #tpu.memory_space<hbm>> -> memref<400xi32, #tpu.memory_space<hbm>>
    tpu.enqueue_dma source(%dma_start3A_140 : memref<400xi32, #tpu.memory_space<hbm>>) target(%arg11 : memref<400xi32, #tpu.memory_space<vmem>>) target_semaphore(%arg19 : memref<!tpu.dma_semaphore, #tpu.memory_space<semaphore_mem>>)
    %dma_start3A_141 = tpu.memref_slice %arg5[%add3A_136] : memref<320000xf32, #tpu.memory_space<hbm>> -> memref<400xf32, #tpu.memory_space<hbm>>
    %dma_start3A_142 = tpu.memref_slice %arg5[%add3A_136] : memref<320000xf32, #tpu.memory_space<hbm>> -> memref<400xf32, #tpu.memory_space<hbm>>
    tpu.enqueue_dma source(%dma_start3A_142 : memref<400xf32, #tpu.memory_space<hbm>>) target(%arg14 : memref<400xf32, #tpu.memory_space<vmem>>) target_semaphore(%arg19 : memref<!tpu.dma_semaphore, #tpu.memory_space<semaphore_mem>>)
    %dma_start3A_143 = arith.constant 0 : i32
    %dma_start3A_144 = arith.constant 0 : i32
    %dma_start3A_145 = tpu.memref_slice %arg2[%dma_start3A_143, %dma_start3A_144] : memref<180000x64xf32, #tpu.memory_space<hbm>> -> memref<180000x64xf32, #tpu.memory_space<hbm>>
    tpu.enqueue_indirect_dma source(%dma_start3A_145 : memref<180000x64xf32, #tpu.memory_space<hbm>>) target(%arg17 : memref<400x64xf32, #tpu.memory_space<vmem>>) offsets(%arg10 : memref<400xi32, #tpu.memory_space<vmem>>) semaphore(%arg22 : memref<!tpu.dma_semaphore, #tpu.memory_space<semaphore_mem>>)
    %dma_wait3A_146 = arith.constant 0 : i32
    %dma_wait3A_147 = arith.constant 0 : i32
    %dma_wait3A_148 = tpu.memref_slice %arg2[%dma_wait3A_146, %dma_wait3A_147] : memref<180000x64xf32, #tpu.memory_space<hbm>> -> memref<180000x64xf32, #tpu.memory_space<hbm>>
    tpu.wait_indirect_dma semaphore(%arg23 : memref<!tpu.dma_semaphore, #tpu.memory_space<semaphore_mem>>) src(%dma_wait3A_148 : memref<180000x64xf32, #tpu.memory_space<hbm>>) dst(%arg18 : memref<400x64xf32, #tpu.memory_space<vmem>>)
    %scan3A_149 = arith.constant 0 : i32
    %scan3A_150 = arith.constant 400 : i32
    %scan3A_151 = arith.addi %scan3A_149, %scan3A_150 : i32
    %scan3A_152 = arith.constant 1 : i32
    scf.for %scan3A_417 = %scan3A_149 to %scan3A_151 step %scan3A_152  : i32 {
      %mul3A_418 = arith.constant 1 : i32
      %mul3A_419 = arith.muli %scan3A_417, %mul3A_418 : i32
      %add3A_420 = arith.constant 0 : i32
      %add3A_421 = arith.addi %add3A_420, %mul3A_419 : i32
      %broadcast_in_dim3A = vector.broadcast %add3A_421 : i32 to vector<16xi32>
      %gather3A = tpu.vector_load_idx %arg15[%broadcast_in_dim3A] : memref<400xf32, #tpu.memory_space<vmem>>[vector<16xi32>], vector<16xf32>,
      %get3A = arith.index_cast %add3A_421 : i32 to index
      %get3A_422 = arith.constant 0 : index
      %get3A_423 = tpu.vector_load %arg18[%get3A, %get3A_422] {strides = array<i32>} : memref<400x64xf32, #tpu.memory_space<vmem>>, vector<16xf32>,
      %mul3A_424 = arith.mulf %get3A_423, %gather3A : vector<16xf32>
      %swap3A = arith.index_cast %add3A_421 : i32 to index
      %swap3A_425 = arith.constant 0 : index
      %swap3A_426 = tpu.vector_load %arg18[%swap3A, %swap3A_425] {strides = array<i32>} : memref<400x64xf32, #tpu.memory_space<vmem>>, vector<16xf32>,
      tpu.vector_store %arg18[%swap3A, %swap3A_425], %mul3A_424 {strides = array<i32>} : memref<400x64xf32, #tpu.memory_space<vmem>>, vector<16xf32>,
      %get3A_427 = arith.index_cast %add3A_421 : i32 to index
      %get3A_428 = arith.constant 16 : index
      %get3A_429 = tpu.vector_load %arg18[%get3A_427, %get3A_428] {strides = array<i32>} : memref<400x64xf32, #tpu.memory_space<vmem>>, vector<16xf32>,
      %mul3A_430 = arith.mulf %get3A_429, %gather3A : vector<16xf32>
      %swap3A_431 = arith.index_cast %add3A_421 : i32 to index
      %swap3A_432 = arith.constant 16 : index
      %swap3A_433 = tpu.vector_load %arg18[%swap3A_431, %swap3A_432] {strides = array<i32>} : memref<400x64xf32, #tpu.memory_space<vmem>>, vector<16xf32>,
      tpu.vector_store %arg18[%swap3A_431, %swap3A_432], %mul3A_430 {strides = array<i32>} : memref<400x64xf32, #tpu.memory_space<vmem>>, vector<16xf32>,
      %get3A_434 = arith.index_cast %add3A_421 : i32 to index
      %get3A_435 = arith.constant 32 : index
      %get3A_436 = tpu.vector_load %arg18[%get3A_434, %get3A_435] {strides = array<i32>} : memref<400x64xf32, #tpu.memory_space<vmem>>, vector<16xf32>,
      %mul3A_437 = arith.mulf %get3A_436, %gather3A : vector<16xf32>
      %swap3A_438 = arith.index_cast %add3A_421 : i32 to index
      %swap3A_439 = arith.constant 32 : index
      %swap3A_440 = tpu.vector_load %arg18[%swap3A_438, %swap3A_439] {strides = array<i32>} : memref<400x64xf32, #tpu.memory_space<vmem>>, vector<16xf32>,
      tpu.vector_store %arg18[%swap3A_438, %swap3A_439], %mul3A_437 {strides = array<i32>} : memref<400x64xf32, #tpu.memory_space<vmem>>, vector<16xf32>,
      %get3A_441 = arith.index_cast %add3A_421 : i32 to index
      %get3A_442 = arith.constant 48 : index
      %get3A_443 = tpu.vector_load %arg18[%get3A_441, %get3A_442] {strides = array<i32>} : memref<400x64xf32, #tpu.memory_space<vmem>>, vector<16xf32>,
      %mul3A_444 = arith.mulf %get3A_443, %gather3A : vector<16xf32>
      %swap3A_445 = arith.index_cast %add3A_421 : i32 to index
      %swap3A_446 = arith.constant 48 : index
      %swap3A_447 = tpu.vector_load %arg18[%swap3A_445, %swap3A_446] {strides = array<i32>} : memref<400x64xf32, #tpu.memory_space<vmem>>, vector<16xf32>,
      tpu.vector_store %arg18[%swap3A_445, %swap3A_446], %mul3A_444 {strides = array<i32>} : memref<400x64xf32, #tpu.memory_space<vmem>>, vector<16xf32>,
    }
    %scan3A_153 = arith.constant 400 : i32
    %dma_start3A_154 = arith.constant 0 : i32
    %dma_start3A_155 = arith.constant 0 : i32
    %dma_start3A_156 = tpu.memref_slice %arg26[%dma_start3A_154, %dma_start3A_155] : memref<10240x64xf32, #tpu.memory_space<vmem_shared>> -> memref<10240x64xf32, #tpu.memory_space<vmem_shared>>
    tpu.enqueue_indirect_dma source(%arg18 : memref<400x64xf32, #tpu.memory_space<vmem>>) target(%dma_start3A_156 : memref<10240x64xf32, #tpu.memory_space<vmem_shared>>) offsets(%arg12 : memref<400xi32, #tpu.memory_space<vmem>>) semaphore(%arg25 : memref<!tpu.dma_semaphore, #tpu.memory_space<semaphore_mem>>) {add = true}
    %mul3A_157 = arith.constant 320000 : i32
    %mul3A_158 = arith.muli %arg0, %mul3A_157 : i32
    %mul3A_159 = arith.constant 20000 : i32
    %mul3A_160 = arith.muli %arg1, %mul3A_159 : i32
    %add3A_161 = arith.addi %mul3A_158, %mul3A_160 : i32
    %add3A_162 = arith.constant 18000 : i32
    %add3A_163 = arith.addi %add3A_161, %add3A_162 : i32
    %mul3A_164 = arith.constant 20000 : i32
    %mul3A_165 = arith.muli %arg1, %mul3A_164 : i32
    %add3A_166 = arith.constant 18000 : i32
    %add3A_167 = arith.addi %mul3A_165, %add3A_166 : i32
    %dma_wait3A_168 = tpu.memref_slice %arg3[%add3A_163] : memref<640000xi32, #tpu.memory_space<hbm>> -> memref<400xi32, #tpu.memory_space<hbm>>
    %dma_wait3A_169 = tpu.memref_slice %arg3[%add3A_163] : memref<640000xi32, #tpu.memory_space<hbm>> -> memref<400xi32, #tpu.memory_space<hbm>>
    tpu.wait_dma2 semaphore(%arg19 : memref<!tpu.dma_semaphore, #tpu.memory_space<semaphore_mem>>) src(%dma_wait3A_169 : memref<400xi32, #tpu.memory_space<hbm>>) dst(%arg8 : memref<400xi32, #tpu.memory_space<vmem>>)
    %dma_wait3A_170 = tpu.memref_slice %arg4[%add3A_167] : memref<320000xi32, #tpu.memory_space<hbm>> -> memref<400xi32, #tpu.memory_space<hbm>>
    %dma_wait3A_171 = tpu.memref_slice %arg4[%add3A_167] : memref<320000xi32, #tpu.memory_space<hbm>> -> memref<400xi32, #tpu.memory_space<hbm>>
    tpu.wait_dma2 semaphore(%arg19 : memref<!tpu.dma_semaphore, #tpu.memory_space<semaphore_mem>>) src(%dma_wait3A_171 : memref<400xi32, #tpu.memory_space<hbm>>) dst(%arg11 : memref<400xi32, #tpu.memory_space<vmem>>)
    %dma_wait3A_172 = tpu.memref_slice %arg5[%add3A_167] : memref<320000xf32, #tpu.memory_space<hbm>> -> memref<400xf32, #tpu.memory_space<hbm>>
    %dma_wait3A_173 = tpu.memref_slice %arg5[%add3A_167] : memref<320000xf32, #tpu.memory_space<hbm>> -> memref<400xf32, #tpu.memory_space<hbm>>
    tpu.wait_dma2 semaphore(%arg19 : memref<!tpu.dma_semaphore, #tpu.memory_space<semaphore_mem>>) src(%dma_wait3A_173 : memref<400xf32, #tpu.memory_space<hbm>>) dst(%arg14 : memref<400xf32, #tpu.memory_space<vmem>>)
    %dma_wait3A_174 = arith.constant 0 : i32
    %dma_wait3A_175 = arith.constant 0 : i32
    %dma_wait3A_176 = tpu.memref_slice %arg26[%dma_wait3A_174, %dma_wait3A_175] : memref<10240x64xf32, #tpu.memory_space<vmem_shared>> -> memref<10240x64xf32, #tpu.memory_space<vmem_shared>>
    tpu.wait_indirect_dma semaphore(%arg25 : memref<!tpu.dma_semaphore, #tpu.memory_space<semaphore_mem>>) src(%arg18 : memref<400x64xf32, #tpu.memory_space<vmem>>) dst(%dma_wait3A_176 : memref<10240x64xf32, #tpu.memory_space<vmem_shared>>)
    %mul3A_177 = arith.constant 320000 : i32
    %mul3A_178 = arith.muli %arg0, %mul3A_177 : i32
    %mul3A_179 = arith.constant 20000 : i32
    %mul3A_180 = arith.muli %arg1, %mul3A_179 : i32
    %add3A_181 = arith.addi %mul3A_178, %mul3A_180 : i32
    %add3A_182 = arith.constant 18400 : i32
    %add3A_183 = arith.addi %add3A_181, %add3A_182 : i32
    %mul3A_184 = arith.constant 20000 : i32
    %mul3A_185 = arith.muli %arg1, %mul3A_184 : i32
    %add3A_186 = arith.constant 18400 : i32
    %add3A_187 = arith.addi %mul3A_185, %add3A_186 : i32
    %dma_start3A_188 = tpu.memref_slice %arg3[%add3A_183] : memref<640000xi32, #tpu.memory_space<hbm>> -> memref<400xi32, #tpu.memory_space<hbm>>
    %dma_start3A_189 = tpu.memref_slice %arg3[%add3A_183] : memref<640000xi32, #tpu.memory_space<hbm>> -> memref<400xi32, #tpu.memory_space<hbm>>
    tpu.enqueue_dma source(%dma_start3A_189 : memref<400xi32, #tpu.memory_space<hbm>>) target(%arg9 : memref<400xi32, #tpu.memory_space<vmem>>) target_semaphore(%arg20 : memref<!tpu.dma_semaphore, #tpu.memory_space<semaphore_mem>>)
    %dma_start3A_190 = tpu.memref_slice %arg4[%add3A_187] : memref<320000xi32, #tpu.memory_space<hbm>> -> memref<400xi32, #tpu.memory_space<hbm>>
    %dma_start3A_191 = tpu.memref_slice %arg4[%add3A_187] : memref<320000xi32, #tpu.memory_space<hbm>> -> memref<400xi32, #tpu.memory_space<hbm>>
    tpu.enqueue_dma source(%dma_start3A_191 : memref<400xi32, #tpu.memory_space<hbm>>) target(%arg12 : memref<400xi32, #tpu.memory_space<vmem>>) target_semaphore(%arg20 : memref<!tpu.dma_semaphore, #tpu.memory_space<semaphore_mem>>)
    %dma_start3A_192 = tpu.memref_slice %arg5[%add3A_187] : memref<320000xf32, #tpu.memory_space<hbm>> -> memref<400xf32, #tpu.memory_space<hbm>>
    %dma_start3A_193 = tpu.memref_slice %arg5[%add3A_187] : memref<320000xf32, #tpu.memory_space<hbm>> -> memref<400xf32, #tpu.memory_space<hbm>>
    tpu.enqueue_dma source(%dma_start3A_193 : memref<400xf32, #tpu.memory_space<hbm>>) target(%arg15 : memref<400xf32, #tpu.memory_space<vmem>>) target_semaphore(%arg20 : memref<!tpu.dma_semaphore, #tpu.memory_space<semaphore_mem>>)
    %dma_start3A_194 = arith.constant 0 : i32
    %dma_start3A_195 = arith.constant 0 : i32
    %dma_start3A_196 = tpu.memref_slice %arg2[%dma_start3A_194, %dma_start3A_195] : memref<180000x64xf32, #tpu.memory_space<hbm>> -> memref<180000x64xf32, #tpu.memory_space<hbm>>
    tpu.enqueue_indirect_dma source(%dma_start3A_196 : memref<180000x64xf32, #tpu.memory_space<hbm>>) target(%arg18 : memref<400x64xf32, #tpu.memory_space<vmem>>) offsets(%arg8 : memref<400xi32, #tpu.memory_space<vmem>>) semaphore(%arg23 : memref<!tpu.dma_semaphore, #tpu.memory_space<semaphore_mem>>)
    %dma_wait3A_197 = arith.constant 0 : i32
    %dma_wait3A_198 = arith.constant 0 : i32
    %dma_wait3A_199 = tpu.memref_slice %arg2[%dma_wait3A_197, %dma_wait3A_198] : memref<180000x64xf32, #tpu.memory_space<hbm>> -> memref<180000x64xf32, #tpu.memory_space<hbm>>
    tpu.wait_indirect_dma semaphore(%arg22 : memref<!tpu.dma_semaphore, #tpu.memory_space<semaphore_mem>>) src(%dma_wait3A_199 : memref<180000x64xf32, #tpu.memory_space<hbm>>) dst(%arg17 : memref<400x64xf32, #tpu.memory_space<vmem>>)
    %scan3A_200 = arith.constant 0 : i32
    %scan3A_201 = arith.constant 400 : i32
    %scan3A_202 = arith.addi %scan3A_200, %scan3A_201 : i32
    %scan3A_203 = arith.constant 1 : i32
    scf.for %scan3A_417 = %scan3A_200 to %scan3A_202 step %scan3A_203  : i32 {
      %mul3A_418 = arith.constant 1 : i32
      %mul3A_419 = arith.muli %scan3A_417, %mul3A_418 : i32
      %add3A_420 = arith.constant 0 : i32
      %add3A_421 = arith.addi %add3A_420, %mul3A_419 : i32
      %broadcast_in_dim3A = vector.broadcast %add3A_421 : i32 to vector<16xi32>
      %gather3A = tpu.vector_load_idx %arg16[%broadcast_in_dim3A] : memref<400xf32, #tpu.memory_space<vmem>>[vector<16xi32>], vector<16xf32>,
      %get3A = arith.index_cast %add3A_421 : i32 to index
      %get3A_422 = arith.constant 0 : index
      %get3A_423 = tpu.vector_load %arg17[%get3A, %get3A_422] {strides = array<i32>} : memref<400x64xf32, #tpu.memory_space<vmem>>, vector<16xf32>,
      %mul3A_424 = arith.mulf %get3A_423, %gather3A : vector<16xf32>
      %swap3A = arith.index_cast %add3A_421 : i32 to index
      %swap3A_425 = arith.constant 0 : index
      %swap3A_426 = tpu.vector_load %arg17[%swap3A, %swap3A_425] {strides = array<i32>} : memref<400x64xf32, #tpu.memory_space<vmem>>, vector<16xf32>,
      tpu.vector_store %arg17[%swap3A, %swap3A_425], %mul3A_424 {strides = array<i32>} : memref<400x64xf32, #tpu.memory_space<vmem>>, vector<16xf32>,
      %get3A_427 = arith.index_cast %add3A_421 : i32 to index
      %get3A_428 = arith.constant 16 : index
      %get3A_429 = tpu.vector_load %arg17[%get3A_427, %get3A_428] {strides = array<i32>} : memref<400x64xf32, #tpu.memory_space<vmem>>, vector<16xf32>,
      %mul3A_430 = arith.mulf %get3A_429, %gather3A : vector<16xf32>
      %swap3A_431 = arith.index_cast %add3A_421 : i32 to index
      %swap3A_432 = arith.constant 16 : index
      %swap3A_433 = tpu.vector_load %arg17[%swap3A_431, %swap3A_432] {strides = array<i32>} : memref<400x64xf32, #tpu.memory_space<vmem>>, vector<16xf32>,
      tpu.vector_store %arg17[%swap3A_431, %swap3A_432], %mul3A_430 {strides = array<i32>} : memref<400x64xf32, #tpu.memory_space<vmem>>, vector<16xf32>,
      %get3A_434 = arith.index_cast %add3A_421 : i32 to index
      %get3A_435 = arith.constant 32 : index
      %get3A_436 = tpu.vector_load %arg17[%get3A_434, %get3A_435] {strides = array<i32>} : memref<400x64xf32, #tpu.memory_space<vmem>>, vector<16xf32>,
      %mul3A_437 = arith.mulf %get3A_436, %gather3A : vector<16xf32>
      %swap3A_438 = arith.index_cast %add3A_421 : i32 to index
      %swap3A_439 = arith.constant 32 : index
      %swap3A_440 = tpu.vector_load %arg17[%swap3A_438, %swap3A_439] {strides = array<i32>} : memref<400x64xf32, #tpu.memory_space<vmem>>, vector<16xf32>,
      tpu.vector_store %arg17[%swap3A_438, %swap3A_439], %mul3A_437 {strides = array<i32>} : memref<400x64xf32, #tpu.memory_space<vmem>>, vector<16xf32>,
      %get3A_441 = arith.index_cast %add3A_421 : i32 to index
      %get3A_442 = arith.constant 48 : index
      %get3A_443 = tpu.vector_load %arg17[%get3A_441, %get3A_442] {strides = array<i32>} : memref<400x64xf32, #tpu.memory_space<vmem>>, vector<16xf32>,
      %mul3A_444 = arith.mulf %get3A_443, %gather3A : vector<16xf32>
      %swap3A_445 = arith.index_cast %add3A_421 : i32 to index
      %swap3A_446 = arith.constant 48 : index
      %swap3A_447 = tpu.vector_load %arg17[%swap3A_445, %swap3A_446] {strides = array<i32>} : memref<400x64xf32, #tpu.memory_space<vmem>>, vector<16xf32>,
      tpu.vector_store %arg17[%swap3A_445, %swap3A_446], %mul3A_444 {strides = array<i32>} : memref<400x64xf32, #tpu.memory_space<vmem>>, vector<16xf32>,
    }
    %scan3A_204 = arith.constant 400 : i32
    %dma_start3A_205 = arith.constant 0 : i32
    %dma_start3A_206 = arith.constant 0 : i32
    %dma_start3A_207 = tpu.memref_slice %arg26[%dma_start3A_205, %dma_start3A_206] : memref<10240x64xf32, #tpu.memory_space<vmem_shared>> -> memref<10240x64xf32, #tpu.memory_space<vmem_shared>>
    tpu.enqueue_indirect_dma source(%arg17 : memref<400x64xf32, #tpu.memory_space<vmem>>) target(%dma_start3A_207 : memref<10240x64xf32, #tpu.memory_space<vmem_shared>>) offsets(%arg13 : memref<400xi32, #tpu.memory_space<vmem>>) semaphore(%arg24 : memref<!tpu.dma_semaphore, #tpu.memory_space<semaphore_mem>>) {add = true}
    %mul3A_208 = arith.constant 320000 : i32
    %mul3A_209 = arith.muli %arg0, %mul3A_208 : i32
    %mul3A_210 = arith.constant 20000 : i32
    %mul3A_211 = arith.muli %arg1, %mul3A_210 : i32
    %add3A_212 = arith.addi %mul3A_209, %mul3A_211 : i32
    %add3A_213 = arith.constant 18400 : i32
    %add3A_214 = arith.addi %add3A_212, %add3A_213 : i32
    %mul3A_215 = arith.constant 20000 : i32
    %mul3A_216 = arith.muli %arg1, %mul3A_215 : i32
    %add3A_217 = arith.constant 18400 : i32
    %add3A_218 = arith.addi %mul3A_216, %add3A_217 : i32
    %dma_wait3A_219 = tpu.memref_slice %arg3[%add3A_214] : memref<640000xi32, #tpu.memory_space<hbm>> -> memref<400xi32, #tpu.memory_space<hbm>>
    %dma_wait3A_220 = tpu.memref_slice %arg3[%add3A_214] : memref<640000xi32, #tpu.memory_space<hbm>> -> memref<400xi32, #tpu.memory_space<hbm>>
    tpu.wait_dma2 semaphore(%arg20 : memref<!tpu.dma_semaphore, #tpu.memory_space<semaphore_mem>>) src(%dma_wait3A_220 : memref<400xi32, #tpu.memory_space<hbm>>) dst(%arg9 : memref<400xi32, #tpu.memory_space<vmem>>)
    %dma_wait3A_221 = tpu.memref_slice %arg4[%add3A_218] : memref<320000xi32, #tpu.memory_space<hbm>> -> memref<400xi32, #tpu.memory_space<hbm>>
    %dma_wait3A_222 = tpu.memref_slice %arg4[%add3A_218] : memref<320000xi32, #tpu.memory_space<hbm>> -> memref<400xi32, #tpu.memory_space<hbm>>
    tpu.wait_dma2 semaphore(%arg20 : memref<!tpu.dma_semaphore, #tpu.memory_space<semaphore_mem>>) src(%dma_wait3A_222 : memref<400xi32, #tpu.memory_space<hbm>>) dst(%arg12 : memref<400xi32, #tpu.memory_space<vmem>>)
    %dma_wait3A_223 = tpu.memref_slice %arg5[%add3A_218] : memref<320000xf32, #tpu.memory_space<hbm>> -> memref<400xf32, #tpu.memory_space<hbm>>
    %dma_wait3A_224 = tpu.memref_slice %arg5[%add3A_218] : memref<320000xf32, #tpu.memory_space<hbm>> -> memref<400xf32, #tpu.memory_space<hbm>>
    tpu.wait_dma2 semaphore(%arg20 : memref<!tpu.dma_semaphore, #tpu.memory_space<semaphore_mem>>) src(%dma_wait3A_224 : memref<400xf32, #tpu.memory_space<hbm>>) dst(%arg15 : memref<400xf32, #tpu.memory_space<vmem>>)
    %dma_wait3A_225 = arith.constant 0 : i32
    %dma_wait3A_226 = arith.constant 0 : i32
    %dma_wait3A_227 = tpu.memref_slice %arg26[%dma_wait3A_225, %dma_wait3A_226] : memref<10240x64xf32, #tpu.memory_space<vmem_shared>> -> memref<10240x64xf32, #tpu.memory_space<vmem_shared>>
    tpu.wait_indirect_dma semaphore(%arg24 : memref<!tpu.dma_semaphore, #tpu.memory_space<semaphore_mem>>) src(%arg17 : memref<400x64xf32, #tpu.memory_space<vmem>>) dst(%dma_wait3A_227 : memref<10240x64xf32, #tpu.memory_space<vmem_shared>>)
    %mul3A_228 = arith.constant 320000 : i32
    %mul3A_229 = arith.muli %arg0, %mul3A_228 : i32
    %mul3A_230 = arith.constant 20000 : i32
    %mul3A_231 = arith.muli %arg1, %mul3A_230 : i32
    %add3A_232 = arith.addi %mul3A_229, %mul3A_231 : i32
    %add3A_233 = arith.constant 18800 : i32
    %add3A_234 = arith.addi %add3A_232, %add3A_233 : i32
    %mul3A_235 = arith.constant 20000 : i32
    %mul3A_236 = arith.muli %arg1, %mul3A_235 : i32
    %add3A_237 = arith.constant 18800 : i32
    %add3A_238 = arith.addi %mul3A_236, %add3A_237 : i32
    %dma_start3A_239 = tpu.memref_slice %arg3[%add3A_234] : memref<640000xi32, #tpu.memory_space<hbm>> -> memref<400xi32, #tpu.memory_space<hbm>>
    %dma_start3A_240 = tpu.memref_slice %arg3[%add3A_234] : memref<640000xi32, #tpu.memory_space<hbm>> -> memref<400xi32, #tpu.memory_space<hbm>>
    tpu.enqueue_dma source(%dma_start3A_240 : memref<400xi32, #tpu.memory_space<hbm>>) target(%arg10 : memref<400xi32, #tpu.memory_space<vmem>>) target_semaphore(%arg21 : memref<!tpu.dma_semaphore, #tpu.memory_space<semaphore_mem>>)
    %dma_start3A_241 = tpu.memref_slice %arg4[%add3A_238] : memref<320000xi32, #tpu.memory_space<hbm>> -> memref<400xi32, #tpu.memory_space<hbm>>
    %dma_start3A_242 = tpu.memref_slice %arg4[%add3A_238] : memref<320000xi32, #tpu.memory_space<hbm>> -> memref<400xi32, #tpu.memory_space<hbm>>
    tpu.enqueue_dma source(%dma_start3A_242 : memref<400xi32, #tpu.memory_space<hbm>>) target(%arg13 : memref<400xi32, #tpu.memory_space<vmem>>) target_semaphore(%arg21 : memref<!tpu.dma_semaphore, #tpu.memory_space<semaphore_mem>>)
    %dma_start3A_243 = tpu.memref_slice %arg5[%add3A_238] : memref<320000xf32, #tpu.memory_space<hbm>> -> memref<400xf32, #tpu.memory_space<hbm>>
    %dma_start3A_244 = tpu.memref_slice %arg5[%add3A_238] : memref<320000xf32, #tpu.memory_space<hbm>> -> memref<400xf32, #tpu.memory_space<hbm>>
    tpu.enqueue_dma source(%dma_start3A_244 : memref<400xf32, #tpu.memory_space<hbm>>) target(%arg16 : memref<400xf32, #tpu.memory_space<vmem>>) target_semaphore(%arg21 : memref<!tpu.dma_semaphore, #tpu.memory_space<semaphore_mem>>)
    %dma_start3A_245 = arith.constant 0 : i32
    %dma_start3A_246 = arith.constant 0 : i32
    %dma_start3A_247 = tpu.memref_slice %arg2[%dma_start3A_245, %dma_start3A_246] : memref<180000x64xf32, #tpu.memory_space<hbm>> -> memref<180000x64xf32, #tpu.memory_space<hbm>>
    tpu.enqueue_indirect_dma source(%dma_start3A_247 : memref<180000x64xf32, #tpu.memory_space<hbm>>) target(%arg17 : memref<400x64xf32, #tpu.memory_space<vmem>>) offsets(%arg9 : memref<400xi32, #tpu.memory_space<vmem>>) semaphore(%arg22 : memref<!tpu.dma_semaphore, #tpu.memory_space<semaphore_mem>>)
    %dma_wait3A_248 = arith.constant 0 : i32
    %dma_wait3A_249 = arith.constant 0 : i32
    %dma_wait3A_250 = tpu.memref_slice %arg2[%dma_wait3A_248, %dma_wait3A_249] : memref<180000x64xf32, #tpu.memory_space<hbm>> -> memref<180000x64xf32, #tpu.memory_space<hbm>>
    tpu.wait_indirect_dma semaphore(%arg23 : memref<!tpu.dma_semaphore, #tpu.memory_space<semaphore_mem>>) src(%dma_wait3A_250 : memref<180000x64xf32, #tpu.memory_space<hbm>>) dst(%arg18 : memref<400x64xf32, #tpu.memory_space<vmem>>)
    %scan3A_251 = arith.constant 0 : i32
    %scan3A_252 = arith.constant 400 : i32
    %scan3A_253 = arith.addi %scan3A_251, %scan3A_252 : i32
    %scan3A_254 = arith.constant 1 : i32
    scf.for %scan3A_417 = %scan3A_251 to %scan3A_253 step %scan3A_254  : i32 {
      %mul3A_418 = arith.constant 1 : i32
      %mul3A_419 = arith.muli %scan3A_417, %mul3A_418 : i32
      %add3A_420 = arith.constant 0 : i32
      %add3A_421 = arith.addi %add3A_420, %mul3A_419 : i32
      %broadcast_in_dim3A = vector.broadcast %add3A_421 : i32 to vector<16xi32>
      %gather3A = tpu.vector_load_idx %arg14[%broadcast_in_dim3A] : memref<400xf32, #tpu.memory_space<vmem>>[vector<16xi32>], vector<16xf32>,
      %get3A = arith.index_cast %add3A_421 : i32 to index
      %get3A_422 = arith.constant 0 : index
      %get3A_423 = tpu.vector_load %arg18[%get3A, %get3A_422] {strides = array<i32>} : memref<400x64xf32, #tpu.memory_space<vmem>>, vector<16xf32>,
      %mul3A_424 = arith.mulf %get3A_423, %gather3A : vector<16xf32>
      %swap3A = arith.index_cast %add3A_421 : i32 to index
      %swap3A_425 = arith.constant 0 : index
      %swap3A_426 = tpu.vector_load %arg18[%swap3A, %swap3A_425] {strides = array<i32>} : memref<400x64xf32, #tpu.memory_space<vmem>>, vector<16xf32>,
      tpu.vector_store %arg18[%swap3A, %swap3A_425], %mul3A_424 {strides = array<i32>} : memref<400x64xf32, #tpu.memory_space<vmem>>, vector<16xf32>,
      %get3A_427 = arith.index_cast %add3A_421 : i32 to index
      %get3A_428 = arith.constant 16 : index
      %get3A_429 = tpu.vector_load %arg18[%get3A_427, %get3A_428] {strides = array<i32>} : memref<400x64xf32, #tpu.memory_space<vmem>>, vector<16xf32>,
      %mul3A_430 = arith.mulf %get3A_429, %gather3A : vector<16xf32>
      %swap3A_431 = arith.index_cast %add3A_421 : i32 to index
      %swap3A_432 = arith.constant 16 : index
      %swap3A_433 = tpu.vector_load %arg18[%swap3A_431, %swap3A_432] {strides = array<i32>} : memref<400x64xf32, #tpu.memory_space<vmem>>, vector<16xf32>,
      tpu.vector_store %arg18[%swap3A_431, %swap3A_432], %mul3A_430 {strides = array<i32>} : memref<400x64xf32, #tpu.memory_space<vmem>>, vector<16xf32>,
      %get3A_434 = arith.index_cast %add3A_421 : i32 to index
      %get3A_435 = arith.constant 32 : index
      %get3A_436 = tpu.vector_load %arg18[%get3A_434, %get3A_435] {strides = array<i32>} : memref<400x64xf32, #tpu.memory_space<vmem>>, vector<16xf32>,
      %mul3A_437 = arith.mulf %get3A_436, %gather3A : vector<16xf32>
      %swap3A_438 = arith.index_cast %add3A_421 : i32 to index
      %swap3A_439 = arith.constant 32 : index
      %swap3A_440 = tpu.vector_load %arg18[%swap3A_438, %swap3A_439] {strides = array<i32>} : memref<400x64xf32, #tpu.memory_space<vmem>>, vector<16xf32>,
      tpu.vector_store %arg18[%swap3A_438, %swap3A_439], %mul3A_437 {strides = array<i32>} : memref<400x64xf32, #tpu.memory_space<vmem>>, vector<16xf32>,
      %get3A_441 = arith.index_cast %add3A_421 : i32 to index
      %get3A_442 = arith.constant 48 : index
      %get3A_443 = tpu.vector_load %arg18[%get3A_441, %get3A_442] {strides = array<i32>} : memref<400x64xf32, #tpu.memory_space<vmem>>, vector<16xf32>,
      %mul3A_444 = arith.mulf %get3A_443, %gather3A : vector<16xf32>
      %swap3A_445 = arith.index_cast %add3A_421 : i32 to index
      %swap3A_446 = arith.constant 48 : index
      %swap3A_447 = tpu.vector_load %arg18[%swap3A_445, %swap3A_446] {strides = array<i32>} : memref<400x64xf32, #tpu.memory_space<vmem>>, vector<16xf32>,
      tpu.vector_store %arg18[%swap3A_445, %swap3A_446], %mul3A_444 {strides = array<i32>} : memref<400x64xf32, #tpu.memory_space<vmem>>, vector<16xf32>,
    }
    %scan3A_255 = arith.constant 400 : i32
    %dma_start3A_256 = arith.constant 0 : i32
    %dma_start3A_257 = arith.constant 0 : i32
    %dma_start3A_258 = tpu.memref_slice %arg26[%dma_start3A_256, %dma_start3A_257] : memref<10240x64xf32, #tpu.memory_space<vmem_shared>> -> memref<10240x64xf32, #tpu.memory_space<vmem_shared>>
    tpu.enqueue_indirect_dma source(%arg18 : memref<400x64xf32, #tpu.memory_space<vmem>>) target(%dma_start3A_258 : memref<10240x64xf32, #tpu.memory_space<vmem_shared>>) offsets(%arg11 : memref<400xi32, #tpu.memory_space<vmem>>) semaphore(%arg25 : memref<!tpu.dma_semaphore, #tpu.memory_space<semaphore_mem>>) {add = true}
    %mul3A_259 = arith.constant 320000 : i32
    %mul3A_260 = arith.muli %arg0, %mul3A_259 : i32
    %mul3A_261 = arith.constant 20000 : i32
    %mul3A_262 = arith.muli %arg1, %mul3A_261 : i32
    %add3A_263 = arith.addi %mul3A_260, %mul3A_262 : i32
    %add3A_264 = arith.constant 18800 : i32
    %add3A_265 = arith.addi %add3A_263, %add3A_264 : i32
    %mul3A_266 = arith.constant 20000 : i32
    %mul3A_267 = arith.muli %arg1, %mul3A_266 : i32
    %add3A_268 = arith.constant 18800 : i32
    %add3A_269 = arith.addi %mul3A_267, %add3A_268 : i32
    %dma_wait3A_270 = tpu.memref_slice %arg3[%add3A_265] : memref<640000xi32, #tpu.memory_space<hbm>> -> memref<400xi32, #tpu.memory_space<hbm>>
    %dma_wait3A_271 = tpu.memref_slice %arg3[%add3A_265] : memref<640000xi32, #tpu.memory_space<hbm>> -> memref<400xi32, #tpu.memory_space<hbm>>
    tpu.wait_dma2 semaphore(%arg21 : memref<!tpu.dma_semaphore, #tpu.memory_space<semaphore_mem>>) src(%dma_wait3A_271 : memref<400xi32, #tpu.memory_space<hbm>>) dst(%arg10 : memref<400xi32, #tpu.memory_space<vmem>>)
    %dma_wait3A_272 = tpu.memref_slice %arg4[%add3A_269] : memref<320000xi32, #tpu.memory_space<hbm>> -> memref<400xi32, #tpu.memory_space<hbm>>
    %dma_wait3A_273 = tpu.memref_slice %arg4[%add3A_269] : memref<320000xi32, #tpu.memory_space<hbm>> -> memref<400xi32, #tpu.memory_space<hbm>>
    tpu.wait_dma2 semaphore(%arg21 : memref<!tpu.dma_semaphore, #tpu.memory_space<semaphore_mem>>) src(%dma_wait3A_273 : memref<400xi32, #tpu.memory_space<hbm>>) dst(%arg13 : memref<400xi32, #tpu.memory_space<vmem>>)
    %dma_wait3A_274 = tpu.memref_slice %arg5[%add3A_269] : memref<320000xf32, #tpu.memory_space<hbm>> -> memref<400xf32, #tpu.memory_space<hbm>>
    %dma_wait3A_275 = tpu.memref_slice %arg5[%add3A_269] : memref<320000xf32, #tpu.memory_space<hbm>> -> memref<400xf32, #tpu.memory_space<hbm>>
    tpu.wait_dma2 semaphore(%arg21 : memref<!tpu.dma_semaphore, #tpu.memory_space<semaphore_mem>>) src(%dma_wait3A_275 : memref<400xf32, #tpu.memory_space<hbm>>) dst(%arg16 : memref<400xf32, #tpu.memory_space<vmem>>)
    %dma_wait3A_276 = arith.constant 0 : i32
    %dma_wait3A_277 = arith.constant 0 : i32
    %dma_wait3A_278 = tpu.memref_slice %arg26[%dma_wait3A_276, %dma_wait3A_277] : memref<10240x64xf32, #tpu.memory_space<vmem_shared>> -> memref<10240x64xf32, #tpu.memory_space<vmem_shared>>
    tpu.wait_indirect_dma semaphore(%arg25 : memref<!tpu.dma_semaphore, #tpu.memory_space<semaphore_mem>>) src(%arg18 : memref<400x64xf32, #tpu.memory_space<vmem>>) dst(%dma_wait3A_278 : memref<10240x64xf32, #tpu.memory_space<vmem_shared>>)
    %mul3A_279 = arith.constant 320000 : i32
    %mul3A_280 = arith.muli %arg0, %mul3A_279 : i32
    %mul3A_281 = arith.constant 20000 : i32
    %mul3A_282 = arith.muli %arg1, %mul3A_281 : i32
    %add3A_283 = arith.addi %mul3A_280, %mul3A_282 : i32
    %add3A_284 = arith.constant 19200 : i32
    %add3A_285 = arith.addi %add3A_283, %add3A_284 : i32
    %mul3A_286 = arith.constant 20000 : i32
    %mul3A_287 = arith.muli %arg1, %mul3A_286 : i32
    %add3A_288 = arith.constant 19200 : i32
    %add3A_289 = arith.addi %mul3A_287, %add3A_288 : i32
    %dma_start3A_290 = tpu.memref_slice %arg3[%add3A_285] : memref<640000xi32, #tpu.memory_space<hbm>> -> memref<400xi32, #tpu.memory_space<hbm>>
    %dma_start3A_291 = tpu.memref_slice %arg3[%add3A_285] : memref<640000xi32, #tpu.memory_space<hbm>> -> memref<400xi32, #tpu.memory_space<hbm>>
    tpu.enqueue_dma source(%dma_start3A_291 : memref<400xi32, #tpu.memory_space<hbm>>) target(%arg8 : memref<400xi32, #tpu.memory_space<vmem>>) target_semaphore(%arg19 : memref<!tpu.dma_semaphore, #tpu.memory_space<semaphore_mem>>)
    %dma_start3A_292 = tpu.memref_slice %arg4[%add3A_289] : memref<320000xi32, #tpu.memory_space<hbm>> -> memref<400xi32, #tpu.memory_space<hbm>>
    %dma_start3A_293 = tpu.memref_slice %arg4[%add3A_289] : memref<320000xi32, #tpu.memory_space<hbm>> -> memref<400xi32, #tpu.memory_space<hbm>>
    tpu.enqueue_dma source(%dma_start3A_293 : memref<400xi32, #tpu.memory_space<hbm>>) target(%arg11 : memref<400xi32, #tpu.memory_space<vmem>>) target_semaphore(%arg19 : memref<!tpu.dma_semaphore, #tpu.memory_space<semaphore_mem>>)
    %dma_start3A_294 = tpu.memref_slice %arg5[%add3A_289] : memref<320000xf32, #tpu.memory_space<hbm>> -> memref<400xf32, #tpu.memory_space<hbm>>
    %dma_start3A_295 = tpu.memref_slice %arg5[%add3A_289] : memref<320000xf32, #tpu.memory_space<hbm>> -> memref<400xf32, #tpu.memory_space<hbm>>
    tpu.enqueue_dma source(%dma_start3A_295 : memref<400xf32, #tpu.memory_space<hbm>>) target(%arg14 : memref<400xf32, #tpu.memory_space<vmem>>) target_semaphore(%arg19 : memref<!tpu.dma_semaphore, #tpu.memory_space<semaphore_mem>>)
    %dma_start3A_296 = arith.constant 0 : i32
    %dma_start3A_297 = arith.constant 0 : i32
    %dma_start3A_298 = tpu.memref_slice %arg2[%dma_start3A_296, %dma_start3A_297] : memref<180000x64xf32, #tpu.memory_space<hbm>> -> memref<180000x64xf32, #tpu.memory_space<hbm>>
    tpu.enqueue_indirect_dma source(%dma_start3A_298 : memref<180000x64xf32, #tpu.memory_space<hbm>>) target(%arg18 : memref<400x64xf32, #tpu.memory_space<vmem>>) offsets(%arg10 : memref<400xi32, #tpu.memory_space<vmem>>) semaphore(%arg23 : memref<!tpu.dma_semaphore, #tpu.memory_space<semaphore_mem>>)
    %dma_wait3A_299 = arith.constant 0 : i32
    %dma_wait3A_300 = arith.constant 0 : i32
    %dma_wait3A_301 = tpu.memref_slice %arg2[%dma_wait3A_299, %dma_wait3A_300] : memref<180000x64xf32, #tpu.memory_space<hbm>> -> memref<180000x64xf32, #tpu.memory_space<hbm>>
    tpu.wait_indirect_dma semaphore(%arg22 : memref<!tpu.dma_semaphore, #tpu.memory_space<semaphore_mem>>) src(%dma_wait3A_301 : memref<180000x64xf32, #tpu.memory_space<hbm>>) dst(%arg17 : memref<400x64xf32, #tpu.memory_space<vmem>>)
    %scan3A_302 = arith.constant 0 : i32
    %scan3A_303 = arith.constant 400 : i32
    %scan3A_304 = arith.addi %scan3A_302, %scan3A_303 : i32
    %scan3A_305 = arith.constant 1 : i32
    scf.for %scan3A_417 = %scan3A_302 to %scan3A_304 step %scan3A_305  : i32 {
      %mul3A_418 = arith.constant 1 : i32
      %mul3A_419 = arith.muli %scan3A_417, %mul3A_418 : i32
      %add3A_420 = arith.constant 0 : i32
      %add3A_421 = arith.addi %add3A_420, %mul3A_419 : i32
      %broadcast_in_dim3A = vector.broadcast %add3A_421 : i32 to vector<16xi32>
      %gather3A = tpu.vector_load_idx %arg15[%broadcast_in_dim3A] : memref<400xf32, #tpu.memory_space<vmem>>[vector<16xi32>], vector<16xf32>,
      %get3A = arith.index_cast %add3A_421 : i32 to index
      %get3A_422 = arith.constant 0 : index
      %get3A_423 = tpu.vector_load %arg17[%get3A, %get3A_422] {strides = array<i32>} : memref<400x64xf32, #tpu.memory_space<vmem>>, vector<16xf32>,
      %mul3A_424 = arith.mulf %get3A_423, %gather3A : vector<16xf32>
      %swap3A = arith.index_cast %add3A_421 : i32 to index
      %swap3A_425 = arith.constant 0 : index
      %swap3A_426 = tpu.vector_load %arg17[%swap3A, %swap3A_425] {strides = array<i32>} : memref<400x64xf32, #tpu.memory_space<vmem>>, vector<16xf32>,
      tpu.vector_store %arg17[%swap3A, %swap3A_425], %mul3A_424 {strides = array<i32>} : memref<400x64xf32, #tpu.memory_space<vmem>>, vector<16xf32>,
      %get3A_427 = arith.index_cast %add3A_421 : i32 to index
      %get3A_428 = arith.constant 16 : index
      %get3A_429 = tpu.vector_load %arg17[%get3A_427, %get3A_428] {strides = array<i32>} : memref<400x64xf32, #tpu.memory_space<vmem>>, vector<16xf32>,
      %mul3A_430 = arith.mulf %get3A_429, %gather3A : vector<16xf32>
      %swap3A_431 = arith.index_cast %add3A_421 : i32 to index
      %swap3A_432 = arith.constant 16 : index
      %swap3A_433 = tpu.vector_load %arg17[%swap3A_431, %swap3A_432] {strides = array<i32>} : memref<400x64xf32, #tpu.memory_space<vmem>>, vector<16xf32>,
      tpu.vector_store %arg17[%swap3A_431, %swap3A_432], %mul3A_430 {strides = array<i32>} : memref<400x64xf32, #tpu.memory_space<vmem>>, vector<16xf32>,
      %get3A_434 = arith.index_cast %add3A_421 : i32 to index
      %get3A_435 = arith.constant 32 : index
      %get3A_436 = tpu.vector_load %arg17[%get3A_434, %get3A_435] {strides = array<i32>} : memref<400x64xf32, #tpu.memory_space<vmem>>, vector<16xf32>,
      %mul3A_437 = arith.mulf %get3A_436, %gather3A : vector<16xf32>
      %swap3A_438 = arith.index_cast %add3A_421 : i32 to index
      %swap3A_439 = arith.constant 32 : index
      %swap3A_440 = tpu.vector_load %arg17[%swap3A_438, %swap3A_439] {strides = array<i32>} : memref<400x64xf32, #tpu.memory_space<vmem>>, vector<16xf32>,
      tpu.vector_store %arg17[%swap3A_438, %swap3A_439], %mul3A_437 {strides = array<i32>} : memref<400x64xf32, #tpu.memory_space<vmem>>, vector<16xf32>,
      %get3A_441 = arith.index_cast %add3A_421 : i32 to index
      %get3A_442 = arith.constant 48 : index
      %get3A_443 = tpu.vector_load %arg17[%get3A_441, %get3A_442] {strides = array<i32>} : memref<400x64xf32, #tpu.memory_space<vmem>>, vector<16xf32>,
      %mul3A_444 = arith.mulf %get3A_443, %gather3A : vector<16xf32>
      %swap3A_445 = arith.index_cast %add3A_421 : i32 to index
      %swap3A_446 = arith.constant 48 : index
      %swap3A_447 = tpu.vector_load %arg17[%swap3A_445, %swap3A_446] {strides = array<i32>} : memref<400x64xf32, #tpu.memory_space<vmem>>, vector<16xf32>,
      tpu.vector_store %arg17[%swap3A_445, %swap3A_446], %mul3A_444 {strides = array<i32>} : memref<400x64xf32, #tpu.memory_space<vmem>>, vector<16xf32>,
    }
    %scan3A_306 = arith.constant 400 : i32
    %dma_start3A_307 = arith.constant 0 : i32
    %dma_start3A_308 = arith.constant 0 : i32
    %dma_start3A_309 = tpu.memref_slice %arg26[%dma_start3A_307, %dma_start3A_308] : memref<10240x64xf32, #tpu.memory_space<vmem_shared>> -> memref<10240x64xf32, #tpu.memory_space<vmem_shared>>
    tpu.enqueue_indirect_dma source(%arg17 : memref<400x64xf32, #tpu.memory_space<vmem>>) target(%dma_start3A_309 : memref<10240x64xf32, #tpu.memory_space<vmem_shared>>) offsets(%arg12 : memref<400xi32, #tpu.memory_space<vmem>>) semaphore(%arg24 : memref<!tpu.dma_semaphore, #tpu.memory_space<semaphore_mem>>) {add = true}
    %mul3A_310 = arith.constant 320000 : i32
    %mul3A_311 = arith.muli %arg0, %mul3A_310 : i32
    %mul3A_312 = arith.constant 20000 : i32
    %mul3A_313 = arith.muli %arg1, %mul3A_312 : i32
    %add3A_314 = arith.addi %mul3A_311, %mul3A_313 : i32
    %add3A_315 = arith.constant 19200 : i32
    %add3A_316 = arith.addi %add3A_314, %add3A_315 : i32
    %mul3A_317 = arith.constant 20000 : i32
    %mul3A_318 = arith.muli %arg1, %mul3A_317 : i32
    %add3A_319 = arith.constant 19200 : i32
    %add3A_320 = arith.addi %mul3A_318, %add3A_319 : i32
    %dma_wait3A_321 = tpu.memref_slice %arg3[%add3A_316] : memref<640000xi32, #tpu.memory_space<hbm>> -> memref<400xi32, #tpu.memory_space<hbm>>
    %dma_wait3A_322 = tpu.memref_slice %arg3[%add3A_316] : memref<640000xi32, #tpu.memory_space<hbm>> -> memref<400xi32, #tpu.memory_space<hbm>>
    tpu.wait_dma2 semaphore(%arg19 : memref<!tpu.dma_semaphore, #tpu.memory_space<semaphore_mem>>) src(%dma_wait3A_322 : memref<400xi32, #tpu.memory_space<hbm>>) dst(%arg8 : memref<400xi32, #tpu.memory_space<vmem>>)
    %dma_wait3A_323 = tpu.memref_slice %arg4[%add3A_320] : memref<320000xi32, #tpu.memory_space<hbm>> -> memref<400xi32, #tpu.memory_space<hbm>>
    %dma_wait3A_324 = tpu.memref_slice %arg4[%add3A_320] : memref<320000xi32, #tpu.memory_space<hbm>> -> memref<400xi32, #tpu.memory_space<hbm>>
    tpu.wait_dma2 semaphore(%arg19 : memref<!tpu.dma_semaphore, #tpu.memory_space<semaphore_mem>>) src(%dma_wait3A_324 : memref<400xi32, #tpu.memory_space<hbm>>) dst(%arg11 : memref<400xi32, #tpu.memory_space<vmem>>)
    %dma_wait3A_325 = tpu.memref_slice %arg5[%add3A_320] : memref<320000xf32, #tpu.memory_space<hbm>> -> memref<400xf32, #tpu.memory_space<hbm>>
    %dma_wait3A_326 = tpu.memref_slice %arg5[%add3A_320] : memref<320000xf32, #tpu.memory_space<hbm>> -> memref<400xf32, #tpu.memory_space<hbm>>
    tpu.wait_dma2 semaphore(%arg19 : memref<!tpu.dma_semaphore, #tpu.memory_space<semaphore_mem>>) src(%dma_wait3A_326 : memref<400xf32, #tpu.memory_space<hbm>>) dst(%arg14 : memref<400xf32, #tpu.memory_space<vmem>>)
    %dma_wait3A_327 = arith.constant 0 : i32
    %dma_wait3A_328 = arith.constant 0 : i32
    %dma_wait3A_329 = tpu.memref_slice %arg26[%dma_wait3A_327, %dma_wait3A_328] : memref<10240x64xf32, #tpu.memory_space<vmem_shared>> -> memref<10240x64xf32, #tpu.memory_space<vmem_shared>>
    tpu.wait_indirect_dma semaphore(%arg24 : memref<!tpu.dma_semaphore, #tpu.memory_space<semaphore_mem>>) src(%arg17 : memref<400x64xf32, #tpu.memory_space<vmem>>) dst(%dma_wait3A_329 : memref<10240x64xf32, #tpu.memory_space<vmem_shared>>)
    %mul3A_330 = arith.constant 320000 : i32
    %mul3A_331 = arith.muli %arg0, %mul3A_330 : i32
    %mul3A_332 = arith.constant 20000 : i32
    %mul3A_333 = arith.muli %arg1, %mul3A_332 : i32
    %add3A_334 = arith.addi %mul3A_331, %mul3A_333 : i32
    %add3A_335 = arith.constant 19600 : i32
    %add3A_336 = arith.addi %add3A_334, %add3A_335 : i32
    %mul3A_337 = arith.constant 20000 : i32
    %mul3A_338 = arith.muli %arg1, %mul3A_337 : i32
    %add3A_339 = arith.constant 19600 : i32
    %add3A_340 = arith.addi %mul3A_338, %add3A_339 : i32
    %dma_start3A_341 = tpu.memref_slice %arg3[%add3A_336] : memref<640000xi32, #tpu.memory_space<hbm>> -> memref<400xi32, #tpu.memory_space<hbm>>
    %dma_start3A_342 = tpu.memref_slice %arg3[%add3A_336] : memref<640000xi32, #tpu.memory_space<hbm>> -> memref<400xi32, #tpu.memory_space<hbm>>
    tpu.enqueue_dma source(%dma_start3A_342 : memref<400xi32, #tpu.memory_space<hbm>>) target(%arg9 : memref<400xi32, #tpu.memory_space<vmem>>) target_semaphore(%arg20 : memref<!tpu.dma_semaphore, #tpu.memory_space<semaphore_mem>>)
    %dma_start3A_343 = tpu.memref_slice %arg4[%add3A_340] : memref<320000xi32, #tpu.memory_space<hbm>> -> memref<400xi32, #tpu.memory_space<hbm>>
    %dma_start3A_344 = tpu.memref_slice %arg4[%add3A_340] : memref<320000xi32, #tpu.memory_space<hbm>> -> memref<400xi32, #tpu.memory_space<hbm>>
    tpu.enqueue_dma source(%dma_start3A_344 : memref<400xi32, #tpu.memory_space<hbm>>) target(%arg12 : memref<400xi32, #tpu.memory_space<vmem>>) target_semaphore(%arg20 : memref<!tpu.dma_semaphore, #tpu.memory_space<semaphore_mem>>)
    %dma_start3A_345 = tpu.memref_slice %arg5[%add3A_340] : memref<320000xf32, #tpu.memory_space<hbm>> -> memref<400xf32, #tpu.memory_space<hbm>>
    %dma_start3A_346 = tpu.memref_slice %arg5[%add3A_340] : memref<320000xf32, #tpu.memory_space<hbm>> -> memref<400xf32, #tpu.memory_space<hbm>>
    tpu.enqueue_dma source(%dma_start3A_346 : memref<400xf32, #tpu.memory_space<hbm>>) target(%arg15 : memref<400xf32, #tpu.memory_space<vmem>>) target_semaphore(%arg20 : memref<!tpu.dma_semaphore, #tpu.memory_space<semaphore_mem>>)
    %dma_start3A_347 = arith.constant 0 : i32
    %dma_start3A_348 = arith.constant 0 : i32
    %dma_start3A_349 = tpu.memref_slice %arg2[%dma_start3A_347, %dma_start3A_348] : memref<180000x64xf32, #tpu.memory_space<hbm>> -> memref<180000x64xf32, #tpu.memory_space<hbm>>
    tpu.enqueue_indirect_dma source(%dma_start3A_349 : memref<180000x64xf32, #tpu.memory_space<hbm>>) target(%arg17 : memref<400x64xf32, #tpu.memory_space<vmem>>) offsets(%arg8 : memref<400xi32, #tpu.memory_space<vmem>>) semaphore(%arg22 : memref<!tpu.dma_semaphore, #tpu.memory_space<semaphore_mem>>)
    %dma_wait3A_350 = arith.constant 0 : i32
    %dma_wait3A_351 = arith.constant 0 : i32
    %dma_wait3A_352 = tpu.memref_slice %arg2[%dma_wait3A_350, %dma_wait3A_351] : memref<180000x64xf32, #tpu.memory_space<hbm>> -> memref<180000x64xf32, #tpu.memory_space<hbm>>
    tpu.wait_indirect_dma semaphore(%arg23 : memref<!tpu.dma_semaphore, #tpu.memory_space<semaphore_mem>>) src(%dma_wait3A_352 : memref<180000x64xf32, #tpu.memory_space<hbm>>) dst(%arg18 : memref<400x64xf32, #tpu.memory_space<vmem>>)
    %scan3A_353 = arith.constant 0 : i32
    %scan3A_354 = arith.constant 400 : i32
    %scan3A_355 = arith.addi %scan3A_353, %scan3A_354 : i32
    %scan3A_356 = arith.constant 1 : i32
    scf.for %scan3A_417 = %scan3A_353 to %scan3A_355 step %scan3A_356  : i32 {
      %mul3A_418 = arith.constant 1 : i32
      %mul3A_419 = arith.muli %scan3A_417, %mul3A_418 : i32
      %add3A_420 = arith.constant 0 : i32
      %add3A_421 = arith.addi %add3A_420, %mul3A_419 : i32
      %broadcast_in_dim3A = vector.broadcast %add3A_421 : i32 to vector<16xi32>
      %gather3A = tpu.vector_load_idx %arg16[%broadcast_in_dim3A] : memref<400xf32, #tpu.memory_space<vmem>>[vector<16xi32>], vector<16xf32>,
      %get3A = arith.index_cast %add3A_421 : i32 to index
      %get3A_422 = arith.constant 0 : index
      %get3A_423 = tpu.vector_load %arg18[%get3A, %get3A_422] {strides = array<i32>} : memref<400x64xf32, #tpu.memory_space<vmem>>, vector<16xf32>,
      %mul3A_424 = arith.mulf %get3A_423, %gather3A : vector<16xf32>
      %swap3A = arith.index_cast %add3A_421 : i32 to index
      %swap3A_425 = arith.constant 0 : index
      %swap3A_426 = tpu.vector_load %arg18[%swap3A, %swap3A_425] {strides = array<i32>} : memref<400x64xf32, #tpu.memory_space<vmem>>, vector<16xf32>,
      tpu.vector_store %arg18[%swap3A, %swap3A_425], %mul3A_424 {strides = array<i32>} : memref<400x64xf32, #tpu.memory_space<vmem>>, vector<16xf32>,
      %get3A_427 = arith.index_cast %add3A_421 : i32 to index
      %get3A_428 = arith.constant 16 : index
      %get3A_429 = tpu.vector_load %arg18[%get3A_427, %get3A_428] {strides = array<i32>} : memref<400x64xf32, #tpu.memory_space<vmem>>, vector<16xf32>,
      %mul3A_430 = arith.mulf %get3A_429, %gather3A : vector<16xf32>
      %swap3A_431 = arith.index_cast %add3A_421 : i32 to index
      %swap3A_432 = arith.constant 16 : index
      %swap3A_433 = tpu.vector_load %arg18[%swap3A_431, %swap3A_432] {strides = array<i32>} : memref<400x64xf32, #tpu.memory_space<vmem>>, vector<16xf32>,
      tpu.vector_store %arg18[%swap3A_431, %swap3A_432], %mul3A_430 {strides = array<i32>} : memref<400x64xf32, #tpu.memory_space<vmem>>, vector<16xf32>,
      %get3A_434 = arith.index_cast %add3A_421 : i32 to index
      %get3A_435 = arith.constant 32 : index
      %get3A_436 = tpu.vector_load %arg18[%get3A_434, %get3A_435] {strides = array<i32>} : memref<400x64xf32, #tpu.memory_space<vmem>>, vector<16xf32>,
      %mul3A_437 = arith.mulf %get3A_436, %gather3A : vector<16xf32>
      %swap3A_438 = arith.index_cast %add3A_421 : i32 to index
      %swap3A_439 = arith.constant 32 : index
      %swap3A_440 = tpu.vector_load %arg18[%swap3A_438, %swap3A_439] {strides = array<i32>} : memref<400x64xf32, #tpu.memory_space<vmem>>, vector<16xf32>,
      tpu.vector_store %arg18[%swap3A_438, %swap3A_439], %mul3A_437 {strides = array<i32>} : memref<400x64xf32, #tpu.memory_space<vmem>>, vector<16xf32>,
      %get3A_441 = arith.index_cast %add3A_421 : i32 to index
      %get3A_442 = arith.constant 48 : index
      %get3A_443 = tpu.vector_load %arg18[%get3A_441, %get3A_442] {strides = array<i32>} : memref<400x64xf32, #tpu.memory_space<vmem>>, vector<16xf32>,
      %mul3A_444 = arith.mulf %get3A_443, %gather3A : vector<16xf32>
      %swap3A_445 = arith.index_cast %add3A_421 : i32 to index
      %swap3A_446 = arith.constant 48 : index
      %swap3A_447 = tpu.vector_load %arg18[%swap3A_445, %swap3A_446] {strides = array<i32>} : memref<400x64xf32, #tpu.memory_space<vmem>>, vector<16xf32>,
      tpu.vector_store %arg18[%swap3A_445, %swap3A_446], %mul3A_444 {strides = array<i32>} : memref<400x64xf32, #tpu.memory_space<vmem>>, vector<16xf32>,
    }
    %scan3A_357 = arith.constant 400 : i32
    %dma_start3A_358 = arith.constant 0 : i32
    %dma_start3A_359 = arith.constant 0 : i32
    %dma_start3A_360 = tpu.memref_slice %arg26[%dma_start3A_358, %dma_start3A_359] : memref<10240x64xf32, #tpu.memory_space<vmem_shared>> -> memref<10240x64xf32, #tpu.memory_space<vmem_shared>>
    tpu.enqueue_indirect_dma source(%arg18 : memref<400x64xf32, #tpu.memory_space<vmem>>) target(%dma_start3A_360 : memref<10240x64xf32, #tpu.memory_space<vmem_shared>>) offsets(%arg13 : memref<400xi32, #tpu.memory_space<vmem>>) semaphore(%arg25 : memref<!tpu.dma_semaphore, #tpu.memory_space<semaphore_mem>>) {add = true}
    %mul3A_361 = arith.constant 320000 : i32
    %mul3A_362 = arith.muli %arg0, %mul3A_361 : i32
    %mul3A_363 = arith.constant 20000 : i32
    %mul3A_364 = arith.muli %arg1, %mul3A_363 : i32
    %add3A_365 = arith.addi %mul3A_362, %mul3A_364 : i32
    %add3A_366 = arith.constant 19600 : i32
    %add3A_367 = arith.addi %add3A_365, %add3A_366 : i32
    %mul3A_368 = arith.constant 20000 : i32
    %mul3A_369 = arith.muli %arg1, %mul3A_368 : i32
    %add3A_370 = arith.constant 19600 : i32
    %add3A_371 = arith.addi %mul3A_369, %add3A_370 : i32
    %dma_wait3A_372 = tpu.memref_slice %arg3[%add3A_367] : memref<640000xi32, #tpu.memory_space<hbm>> -> memref<400xi32, #tpu.memory_space<hbm>>
    %dma_wait3A_373 = tpu.memref_slice %arg3[%add3A_367] : memref<640000xi32, #tpu.memory_space<hbm>> -> memref<400xi32, #tpu.memory_space<hbm>>
    tpu.wait_dma2 semaphore(%arg20 : memref<!tpu.dma_semaphore, #tpu.memory_space<semaphore_mem>>) src(%dma_wait3A_373 : memref<400xi32, #tpu.memory_space<hbm>>) dst(%arg9 : memref<400xi32, #tpu.memory_space<vmem>>)
    %dma_wait3A_374 = tpu.memref_slice %arg4[%add3A_371] : memref<320000xi32, #tpu.memory_space<hbm>> -> memref<400xi32, #tpu.memory_space<hbm>>
    %dma_wait3A_375 = tpu.memref_slice %arg4[%add3A_371] : memref<320000xi32, #tpu.memory_space<hbm>> -> memref<400xi32, #tpu.memory_space<hbm>>
    tpu.wait_dma2 semaphore(%arg20 : memref<!tpu.dma_semaphore, #tpu.memory_space<semaphore_mem>>) src(%dma_wait3A_375 : memref<400xi32, #tpu.memory_space<hbm>>) dst(%arg12 : memref<400xi32, #tpu.memory_space<vmem>>)
    %dma_wait3A_376 = tpu.memref_slice %arg5[%add3A_371] : memref<320000xf32, #tpu.memory_space<hbm>> -> memref<400xf32, #tpu.memory_space<hbm>>
    %dma_wait3A_377 = tpu.memref_slice %arg5[%add3A_371] : memref<320000xf32, #tpu.memory_space<hbm>> -> memref<400xf32, #tpu.memory_space<hbm>>
    tpu.wait_dma2 semaphore(%arg20 : memref<!tpu.dma_semaphore, #tpu.memory_space<semaphore_mem>>) src(%dma_wait3A_377 : memref<400xf32, #tpu.memory_space<hbm>>) dst(%arg15 : memref<400xf32, #tpu.memory_space<vmem>>)
    %dma_wait3A_378 = arith.constant 0 : i32
    %dma_wait3A_379 = arith.constant 0 : i32
    %dma_wait3A_380 = tpu.memref_slice %arg26[%dma_wait3A_378, %dma_wait3A_379] : memref<10240x64xf32, #tpu.memory_space<vmem_shared>> -> memref<10240x64xf32, #tpu.memory_space<vmem_shared>>
    tpu.wait_indirect_dma semaphore(%arg25 : memref<!tpu.dma_semaphore, #tpu.memory_space<semaphore_mem>>) src(%arg18 : memref<400x64xf32, #tpu.memory_space<vmem>>) dst(%dma_wait3A_380 : memref<10240x64xf32, #tpu.memory_space<vmem_shared>>)
    %dma_start3A_381 = arith.constant 0 : i32
    %dma_start3A_382 = arith.constant 0 : i32
    %dma_start3A_383 = tpu.memref_slice %arg2[%dma_start3A_381, %dma_start3A_382] : memref<180000x64xf32, #tpu.memory_space<hbm>> -> memref<180000x64xf32, #tpu.memory_space<hbm>>
    tpu.enqueue_indirect_dma source(%dma_start3A_383 : memref<180000x64xf32, #tpu.memory_space<hbm>>) target(%arg18 : memref<400x64xf32, #tpu.memory_space<vmem>>) offsets(%arg9 : memref<400xi32, #tpu.memory_space<vmem>>) semaphore(%arg23 : memref<!tpu.dma_semaphore, #tpu.memory_space<semaphore_mem>>)
    %dma_wait3A_384 = arith.constant 0 : i32
    %dma_wait3A_385 = arith.constant 0 : i32
    %dma_wait3A_386 = tpu.memref_slice %arg2[%dma_wait3A_384, %dma_wait3A_385] : memref<180000x64xf32, #tpu.memory_space<hbm>> -> memref<180000x64xf32, #tpu.memory_space<hbm>>
    tpu.wait_indirect_dma semaphore(%arg22 : memref<!tpu.dma_semaphore, #tpu.memory_space<semaphore_mem>>) src(%dma_wait3A_386 : memref<180000x64xf32, #tpu.memory_space<hbm>>) dst(%arg17 : memref<400x64xf32, #tpu.memory_space<vmem>>)
    %scan3A_387 = arith.constant 0 : i32
    %scan3A_388 = arith.constant 400 : i32
    %scan3A_389 = arith.addi %scan3A_387, %scan3A_388 : i32
    %scan3A_390 = arith.constant 1 : i32
    scf.for %scan3A_417 = %scan3A_387 to %scan3A_389 step %scan3A_390  : i32 {
      %mul3A_418 = arith.constant 1 : i32
      %mul3A_419 = arith.muli %scan3A_417, %mul3A_418 : i32
      %add3A_420 = arith.constant 0 : i32
      %add3A_421 = arith.addi %add3A_420, %mul3A_419 : i32
      %broadcast_in_dim3A = vector.broadcast %add3A_421 : i32 to vector<16xi32>
      %gather3A = tpu.vector_load_idx %arg14[%broadcast_in_dim3A] : memref<400xf32, #tpu.memory_space<vmem>>[vector<16xi32>], vector<16xf32>,
      %get3A = arith.index_cast %add3A_421 : i32 to index
      %get3A_422 = arith.constant 0 : index
      %get3A_423 = tpu.vector_load %arg17[%get3A, %get3A_422] {strides = array<i32>} : memref<400x64xf32, #tpu.memory_space<vmem>>, vector<16xf32>,
      %mul3A_424 = arith.mulf %get3A_423, %gather3A : vector<16xf32>
      %swap3A = arith.index_cast %add3A_421 : i32 to index
      %swap3A_425 = arith.constant 0 : index
      %swap3A_426 = tpu.vector_load %arg17[%swap3A, %swap3A_425] {strides = array<i32>} : memref<400x64xf32, #tpu.memory_space<vmem>>, vector<16xf32>,
      tpu.vector_store %arg17[%swap3A, %swap3A_425], %mul3A_424 {strides = array<i32>} : memref<400x64xf32, #tpu.memory_space<vmem>>, vector<16xf32>,
      %get3A_427 = arith.index_cast %add3A_421 : i32 to index
      %get3A_428 = arith.constant 16 : index
      %get3A_429 = tpu.vector_load %arg17[%get3A_427, %get3A_428] {strides = array<i32>} : memref<400x64xf32, #tpu.memory_space<vmem>>, vector<16xf32>,
      %mul3A_430 = arith.mulf %get3A_429, %gather3A : vector<16xf32>
      %swap3A_431 = arith.index_cast %add3A_421 : i32 to index
      %swap3A_432 = arith.constant 16 : index
      %swap3A_433 = tpu.vector_load %arg17[%swap3A_431, %swap3A_432] {strides = array<i32>} : memref<400x64xf32, #tpu.memory_space<vmem>>, vector<16xf32>,
      tpu.vector_store %arg17[%swap3A_431, %swap3A_432], %mul3A_430 {strides = array<i32>} : memref<400x64xf32, #tpu.memory_space<vmem>>, vector<16xf32>,
      %get3A_434 = arith.index_cast %add3A_421 : i32 to index
      %get3A_435 = arith.constant 32 : index
      %get3A_436 = tpu.vector_load %arg17[%get3A_434, %get3A_435] {strides = array<i32>} : memref<400x64xf32, #tpu.memory_space<vmem>>, vector<16xf32>,
      %mul3A_437 = arith.mulf %get3A_436, %gather3A : vector<16xf32>
      %swap3A_438 = arith.index_cast %add3A_421 : i32 to index
      %swap3A_439 = arith.constant 32 : index
      %swap3A_440 = tpu.vector_load %arg17[%swap3A_438, %swap3A_439] {strides = array<i32>} : memref<400x64xf32, #tpu.memory_space<vmem>>, vector<16xf32>,
      tpu.vector_store %arg17[%swap3A_438, %swap3A_439], %mul3A_437 {strides = array<i32>} : memref<400x64xf32, #tpu.memory_space<vmem>>, vector<16xf32>,
      %get3A_441 = arith.index_cast %add3A_421 : i32 to index
      %get3A_442 = arith.constant 48 : index
      %get3A_443 = tpu.vector_load %arg17[%get3A_441, %get3A_442] {strides = array<i32>} : memref<400x64xf32, #tpu.memory_space<vmem>>, vector<16xf32>,
      %mul3A_444 = arith.mulf %get3A_443, %gather3A : vector<16xf32>
      %swap3A_445 = arith.index_cast %add3A_421 : i32 to index
      %swap3A_446 = arith.constant 48 : index
      %swap3A_447 = tpu.vector_load %arg17[%swap3A_445, %swap3A_446] {strides = array<i32>} : memref<400x64xf32, #tpu.memory_space<vmem>>, vector<16xf32>,
      tpu.vector_store %arg17[%swap3A_445, %swap3A_446], %mul3A_444 {strides = array<i32>} : memref<400x64xf32, #tpu.memory_space<vmem>>, vector<16xf32>,
    }
    %scan3A_391 = arith.constant 400 : i32
    %dma_start3A_392 = arith.constant 0 : i32
    %dma_start3A_393 = arith.constant 0 : i32
    %dma_start3A_394 = tpu.memref_slice %arg26[%dma_start3A_392, %dma_start3A_393] : memref<10240x64xf32, #tpu.memory_space<vmem_shared>> -> memref<10240x64xf32, #tpu.memory_space<vmem_shared>>
    tpu.enqueue_indirect_dma source(%arg17 : memref<400x64xf32, #tpu.memory_space<vmem>>) target(%dma_start3A_394 : memref<10240x64xf32, #tpu.memory_space<vmem_shared>>) offsets(%arg11 : memref<400xi32, #tpu.memory_space<vmem>>) semaphore(%arg24 : memref<!tpu.dma_semaphore, #tpu.memory_space<semaphore_mem>>) {add = true}
    %dma_wait3A_395 = arith.constant 0 : i32
    %dma_wait3A_396 = arith.constant 0 : i32
    %dma_wait3A_397 = tpu.memref_slice %arg2[%dma_wait3A_395, %dma_wait3A_396] : memref<180000x64xf32, #tpu.memory_space<hbm>> -> memref<180000x64xf32, #tpu.memory_space<hbm>>
    tpu.wait_indirect_dma semaphore(%arg23 : memref<!tpu.dma_semaphore, #tpu.memory_space<semaphore_mem>>) src(%dma_wait3A_397 : memref<180000x64xf32, #tpu.memory_space<hbm>>) dst(%arg18 : memref<400x64xf32, #tpu.memory_space<vmem>>)
    %scan3A_398 = arith.constant 0 : i32
    %scan3A_399 = arith.constant 400 : i32
    %scan3A_400 = arith.addi %scan3A_398, %scan3A_399 : i32
    %scan3A_401 = arith.constant 1 : i32
    scf.for %scan3A_417 = %scan3A_398 to %scan3A_400 step %scan3A_401  : i32 {
      %mul3A_418 = arith.constant 1 : i32
      %mul3A_419 = arith.muli %scan3A_417, %mul3A_418 : i32
      %add3A_420 = arith.constant 0 : i32
      %add3A_421 = arith.addi %add3A_420, %mul3A_419 : i32
      %broadcast_in_dim3A = vector.broadcast %add3A_421 : i32 to vector<16xi32>
      %gather3A = tpu.vector_load_idx %arg15[%broadcast_in_dim3A] : memref<400xf32, #tpu.memory_space<vmem>>[vector<16xi32>], vector<16xf32>,
      %get3A = arith.index_cast %add3A_421 : i32 to index
      %get3A_422 = arith.constant 0 : index
      %get3A_423 = tpu.vector_load %arg18[%get3A, %get3A_422] {strides = array<i32>} : memref<400x64xf32, #tpu.memory_space<vmem>>, vector<16xf32>,
      %mul3A_424 = arith.mulf %get3A_423, %gather3A : vector<16xf32>
      %swap3A = arith.index_cast %add3A_421 : i32 to index
      %swap3A_425 = arith.constant 0 : index
      %swap3A_426 = tpu.vector_load %arg18[%swap3A, %swap3A_425] {strides = array<i32>} : memref<400x64xf32, #tpu.memory_space<vmem>>, vector<16xf32>,
      tpu.vector_store %arg18[%swap3A, %swap3A_425], %mul3A_424 {strides = array<i32>} : memref<400x64xf32, #tpu.memory_space<vmem>>, vector<16xf32>,
      %get3A_427 = arith.index_cast %add3A_421 : i32 to index
      %get3A_428 = arith.constant 16 : index
      %get3A_429 = tpu.vector_load %arg18[%get3A_427, %get3A_428] {strides = array<i32>} : memref<400x64xf32, #tpu.memory_space<vmem>>, vector<16xf32>,
      %mul3A_430 = arith.mulf %get3A_429, %gather3A : vector<16xf32>
      %swap3A_431 = arith.index_cast %add3A_421 : i32 to index
      %swap3A_432 = arith.constant 16 : index
      %swap3A_433 = tpu.vector_load %arg18[%swap3A_431, %swap3A_432] {strides = array<i32>} : memref<400x64xf32, #tpu.memory_space<vmem>>, vector<16xf32>,
      tpu.vector_store %arg18[%swap3A_431, %swap3A_432], %mul3A_430 {strides = array<i32>} : memref<400x64xf32, #tpu.memory_space<vmem>>, vector<16xf32>,
      %get3A_434 = arith.index_cast %add3A_421 : i32 to index
      %get3A_435 = arith.constant 32 : index
      %get3A_436 = tpu.vector_load %arg18[%get3A_434, %get3A_435] {strides = array<i32>} : memref<400x64xf32, #tpu.memory_space<vmem>>, vector<16xf32>,
      %mul3A_437 = arith.mulf %get3A_436, %gather3A : vector<16xf32>
      %swap3A_438 = arith.index_cast %add3A_421 : i32 to index
      %swap3A_439 = arith.constant 32 : index
      %swap3A_440 = tpu.vector_load %arg18[%swap3A_438, %swap3A_439] {strides = array<i32>} : memref<400x64xf32, #tpu.memory_space<vmem>>, vector<16xf32>,
      tpu.vector_store %arg18[%swap3A_438, %swap3A_439], %mul3A_437 {strides = array<i32>} : memref<400x64xf32, #tpu.memory_space<vmem>>, vector<16xf32>,
      %get3A_441 = arith.index_cast %add3A_421 : i32 to index
      %get3A_442 = arith.constant 48 : index
      %get3A_443 = tpu.vector_load %arg18[%get3A_441, %get3A_442] {strides = array<i32>} : memref<400x64xf32, #tpu.memory_space<vmem>>, vector<16xf32>,
      %mul3A_444 = arith.mulf %get3A_443, %gather3A : vector<16xf32>
      %swap3A_445 = arith.index_cast %add3A_421 : i32 to index
      %swap3A_446 = arith.constant 48 : index
      %swap3A_447 = tpu.vector_load %arg18[%swap3A_445, %swap3A_446] {strides = array<i32>} : memref<400x64xf32, #tpu.memory_space<vmem>>, vector<16xf32>,
      tpu.vector_store %arg18[%swap3A_445, %swap3A_446], %mul3A_444 {strides = array<i32>} : memref<400x64xf32, #tpu.memory_space<vmem>>, vector<16xf32>,
    }
    %scan3A_402 = arith.constant 400 : i32
    %dma_start3A_403 = arith.constant 0 : i32
    %dma_start3A_404 = arith.constant 0 : i32
    %dma_start3A_405 = tpu.memref_slice %arg26[%dma_start3A_403, %dma_start3A_404] : memref<10240x64xf32, #tpu.memory_space<vmem_shared>> -> memref<10240x64xf32, #tpu.memory_space<vmem_shared>>
    tpu.enqueue_indirect_dma source(%arg18 : memref<400x64xf32, #tpu.memory_space<vmem>>) target(%dma_start3A_405 : memref<10240x64xf32, #tpu.memory_space<vmem_shared>>) offsets(%arg12 : memref<400xi32, #tpu.memory_space<vmem>>) semaphore(%arg25 : memref<!tpu.dma_semaphore, #tpu.memory_space<semaphore_mem>>) {add = true}
    %dma_wait3A_406 = arith.constant 0 : i32
    %dma_wait3A_407 = arith.constant 0 : i32
    %dma_wait3A_408 = tpu.memref_slice %arg26[%dma_wait3A_406, %dma_wait3A_407] : memref<10240x64xf32, #tpu.memory_space<vmem_shared>> -> memref<10240x64xf32, #tpu.memory_space<vmem_shared>>
    tpu.wait_indirect_dma semaphore(%arg24 : memref<!tpu.dma_semaphore, #tpu.memory_space<semaphore_mem>>) src(%arg17 : memref<400x64xf32, #tpu.memory_space<vmem>>) dst(%dma_wait3A_408 : memref<10240x64xf32, #tpu.memory_space<vmem_shared>>)
    %dma_wait3A_409 = arith.constant 0 : i32
    %dma_wait3A_410 = arith.constant 0 : i32
    %dma_wait3A_411 = tpu.memref_slice %arg26[%dma_wait3A_409, %dma_wait3A_410] : memref<10240x64xf32, #tpu.memory_space<vmem_shared>> -> memref<10240x64xf32, #tpu.memory_space<vmem_shared>>
    tpu.wait_indirect_dma semaphore(%arg25 : memref<!tpu.dma_semaphore, #tpu.memory_space<semaphore_mem>>) src(%arg18 : memref<400x64xf32, #tpu.memory_space<vmem>>) dst(%dma_wait3A_411 : memref<10240x64xf32, #tpu.memory_space<vmem_shared>>)
    %barrier3A_412 = arith.constant 0 : index
    tpu.barrier barrier_id(%barrier3A_412)
    %mul3A_413 = arith.constant 640 : i32
    %mul3A_414 = arith.muli %arg1, %mul3A_413 : i32
    %mul3A_415 = arith.constant 640 : i32
    %mul3A_416 = arith.muli %arg1, %mul3A_415 : i32
    "tpu.region"() ({
      %run_scoped3A = tpu.sem_alloc : memref<!tpu.dma_semaphore, #tpu.memory_space<semaphore_mem>>
      %dma_start3A_417 = arith.constant 0 : i32
      %dma_start3A_418 = tpu.memref_slice %arg7[%arg0, %mul3A_416, %dma_start3A_417] : memref<2x10240x64xf32, #tpu.memory_space<hbm>> -> memref<1x640x64xf32, #tpu.memory_space<hbm>>
      %dma_start3A_419 = tpu.memref_squeeze %dma_start3A_418 : memref<1x640x64xf32, #tpu.memory_space<hbm>> -> memref<640x64xf32, #tpu.memory_space<hbm>>
      %dma_start3A_420 = arith.constant 0 : i32
      %dma_start3A_421 = tpu.memref_slice %arg26[%mul3A_414, %dma_start3A_420] : memref<10240x64xf32, #tpu.memory_space<vmem_shared>> -> memref<640x64xf32, #tpu.memory_space<vmem_shared>>
      tpu.enqueue_dma source(%dma_start3A_421 : memref<640x64xf32, #tpu.memory_space<vmem_shared>>) target(%dma_start3A_419 : memref<640x64xf32, #tpu.memory_space<hbm>>) target_semaphore(%run_scoped3A : memref<!tpu.dma_semaphore, #tpu.memory_space<semaphore_mem>>)
      %dma_wait3A_422 = arith.constant 0 : i32
      %dma_wait3A_423 = tpu.memref_slice %arg7[%arg0, %mul3A_416, %dma_wait3A_422] : memref<2x10240x64xf32, #tpu.memory_space<hbm>> -> memref<1x640x64xf32, #tpu.memory_space<hbm>>
      %dma_wait3A_424 = tpu.memref_squeeze %dma_wait3A_423 : memref<1x640x64xf32, #tpu.memory_space<hbm>> -> memref<640x64xf32, #tpu.memory_space<hbm>>
      %dma_wait3A_425 = arith.constant 0 : i32
      %dma_wait3A_426 = tpu.memref_slice %arg26[%mul3A_414, %dma_wait3A_425] : memref<10240x64xf32, #tpu.memory_space<vmem_shared>> -> memref<640x64xf32, #tpu.memory_space<vmem_shared>>
      tpu.wait_dma2 semaphore(%run_scoped3A : memref<!tpu.dma_semaphore, #tpu.memory_space<semaphore_mem>>) src(%dma_wait3A_426 : memref<640x64xf32, #tpu.memory_space<vmem_shared>>) dst(%dma_wait3A_424 : memref<640x64xf32, #tpu.memory_space<hbm>>)
      tpu.yield
    }) : () -> ()
    return
  }
}

module attributes {stable_mosaic.version = 14 : i64} {
  func.func @_inv_body(%arg0: i32, %arg1: memref<2x16x8x128xf32, #tpu.memory_space<vmem>>, %arg2: memref<8x128xf32, #tpu.memory_space<vmem>>) attributes {dimension_semantics = [#tpu.dimension_semantics<arbitrary>], iteration_bounds = array<i64: 81>, scalar_prefetch = 0 : i64, scratch_operands = 0 : i64, tpu.core_type = #tpu.core_type<tc>, window_params = [{transform_indices = @transform_0, window_bounds = array<i64: 2, 16, 8, 128>}, {transform_indices = @transform_1, window_bounds = array<i64: 8, 128>}]} {
    %get3A = arith.constant 0 : index
    %get3A_0 = arith.constant 0 : index
    %get3A_1 = arith.constant 0 : index
    %get3A_2 = arith.constant 0 : index
    %get3A_3 = vector.load %arg1[%get3A, %get3A_0, %get3A_1, %get3A_2] : memref<2x16x8x128xf32, #tpu.memory_space<vmem>>, vector<2x16x8x128xf32>
    %reduce_sum3A = arith.constant dense<0.000000e+00> : vector<8x128xf32>
    %reduce_sum3A_4 = vector.multi_reduction <add>, %get3A_3, %reduce_sum3A [0, 1] : vector<2x16x8x128xf32> to vector<8x128xf32>
    %max3A = arith.constant 1.000000e+00 : f32
    %max3A_5 = vector.broadcast %max3A : f32 to vector<8x128xf32>
    %max3A_6 = arith.maximumf %reduce_sum3A_4, %max3A_5 : vector<8x128xf32>
    %div3A = arith.constant 1.000000e+00 : f32
    %div3A_7 = vector.broadcast %div3A : f32 to vector<8x128xf32>
    %div3A_8 = arith.divf %div3A_7, %max3A_6 : vector<8x128xf32>
    %swap3A = arith.constant 0 : index
    %swap3A_9 = arith.constant 0 : index
    %swap3A_10 = vector.load %arg2[%swap3A, %swap3A_9] : memref<8x128xf32, #tpu.memory_space<vmem>>, vector<8x128xf32>
    tpu.vector_store %arg2[%swap3A, %swap3A_9], %div3A_8 {strides = array<i32>} : memref<8x128xf32, #tpu.memory_space<vmem>>, vector<8x128xf32>,
    return
  }
  func.func @transform_0(%arg0: i32) -> (i32, i32, i32, i32) {
    %c0_i32 = arith.constant 0 : i32
    %c0_i32_0 = arith.constant 0 : i32
    %c0_i32_1 = arith.constant 0 : i32
    %c0_i32_2 = arith.constant 0 : i32
    return %c0_i32, %c0_i32_0, %arg0, %c0_i32_1 : i32, i32, i32, i32
  }
  func.func @transform_1(%arg0: i32) -> (i32, i32) {
    %c0_i32 = arith.constant 0 : i32
    %c0_i32_0 = arith.constant 0 : i32
    return %arg0, %c0_i32 : i32, i32
  }
}

module attributes {stable_mosaic.version = 14 : i64} {
  func.func @_mm_body(%arg0: i32, %arg1: memref<400x128xf32, #tpu.memory_space<vmem>>, %arg2: memref<9x128x128xf32, #tpu.memory_space<vmem>>, %arg3: memref<1x128xf32, #tpu.memory_space<vmem>>, %arg4: memref<2x9x400x64xf32, #tpu.memory_space<vmem>>) attributes {dimension_semantics = [#tpu.dimension_semantics<arbitrary>], iteration_bounds = array<i64: 25>, scalar_prefetch = 0 : i64, scratch_operands = 0 : i64, tpu.core_type = #tpu.core_type<tc>, window_params = [{transform_indices = @transform_0, window_bounds = array<i64: 400, 128>}, {pipeline_mode = #tpu.pipeline_mode<synchronous>, transform_indices = @transform_1, window_bounds = array<i64: 9, 128, 128>}, {pipeline_mode = #tpu.pipeline_mode<synchronous>, transform_indices = @transform_2, window_bounds = array<i64: 1, 128>}, {transform_indices = @transform_3, window_bounds = array<i64: 2, 9, 400, 64>}]} {
    %get3A = arith.constant 0 : index
    %get3A_0 = arith.constant 0 : index
    %get3A_1 = vector.load %arg1[%get3A, %get3A_0] : memref<400x128xf32, #tpu.memory_space<vmem>>, vector<400x128xf32>
    %get3A_2 = arith.constant 0 : index
    %get3A_3 = arith.constant 0 : index
    %get3A_4 = arith.constant 0 : index
    %get3A_5 = vector.load %arg2[%get3A_2, %get3A_3, %get3A_4] : memref<9x128x128xf32, #tpu.memory_space<vmem>>, vector<1x128x128xf32>
    %get3A_6 = vector.shape_cast %get3A_5 : vector<1x128x128xf32> to vector<128x128xf32>
    %dot_general3A = arith.constant dense<0.000000e+00> : vector<400x128xf32>
    %dot_general3A_7 = tpu.matmul %get3A_1, %get3A_6, %dot_general3A {dimension_numbers = #tpu.dot_dimension_numbers<[1], [0], [0], [1], [0, 0, 1, 1], [], []>, transpose_lhs_hint = false} : vector<400x128xf32>, vector<128x128xf32>, vector<400x128xf32> -> vector<400x128xf32>
    %slice3A = vector.extract_strided_slice %dot_general3A_7 {offsets = [0, 0], sizes = [400, 64], strides = [1, 1]} : vector<400x128xf32> to vector<400x64xf32>
    %swap3A = arith.constant 0 : index
    %swap3A_8 = arith.constant 0 : index
    %swap3A_9 = arith.constant 0 : index
    %swap3A_10 = arith.constant 0 : index
    %swap3A_11 = vector.load %arg4[%swap3A, %swap3A_8, %swap3A_9, %swap3A_10] : memref<2x9x400x64xf32, #tpu.memory_space<vmem>>, vector<1x1x400x64xf32>
    %swap3A_12 = vector.shape_cast %swap3A_11 : vector<1x1x400x64xf32> to vector<400x64xf32>
    %swap3A_13 = vector.shape_cast %slice3A : vector<400x64xf32> to vector<1x1x400x64xf32>
    tpu.vector_store %arg4[%swap3A, %swap3A_8, %swap3A_9, %swap3A_10], %swap3A_13 {strides = array<i32>} : memref<2x9x400x64xf32, #tpu.memory_space<vmem>>, vector<1x1x400x64xf32>,
    %slice3A_14 = vector.extract_strided_slice %dot_general3A_7 {offsets = [0, 64], sizes = [400, 64], strides = [1, 1]} : vector<400x128xf32> to vector<400x64xf32>
    %swap3A_15 = arith.constant 1 : index
    %swap3A_16 = arith.constant 0 : index
    %swap3A_17 = arith.constant 0 : index
    %swap3A_18 = arith.constant 0 : index
    %swap3A_19 = vector.load %arg4[%swap3A_15, %swap3A_16, %swap3A_17, %swap3A_18] : memref<2x9x400x64xf32, #tpu.memory_space<vmem>>, vector<1x1x400x64xf32>
    %swap3A_20 = vector.shape_cast %swap3A_19 : vector<1x1x400x64xf32> to vector<400x64xf32>
    %swap3A_21 = vector.shape_cast %slice3A_14 : vector<400x64xf32> to vector<1x1x400x64xf32>
    tpu.vector_store %arg4[%swap3A_15, %swap3A_16, %swap3A_17, %swap3A_18], %swap3A_21 {strides = array<i32>} : memref<2x9x400x64xf32, #tpu.memory_space<vmem>>, vector<1x1x400x64xf32>,
    %get3A_22 = arith.constant 1 : index
    %get3A_23 = arith.constant 0 : index
    %get3A_24 = arith.constant 0 : index
    %get3A_25 = vector.load %arg2[%get3A_22, %get3A_23, %get3A_24] : memref<9x128x128xf32, #tpu.memory_space<vmem>>, vector<1x128x128xf32>
    %get3A_26 = vector.shape_cast %get3A_25 : vector<1x128x128xf32> to vector<128x128xf32>
    %dot_general3A_27 = arith.constant dense<0.000000e+00> : vector<400x128xf32>
    %dot_general3A_28 = tpu.matmul %get3A_1, %get3A_26, %dot_general3A_27 {dimension_numbers = #tpu.dot_dimension_numbers<[1], [0], [0], [1], [0, 0, 1, 1], [], []>, transpose_lhs_hint = false} : vector<400x128xf32>, vector<128x128xf32>, vector<400x128xf32> -> vector<400x128xf32>
    %slice3A_29 = vector.extract_strided_slice %dot_general3A_28 {offsets = [0, 0], sizes = [400, 64], strides = [1, 1]} : vector<400x128xf32> to vector<400x64xf32>
    %swap3A_30 = arith.constant 0 : index
    %swap3A_31 = arith.constant 1 : index
    %swap3A_32 = arith.constant 0 : index
    %swap3A_33 = arith.constant 0 : index
    %swap3A_34 = vector.load %arg4[%swap3A_30, %swap3A_31, %swap3A_32, %swap3A_33] : memref<2x9x400x64xf32, #tpu.memory_space<vmem>>, vector<1x1x400x64xf32>
    %swap3A_35 = vector.shape_cast %swap3A_34 : vector<1x1x400x64xf32> to vector<400x64xf32>
    %swap3A_36 = vector.shape_cast %slice3A_29 : vector<400x64xf32> to vector<1x1x400x64xf32>
    tpu.vector_store %arg4[%swap3A_30, %swap3A_31, %swap3A_32, %swap3A_33], %swap3A_36 {strides = array<i32>} : memref<2x9x400x64xf32, #tpu.memory_space<vmem>>, vector<1x1x400x64xf32>,
    %slice3A_37 = vector.extract_strided_slice %dot_general3A_28 {offsets = [0, 64], sizes = [400, 64], strides = [1, 1]} : vector<400x128xf32> to vector<400x64xf32>
    %swap3A_38 = arith.constant 1 : index
    %swap3A_39 = arith.constant 1 : index
    %swap3A_40 = arith.constant 0 : index
    %swap3A_41 = arith.constant 0 : index
    %swap3A_42 = vector.load %arg4[%swap3A_38, %swap3A_39, %swap3A_40, %swap3A_41] : memref<2x9x400x64xf32, #tpu.memory_space<vmem>>, vector<1x1x400x64xf32>
    %swap3A_43 = vector.shape_cast %swap3A_42 : vector<1x1x400x64xf32> to vector<400x64xf32>
    %swap3A_44 = vector.shape_cast %slice3A_37 : vector<400x64xf32> to vector<1x1x400x64xf32>
    tpu.vector_store %arg4[%swap3A_38, %swap3A_39, %swap3A_40, %swap3A_41], %swap3A_44 {strides = array<i32>} : memref<2x9x400x64xf32, #tpu.memory_space<vmem>>, vector<1x1x400x64xf32>,
    %get3A_45 = arith.constant 2 : index
    %get3A_46 = arith.constant 0 : index
    %get3A_47 = arith.constant 0 : index
    %get3A_48 = vector.load %arg2[%get3A_45, %get3A_46, %get3A_47] : memref<9x128x128xf32, #tpu.memory_space<vmem>>, vector<1x128x128xf32>
    %get3A_49 = vector.shape_cast %get3A_48 : vector<1x128x128xf32> to vector<128x128xf32>
    %dot_general3A_50 = arith.constant dense<0.000000e+00> : vector<400x128xf32>
    %dot_general3A_51 = tpu.matmul %get3A_1, %get3A_49, %dot_general3A_50 {dimension_numbers = #tpu.dot_dimension_numbers<[1], [0], [0], [1], [0, 0, 1, 1], [], []>, transpose_lhs_hint = false} : vector<400x128xf32>, vector<128x128xf32>, vector<400x128xf32> -> vector<400x128xf32>
    %slice3A_52 = vector.extract_strided_slice %dot_general3A_51 {offsets = [0, 0], sizes = [400, 64], strides = [1, 1]} : vector<400x128xf32> to vector<400x64xf32>
    %swap3A_53 = arith.constant 0 : index
    %swap3A_54 = arith.constant 2 : index
    %swap3A_55 = arith.constant 0 : index
    %swap3A_56 = arith.constant 0 : index
    %swap3A_57 = vector.load %arg4[%swap3A_53, %swap3A_54, %swap3A_55, %swap3A_56] : memref<2x9x400x64xf32, #tpu.memory_space<vmem>>, vector<1x1x400x64xf32>
    %swap3A_58 = vector.shape_cast %swap3A_57 : vector<1x1x400x64xf32> to vector<400x64xf32>
    %swap3A_59 = vector.shape_cast %slice3A_52 : vector<400x64xf32> to vector<1x1x400x64xf32>
    tpu.vector_store %arg4[%swap3A_53, %swap3A_54, %swap3A_55, %swap3A_56], %swap3A_59 {strides = array<i32>} : memref<2x9x400x64xf32, #tpu.memory_space<vmem>>, vector<1x1x400x64xf32>,
    %slice3A_60 = vector.extract_strided_slice %dot_general3A_51 {offsets = [0, 64], sizes = [400, 64], strides = [1, 1]} : vector<400x128xf32> to vector<400x64xf32>
    %swap3A_61 = arith.constant 1 : index
    %swap3A_62 = arith.constant 2 : index
    %swap3A_63 = arith.constant 0 : index
    %swap3A_64 = arith.constant 0 : index
    %swap3A_65 = vector.load %arg4[%swap3A_61, %swap3A_62, %swap3A_63, %swap3A_64] : memref<2x9x400x64xf32, #tpu.memory_space<vmem>>, vector<1x1x400x64xf32>
    %swap3A_66 = vector.shape_cast %swap3A_65 : vector<1x1x400x64xf32> to vector<400x64xf32>
    %swap3A_67 = vector.shape_cast %slice3A_60 : vector<400x64xf32> to vector<1x1x400x64xf32>
    tpu.vector_store %arg4[%swap3A_61, %swap3A_62, %swap3A_63, %swap3A_64], %swap3A_67 {strides = array<i32>} : memref<2x9x400x64xf32, #tpu.memory_space<vmem>>, vector<1x1x400x64xf32>,
    %get3A_68 = arith.constant 3 : index
    %get3A_69 = arith.constant 0 : index
    %get3A_70 = arith.constant 0 : index
    %get3A_71 = vector.load %arg2[%get3A_68, %get3A_69, %get3A_70] : memref<9x128x128xf32, #tpu.memory_space<vmem>>, vector<1x128x128xf32>
    %get3A_72 = vector.shape_cast %get3A_71 : vector<1x128x128xf32> to vector<128x128xf32>
    %dot_general3A_73 = arith.constant dense<0.000000e+00> : vector<400x128xf32>
    %dot_general3A_74 = tpu.matmul %get3A_1, %get3A_72, %dot_general3A_73 {dimension_numbers = #tpu.dot_dimension_numbers<[1], [0], [0], [1], [0, 0, 1, 1], [], []>, transpose_lhs_hint = false} : vector<400x128xf32>, vector<128x128xf32>, vector<400x128xf32> -> vector<400x128xf32>
    %slice3A_75 = vector.extract_strided_slice %dot_general3A_74 {offsets = [0, 0], sizes = [400, 64], strides = [1, 1]} : vector<400x128xf32> to vector<400x64xf32>
    %swap3A_76 = arith.constant 0 : index
    %swap3A_77 = arith.constant 3 : index
    %swap3A_78 = arith.constant 0 : index
    %swap3A_79 = arith.constant 0 : index
    %swap3A_80 = vector.load %arg4[%swap3A_76, %swap3A_77, %swap3A_78, %swap3A_79] : memref<2x9x400x64xf32, #tpu.memory_space<vmem>>, vector<1x1x400x64xf32>
    %swap3A_81 = vector.shape_cast %swap3A_80 : vector<1x1x400x64xf32> to vector<400x64xf32>
    %swap3A_82 = vector.shape_cast %slice3A_75 : vector<400x64xf32> to vector<1x1x400x64xf32>
    tpu.vector_store %arg4[%swap3A_76, %swap3A_77, %swap3A_78, %swap3A_79], %swap3A_82 {strides = array<i32>} : memref<2x9x400x64xf32, #tpu.memory_space<vmem>>, vector<1x1x400x64xf32>,
    %slice3A_83 = vector.extract_strided_slice %dot_general3A_74 {offsets = [0, 64], sizes = [400, 64], strides = [1, 1]} : vector<400x128xf32> to vector<400x64xf32>
    %swap3A_84 = arith.constant 1 : index
    %swap3A_85 = arith.constant 3 : index
    %swap3A_86 = arith.constant 0 : index
    %swap3A_87 = arith.constant 0 : index
    %swap3A_88 = vector.load %arg4[%swap3A_84, %swap3A_85, %swap3A_86, %swap3A_87] : memref<2x9x400x64xf32, #tpu.memory_space<vmem>>, vector<1x1x400x64xf32>
    %swap3A_89 = vector.shape_cast %swap3A_88 : vector<1x1x400x64xf32> to vector<400x64xf32>
    %swap3A_90 = vector.shape_cast %slice3A_83 : vector<400x64xf32> to vector<1x1x400x64xf32>
    tpu.vector_store %arg4[%swap3A_84, %swap3A_85, %swap3A_86, %swap3A_87], %swap3A_90 {strides = array<i32>} : memref<2x9x400x64xf32, #tpu.memory_space<vmem>>, vector<1x1x400x64xf32>,
    %get3A_91 = arith.constant 4 : index
    %get3A_92 = arith.constant 0 : index
    %get3A_93 = arith.constant 0 : index
    %get3A_94 = vector.load %arg2[%get3A_91, %get3A_92, %get3A_93] : memref<9x128x128xf32, #tpu.memory_space<vmem>>, vector<1x128x128xf32>
    %get3A_95 = vector.shape_cast %get3A_94 : vector<1x128x128xf32> to vector<128x128xf32>
    %dot_general3A_96 = arith.constant dense<0.000000e+00> : vector<400x128xf32>
    %dot_general3A_97 = tpu.matmul %get3A_1, %get3A_95, %dot_general3A_96 {dimension_numbers = #tpu.dot_dimension_numbers<[1], [0], [0], [1], [0, 0, 1, 1], [], []>, transpose_lhs_hint = false} : vector<400x128xf32>, vector<128x128xf32>, vector<400x128xf32> -> vector<400x128xf32>
    %slice3A_98 = vector.extract_strided_slice %dot_general3A_97 {offsets = [0, 0], sizes = [400, 64], strides = [1, 1]} : vector<400x128xf32> to vector<400x64xf32>
    %swap3A_99 = arith.constant 0 : index
    %swap3A_100 = arith.constant 4 : index
    %swap3A_101 = arith.constant 0 : index
    %swap3A_102 = arith.constant 0 : index
    %swap3A_103 = vector.load %arg4[%swap3A_99, %swap3A_100, %swap3A_101, %swap3A_102] : memref<2x9x400x64xf32, #tpu.memory_space<vmem>>, vector<1x1x400x64xf32>
    %swap3A_104 = vector.shape_cast %swap3A_103 : vector<1x1x400x64xf32> to vector<400x64xf32>
    %swap3A_105 = vector.shape_cast %slice3A_98 : vector<400x64xf32> to vector<1x1x400x64xf32>
    tpu.vector_store %arg4[%swap3A_99, %swap3A_100, %swap3A_101, %swap3A_102], %swap3A_105 {strides = array<i32>} : memref<2x9x400x64xf32, #tpu.memory_space<vmem>>, vector<1x1x400x64xf32>,
    %slice3A_106 = vector.extract_strided_slice %dot_general3A_97 {offsets = [0, 64], sizes = [400, 64], strides = [1, 1]} : vector<400x128xf32> to vector<400x64xf32>
    %swap3A_107 = arith.constant 1 : index
    %swap3A_108 = arith.constant 4 : index
    %swap3A_109 = arith.constant 0 : index
    %swap3A_110 = arith.constant 0 : index
    %swap3A_111 = vector.load %arg4[%swap3A_107, %swap3A_108, %swap3A_109, %swap3A_110] : memref<2x9x400x64xf32, #tpu.memory_space<vmem>>, vector<1x1x400x64xf32>
    %swap3A_112 = vector.shape_cast %swap3A_111 : vector<1x1x400x64xf32> to vector<400x64xf32>
    %swap3A_113 = vector.shape_cast %slice3A_106 : vector<400x64xf32> to vector<1x1x400x64xf32>
    tpu.vector_store %arg4[%swap3A_107, %swap3A_108, %swap3A_109, %swap3A_110], %swap3A_113 {strides = array<i32>} : memref<2x9x400x64xf32, #tpu.memory_space<vmem>>, vector<1x1x400x64xf32>,
    %get3A_114 = arith.constant 5 : index
    %get3A_115 = arith.constant 0 : index
    %get3A_116 = arith.constant 0 : index
    %get3A_117 = vector.load %arg2[%get3A_114, %get3A_115, %get3A_116] : memref<9x128x128xf32, #tpu.memory_space<vmem>>, vector<1x128x128xf32>
    %get3A_118 = vector.shape_cast %get3A_117 : vector<1x128x128xf32> to vector<128x128xf32>
    %dot_general3A_119 = arith.constant dense<0.000000e+00> : vector<400x128xf32>
    %dot_general3A_120 = tpu.matmul %get3A_1, %get3A_118, %dot_general3A_119 {dimension_numbers = #tpu.dot_dimension_numbers<[1], [0], [0], [1], [0, 0, 1, 1], [], []>, transpose_lhs_hint = false} : vector<400x128xf32>, vector<128x128xf32>, vector<400x128xf32> -> vector<400x128xf32>
    %slice3A_121 = vector.extract_strided_slice %dot_general3A_120 {offsets = [0, 0], sizes = [400, 64], strides = [1, 1]} : vector<400x128xf32> to vector<400x64xf32>
    %swap3A_122 = arith.constant 0 : index
    %swap3A_123 = arith.constant 5 : index
    %swap3A_124 = arith.constant 0 : index
    %swap3A_125 = arith.constant 0 : index
    %swap3A_126 = vector.load %arg4[%swap3A_122, %swap3A_123, %swap3A_124, %swap3A_125] : memref<2x9x400x64xf32, #tpu.memory_space<vmem>>, vector<1x1x400x64xf32>
    %swap3A_127 = vector.shape_cast %swap3A_126 : vector<1x1x400x64xf32> to vector<400x64xf32>
    %swap3A_128 = vector.shape_cast %slice3A_121 : vector<400x64xf32> to vector<1x1x400x64xf32>
    tpu.vector_store %arg4[%swap3A_122, %swap3A_123, %swap3A_124, %swap3A_125], %swap3A_128 {strides = array<i32>} : memref<2x9x400x64xf32, #tpu.memory_space<vmem>>, vector<1x1x400x64xf32>,
    %slice3A_129 = vector.extract_strided_slice %dot_general3A_120 {offsets = [0, 64], sizes = [400, 64], strides = [1, 1]} : vector<400x128xf32> to vector<400x64xf32>
    %swap3A_130 = arith.constant 1 : index
    %swap3A_131 = arith.constant 5 : index
    %swap3A_132 = arith.constant 0 : index
    %swap3A_133 = arith.constant 0 : index
    %swap3A_134 = vector.load %arg4[%swap3A_130, %swap3A_131, %swap3A_132, %swap3A_133] : memref<2x9x400x64xf32, #tpu.memory_space<vmem>>, vector<1x1x400x64xf32>
    %swap3A_135 = vector.shape_cast %swap3A_134 : vector<1x1x400x64xf32> to vector<400x64xf32>
    %swap3A_136 = vector.shape_cast %slice3A_129 : vector<400x64xf32> to vector<1x1x400x64xf32>
    tpu.vector_store %arg4[%swap3A_130, %swap3A_131, %swap3A_132, %swap3A_133], %swap3A_136 {strides = array<i32>} : memref<2x9x400x64xf32, #tpu.memory_space<vmem>>, vector<1x1x400x64xf32>,
    %get3A_137 = arith.constant 6 : index
    %get3A_138 = arith.constant 0 : index
    %get3A_139 = arith.constant 0 : index
    %get3A_140 = vector.load %arg2[%get3A_137, %get3A_138, %get3A_139] : memref<9x128x128xf32, #tpu.memory_space<vmem>>, vector<1x128x128xf32>
    %get3A_141 = vector.shape_cast %get3A_140 : vector<1x128x128xf32> to vector<128x128xf32>
    %dot_general3A_142 = arith.constant dense<0.000000e+00> : vector<400x128xf32>
    %dot_general3A_143 = tpu.matmul %get3A_1, %get3A_141, %dot_general3A_142 {dimension_numbers = #tpu.dot_dimension_numbers<[1], [0], [0], [1], [0, 0, 1, 1], [], []>, transpose_lhs_hint = false} : vector<400x128xf32>, vector<128x128xf32>, vector<400x128xf32> -> vector<400x128xf32>
    %slice3A_144 = vector.extract_strided_slice %dot_general3A_143 {offsets = [0, 0], sizes = [400, 64], strides = [1, 1]} : vector<400x128xf32> to vector<400x64xf32>
    %swap3A_145 = arith.constant 0 : index
    %swap3A_146 = arith.constant 6 : index
    %swap3A_147 = arith.constant 0 : index
    %swap3A_148 = arith.constant 0 : index
    %swap3A_149 = vector.load %arg4[%swap3A_145, %swap3A_146, %swap3A_147, %swap3A_148] : memref<2x9x400x64xf32, #tpu.memory_space<vmem>>, vector<1x1x400x64xf32>
    %swap3A_150 = vector.shape_cast %swap3A_149 : vector<1x1x400x64xf32> to vector<400x64xf32>
    %swap3A_151 = vector.shape_cast %slice3A_144 : vector<400x64xf32> to vector<1x1x400x64xf32>
    tpu.vector_store %arg4[%swap3A_145, %swap3A_146, %swap3A_147, %swap3A_148], %swap3A_151 {strides = array<i32>} : memref<2x9x400x64xf32, #tpu.memory_space<vmem>>, vector<1x1x400x64xf32>,
    %slice3A_152 = vector.extract_strided_slice %dot_general3A_143 {offsets = [0, 64], sizes = [400, 64], strides = [1, 1]} : vector<400x128xf32> to vector<400x64xf32>
    %swap3A_153 = arith.constant 1 : index
    %swap3A_154 = arith.constant 6 : index
    %swap3A_155 = arith.constant 0 : index
    %swap3A_156 = arith.constant 0 : index
    %swap3A_157 = vector.load %arg4[%swap3A_153, %swap3A_154, %swap3A_155, %swap3A_156] : memref<2x9x400x64xf32, #tpu.memory_space<vmem>>, vector<1x1x400x64xf32>
    %swap3A_158 = vector.shape_cast %swap3A_157 : vector<1x1x400x64xf32> to vector<400x64xf32>
    %swap3A_159 = vector.shape_cast %slice3A_152 : vector<400x64xf32> to vector<1x1x400x64xf32>
    tpu.vector_store %arg4[%swap3A_153, %swap3A_154, %swap3A_155, %swap3A_156], %swap3A_159 {strides = array<i32>} : memref<2x9x400x64xf32, #tpu.memory_space<vmem>>, vector<1x1x400x64xf32>,
    %get3A_160 = arith.constant 7 : index
    %get3A_161 = arith.constant 0 : index
    %get3A_162 = arith.constant 0 : index
    %get3A_163 = vector.load %arg2[%get3A_160, %get3A_161, %get3A_162] : memref<9x128x128xf32, #tpu.memory_space<vmem>>, vector<1x128x128xf32>
    %get3A_164 = vector.shape_cast %get3A_163 : vector<1x128x128xf32> to vector<128x128xf32>
    %dot_general3A_165 = arith.constant dense<0.000000e+00> : vector<400x128xf32>
    %dot_general3A_166 = tpu.matmul %get3A_1, %get3A_164, %dot_general3A_165 {dimension_numbers = #tpu.dot_dimension_numbers<[1], [0], [0], [1], [0, 0, 1, 1], [], []>, transpose_lhs_hint = false} : vector<400x128xf32>, vector<128x128xf32>, vector<400x128xf32> -> vector<400x128xf32>
    %slice3A_167 = vector.extract_strided_slice %dot_general3A_166 {offsets = [0, 0], sizes = [400, 64], strides = [1, 1]} : vector<400x128xf32> to vector<400x64xf32>
    %swap3A_168 = arith.constant 0 : index
    %swap3A_169 = arith.constant 7 : index
    %swap3A_170 = arith.constant 0 : index
    %swap3A_171 = arith.constant 0 : index
    %swap3A_172 = vector.load %arg4[%swap3A_168, %swap3A_169, %swap3A_170, %swap3A_171] : memref<2x9x400x64xf32, #tpu.memory_space<vmem>>, vector<1x1x400x64xf32>
    %swap3A_173 = vector.shape_cast %swap3A_172 : vector<1x1x400x64xf32> to vector<400x64xf32>
    %swap3A_174 = vector.shape_cast %slice3A_167 : vector<400x64xf32> to vector<1x1x400x64xf32>
    tpu.vector_store %arg4[%swap3A_168, %swap3A_169, %swap3A_170, %swap3A_171], %swap3A_174 {strides = array<i32>} : memref<2x9x400x64xf32, #tpu.memory_space<vmem>>, vector<1x1x400x64xf32>,
    %slice3A_175 = vector.extract_strided_slice %dot_general3A_166 {offsets = [0, 64], sizes = [400, 64], strides = [1, 1]} : vector<400x128xf32> to vector<400x64xf32>
    %swap3A_176 = arith.constant 1 : index
    %swap3A_177 = arith.constant 7 : index
    %swap3A_178 = arith.constant 0 : index
    %swap3A_179 = arith.constant 0 : index
    %swap3A_180 = vector.load %arg4[%swap3A_176, %swap3A_177, %swap3A_178, %swap3A_179] : memref<2x9x400x64xf32, #tpu.memory_space<vmem>>, vector<1x1x400x64xf32>
    %swap3A_181 = vector.shape_cast %swap3A_180 : vector<1x1x400x64xf32> to vector<400x64xf32>
    %swap3A_182 = vector.shape_cast %slice3A_175 : vector<400x64xf32> to vector<1x1x400x64xf32>
    tpu.vector_store %arg4[%swap3A_176, %swap3A_177, %swap3A_178, %swap3A_179], %swap3A_182 {strides = array<i32>} : memref<2x9x400x64xf32, #tpu.memory_space<vmem>>, vector<1x1x400x64xf32>,
    %get3A_183 = arith.constant 8 : index
    %get3A_184 = arith.constant 0 : index
    %get3A_185 = arith.constant 0 : index
    %get3A_186 = vector.load %arg2[%get3A_183, %get3A_184, %get3A_185] : memref<9x128x128xf32, #tpu.memory_space<vmem>>, vector<1x128x128xf32>
    %get3A_187 = vector.shape_cast %get3A_186 : vector<1x128x128xf32> to vector<128x128xf32>
    %dot_general3A_188 = arith.constant dense<0.000000e+00> : vector<400x128xf32>
    %dot_general3A_189 = tpu.matmul %get3A_1, %get3A_187, %dot_general3A_188 {dimension_numbers = #tpu.dot_dimension_numbers<[1], [0], [0], [1], [0, 0, 1, 1], [], []>, transpose_lhs_hint = false} : vector<400x128xf32>, vector<128x128xf32>, vector<400x128xf32> -> vector<400x128xf32>
    %get3A_190 = arith.constant 0 : index
    %get3A_191 = arith.constant 0 : index
    %get3A_192 = vector.load %arg3[%get3A_190, %get3A_191] : memref<1x128xf32, #tpu.memory_space<vmem>>, vector<1x128xf32>
    %add3A = vector.broadcast %get3A_192 : vector<1x128xf32> to vector<400x128xf32>
    %add3A_193 = arith.addf %dot_general3A_189, %add3A : vector<400x128xf32>
    %slice3A_194 = vector.extract_strided_slice %add3A_193 {offsets = [0, 0], sizes = [400, 64], strides = [1, 1]} : vector<400x128xf32> to vector<400x64xf32>
    %swap3A_195 = arith.constant 0 : index
    %swap3A_196 = arith.constant 8 : index
    %swap3A_197 = arith.constant 0 : index
    %swap3A_198 = arith.constant 0 : index
    %swap3A_199 = vector.load %arg4[%swap3A_195, %swap3A_196, %swap3A_197, %swap3A_198] : memref<2x9x400x64xf32, #tpu.memory_space<vmem>>, vector<1x1x400x64xf32>
    %swap3A_200 = vector.shape_cast %swap3A_199 : vector<1x1x400x64xf32> to vector<400x64xf32>
    %swap3A_201 = vector.shape_cast %slice3A_194 : vector<400x64xf32> to vector<1x1x400x64xf32>
    tpu.vector_store %arg4[%swap3A_195, %swap3A_196, %swap3A_197, %swap3A_198], %swap3A_201 {strides = array<i32>} : memref<2x9x400x64xf32, #tpu.memory_space<vmem>>, vector<1x1x400x64xf32>,
    %slice3A_202 = vector.extract_strided_slice %add3A_193 {offsets = [0, 64], sizes = [400, 64], strides = [1, 1]} : vector<400x128xf32> to vector<400x64xf32>
    %swap3A_203 = arith.constant 1 : index
    %swap3A_204 = arith.constant 8 : index
    %swap3A_205 = arith.constant 0 : index
    %swap3A_206 = arith.constant 0 : index
    %swap3A_207 = vector.load %arg4[%swap3A_203, %swap3A_204, %swap3A_205, %swap3A_206] : memref<2x9x400x64xf32, #tpu.memory_space<vmem>>, vector<1x1x400x64xf32>
    %swap3A_208 = vector.shape_cast %swap3A_207 : vector<1x1x400x64xf32> to vector<400x64xf32>
    %swap3A_209 = vector.shape_cast %slice3A_202 : vector<400x64xf32> to vector<1x1x400x64xf32>
    tpu.vector_store %arg4[%swap3A_203, %swap3A_204, %swap3A_205, %swap3A_206], %swap3A_209 {strides = array<i32>} : memref<2x9x400x64xf32, #tpu.memory_space<vmem>>, vector<1x1x400x64xf32>,
    return
  }
  func.func @transform_0(%arg0: i32) -> (i32, i32) {
    %c0_i32 = arith.constant 0 : i32
    %c0_i32_0 = arith.constant 0 : i32
    return %arg0, %c0_i32 : i32, i32
  }
  func.func @transform_1(%arg0: i32) -> (i32, i32, i32) {
    %c0_i32 = arith.constant 0 : i32
    %c0_i32_0 = arith.constant 0 : i32
    %c0_i32_1 = arith.constant 0 : i32
    %c0_i32_2 = arith.constant 0 : i32
    return %c0_i32, %c0_i32_0, %c0_i32_1 : i32, i32, i32
  }
  func.func @transform_2(%arg0: i32) -> (i32, i32) {
    %c0_i32 = arith.constant 0 : i32
    %c0_i32_0 = arith.constant 0 : i32
    %c0_i32_1 = arith.constant 0 : i32
    return %c0_i32, %c0_i32_0 : i32, i32
  }
  func.func @transform_3(%arg0: i32) -> (i32, i32, i32, i32) {
    %c0_i32 = arith.constant 0 : i32
    %c0_i32_0 = arith.constant 0 : i32
    %c0_i32_1 = arith.constant 0 : i32
    %c0_i32_2 = arith.constant 0 : i32
    return %c0_i32, %c0_i32_0, %arg0, %c0_i32_1 : i32, i32, i32, i32
  }
}

module attributes {stable_mosaic.version = 14 : i64} {
  func.func @_combine_body(%arg0: i32, %arg1: memref<2x400x64xf32, #tpu.memory_space<vmem>>, %arg2: memref<1x128xf32, #tpu.memory_space<vmem>>, %arg3: memref<400x128xf32, #tpu.memory_space<vmem>>) attributes {dimension_semantics = [#tpu.dimension_semantics<arbitrary>], iteration_bounds = array<i64: 25>, scalar_prefetch = 0 : i64, scratch_operands = 0 : i64, tpu.core_type = #tpu.core_type<tc>, window_params = [{transform_indices = @transform_0, window_bounds = array<i64: 2, 400, 64>}, {pipeline_mode = #tpu.pipeline_mode<synchronous>, transform_indices = @transform_1, window_bounds = array<i64: 1, 128>}, {transform_indices = @transform_2, window_bounds = array<i64: 400, 128>}]} {
    %get3A = arith.constant 0 : index
    %get3A_0 = arith.constant 0 : index
    %get3A_1 = arith.constant 0 : index
    %get3A_2 = vector.load %arg1[%get3A, %get3A_0, %get3A_1] : memref<2x400x64xf32, #tpu.memory_space<vmem>>, vector<1x400x64xf32>
    %get3A_3 = vector.shape_cast %get3A_2 : vector<1x400x64xf32> to vector<400x64xf32>
    %get3A_4 = arith.constant 1 : index
    %get3A_5 = arith.constant 0 : index
    %get3A_6 = arith.constant 0 : index
    %get3A_7 = vector.load %arg1[%get3A_4, %get3A_5, %get3A_6] : memref<2x400x64xf32, #tpu.memory_space<vmem>>, vector<1x400x64xf32>
    %get3A_8 = vector.shape_cast %get3A_7 : vector<1x400x64xf32> to vector<400x64xf32>
    %concatenate3A = tpu.concatenate %get3A_3, %get3A_8 in 1 : vector<400x64xf32>, vector<400x64xf32> -> vector<400x128xf32>
    %get3A_9 = arith.constant 0 : index
    %get3A_10 = arith.constant 0 : index
    %get3A_11 = vector.load %arg2[%get3A_9, %get3A_10] : memref<1x128xf32, #tpu.memory_space<vmem>>, vector<1x128xf32>
    %gt3A = arith.constant 0.000000e+00 : f32
    %gt3A_12 = vector.broadcast %gt3A : f32 to vector<1x128xf32>
    %gt3A_13 = arith.cmpf ogt, %get3A_11, %gt3A_12 : vector<1x128xf32>
    %max3A = arith.constant 0.000000e+00 : f32
    %max3A_14 = vector.broadcast %max3A : f32 to vector<400x128xf32>
    %max3A_15 = arith.maximumf %concatenate3A, %max3A_14 : vector<400x128xf32>
    %broadcast_in_dim3A = vector.shape_cast %gt3A_13 : vector<1x128xi1> to vector<1x128xi1>
    %broadcast_in_dim3A_16 = vector.broadcast %broadcast_in_dim3A : vector<1x128xi1> to vector<400x128xi1>
    %select_n3A = arith.select %broadcast_in_dim3A_16, %max3A_15, %concatenate3A : vector<400x128xi1>, vector<400x128xf32>
    %swap3A = arith.constant 0 : index
    %swap3A_17 = arith.constant 0 : index
    %swap3A_18 = vector.load %arg3[%swap3A, %swap3A_17] : memref<400x128xf32, #tpu.memory_space<vmem>>, vector<400x128xf32>
    tpu.vector_store %arg3[%swap3A, %swap3A_17], %select_n3A {strides = array<i32>} : memref<400x128xf32, #tpu.memory_space<vmem>>, vector<400x128xf32>,
    return
  }
  func.func @transform_0(%arg0: i32) -> (i32, i32, i32) {
    %c0_i32 = arith.constant 0 : i32
    %c0_i32_0 = arith.constant 0 : i32
    %c0_i32_1 = arith.constant 0 : i32
    return %c0_i32, %arg0, %c0_i32_0 : i32, i32, i32
  }
  func.func @transform_1(%arg0: i32) -> (i32, i32) {
    %c0_i32 = arith.constant 0 : i32
    %c0_i32_0 = arith.constant 0 : i32
    %c0_i32_1 = arith.constant 0 : i32
    return %c0_i32, %c0_i32_0 : i32, i32
  }
  func.func @transform_2(%arg0: i32) -> (i32, i32) {
    %c0_i32 = arith.constant 0 : i32
    %c0_i32_0 = arith.constant 0 : i32
    return %arg0, %c0_i32 : i32, i32
  }
}

</mosaic_0001>

<sc_bundles>
// kernel: closed_call.21.cloned.1.call-start
scs
__scs_entry_jumppad:
0x0: {  	(pc) =	sbr.rel $0x88, $3  }
0x1: {  	(tag) =	ssettag $0x0;
	lr =	simm.s32 $0x1  }
0x2: {  	[smem:$0x3F98] =	sst lr;
	_ =	strace $0xD0000000  }
0x3: {  	_ = 	snop  }
0x4: {  	_ = 	snop  }
0x5: {  	_ = 	snop  }
0x6: {  	_ = 	snop  }
0x7: {  	_ = 	snop  }
__scs_overlays_trampoline_lowered:
0x8: {  	[smem:$0x3FA7] =	sst s0  }
0x9: {  	[smem:$0x3FA8] =	sst s1  }
0xa: {  	[smem:$0x3FA9] =	sst s2  }
0xb: {  	[smem:$0x3FAA] =	sst s3  }
0xc: {  	[smem:$0x3FAB] =	sst s4  }
0xd: {  	[smem:$0x3FAC] =	sst s5  }
0xe: {  	[smem:$0x3FAD] =	sst s6  }
0xf: {  	[smem:$0x3FAE] =	sst s7  }
0x10: {  	[smem:$0x3FAF] =	sst s8  }
0x11: {  	[smem:$0x3FB0] =	sst s9;
	s0 =	simm.s32 @!p0 $0x0  }
0x12: {  	s1 =	sld [smem:$0x3F96];
	s0 =	simm.s32 @p0 $0x1  }
0x13: {  	[smem:$0x3FB1] =	sst s0;
	s0 =	simm.s32 @!p1 $0x0  }
0x14: {  	s2 =	sld [smem:$0x3F95];
	s0 =	simm.s32 @p1 $0x1  }
0x15: {  	[smem:$0x3FB2] =	sst s0;
	s0 =	simm.s32 @!p2 $0x0  }
0x16: {  	s3 =	sld [smem:$0x3FDB];
	s0 =	simm.s32 @p2 $0x1  }
0x17: {  	s4 =	simm.s32 $0x1BF5;
	[smem:$0x3FB4] =	sst s0  }
0x18: {  	s0 =	sld [smem:$0x3F97];
	_ =	swait.ge [sflag:s4], $0x0  }
0x19: {  	s7 =	sld [smem:$0x3F98]  }
0x1a: {  	s8 =	sadd.s32 $0xFFFFE003, lr  }
0x1b: {  	s9 =	sadd.s32 $0xFFFFFEF7, lr;
	s5 =	simm.s32 $0xFFFFFFFF;
	p2 =	slt.u32 s8, $0xFFFFF086  }
0x1c: {  	p1 =	slt.u32 s9, $0xF7A;
	s5 =	simm.s32 @!p2 $0x0  }
0x1d: {  	s5 =	simm.s32 @p1 $0x1;
	p0 =	seq.s32 s7, s2  }
0x1e: {  	s7 =	smul.u32 @!p0 $0xF7A, s2;
	p2 =	seq.s32 @!p0 s5, $0x0  }
0x1f: {  	s9 =	smul.u32 $0xF7A, s1;
	s8 =	simm.s32 @!p0 $0x1BF5;
	p2 =	por !p2, p0  }
0x20: {  	[sflag:s8] =	ssyncset.s32 @!p0 $0xFFFFF086;
	s6 =	sadd.s32 @!p0 s3, s7;
	s7 =	simm.s32 @!p0 $0x108  }
0x21: {  	s3 =	sadd.s32 s3, s9;
	s6 =	sadd.s32 @!p0 $0x88, s6;
	s7 =	simm.s32 @p2 $0x1082  }
0x22: {  	[simem:s7], [sflag:s8] =	dma.local @!p0 [hbm:s6], $0xF7A  }
0x23: {  	s9 =	sor.u32 $0xD0000000, s2;
	s6 =	simm.s32 $0x108;
	_ =	swait.ge @!p0 [sflag:s8], $0x0  }
0x24: {  	s3 =	sadd.s32 $0x88, s3;
	s6 =	simm.s32 @!p1 $0x1082;
	[sflag:s4] =	ssyncset.s32 $0xFFFFF086  }
0x25: {  	[simem:s6], [sflag:s4] =	dma.local [hbm:s3], $0xF7A  }
0x26: {  	[smem:$0x3F98] =	sst s1;
	(tag) =	ssettag s2;
	_ =	strace s9  }
0x27: {  	s1 =	sld [smem:$0x3FA8]  }
0x28: {  	s2 =	sld [smem:$0x3FA9]  }
0x29: {  	s4 =	sld [smem:$0x3FAB]  }
0x2a: {  	p0 =	seq.s32 s5, $0x0;
	s5 =	sld [smem:$0x3FAC]  }
0x2b: {  	s6 =	sld [smem:$0x3FAD]  }
0x2c: {  	s7 =	sld [smem:$0x3FAE]  }
0x2d: {  	s3 =	simm.s32 $0x108;
	s8 =	sld [smem:$0x3FAF]  }
0x2e: {  	s3 =	simm.s32 @!p0 $0x1082;
	s9 =	sld [smem:$0x3FB0]  }
0x2f: {  	lr =	sadd.s32 s0, s3;
	s0 =	sld [smem:$0x3FA7]  }
0x30: {  	s3 =	sld [smem:$0x3FAA]  }
0x31: {  	[smem:$0x3FB3] =	sst s10  }
0x32: {  	s10 =	sld [smem:$0x3FB1];
	_ =	sdelay $0x3  }
0x33: {  	p0 =	seq.s32 s10, $0x1;
	s10 =	sld [smem:$0x3FB3];
	_ =	sdelay $0x3  }
0x34: {  	[smem:$0x3FB3] =	sst s10  }
0x35: {  	s10 =	sld [smem:$0x3FB2];
	_ =	sdelay $0x3  }
0x36: {  	p1 =	seq.s32 s10, $0x1;
	s10 =	sld [smem:$0x3FB3];
	_ =	sdelay $0x3  }
0x37: {  	[smem:$0x3FB3] =	sst s10  }
0x38: {  	s10 =	sld [smem:$0x3FB4]  }
0x39: {  	_ = 	snop;
	(pc) =	sbr.ind lr, $3  }
0x3a: {  	_ = 	snop  }
0x3b: {  	_ = 	snop  }
0x3c: {  	p2 =	seq.s32 s10, $0x1;
	s10 =	sld [smem:$0x3FB3]  }
0x3d: {  	_ =	shalt  }
0x3e: {  	_ =	shalt  }
0x3f: {  	_ =	shalt  }
0x40: {  	_ =	shalt  }
0x41: {  	_ =	shalt  }
0x42: {  	_ =	shalt  }
0x43: {  	_ =	shalt  }
0x44: {  	_ =	shalt  }
0x45: {  	_ =	shalt  }
0x46: {  	_ =	shalt  }
0x47: {  	_ =	shalt  }
0x48: {  	_ =	shalt  }
0x49: {  	_ =	shalt  }
0x4a: {  	_ =	shalt  }
0x4b: {  	_ =	shalt  }
0x4c: {  	_ =	shalt  }
0x4d: {  	_ =	shalt  }
0x4e: {  	_ =	shalt  }
0x4f: {  	_ =	shalt  }
0x50: {  	_ =	shalt  }
0x51: {  	_ =	shalt  }
0x52: {  	_ =	shalt  }
0x53: {  	_ =	shalt  }
0x54: {  	_ =	shalt  }
0x55: {  	_ =	shalt  }
0x56: {  	_ =	shalt  }
0x57: {  	_ =	shalt  }
0x58: {  	_ =	shalt  }
0x59: {  	_ =	shalt  }
0x5a: {  	_ =	shalt  }
0x5b: {  	_ =	shalt  }
0x5c: {  	_ =	shalt  }
0x5d: {  	_ =	shalt  }
0x5e: {  	_ =	shalt  }
0x5f: {  	_ =	shalt  }
0x60: {  	_ =	shalt  }
0x61: {  	_ =	shalt  }
0x62: {  	_ =	shalt  }
0x63: {  	_ =	shalt  }
0x64: {  	_ =	shalt  }
0x65: {  	_ =	shalt  }
0x66: {  	_ =	shalt  }
0x67: {  	_ =	shalt  }
0x68: {  	_ =	shalt  }
0x69: {  	_ =	shalt  }
0x6a: {  	_ =	shalt  }
0x6b: {  	_ =	shalt  }
0x6c: {  	_ =	shalt  }
0x6d: {  	_ =	shalt  }
0x6e: {  	_ =	shalt  }
0x6f: {  	_ =	shalt  }
0x70: {  	_ =	shalt  }
0x71: {  	_ =	shalt  }
0x72: {  	_ =	shalt  }
0x73: {  	_ =	shalt  }
0x74: {  	_ =	shalt  }
0x75: {  	_ =	shalt  }
0x76: {  	_ =	shalt  }
0x77: {  	_ =	shalt  }
0x78: {  	_ =	shalt  }
0x79: {  	_ =	shalt  }
0x7a: {  	_ =	shalt  }
0x7b: {  	_ =	shalt  }
0x7c: {  	_ =	shalt  }
0x7d: {  	_ =	shalt  }
0x7e: {  	_ =	shalt  }
0x7f: {  	_ =	shalt  }
0x80: {  	_ =	shalt  }
0x81: {  	_ =	shalt  }
0x82: {  	_ =	shalt  }
0x83: {  	_ =	shalt  }
0x84: {  	_ =	shalt  }
0x85: {  	_ =	shalt  }
0x86: {  	_ =	shalt  }
0x87: {  	_ =	shalt  }
.Lfunc_end0:
.L_simem_size_0:
called_computation_lowered:
.L_overlay_start_0:
0x88: {  	s2 =	sld [smem:$0x3FD9]  }
0x89: {  	s3 =	sld [smem:$0x3FFE];
	_ =	sdelay $0x1  }
0x8a: {  	s1 =	srdreg.scid  }
0x8b: {  	s0 =	sand.u32 $0x1, s1  }
0x8c: {  	s17 =	sshll.u32 s0, $0xA;
	s2 =	sadd.s32 s3, s2  }
0x8d: {  	s2 =	sadd.s32 s2, s17  }
0x8e: {  	[smem:$0x3FBF] =	sst s2  }
0x8f: {  	_ = 	snop  }
0x90: {  	s2 =	sld [smem:$0x3FD0];
	(tm) =	ssettm $0x1  }
0x91: {  	s18 =	sld [smem:$0x3FFB];
	_ =	sdelay $0x3  }
0x92: {  	_ =	strace s18  }
0x93: {  	s3 =	sld [smem:$0x3FFC];
	_ =	sdelay $0x3  }
0x94: {  	_ =	strace s3  }
0x95: {  	s3 =	sld [smem:$0x3FFD];
	_ =	sdelay $0x3  }
0x96: {  	_ =	strace s3  }
0x97: {  	_ =	strace $0x8FFFFFFF  }
0x98: {  	s19 =	sld [smem:$0x3FDB];
	_ =	sdelay $0x1  }
0x99: {  	s4 =	simm.s32 $_scs_section_size  }
0x9a: {  	s5 =	simm.s32 $_size__tile_overlayer_lowered;
	s6 =	simm.s32 $_tile_overlayer_lowered  }
0x9b: {  	s22 =	simm.s32 $0x1BFF;
	s21 =	sshll.u32 s6, $0x1;
	s3 =	sadd.s32 s4, s19  }
0x9c: {  	s7 =	simm.s32 $0x0;
	s20 =	sshll.u32 s5, $0x1;
	s5 =	sadd.s32 s21, s3  }
0x9d: {  	[timem:s7], [sflag:s22] =	dma.local [hbm:s5], s20  }
0x9e: {  	_ =	swait.ge [sflag:s22], s20  }
0x9f: {  	s4 =	ssub.s32 $0x0, s20;
	[sflag:s22] =	ssyncset.done $0x0  }
0xa0: {  	[sflag:s22] =	ssyncadd.s32 s4;
	_ =	sdelay $0x1  }
0xa1: {  	s23 =	simm.s32 $0x1B8B  }
0xa2: {  	_ =	swait.ge [sflag:s23], $0x1  }
0xa3: {  	[sflag:s23] =	ssyncset.done $0x0  }
0xa4: {  	s25 =	simm.s32 $0x1B8E;
	s24 =	sld [smem:$0x3FFE];
	[sflag:s23] =	ssyncadd.s32 $0xFFFFFFFF  }
0xa5: {  	s26 =	simm.s32 $execute0_lowered;
	[smem:$0x3FD2] =	sst s25  }
0xa6: {  	s5 =	sshll.u32 s26, $0x1;
	_ =	strace $0x8000004C;
	[dreg:$0x1] =	wrdreg $0xFFFFFFFF  }
0xa7: {  	s28 =	simm.s32 $_size_execute0_lowered;
	s3 =	sadd.s32 s3, s5;
	[dreg:$0x0] =	wrdreg $0x0  }
0xa8: {  	s5 =	sshll.u32 s28, $0x1;
	[dreg:$0x2] =	wrdreg s3  }
0xa9: {  	[dreg:$0x3] =	wrdreg s5  }
0xaa: {  	[dreg:$0x4] =	wrdreg $0xC0  }
0xab: {  	_ =	task [dreg:s7], $0x5FFFF  }
0xac: {  	[dreg:$0x1] =	wrdreg $0xFFFFFFFF  }
0xad: {  	[dreg:$0x0] =	wrdreg $0x60  }
0xae: {  	[dreg:$0x2] =	wrdreg s24  }
0xaf: {  	[dreg:$0x3] =	wrdreg s2  }
0xb0: {  	[dreg:$0x4] =	wrdreg $0xD6100  }
0xb1: {  	[dreg:$0x5] =	wrdreg $0x9  }
0xb2: {  	_ =	task.clear_ibuf [dreg:s7], $0x6FFFF;
	_ =	strace $0x9000004C  }
0xb3: {  	s29 =	simm.s32 $0x9;
	_ =	strace $0x8000004E  }
0xb4: {  	_ =	swait.ge [sflag:s29], $0x1  }
0xb5: {  	[sflag:s29] =	ssyncadd.s32 $0xFFFFFFFF  }
0xb6: {  	_ =	strace $0x9000004E  }
0xb7: {  	_ =	sfence  }
0xb8: {  	s30 =	sld [smem:$0x0];
	_ =	sdelay $0x2  }
0xb9: {  	s31 =	sshll.u32 s1, $0xD;
	s1 =	sshrl.u32 s1, $0x2  }
0xba: {  	s3 =	sand.u32 $0x4000, s31;
	s1 =	sadd.s32 s1, s30  }
0xbb: {  	s0 =	sor.u32 s3, s0;
	s1 =	sshll.u32 s1, $0x11  }
0xbc: {  	s0 =	sor.u32 s1, s0  }
0xbd: {  	s0 =	sadd.s32 $0x8F2B, s0  }
0xbe: {  	[sflag:s0] =	ssyncadd.remote.s32 $0x1  }
0xbf: {  	_ =	sfence.sel $0xFFFF  }
0xc0: {  	[dreg:$0x0] =	wrdreg $0xFFFFFFFF;
	(pc) =	sbr.abs _section_cstart, $3  }
0xc1: {  	[dreg:$0x1] =	wrdreg $0xFFFFFFFF  }
0xc2: {  	_ =	task.clear_ibuf [dreg:s7], $0x2FFFF;
	_ =	strace $0x9FFFFFFF  }
0xc3: {  	(tm) =	ssettm $0x7FFFFFFF  }
tec
execute0_lowered:
.L_overlay_start_1:
0x0: {  	(tag) =	ssettag $0x1  }
0x1: {  	s0 =	rddreg [dreg:$0x0]  }
0x2: {  	s2 =	rddreg [dreg:$0x1]  }
0x3: {  	s3 =	rddreg [dreg:$0x2]  }
0x4: {  	s1 =	srdreg.scid;
	s11 =	stileid.u32  }
0x5: {  	s5 =	simm.s32 $0x0;
	s1 =	sand.u32 $0x1, s1;
	s4 =	smul.u32 $0xA000, s11  }
0x6: {  	[smem:$0x7FF] =	sst s5;
	s5 =	sadd.s32 $0x300C00, s0;
	s7 =	smul.u32 $0xA0000, s1  }
0x7: {  	s6 =	sadd.s32 $0x3200, s0;
	s8 =	sadd.s32 $0xFA00, s0;
	s13 =	sshll.u32 s11, $0x6  }
0x8: {  	s9 =	smul.u32 $0x4E200, s1;
	s1 =	ssub.s32 $0x2, s1;
	s7 =	sadd.s32 s4, s7  }
0x9: {  	s12 =	sshrl.u32 s1, $0x1;
	s10 =	sshrl.u32 s7, $0x3;
	s7 =	smul.u32 $0x4E20, s11  }
0xa: {  	_ =	strace $0x8000004D;
	s1 =	ssub.s32 s1, s12;
	s4 =	sadd.s32 s4, s3  }
0xb: {  	s12 =	sor.u32 $0x1C08, s13;
	[dreg:$0x4] =	wrdreg s4;
	s14 =	sshrl.u32 s7, $0x3  }
0xc: {  	[dreg:$0x5] =	wrdreg s12;
	s0 =	sadd.s32 s10, s0;
	s25 =	sadd.s32 s6, s14  }
0xd: {  	s15 =	sadd.s32 $0x32, s14;
	s26 =	sadd.s32 s8, s14;
	[dreg:$0x11] =	wrdreg s25  }
0xe: {  	s10 =	sadd.s32 s7, s9;
	s16 =	sadd.s32 s6, s15;
	[dreg:$0x12] =	wrdreg s26  }
0xf: {  	s17 =	sadd.s32 $0x64, s14;
	s4 =	sadd.s32 s8, s15;
	[dreg:$0x7] =	wrdreg s16  }
0x10: {  	s19 =	sadd.s32 $0x8CA, s14;
	s18 =	sadd.s32 s6, s17;
	[dreg:$0x8] =	wrdreg s4  }
0x11: {  	s21 =	sadd.s32 $0x8FC, s14;
	s20 =	sadd.s32 s6, s19;
	[dreg:$0x9] =	wrdreg s18  }
0x12: {  	s23 =	sadd.s32 $0x92E, s14;
	s22 =	sadd.s32 s6, s21;
	[dreg:$0xb] =	wrdreg s20  }
0x13: {  	s9 =	sshrl.u32 s10, $0x3;
	s24 =	sadd.s32 s6, s23;
	[dreg:$0xd] =	wrdreg s22  }
0x14: {  	s13 =	sadd.s32 s2, s9;
	[dreg:$0xf] =	wrdreg s24  }
0x15: {  	s9 =	sadd.s32 $0x960, s14;
	s4 =	sadd.s32 s8, s17;
	[dreg:$0x6] =	wrdreg s13  }
0x16: {  	s14 =	sadd.s32 $0x992, s14;
	s15 =	sadd.s32 s6, s9;
	[dreg:$0xa] =	wrdreg s4  }
0x17: {  	s16 =	sadd.s32 s6, s14;
	[dreg:$0x13] =	wrdreg s15  }
0x18: {  	s28 =	simm.s32 $0x320;
	s17 =	sadd.s32 s8, s14;
	[dreg:$0x15] =	wrdreg s16  }
0x19: {  	s29 =	simm.s32 $0x7D0;
	s18 =	sadd.s32 $0x2D8C00, s0;
	[dreg:$0x16] =	wrdreg s17  }
0x1a: {  	s30 =	simm.s32 $0xC80;
	s0 =	sadd.s32 $0x19A00, s0;
	[dreg:$0x17] =	wrdreg s18  }
0x1b: {  	s31 =	simm.s32 $0x7210;
	s20 =	sadd.s32 $0x32, s13;
	[dreg:$0x18] =	wrdreg s0  }
0x1c: {  	s11 =	simm.s32 $0x8;
	s22 =	sadd.s32 $0x8CA, s13;
	[dreg:$0x1a] =	wrdreg s20  }
0x1d: {  	s24 =	sadd.s32 $0x92E, s13;
	s25 =	sadd.s32 $0x960, s13;
	[dreg:$0x1c] =	wrdreg s22  }
0x1e: {  	s26 =	sadd.s32 $0x992, s13;
	s14 =	simm.s32 $0x7;
	[dreg:$0x1e] =	wrdreg s24  }
0x1f: {  	s4 =	sadd.s32 s8, s19;
	s19 =	smax.u32 s1, $0x1;
	[dreg:$0x1f] =	wrdreg s25  }
0x20: {  	[smem:$0x7FD] =	sst s26;
	s20 =	simm.s32 $0x960;
	s22 =	simm.s32 $0x640  }
0x21: {  	s24 =	simm.s32 $0x1;
	s25 =	simm.s32 $0xE10;
	s26 =	simm.s32 $0x2  }
0x22: {  	s0 =	simm.s32 $0x4;
	s1 =	simm.s32 $0x3;
	[dreg:$0xc] =	wrdreg s4  }
0x23: {  	s15 =	simm.s32 $0x0;
	s4 =	sadd.s32 s8, s21;
	[dreg:$0x19] =	wrdreg s19  }
0x24: {  	s17 =	simm.s32 $0x0;
	s21 =	sadd.s32 $0x64, s13;
	[dreg:$0xe] =	wrdreg s4  }
0x25: {  	s19 =	simm.s32 $0x4B0;
	s4 =	sadd.s32 s8, s23;
	[dreg:$0x1b] =	wrdreg s21  }
0x26: {  	s23 =	sadd.s32 $0x8FC, s13;
	s21 =	simm.s32 $0x190;
	[dreg:$0x10] =	wrdreg s4  }
0x27: {  	s13 =	simm.s32 $0x5;
	s4 =	sadd.s32 s8, s9;
	[dreg:$0x1d] =	wrdreg s23  }
0x28: {  	s23 =	simm.s32 $0xAF0;
	s9 =	simm.s32 $0x6;
	[dreg:$0x14] =	wrdreg s4  }
.LBB2_1:
0x29: {  	[smem:$0x7FB] =	sst s15  }
0x2a: {  	s4 =	rddreg [dreg:$0x4]  }
0x2b: {  	s18 =	rddreg [dreg:$0x17];
	s16 =	sshrl.u32 s4, $0x3  }
0x2c: {  	[smem:$0x7FC] =	sst s16  }
0x2d: {  	[spmem:s16], [sflag:s12] =	dma.local [hbm:s18], $0x1400  }
0x2e: {  	_ =	swait.ge [sflag:s11], $0x1400  }
0x2f: {  	[sflag:s11] =	ssyncset.done $0x0  }
0x30: {  	[sflag:s11] =	ssyncadd.s32 $0xFFFFEC00  }
0x31: {  	[bflag:$0x0] =	sbarrier.arrive $0xFFFF  }
0x32: {  	s4 =	simm.s32 $0x0;
	s16 =	rddreg [dreg:$0x6]  }
0x33: {  	[tilespmem:s4], [sflag:$0x1] =	stream.linear.gather [hbm4b:s16+s4], $0x190, $0x38;
	[tilespmem:$0x17610] =	vst v63  }
0x34: {  	s18 =	rddreg [dreg:$0x11]  }
0x35: {  	[tilespmem:s19], [sflag:$0x1] =	stream.linear.gather [hbm4b:s18+s4], $0x190, $0x38;
	[tilespmem:$0x17610] =	vst v63  }
0x36: {  	s12 =	rddreg [dreg:$0x12]  }
0x37: {  	[tilespmem:s20], [sflag:$0x1] =	stream.linear.gather [hbm4b:s12+s4], $0x190, $0x38;
	[tilespmem:$0x17610] =	vst v63  }
0x38: {  	s15 =	rddreg [dreg:$0x1a]  }
0x39: {  	[tilespmem:s21], [sflag:$0x2] =	stream.linear.gather [hbm4b:s15+s4], $0x190, $0x38;
	[tilespmem:$0x17610] =	vst v63  }
0x3a: {  	s16 =	rddreg [dreg:$0x7]  }
0x3b: {  	[tilespmem:s22], [sflag:$0x2] =	stream.linear.gather [hbm4b:s16+s4], $0x190, $0x38;
	[tilespmem:$0x17610] =	vst v63  }
0x3c: {  	s18 =	rddreg [dreg:$0x8]  }
0x3d: {  	[tilespmem:s23], [sflag:$0x2] =	stream.linear.gather [hbm4b:s18+s4], $0x190, $0x38;
	[tilespmem:$0x17610] =	vst v63  }
0x3e: {  	_ =	swait.ge [sflag:s24], $0x190  }
0x3f: {  	[sflag:s24] =	ssyncset.done $0x0  }
0x40: {  	[sflag:s24] =	ssyncadd.s32 $0xFFFFFE70  }
0x41: {  	_ =	swait.ge [sflag:s24], $0x190  }
0x42: {  	[sflag:s24] =	ssyncset.done $0x0  }
0x43: {  	[sflag:s24] =	ssyncadd.s32 $0xFFFFFE70  }
0x44: {  	_ =	swait.ge [sflag:s24], $0x190  }
0x45: {  	[sflag:s24] =	ssyncset.done $0x0  }
0x46: {  	[sflag:s24] =	ssyncadd.s32 $0xFFFFFE70  }
0x47: {  	[tilespmem:s25], [sflag:$0x4] =	stream.indirect.gather [hbm4b:s5+s21], $0x40, s4, s21, $0xb8;
	[tilespmem:$0x17610] =	vst v63  }
0x48: {  	_ =	swait.ge [sflag:s26], $0x190  }
0x49: {  	[sflag:s26] =	ssyncset.done $0x0  }
0x4a: {  	[sflag:s26] =	ssyncadd.s32 $0xFFFFFE70  }
0x4b: {  	_ =	swait.ge [sflag:s26], $0x190  }
0x4c: {  	[sflag:s26] =	ssyncset.done $0x0  }
0x4d: {  	[sflag:s26] =	ssyncadd.s32 $0xFFFFFE70  }
0x4e: {  	_ =	swait.ge [sflag:s26], $0x190  }
0x4f: {  	[sflag:s26] =	ssyncset.done $0x0  }
0x50: {  	s12 =	rddreg [dreg:$0x1b];
	[sflag:s26] =	ssyncadd.s32 $0xFFFFFE70  }
0x51: {  	[tilespmem:s28], [sflag:$0x3] =	stream.linear.gather [hbm4b:s12+s4], $0x190, $0x38;
	[tilespmem:$0x17610] =	vst v63  }
0x52: {  	s15 =	rddreg [dreg:$0x9]  }
0x53: {  	[tilespmem:s29], [sflag:$0x3] =	stream.linear.gather [hbm4b:s15+s4], $0x190, $0x38;
	[tilespmem:$0x17610] =	vst v63  }
0x54: {  	s16 =	rddreg [dreg:$0xa]  }
0x55: {  	[tilespmem:s30], [sflag:$0x3] =	stream.linear.gather [hbm4b:s16+s4], $0x190, $0x38;
	[tilespmem:$0x17610] =	vst v63  }
0x56: {  	_ = 	snop  }
0x57: {  	[tilespmem:s31], [sflag:$0x5] =	stream.indirect.gather [hbm4b:s5+s21], $0x40, s21, s21, $0xb8;
	[tilespmem:$0x17610] =	vst v63  }
0x58: {  	v0 =	vmov s4;
	_ =	swait.ge [sflag:s0], $0x6400  }
0x59: {  	[sflag:s0] =	ssyncset.done $0x0  }
0x5a: {  	s11 =	simm.s32 $0xE30;
	[sflag:s0] =	ssyncadd.s32 $0xFFFF9C00  }
0x5b: {  	v2 =	vld [tilespmem:s11+$0xFFFFFFF0]  }
0x5c: {  	v3 =	vld [tilespmem:s11+$0x10]  }
0x5d: {  	v5 =	vld.idx.msk [tilespmem:v0+s20+$0x0], $0xffff  }
0x5e: {  	v0 =	vld [tilespmem:s11+$0xFFFFFFE0]  }
0x5f: {  	v6 =	vld [tilespmem:s11+$0x0];
	_ =	sdelay $0x3  }
0x60: {  	s18 =	simm.s32 $0x1;
	v1 =	vmul.f32 v0, v5;
	v4 =	vmul.f32 v3, v5  }
0x61: {  	s12 =	simm.s32 $0x2;
	s16 =	simm.s32 $0xE30;
	v0 =	vmov s18;
	v3 =	vmul.f32 v2, v5;
	v2 =	vmul.f32 v6, v5  }
.LBB2_2:
0x62: {  	p0 =	sne.s32 s12, $0x18F  }
0x63: {  	[tilespmem:s11+$0x10] =	vst v4;
	s16 =	sadd.s32 $0x40, s16;
	s4 =	smov.u32 s12;
	s12 =	sadd.s32 $0x1, s12  }
0x64: {  	[tilespmem:s11+$0xFFFFFFE0] =	vst v1  }
0x65: {  	v5 =	vld [tilespmem:s16+$0xFFFFFFF0];
	[tilespmem:s11+$0xFFFFFFF0] =	vst v3  }
0x66: {  	v3 =	vld [tilespmem:s16+$0x10];
	[tilespmem:s11+$0x0] =	vst v2;
	s11 =	smov.u32 s16  }
0x67: {  	v2 =	vld.idx.msk [tilespmem:v0+s20+$0x0], $0xffff  }
0x68: {  	v0 =	vld [tilespmem:s16+$0xFFFFFFE0]  }
0x69: {  	v6 =	vld [tilespmem:s16+$0x0]  }
.Ltmp0:
0x6a: {  	(pc) =	sbr.rel @p0 .LBB2_2-.Ltmp0, $3  }
0x6b: {  	_ =	sdelay $0x1  }
0x6c: {  	v4 =	vmul.f32 v3, v2;
	v1 =	vmul.f32 v0, v2  }
0x6d: {  	v3 =	vmul.f32 v5, v2;
	v0 =	vmov s4;
	v2 =	vmul.f32 v6, v2  }
0x6e: {  	[tilespmem:s11+$0x10] =	vst v4  }
0x6f: {  	s4 =	sadd.s32 $0x40, s16;
	[tilespmem:s11+$0xFFFFFFE0] =	vst v1  }
0x70: {  	v1 =	vld [tilespmem:s4+$0xFFFFFFF0];
	[tilespmem:s11+$0xFFFFFFF0] =	vst v3  }
0x71: {  	v3 =	vld [tilespmem:s4+$0x10];
	[tilespmem:s11+$0x0] =	vst v2  }
0x72: {  	v0 =	vld.idx.msk [tilespmem:v0+s20+$0x0], $0xffff  }
0x73: {  	v2 =	vld [tilespmem:s4+$0xFFFFFFE0];
	_ =	sdelay $0x1  }
0x74: {  	v4 =	vld [tilespmem:s4+$0x0];
	_ =	sdelay $0x1  }
0x75: {  	v3 =	vmul.f32 v3, v0  }
0x76: {  	v2 =	vmul.f32 v2, v0  }
0x77: {  	v1 =	vmul.f32 v1, v0;
	[tilespmem:s4+$0x10] =	vst v3  }
0x78: {  	v0 =	vmul.f32 v4, v0;
	[tilespmem:s4+$0xFFFFFFE0] =	vst v2  }
0x79: {  	[tilespmem:s4+$0xFFFFFFF0] =	vst v1  }
0x7a: {  	s12 =	simm.s32 $0x0;
	[tilespmem:s4+$0x0] =	vst v0  }
0x7b: {  	[spmem:s3] =	stream.indirect.scatter.add.f32 [tilespmem:s25], [sflag:$0x6], $0x40, s19, s21, $0xb8;
	[tilespmem:$0x17610] =	vst v63  }
.LBB2_4:
0x7c: {  	_ =	swait.ge [sflag:s1], $0x190  }
0x7d: {  	[sflag:s1] =	ssyncset.done $0x0  }
0x7e: {  	[sflag:s1] =	ssyncadd.s32 $0xFFFFFE70  }
0x7f: {  	_ =	swait.ge [sflag:s1], $0x190  }
0x80: {  	[sflag:s1] =	ssyncset.done $0x0  }
0x81: {  	[sflag:s1] =	ssyncadd.s32 $0xFFFFFE70  }
0x82: {  	s11 =	smul.u32 $0x960, s12;
	_ =	swait.ge [sflag:s1], $0x190  }
0x83: {  	[sflag:s1] =	ssyncset.done $0x0  }
0x84: {  	s4 =	sadd.s32 $0x4B0, s11;
	[sflag:s1] =	ssyncadd.s32 $0xFFFFFE70  }
0x85: {  	s16 =	sadd.s32 s10, s4;
	_ =	swait.ge [sflag:s9], $0x6400  }
0x86: {  	s4 =	sadd.s32 s7, s4;
	s16 =	sshrl.u32 s16, $0x3;
	[sflag:s9] =	ssyncset.done $0x0  }
0x87: {  	s4 =	sshrl.u32 s4, $0x3;
	s16 =	sadd.s32 s2, s16;
	[sflag:s9] =	ssyncadd.s32 $0xFFFF9C00  }
0x88: {  	[tilespmem:s17], [sflag:$0x1] =	stream.linear.gather [hbm4b:s16+s17], $0x190, $0x38;
	[tilespmem:$0x17610] =	vst v63  }
0x89: {  	s18 =	sadd.s32 s6, s4  }
0x8a: {  	[tilespmem:s19], [sflag:$0x1] =	stream.linear.gather [hbm4b:s18+s17], $0x190, $0x38;
	[tilespmem:$0x17610] =	vst v63  }
0x8b: {  	s4 =	sadd.s32 s8, s4  }
0x8c: {  	[tilespmem:s20], [sflag:$0x1] =	stream.linear.gather [hbm4b:s4+s17], $0x190, $0x38;
	[tilespmem:$0x17610] =	vst v63  }
0x8d: {  	_ = 	snop  }
0x8e: {  	[tilespmem:s25], [sflag:$0x4] =	stream.indirect.gather [hbm4b:s5+s21], $0x40, s28, s21, $0xb8;
	[tilespmem:$0x17610] =	vst v63  }
0x8f: {  	v0 =	vmov s17;
	_ =	swait.ge [sflag:s13], $0x6400  }
0x90: {  	[sflag:s13] =	ssyncset.done $0x0  }
0x91: {  	s18 =	simm.s32 $0x7230;
	[sflag:s13] =	ssyncadd.s32 $0xFFFF9C00  }
0x92: {  	v2 =	vld [tilespmem:s18+$0xFFFFFFF0]  }
0x93: {  	v3 =	vld [tilespmem:s18+$0x10]  }
0x94: {  	v5 =	vld.idx.msk [tilespmem:v0+s23+$0x0], $0xffff  }
0x95: {  	v0 =	vld [tilespmem:s18+$0xFFFFFFE0]  }
0x96: {  	v6 =	vld [tilespmem:s18+$0x0];
	_ =	sdelay $0x3  }
0x97: {  	s15 =	simm.s32 $0x1;
	v1 =	vmul.f32 v0, v5;
	v4 =	vmul.f32 v3, v5  }
0x98: {  	s16 =	simm.s32 $0x2;
	s4 =	simm.s32 $0x7230;
	v0 =	vmov s15;
	v3 =	vmul.f32 v2, v5;
	v2 =	vmul.f32 v6, v5  }
.LBB2_5:
0x99: {  	p0 =	sne.s32 s16, $0x18F  }
0x9a: {  	[tilespmem:s18+$0x10] =	vst v4;
	s4 =	sadd.s32 $0x40, s4;
	s15 =	smov.u32 s16;
	s16 =	sadd.s32 $0x1, s16  }
0x9b: {  	[tilespmem:s18+$0xFFFFFFE0] =	vst v1  }
0x9c: {  	v5 =	vld [tilespmem:s4+$0xFFFFFFF0];
	[tilespmem:s18+$0xFFFFFFF0] =	vst v3  }
0x9d: {  	v3 =	vld [tilespmem:s4+$0x10];
	[tilespmem:s18+$0x0] =	vst v2;
	s18 =	smov.u32 s4  }
0x9e: {  	v2 =	vld.idx.msk [tilespmem:v0+s23+$0x0], $0xffff  }
0x9f: {  	v0 =	vld [tilespmem:s4+$0xFFFFFFE0]  }
0xa0: {  	v6 =	vld [tilespmem:s4+$0x0]  }
.Ltmp1:
0xa1: {  	(pc) =	sbr.rel @p0 .LBB2_5-.Ltmp1, $3  }
0xa2: {  	_ =	sdelay $0x1  }
0xa3: {  	v4 =	vmul.f32 v3, v2;
	v1 =	vmul.f32 v0, v2  }
0xa4: {  	v3 =	vmul.f32 v5, v2;
	v0 =	vmov s15;
	v2 =	vmul.f32 v6, v2  }
0xa5: {  	[tilespmem:s18+$0x10] =	vst v4  }
0xa6: {  	s4 =	sadd.s32 $0x40, s4;
	[tilespmem:s18+$0xFFFFFFE0] =	vst v1  }
0xa7: {  	v1 =	vld [tilespmem:s4+$0xFFFFFFF0];
	[tilespmem:s18+$0xFFFFFFF0] =	vst v3  }
0xa8: {  	v3 =	vld [tilespmem:s4+$0x10];
	[tilespmem:s18+$0x0] =	vst v2  }
0xa9: {  	v0 =	vld.idx.msk [tilespmem:v0+s23+$0x0], $0xffff  }
0xaa: {  	v2 =	vld [tilespmem:s4+$0xFFFFFFE0];
	_ =	sdelay $0x1  }
0xab: {  	v4 =	vld [tilespmem:s4+$0x0];
	_ =	sdelay $0x1  }
0xac: {  	v3 =	vmul.f32 v3, v0  }
0xad: {  	v2 =	vmul.f32 v2, v0  }
0xae: {  	v1 =	vmul.f32 v1, v0;
	[tilespmem:s4+$0x10] =	vst v3  }
0xaf: {  	v0 =	vmul.f32 v4, v0;
	[tilespmem:s4+$0xFFFFFFE0] =	vst v2  }
0xb0: {  	[tilespmem:s4+$0xFFFFFFF0] =	vst v1  }
0xb1: {  	[tilespmem:s4+$0x0] =	vst v0  }
0xb2: {  	[spmem:s3] =	stream.indirect.scatter.add.f32 [tilespmem:s31], [sflag:$0x7], $0x40, s22, s21, $0xb8;
	[tilespmem:$0x17610] =	vst v63  }
0xb3: {  	_ =	swait.ge [sflag:s24], $0x190  }
0xb4: {  	[sflag:s24] =	ssyncset.done $0x0  }
0xb5: {  	[sflag:s24] =	ssyncadd.s32 $0xFFFFFE70  }
0xb6: {  	_ =	swait.ge [sflag:s24], $0x190  }
0xb7: {  	[sflag:s24] =	ssyncset.done $0x0  }
0xb8: {  	[sflag:s24] =	ssyncadd.s32 $0xFFFFFE70  }
0xb9: {  	_ =	swait.ge [sflag:s24], $0x190  }
0xba: {  	s16 =	sadd.s32 $0x640, s11;
	[sflag:s24] =	ssyncset.done $0x0  }
0xbb: {  	s15 =	sadd.s32 s10, s16;
	[sflag:s24] =	ssyncadd.s32 $0xFFFFFE70  }
0xbc: {  	s15 =	sshrl.u32 s15, $0x3;
	_ =	swait.ge [sflag:s14], $0x6400  }
0xbd: {  	s15 =	sadd.s32 s2, s15;
	s4 =	sadd.s32 s7, s16;
	[sflag:s14] =	ssyncset.done $0x0  }
0xbe: {  	s16 =	simm.s32 $0x0;
	s4 =	sshrl.u32 s4, $0x3;
	[sflag:s14] =	ssyncadd.s32 $0xFFFF9C00  }
0xbf: {  	[tilespmem:s21], [sflag:$0x2] =	stream.linear.gather [hbm4b:s15+s16], $0x190, $0x38;
	[tilespmem:$0x17610] =	vst v63  }
0xc0: {  	s18 =	sadd.s32 s6, s4  }
0xc1: {  	[tilespmem:s22], [sflag:$0x2] =	stream.linear.gather [hbm4b:s18+s16], $0x190, $0x38;
	[tilespmem:$0x17610] =	vst v63  }
0xc2: {  	s4 =	sadd.s32 s8, s4  }
0xc3: {  	[tilespmem:s23], [sflag:$0x2] =	stream.linear.gather [hbm4b:s4+s16], $0x190, $0x38;
	[tilespmem:$0x17610] =	vst v63  }
0xc4: {  	_ = 	snop  }
0xc5: {  	[tilespmem:s31], [sflag:$0x5] =	stream.indirect.gather [hbm4b:s5+s21], $0x40, s16, s21, $0xb8;
	[tilespmem:$0x17610] =	vst v63  }
0xc6: {  	v0 =	vmov s16;
	_ =	swait.ge [sflag:s0], $0x6400  }
0xc7: {  	[sflag:s0] =	ssyncset.done $0x0  }
0xc8: {  	s18 =	simm.s32 $0xE30;
	[sflag:s0] =	ssyncadd.s32 $0xFFFF9C00  }
0xc9: {  	v2 =	vld [tilespmem:s18+$0xFFFFFFF0]  }
0xca: {  	v3 =	vld [tilespmem:s18+$0x10]  }
0xcb: {  	v5 =	vld.idx.msk [tilespmem:v0+s30+$0x0], $0xffff  }
0xcc: {  	v0 =	vld [tilespmem:s18+$0xFFFFFFE0]  }
0xcd: {  	v6 =	vld [tilespmem:s18+$0x0];
	_ =	sdelay $0x3  }
0xce: {  	s15 =	simm.s32 $0x1;
	v1 =	vmul.f32 v0, v5;
	v4 =	vmul.f32 v3, v5  }
0xcf: {  	s4 =	simm.s32 $0xE30;
	s16 =	simm.s32 $0x2;
	v0 =	vmov s15;
	v3 =	vmul.f32 v2, v5;
	v2 =	vmul.f32 v6, v5  }
.LBB2_7:
0xd0: {  	p0 =	sne.s32 s16, $0x18F  }
0xd1: {  	[tilespmem:s18+$0x10] =	vst v4;
	s4 =	sadd.s32 $0x40, s4;
	s15 =	smov.u32 s16;
	s16 =	sadd.s32 $0x1, s16  }
0xd2: {  	[tilespmem:s18+$0xFFFFFFE0] =	vst v1  }
0xd3: {  	v5 =	vld [tilespmem:s4+$0xFFFFFFF0];
	[tilespmem:s18+$0xFFFFFFF0] =	vst v3  }
0xd4: {  	v3 =	vld [tilespmem:s4+$0x10];
	[tilespmem:s18+$0x0] =	vst v2;
	s18 =	smov.u32 s4  }
0xd5: {  	v2 =	vld.idx.msk [tilespmem:v0+s30+$0x0], $0xffff  }
0xd6: {  	v0 =	vld [tilespmem:s4+$0xFFFFFFE0]  }
0xd7: {  	v6 =	vld [tilespmem:s4+$0x0]  }
.Ltmp2:
0xd8: {  	(pc) =	sbr.rel @p0 .LBB2_7-.Ltmp2, $3  }
0xd9: {  	_ =	sdelay $0x1  }
0xda: {  	v4 =	vmul.f32 v3, v2;
	v1 =	vmul.f32 v0, v2  }
0xdb: {  	v3 =	vmul.f32 v5, v2;
	v0 =	vmov s15;
	v2 =	vmul.f32 v6, v2  }
0xdc: {  	[tilespmem:s18+$0x10] =	vst v4  }
0xdd: {  	s4 =	sadd.s32 $0x40, s4;
	[tilespmem:s18+$0xFFFFFFE0] =	vst v1  }
0xde: {  	v1 =	vld [tilespmem:s4+$0xFFFFFFF0];
	[tilespmem:s18+$0xFFFFFFF0] =	vst v3  }
0xdf: {  	v3 =	vld [tilespmem:s4+$0x10];
	[tilespmem:s18+$0x0] =	vst v2  }
0xe0: {  	v0 =	vld.idx.msk [tilespmem:v0+s30+$0x0], $0xffff  }
0xe1: {  	v2 =	vld [tilespmem:s4+$0xFFFFFFE0];
	_ =	sdelay $0x1  }
0xe2: {  	v4 =	vld [tilespmem:s4+$0x0];
	_ =	sdelay $0x1  }
0xe3: {  	v3 =	vmul.f32 v3, v0  }
0xe4: {  	v2 =	vmul.f32 v2, v0  }
0xe5: {  	v1 =	vmul.f32 v1, v0;
	[tilespmem:s4+$0x10] =	vst v3  }
0xe6: {  	v0 =	vmul.f32 v4, v0;
	[tilespmem:s4+$0xFFFFFFE0] =	vst v2  }
0xe7: {  	[tilespmem:s4+$0xFFFFFFF0] =	vst v1  }
0xe8: {  	[tilespmem:s4+$0x0] =	vst v0  }
0xe9: {  	[spmem:s3] =	stream.indirect.scatter.add.f32 [tilespmem:s25], [sflag:$0x6], $0x40, s29, s21, $0xb8;
	[tilespmem:$0x17610] =	vst v63  }
0xea: {  	_ =	swait.ge [sflag:s26], $0x190  }
0xeb: {  	[sflag:s26] =	ssyncset.done $0x0  }
0xec: {  	[sflag:s26] =	ssyncadd.s32 $0xFFFFFE70  }
0xed: {  	_ =	swait.ge [sflag:s26], $0x190  }
0xee: {  	[sflag:s26] =	ssyncset.done $0x0  }
0xef: {  	[sflag:s26] =	ssyncadd.s32 $0xFFFFFE70  }
0xf0: {  	_ =	swait.ge [sflag:s26], $0x190  }
0xf1: {  	s16 =	sadd.s32 $0x7D0, s11;
	[sflag:s26] =	ssyncset.done $0x0  }
0xf2: {  	s15 =	sadd.s32 s10, s16;
	[sflag:s26] =	ssyncadd.s32 $0xFFFFFE70  }
0xf3: {  	s15 =	sshrl.u32 s15, $0x3;
	_ =	swait.ge [sflag:s9], $0x6400  }
0xf4: {  	s15 =	sadd.s32 s2, s15;
	s4 =	sadd.s32 s7, s16;
	[sflag:s9] =	ssyncset.done $0x0  }
0xf5: {  	s16 =	simm.s32 $0x0;
	s4 =	sshrl.u32 s4, $0x3;
	[sflag:s9] =	ssyncadd.s32 $0xFFFF9C00  }
0xf6: {  	[tilespmem:s28], [sflag:$0x3] =	stream.linear.gather [hbm4b:s15+s16], $0x190, $0x38;
	[tilespmem:$0x17610] =	vst v63  }
0xf7: {  	s18 =	sadd.s32 s6, s4  }
0xf8: {  	[tilespmem:s29], [sflag:$0x3] =	stream.linear.gather [hbm4b:s18+s16], $0x190, $0x38;
	[tilespmem:$0x17610] =	vst v63  }
0xf9: {  	s4 =	sadd.s32 s8, s4  }
0xfa: {  	[tilespmem:s30], [sflag:$0x3] =	stream.linear.gather [hbm4b:s4+s16], $0x190, $0x38;
	[tilespmem:$0x17610] =	vst v63  }
0xfb: {  	_ = 	snop  }
0xfc: {  	[tilespmem:s25], [sflag:$0x4] =	stream.indirect.gather [hbm4b:s5+s21], $0x40, s21, s21, $0xb8;
	[tilespmem:$0x17610] =	vst v63  }
0xfd: {  	v0 =	vmov s16;
	_ =	swait.ge [sflag:s13], $0x6400  }
0xfe: {  	[sflag:s13] =	ssyncset.done $0x0  }
0xff: {  	s18 =	simm.s32 $0x7230;
	[sflag:s13] =	ssyncadd.s32 $0xFFFF9C00  }
0x100: {  	v2 =	vld [tilespmem:s18+$0xFFFFFFF0]  }
0x101: {  	v3 =	vld [tilespmem:s18+$0x10]  }
0x102: {  	v5 =	vld.idx.msk [tilespmem:v0+s20+$0x0], $0xffff  }
0x103: {  	v0 =	vld [tilespmem:s18+$0xFFFFFFE0]  }
0x104: {  	v6 =	vld [tilespmem:s18+$0x0];
	_ =	sdelay $0x3  }
0x105: {  	s15 =	simm.s32 $0x1;
	v1 =	vmul.f32 v0, v5;
	v4 =	vmul.f32 v3, v5  }
0x106: {  	s16 =	simm.s32 $0x2;
	s4 =	simm.s32 $0x7230;
	v0 =	vmov s15;
	v3 =	vmul.f32 v2, v5;
	v2 =	vmul.f32 v6, v5  }
.LBB2_9:
0x107: {  	p0 =	sne.s32 s16, $0x18F  }
0x108: {  	[tilespmem:s18+$0x10] =	vst v4;
	s4 =	sadd.s32 $0x40, s4;
	s15 =	smov.u32 s16;
	s16 =	sadd.s32 $0x1, s16  }
0x109: {  	[tilespmem:s18+$0xFFFFFFE0] =	vst v1  }
0x10a: {  	v5 =	vld [tilespmem:s4+$0xFFFFFFF0];
	[tilespmem:s18+$0xFFFFFFF0] =	vst v3  }
0x10b: {  	v3 =	vld [tilespmem:s4+$0x10];
	[tilespmem:s18+$0x0] =	vst v2;
	s18 =	smov.u32 s4  }
0x10c: {  	v2 =	vld.idx.msk [tilespmem:v0+s20+$0x0], $0xffff  }
0x10d: {  	v0 =	vld [tilespmem:s4+$0xFFFFFFE0]  }
0x10e: {  	v6 =	vld [tilespmem:s4+$0x0]  }
.Ltmp3:
0x10f: {  	(pc) =	sbr.rel @p0 .LBB2_9-.Ltmp3, $3  }
0x110: {  	_ =	sdelay $0x1  }
0x111: {  	v4 =	vmul.f32 v3, v2;
	v1 =	vmul.f32 v0, v2  }
0x112: {  	v3 =	vmul.f32 v5, v2;
	v0 =	vmov s15;
	v2 =	vmul.f32 v6, v2  }
0x113: {  	[tilespmem:s18+$0x10] =	vst v4  }
0x114: {  	s4 =	sadd.s32 $0x40, s4;
	[tilespmem:s18+$0xFFFFFFE0] =	vst v1  }
0x115: {  	v1 =	vld [tilespmem:s4+$0xFFFFFFF0];
	[tilespmem:s18+$0xFFFFFFF0] =	vst v3  }
0x116: {  	v3 =	vld [tilespmem:s4+$0x10];
	[tilespmem:s18+$0x0] =	vst v2  }
0x117: {  	v0 =	vld.idx.msk [tilespmem:v0+s20+$0x0], $0xffff  }
0x118: {  	v2 =	vld [tilespmem:s4+$0xFFFFFFE0];
	_ =	sdelay $0x1  }
0x119: {  	v4 =	vld [tilespmem:s4+$0x0];
	_ =	sdelay $0x1  }
0x11a: {  	v3 =	vmul.f32 v3, v0  }
0x11b: {  	v2 =	vmul.f32 v2, v0  }
0x11c: {  	v1 =	vmul.f32 v1, v0;
	[tilespmem:s4+$0x10] =	vst v3  }
0x11d: {  	v0 =	vmul.f32 v4, v0;
	[tilespmem:s4+$0xFFFFFFE0] =	vst v2  }
0x11e: {  	[tilespmem:s4+$0xFFFFFFF0] =	vst v1  }
0x11f: {  	[tilespmem:s4+$0x0] =	vst v0  }
0x120: {  	[spmem:s3] =	stream.indirect.scatter.add.f32 [tilespmem:s31], [sflag:$0x7], $0x40, s19, s21, $0xb8;
	[tilespmem:$0x17610] =	vst v63  }
0x121: {  	_ =	swait.ge [sflag:s1], $0x190  }
0x122: {  	[sflag:s1] =	ssyncset.done $0x0  }
0x123: {  	[sflag:s1] =	ssyncadd.s32 $0xFFFFFE70  }
0x124: {  	_ =	swait.ge [sflag:s1], $0x190  }
0x125: {  	[sflag:s1] =	ssyncset.done $0x0  }
0x126: {  	[sflag:s1] =	ssyncadd.s32 $0xFFFFFE70  }
0x127: {  	_ =	swait.ge [sflag:s1], $0x190  }
0x128: {  	s16 =	sadd.s32 $0x960, s11;
	[sflag:s1] =	ssyncset.done $0x0  }
0x129: {  	s15 =	sadd.s32 s10, s16;
	[sflag:s1] =	ssyncadd.s32 $0xFFFFFE70  }
0x12a: {  	s15 =	sshrl.u32 s15, $0x3;
	_ =	swait.ge [sflag:s14], $0x6400  }
0x12b: {  	s15 =	sadd.s32 s2, s15;
	s4 =	sadd.s32 s7, s16;
	[sflag:s14] =	ssyncset.done $0x0  }
0x12c: {  	s16 =	simm.s32 $0x0;
	s4 =	sshrl.u32 s4, $0x3;
	[sflag:s14] =	ssyncadd.s32 $0xFFFF9C00  }
0x12d: {  	[tilespmem:s16], [sflag:$0x1] =	stream.linear.gather [hbm4b:s15+s16], $0x190, $0x38;
	[tilespmem:$0x17610] =	vst v63  }
0x12e: {  	s18 =	sadd.s32 s6, s4  }
0x12f: {  	[tilespmem:s19], [sflag:$0x1] =	stream.linear.gather [hbm4b:s18+s16], $0x190, $0x38;
	[tilespmem:$0x17610] =	vst v63  }
0x130: {  	s4 =	sadd.s32 s8, s4  }
0x131: {  	[tilespmem:s20], [sflag:$0x1] =	stream.linear.gather [hbm4b:s4+s16], $0x190, $0x38;
	[tilespmem:$0x17610] =	vst v63  }
0x132: {  	_ = 	snop  }
0x133: {  	[tilespmem:s31], [sflag:$0x5] =	stream.indirect.gather [hbm4b:s5+s21], $0x40, s28, s21, $0xb8;
	[tilespmem:$0x17610] =	vst v63  }
0x134: {  	v0 =	vmov s16;
	_ =	swait.ge [sflag:s0], $0x6400  }
0x135: {  	[sflag:s0] =	ssyncset.done $0x0  }
0x136: {  	s18 =	simm.s32 $0xE30;
	[sflag:s0] =	ssyncadd.s32 $0xFFFF9C00  }
0x137: {  	v2 =	vld [tilespmem:s18+$0xFFFFFFF0]  }
0x138: {  	v3 =	vld [tilespmem:s18+$0x10]  }
0x139: {  	v5 =	vld.idx.msk [tilespmem:v0+s23+$0x0], $0xffff  }
0x13a: {  	v0 =	vld [tilespmem:s18+$0xFFFFFFE0]  }
0x13b: {  	v6 =	vld [tilespmem:s18+$0x0];
	_ =	sdelay $0x3  }
0x13c: {  	s15 =	simm.s32 $0x1;
	v1 =	vmul.f32 v0, v5;
	v4 =	vmul.f32 v3, v5  }
0x13d: {  	s16 =	simm.s32 $0x2;
	s4 =	simm.s32 $0xE30;
	v0 =	vmov s15;
	v3 =	vmul.f32 v2, v5;
	v2 =	vmul.f32 v6, v5  }
.LBB2_11:
0x13e: {  	p0 =	sne.s32 s16, $0x18F  }
0x13f: {  	[tilespmem:s18+$0x10] =	vst v4;
	s4 =	sadd.s32 $0x40, s4;
	s15 =	smov.u32 s16;
	s16 =	sadd.s32 $0x1, s16  }
0x140: {  	[tilespmem:s18+$0xFFFFFFE0] =	vst v1  }
0x141: {  	v5 =	vld [tilespmem:s4+$0xFFFFFFF0];
	[tilespmem:s18+$0xFFFFFFF0] =	vst v3  }
0x142: {  	v3 =	vld [tilespmem:s4+$0x10];
	[tilespmem:s18+$0x0] =	vst v2;
	s18 =	smov.u32 s4  }
0x143: {  	v2 =	vld.idx.msk [tilespmem:v0+s23+$0x0], $0xffff  }
0x144: {  	v0 =	vld [tilespmem:s4+$0xFFFFFFE0]  }
0x145: {  	v6 =	vld [tilespmem:s4+$0x0]  }
.Ltmp4:
0x146: {  	(pc) =	sbr.rel @p0 .LBB2_11-.Ltmp4, $3  }
0x147: {  	_ =	sdelay $0x1  }
0x148: {  	v4 =	vmul.f32 v3, v2;
	v1 =	vmul.f32 v0, v2  }
0x149: {  	v3 =	vmul.f32 v5, v2;
	v0 =	vmov s15;
	v2 =	vmul.f32 v6, v2  }
0x14a: {  	[tilespmem:s18+$0x10] =	vst v4  }
0x14b: {  	s4 =	sadd.s32 $0x40, s4;
	[tilespmem:s18+$0xFFFFFFE0] =	vst v1  }
0x14c: {  	v1 =	vld [tilespmem:s4+$0xFFFFFFF0];
	[tilespmem:s18+$0xFFFFFFF0] =	vst v3  }
0x14d: {  	v3 =	vld [tilespmem:s4+$0x10];
	[tilespmem:s18+$0x0] =	vst v2  }
0x14e: {  	v0 =	vld.idx.msk [tilespmem:v0+s23+$0x0], $0xffff  }
0x14f: {  	v2 =	vld [tilespmem:s4+$0xFFFFFFE0];
	_ =	sdelay $0x1  }
0x150: {  	v4 =	vld [tilespmem:s4+$0x0];
	_ =	sdelay $0x1  }
0x151: {  	v3 =	vmul.f32 v3, v0  }
0x152: {  	v2 =	vmul.f32 v2, v0  }
0x153: {  	v1 =	vmul.f32 v1, v0;
	[tilespmem:s4+$0x10] =	vst v3  }
0x154: {  	v0 =	vmul.f32 v4, v0;
	[tilespmem:s4+$0xFFFFFFE0] =	vst v2  }
0x155: {  	[tilespmem:s4+$0xFFFFFFF0] =	vst v1  }
0x156: {  	[tilespmem:s4+$0x0] =	vst v0  }
0x157: {  	[spmem:s3] =	stream.indirect.scatter.add.f32 [tilespmem:s25], [sflag:$0x6], $0x40, s22, s21, $0xb8;
	[tilespmem:$0x17610] =	vst v63  }
0x158: {  	_ =	swait.ge [sflag:s24], $0x190  }
0x159: {  	[sflag:s24] =	ssyncset.done $0x0  }
0x15a: {  	[sflag:s24] =	ssyncadd.s32 $0xFFFFFE70  }
0x15b: {  	_ =	swait.ge [sflag:s24], $0x190  }
0x15c: {  	[sflag:s24] =	ssyncset.done $0x0  }
0x15d: {  	[sflag:s24] =	ssyncadd.s32 $0xFFFFFE70  }
0x15e: {  	_ =	swait.ge [sflag:s24], $0x190  }
0x15f: {  	s16 =	sadd.s32 $0xAF0, s11;
	[sflag:s24] =	ssyncset.done $0x0  }
0x160: {  	s15 =	sadd.s32 s10, s16;
	[sflag:s24] =	ssyncadd.s32 $0xFFFFFE70  }
0x161: {  	s15 =	sshrl.u32 s15, $0x3;
	_ =	swait.ge [sflag:s9], $0x6400  }
0x162: {  	s15 =	sadd.s32 s2, s15;
	s4 =	sadd.s32 s7, s16;
	[sflag:s9] =	ssyncset.done $0x0  }
0x163: {  	s16 =	simm.s32 $0x0;
	s4 =	sshrl.u32 s4, $0x3;
	[sflag:s9] =	ssyncadd.s32 $0xFFFF9C00  }
0x164: {  	[tilespmem:s21], [sflag:$0x2] =	stream.linear.gather [hbm4b:s15+s16], $0x190, $0x38;
	[tilespmem:$0x17610] =	vst v63  }
0x165: {  	s18 =	sadd.s32 s6, s4  }
0x166: {  	[tilespmem:s22], [sflag:$0x2] =	stream.linear.gather [hbm4b:s18+s16], $0x190, $0x38;
	[tilespmem:$0x17610] =	vst v63  }
0x167: {  	s4 =	sadd.s32 s8, s4  }
0x168: {  	[tilespmem:s23], [sflag:$0x2] =	stream.linear.gather [hbm4b:s4+s16], $0x190, $0x38;
	[tilespmem:$0x17610] =	vst v63  }
0x169: {  	_ = 	snop  }
0x16a: {  	[tilespmem:s25], [sflag:$0x4] =	stream.indirect.gather [hbm4b:s5+s21], $0x40, s16, s21, $0xb8;
	[tilespmem:$0x17610] =	vst v63  }
0x16b: {  	v0 =	vmov s16;
	_ =	swait.ge [sflag:s13], $0x6400  }
0x16c: {  	[sflag:s13] =	ssyncset.done $0x0  }
0x16d: {  	s18 =	simm.s32 $0x7230;
	[sflag:s13] =	ssyncadd.s32 $0xFFFF9C00  }
0x16e: {  	v2 =	vld [tilespmem:s18+$0xFFFFFFF0]  }
0x16f: {  	v3 =	vld [tilespmem:s18+$0x10]  }
0x170: {  	v5 =	vld.idx.msk [tilespmem:v0+s30+$0x0], $0xffff  }
0x171: {  	v0 =	vld [tilespmem:s18+$0xFFFFFFE0]  }
0x172: {  	v6 =	vld [tilespmem:s18+$0x0];
	_ =	sdelay $0x3  }
0x173: {  	s15 =	simm.s32 $0x1;
	v1 =	vmul.f32 v0, v5;
	v4 =	vmul.f32 v3, v5  }
0x174: {  	s4 =	simm.s32 $0x7230;
	s16 =	simm.s32 $0x2;
	v0 =	vmov s15;
	v3 =	vmul.f32 v2, v5;
	v2 =	vmul.f32 v6, v5  }
.LBB2_13:
0x175: {  	p0 =	sne.s32 s16, $0x18F  }
0x176: {  	[tilespmem:s18+$0x10] =	vst v4;
	s4 =	sadd.s32 $0x40, s4;
	s15 =	smov.u32 s16;
	s16 =	sadd.s32 $0x1, s16  }
0x177: {  	[tilespmem:s18+$0xFFFFFFE0] =	vst v1  }
0x178: {  	v5 =	vld [tilespmem:s4+$0xFFFFFFF0];
	[tilespmem:s18+$0xFFFFFFF0] =	vst v3  }
0x179: {  	v3 =	vld [tilespmem:s4+$0x10];
	[tilespmem:s18+$0x0] =	vst v2;
	s18 =	smov.u32 s4  }
0x17a: {  	v2 =	vld.idx.msk [tilespmem:v0+s30+$0x0], $0xffff  }
0x17b: {  	v0 =	vld [tilespmem:s4+$0xFFFFFFE0]  }
0x17c: {  	v6 =	vld [tilespmem:s4+$0x0]  }
.Ltmp5:
0x17d: {  	(pc) =	sbr.rel @p0 .LBB2_13-.Ltmp5, $3  }
0x17e: {  	_ =	sdelay $0x1  }
0x17f: {  	v4 =	vmul.f32 v3, v2;
	v1 =	vmul.f32 v0, v2  }
0x180: {  	v3 =	vmul.f32 v5, v2;
	v0 =	vmov s15;
	v2 =	vmul.f32 v6, v2  }
0x181: {  	[tilespmem:s18+$0x10] =	vst v4  }
0x182: {  	s4 =	sadd.s32 $0x40, s4;
	[tilespmem:s18+$0xFFFFFFE0] =	vst v1  }
0x183: {  	v1 =	vld [tilespmem:s4+$0xFFFFFFF0];
	[tilespmem:s18+$0xFFFFFFF0] =	vst v3  }
0x184: {  	v3 =	vld [tilespmem:s4+$0x10];
	[tilespmem:s18+$0x0] =	vst v2  }
0x185: {  	v0 =	vld.idx.msk [tilespmem:v0+s30+$0x0], $0xffff  }
0x186: {  	v2 =	vld [tilespmem:s4+$0xFFFFFFE0];
	_ =	sdelay $0x1  }
0x187: {  	v4 =	vld [tilespmem:s4+$0x0];
	_ =	sdelay $0x1  }
0x188: {  	v3 =	vmul.f32 v3, v0  }
0x189: {  	v2 =	vmul.f32 v2, v0  }
0x18a: {  	v1 =	vmul.f32 v1, v0;
	[tilespmem:s4+$0x10] =	vst v3  }
0x18b: {  	v0 =	vmul.f32 v4, v0;
	[tilespmem:s4+$0xFFFFFFE0] =	vst v2  }
0x18c: {  	[tilespmem:s4+$0xFFFFFFF0] =	vst v1  }
0x18d: {  	[tilespmem:s4+$0x0] =	vst v0  }
0x18e: {  	[spmem:s3] =	stream.indirect.scatter.add.f32 [tilespmem:s31], [sflag:$0x7], $0x40, s29, s21, $0xb8;
	[tilespmem:$0x17610] =	vst v63  }
0x18f: {  	_ =	swait.ge [sflag:s26], $0x190  }
0x190: {  	[sflag:s26] =	ssyncset.done $0x0  }
0x191: {  	[sflag:s26] =	ssyncadd.s32 $0xFFFFFE70  }
0x192: {  	_ =	swait.ge [sflag:s26], $0x190  }
0x193: {  	[sflag:s26] =	ssyncset.done $0x0  }
0x194: {  	[sflag:s26] =	ssyncadd.s32 $0xFFFFFE70  }
0x195: {  	_ =	swait.ge [sflag:s26], $0x190  }
0x196: {  	s15 =	sadd.s32 $0xC80, s11;
	[sflag:s26] =	ssyncset.done $0x0  }
0x197: {  	s11 =	sadd.s32 s10, s15;
	[sflag:s26] =	ssyncadd.s32 $0xFFFFFE70  }
0x198: {  	s11 =	sshrl.u32 s11, $0x3;
	_ =	swait.ge [sflag:s14], $0x6400  }
0x199: {  	s11 =	sadd.s32 s2, s11;
	s4 =	sadd.s32 s7, s15;
	[sflag:s14] =	ssyncset.done $0x0  }
0x19a: {  	s15 =	simm.s32 $0x0;
	s4 =	sshrl.u32 s4, $0x3;
	[sflag:s14] =	ssyncadd.s32 $0xFFFF9C00  }
0x19b: {  	[tilespmem:s28], [sflag:$0x3] =	stream.linear.gather [hbm4b:s11+s15], $0x190, $0x38;
	[tilespmem:$0x17610] =	vst v63  }
0x19c: {  	s16 =	sadd.s32 s6, s4  }
0x19d: {  	[tilespmem:s29], [sflag:$0x3] =	stream.linear.gather [hbm4b:s16+s15], $0x190, $0x38;
	[tilespmem:$0x17610] =	vst v63  }
0x19e: {  	s4 =	sadd.s32 s8, s4  }
0x19f: {  	[tilespmem:s30], [sflag:$0x3] =	stream.linear.gather [hbm4b:s4+s15], $0x190, $0x38;
	[tilespmem:$0x17610] =	vst v63  }
0x1a0: {  	_ = 	snop  }
0x1a1: {  	[tilespmem:s31], [sflag:$0x5] =	stream.indirect.gather [hbm4b:s5+s21], $0x40, s21, s21, $0xb8;
	[tilespmem:$0x17610] =	vst v63  }
0x1a2: {  	v0 =	vmov s15;
	_ =	swait.ge [sflag:s0], $0x6400  }
0x1a3: {  	[sflag:s0] =	ssyncset.done $0x0  }
0x1a4: {  	s11 =	simm.s32 $0xE30;
	[sflag:s0] =	ssyncadd.s32 $0xFFFF9C00  }
0x1a5: {  	v2 =	vld [tilespmem:s11+$0xFFFFFFF0]  }
0x1a6: {  	v3 =	vld [tilespmem:s11+$0x10]  }
0x1a7: {  	v5 =	vld.idx.msk [tilespmem:v0+s20+$0x0], $0xffff  }
0x1a8: {  	v0 =	vld [tilespmem:s11+$0xFFFFFFE0]  }
0x1a9: {  	v6 =	vld [tilespmem:s11+$0x0];
	_ =	sdelay $0x3  }
0x1aa: {  	s18 =	simm.s32 $0x1;
	v1 =	vmul.f32 v0, v5;
	v4 =	vmul.f32 v3, v5  }
0x1ab: {  	s16 =	simm.s32 $0x2;
	s4 =	simm.s32 $0xE30;
	v0 =	vmov s18;
	v3 =	vmul.f32 v2, v5;
	v2 =	vmul.f32 v6, v5  }
.LBB2_15:
0x1ac: {  	p0 =	sne.s32 s16, $0x18F  }
0x1ad: {  	[tilespmem:s11+$0x10] =	vst v4;
	s4 =	sadd.s32 $0x40, s4;
	s15 =	smov.u32 s16;
	s16 =	sadd.s32 $0x1, s16  }
0x1ae: {  	[tilespmem:s11+$0xFFFFFFE0] =	vst v1  }
0x1af: {  	v5 =	vld [tilespmem:s4+$0xFFFFFFF0];
	[tilespmem:s11+$0xFFFFFFF0] =	vst v3  }
0x1b0: {  	v3 =	vld [tilespmem:s4+$0x10];
	[tilespmem:s11+$0x0] =	vst v2;
	s11 =	smov.u32 s4  }
0x1b1: {  	v2 =	vld.idx.msk [tilespmem:v0+s20+$0x0], $0xffff  }
0x1b2: {  	v0 =	vld [tilespmem:s4+$0xFFFFFFE0]  }
0x1b3: {  	v6 =	vld [tilespmem:s4+$0x0]  }
.Ltmp6:
0x1b4: {  	(pc) =	sbr.rel @p0 .LBB2_15-.Ltmp6, $3  }
0x1b5: {  	_ =	sdelay $0x1  }
0x1b6: {  	v4 =	vmul.f32 v3, v2;
	v1 =	vmul.f32 v0, v2  }
0x1b7: {  	v3 =	vmul.f32 v5, v2;
	v0 =	vmov s15;
	v2 =	vmul.f32 v6, v2  }
0x1b8: {  	[tilespmem:s11+$0x10] =	vst v4  }
0x1b9: {  	s4 =	sadd.s32 $0x40, s4;
	[tilespmem:s11+$0xFFFFFFE0] =	vst v1  }
0x1ba: {  	v1 =	vld [tilespmem:s4+$0xFFFFFFF0];
	[tilespmem:s11+$0xFFFFFFF0] =	vst v3  }
0x1bb: {  	v3 =	vld [tilespmem:s4+$0x10];
	[tilespmem:s11+$0x0] =	vst v2  }
0x1bc: {  	v0 =	vld.idx.msk [tilespmem:v0+s20+$0x0], $0xffff  }
0x1bd: {  	v2 =	vld [tilespmem:s4+$0xFFFFFFE0];
	_ =	sdelay $0x1  }
0x1be: {  	v4 =	vld [tilespmem:s4+$0x0];
	_ =	sdelay $0x1  }
0x1bf: {  	s12 =	sadd.s32 $0x1, s12;
	v3 =	vmul.f32 v3, v0  }
0x1c0: {  	p0 =	sne.s32 s12, $0x7;
	v2 =	vmul.f32 v2, v0  }
.Ltmp7:
0x1c1: {  	v1 =	vmul.f32 v1, v0;
	[tilespmem:s4+$0x10] =	vst v3;
	(pc) =	sbr.rel @p0 .LBB2_4-.Ltmp7, $4  }
0x1c2: {  	v0 =	vmul.f32 v4, v0;
	[tilespmem:s4+$0xFFFFFFE0] =	vst v2  }
0x1c3: {  	[tilespmem:s4+$0xFFFFFFF0] =	vst v1  }
0x1c4: {  	[tilespmem:s4+$0x0] =	vst v0  }
0x1c5: {  	[spmem:s3] =	stream.indirect.scatter.add.f32 [tilespmem:s25], [sflag:$0x6], $0x40, s19, s21, $0xb8;
	[tilespmem:$0x17610] =	vst v63  }
0x1c6: {  	_ =	swait.ge [sflag:s1], $0x190  }
0x1c7: {  	[sflag:s1] =	ssyncset.done $0x0  }
0x1c8: {  	[sflag:s1] =	ssyncadd.s32 $0xFFFFFE70  }
0x1c9: {  	_ =	swait.ge [sflag:s1], $0x190  }
0x1ca: {  	[sflag:s1] =	ssyncset.done $0x0  }
0x1cb: {  	[sflag:s1] =	ssyncadd.s32 $0xFFFFFE70  }
0x1cc: {  	_ =	swait.ge [sflag:s1], $0x190  }
0x1cd: {  	[sflag:s1] =	ssyncset.done $0x0  }
0x1ce: {  	[sflag:s1] =	ssyncadd.s32 $0xFFFFFE70  }
0x1cf: {  	_ =	swait.ge [sflag:s9], $0x6400  }
0x1d0: {  	[sflag:s9] =	ssyncset.done $0x0  }
0x1d1: {  	s4 =	simm.s32 $0x0;
	s11 =	rddreg [dreg:$0x1c];
	[sflag:s9] =	ssyncadd.s32 $0xFFFF9C00  }
0x1d2: {  	[tilespmem:s4], [sflag:$0x1] =	stream.linear.gather [hbm4b:s11+s4], $0x190, $0x38;
	[tilespmem:$0x17610] =	vst v63  }
0x1d3: {  	s15 =	rddreg [dreg:$0xb]  }
0x1d4: {  	[tilespmem:s19], [sflag:$0x1] =	stream.linear.gather [hbm4b:s15+s4], $0x190, $0x38;
	[tilespmem:$0x17610] =	vst v63  }
0x1d5: {  	s16 =	rddreg [dreg:$0xc]  }
0x1d6: {  	[tilespmem:s20], [sflag:$0x1] =	stream.linear.gather [hbm4b:s16+s4], $0x190, $0x38;
	[tilespmem:$0x17610] =	vst v63  }
0x1d7: {  	_ = 	snop  }
0x1d8: {  	[tilespmem:s25], [sflag:$0x4] =	stream.indirect.gather [hbm4b:s5+s21], $0x40, s28, s21, $0xb8;
	[tilespmem:$0x17610] =	vst v63  }
0x1d9: {  	v0 =	vmov s4;
	_ =	swait.ge [sflag:s13], $0x6400  }
0x1da: {  	[sflag:s13] =	ssyncset.done $0x0  }
0x1db: {  	s11 =	simm.s32 $0x7230;
	[sflag:s13] =	ssyncadd.s32 $0xFFFF9C00  }
0x1dc: {  	v2 =	vld [tilespmem:s11+$0xFFFFFFF0]  }
0x1dd: {  	v3 =	vld [tilespmem:s11+$0x10]  }
0x1de: {  	v5 =	vld.idx.msk [tilespmem:v0+s23+$0x0], $0xffff  }
0x1df: {  	v0 =	vld [tilespmem:s11+$0xFFFFFFE0]  }
0x1e0: {  	v6 =	vld [tilespmem:s11+$0x0];
	_ =	sdelay $0x3  }
0x1e1: {  	s18 =	simm.s32 $0x1;
	v1 =	vmul.f32 v0, v5;
	v4 =	vmul.f32 v3, v5  }
0x1e2: {  	s12 =	simm.s32 $0x2;
	s4 =	simm.s32 $0x7230;
	v0 =	vmov s18;
	v3 =	vmul.f32 v2, v5;
	v2 =	vmul.f32 v6, v5  }
.LBB2_18:
0x1e3: {  	p0 =	sne.s32 s12, $0x18F  }
0x1e4: {  	[tilespmem:s11+$0x10] =	vst v4;
	s4 =	sadd.s32 $0x40, s4;
	s15 =	smov.u32 s12;
	s12 =	sadd.s32 $0x1, s12  }
0x1e5: {  	[tilespmem:s11+$0xFFFFFFE0] =	vst v1  }
0x1e6: {  	v5 =	vld [tilespmem:s4+$0xFFFFFFF0];
	[tilespmem:s11+$0xFFFFFFF0] =	vst v3  }
0x1e7: {  	v3 =	vld [tilespmem:s4+$0x10];
	[tilespmem:s11+$0x0] =	vst v2;
	s11 =	smov.u32 s4  }
0x1e8: {  	v2 =	vld.idx.msk [tilespmem:v0+s23+$0x0], $0xffff  }
0x1e9: {  	v0 =	vld [tilespmem:s4+$0xFFFFFFE0]  }
0x1ea: {  	v6 =	vld [tilespmem:s4+$0x0]  }
.Ltmp8:
0x1eb: {  	(pc) =	sbr.rel @p0 .LBB2_18-.Ltmp8, $3  }
0x1ec: {  	_ =	sdelay $0x1  }
0x1ed: {  	v4 =	vmul.f32 v3, v2;
	v1 =	vmul.f32 v0, v2  }
0x1ee: {  	v3 =	vmul.f32 v5, v2;
	v0 =	vmov s15;
	v2 =	vmul.f32 v6, v2  }
0x1ef: {  	[tilespmem:s11+$0x10] =	vst v4  }
0x1f0: {  	s4 =	sadd.s32 $0x40, s4;
	[tilespmem:s11+$0xFFFFFFE0] =	vst v1  }
0x1f1: {  	v1 =	vld [tilespmem:s4+$0xFFFFFFF0];
	[tilespmem:s11+$0xFFFFFFF0] =	vst v3  }
0x1f2: {  	v3 =	vld [tilespmem:s4+$0x10];
	[tilespmem:s11+$0x0] =	vst v2  }
0x1f3: {  	v0 =	vld.idx.msk [tilespmem:v0+s23+$0x0], $0xffff  }
0x1f4: {  	v2 =	vld [tilespmem:s4+$0xFFFFFFE0];
	_ =	sdelay $0x1  }
0x1f5: {  	v4 =	vld [tilespmem:s4+$0x0];
	_ =	sdelay $0x1  }
0x1f6: {  	v3 =	vmul.f32 v3, v0  }
0x1f7: {  	v2 =	vmul.f32 v2, v0  }
0x1f8: {  	v1 =	vmul.f32 v1, v0;
	[tilespmem:s4+$0x10] =	vst v3  }
0x1f9: {  	v0 =	vmul.f32 v4, v0;
	[tilespmem:s4+$0xFFFFFFE0] =	vst v2  }
0x1fa: {  	[tilespmem:s4+$0xFFFFFFF0] =	vst v1  }
0x1fb: {  	[tilespmem:s4+$0x0] =	vst v0  }
0x1fc: {  	[spmem:s3] =	stream.indirect.scatter.add.f32 [tilespmem:s31], [sflag:$0x7], $0x40, s22, s21, $0xb8;
	[tilespmem:$0x17610] =	vst v63  }
0x1fd: {  	_ =	swait.ge [sflag:s24], $0x190  }
0x1fe: {  	[sflag:s24] =	ssyncset.done $0x0  }
0x1ff: {  	[sflag:s24] =	ssyncadd.s32 $0xFFFFFE70  }
0x200: {  	_ =	swait.ge [sflag:s24], $0x190  }
0x201: {  	[sflag:s24] =	ssyncset.done $0x0  }
0x202: {  	[sflag:s24] =	ssyncadd.s32 $0xFFFFFE70  }
0x203: {  	_ =	swait.ge [sflag:s24], $0x190  }
0x204: {  	[sflag:s24] =	ssyncset.done $0x0  }
0x205: {  	[sflag:s24] =	ssyncadd.s32 $0xFFFFFE70  }
0x206: {  	_ =	swait.ge [sflag:s14], $0x6400  }
0x207: {  	[sflag:s14] =	ssyncset.done $0x0  }
0x208: {  	s18 =	simm.s32 $0x0;
	s12 =	rddreg [dreg:$0x1d];
	[sflag:s14] =	ssyncadd.s32 $0xFFFF9C00  }
0x209: {  	[tilespmem:s21], [sflag:$0x2] =	stream.linear.gather [hbm4b:s12+s18], $0x190, $0x38;
	[tilespmem:$0x17610] =	vst v63  }
0x20a: {  	s15 =	rddreg [dreg:$0xd]  }
0x20b: {  	[tilespmem:s22], [sflag:$0x2] =	stream.linear.gather [hbm4b:s15+s18], $0x190, $0x38;
	[tilespmem:$0x17610] =	vst v63  }
0x20c: {  	s16 =	rddreg [dreg:$0xe]  }
0x20d: {  	[tilespmem:s23], [sflag:$0x2] =	stream.linear.gather [hbm4b:s16+s18], $0x190, $0x38;
	[tilespmem:$0x17610] =	vst v63  }
0x20e: {  	_ = 	snop  }
0x20f: {  	[tilespmem:s31], [sflag:$0x5] =	stream.indirect.gather [hbm4b:s5+s21], $0x40, s18, s21, $0xb8;
	[tilespmem:$0x17610] =	vst v63  }
0x210: {  	v0 =	vmov s18;
	_ =	swait.ge [sflag:s0], $0x6400  }
0x211: {  	[sflag:s0] =	ssyncset.done $0x0  }
0x212: {  	s11 =	simm.s32 $0xE30;
	[sflag:s0] =	ssyncadd.s32 $0xFFFF9C00  }
0x213: {  	v2 =	vld [tilespmem:s11+$0xFFFFFFF0]  }
0x214: {  	v3 =	vld [tilespmem:s11+$0x10]  }
0x215: {  	v5 =	vld.idx.msk [tilespmem:v0+s30+$0x0], $0xffff  }
0x216: {  	v0 =	vld [tilespmem:s11+$0xFFFFFFE0]  }
0x217: {  	v6 =	vld [tilespmem:s11+$0x0];
	_ =	sdelay $0x3  }
0x218: {  	s18 =	simm.s32 $0x1;
	v1 =	vmul.f32 v0, v5;
	v4 =	vmul.f32 v3, v5  }
0x219: {  	s4 =	simm.s32 $0xE30;
	s12 =	simm.s32 $0x2;
	v0 =	vmov s18;
	v3 =	vmul.f32 v2, v5;
	v2 =	vmul.f32 v6, v5  }
.LBB2_20:
0x21a: {  	p0 =	sne.s32 s12, $0x18F  }
0x21b: {  	[tilespmem:s11+$0x10] =	vst v4;
	s4 =	sadd.s32 $0x40, s4;
	s15 =	smov.u32 s12;
	s12 =	sadd.s32 $0x1, s12  }
0x21c: {  	[tilespmem:s11+$0xFFFFFFE0] =	vst v1  }
0x21d: {  	v5 =	vld [tilespmem:s4+$0xFFFFFFF0];
	[tilespmem:s11+$0xFFFFFFF0] =	vst v3  }
0x21e: {  	v3 =	vld [tilespmem:s4+$0x10];
	[tilespmem:s11+$0x0] =	vst v2;
	s11 =	smov.u32 s4  }
0x21f: {  	v2 =	vld.idx.msk [tilespmem:v0+s30+$0x0], $0xffff  }
0x220: {  	v0 =	vld [tilespmem:s4+$0xFFFFFFE0]  }
0x221: {  	v6 =	vld [tilespmem:s4+$0x0]  }
.Ltmp9:
0x222: {  	(pc) =	sbr.rel @p0 .LBB2_20-.Ltmp9, $3  }
0x223: {  	_ =	sdelay $0x1  }
0x224: {  	v4 =	vmul.f32 v3, v2;
	v1 =	vmul.f32 v0, v2  }
0x225: {  	v3 =	vmul.f32 v5, v2;
	v0 =	vmov s15;
	v2 =	vmul.f32 v6, v2  }
0x226: {  	[tilespmem:s11+$0x10] =	vst v4  }
0x227: {  	s4 =	sadd.s32 $0x40, s4;
	[tilespmem:s11+$0xFFFFFFE0] =	vst v1  }
0x228: {  	v1 =	vld [tilespmem:s4+$0xFFFFFFF0];
	[tilespmem:s11+$0xFFFFFFF0] =	vst v3  }
0x229: {  	v3 =	vld [tilespmem:s4+$0x10];
	[tilespmem:s11+$0x0] =	vst v2  }
0x22a: {  	v0 =	vld.idx.msk [tilespmem:v0+s30+$0x0], $0xffff  }
0x22b: {  	v2 =	vld [tilespmem:s4+$0xFFFFFFE0];
	_ =	sdelay $0x1  }
0x22c: {  	v4 =	vld [tilespmem:s4+$0x0];
	_ =	sdelay $0x1  }
0x22d: {  	v3 =	vmul.f32 v3, v0  }
0x22e: {  	v2 =	vmul.f32 v2, v0  }
0x22f: {  	v1 =	vmul.f32 v1, v0;
	[tilespmem:s4+$0x10] =	vst v3  }
0x230: {  	v0 =	vmul.f32 v4, v0;
	[tilespmem:s4+$0xFFFFFFE0] =	vst v2  }
0x231: {  	[tilespmem:s4+$0xFFFFFFF0] =	vst v1  }
0x232: {  	[tilespmem:s4+$0x0] =	vst v0  }
0x233: {  	[spmem:s3] =	stream.indirect.scatter.add.f32 [tilespmem:s25], [sflag:$0x6], $0x40, s29, s21, $0xb8;
	[tilespmem:$0x17610] =	vst v63  }
0x234: {  	_ =	swait.ge [sflag:s26], $0x190  }
0x235: {  	[sflag:s26] =	ssyncset.done $0x0  }
0x236: {  	[sflag:s26] =	ssyncadd.s32 $0xFFFFFE70  }
0x237: {  	_ =	swait.ge [sflag:s26], $0x190  }
0x238: {  	[sflag:s26] =	ssyncset.done $0x0  }
0x239: {  	[sflag:s26] =	ssyncadd.s32 $0xFFFFFE70  }
0x23a: {  	_ =	swait.ge [sflag:s26], $0x190  }
0x23b: {  	[sflag:s26] =	ssyncset.done $0x0  }
0x23c: {  	[sflag:s26] =	ssyncadd.s32 $0xFFFFFE70  }
0x23d: {  	_ =	swait.ge [sflag:s9], $0x6400  }
0x23e: {  	[sflag:s9] =	ssyncset.done $0x0  }
0x23f: {  	s18 =	simm.s32 $0x0;
	s12 =	rddreg [dreg:$0x1e];
	[sflag:s9] =	ssyncadd.s32 $0xFFFF9C00  }
0x240: {  	[tilespmem:s28], [sflag:$0x3] =	stream.linear.gather [hbm4b:s12+s18], $0x190, $0x38;
	[tilespmem:$0x17610] =	vst v63  }
0x241: {  	s15 =	rddreg [dreg:$0xf]  }
0x242: {  	[tilespmem:s29], [sflag:$0x3] =	stream.linear.gather [hbm4b:s15+s18], $0x190, $0x38;
	[tilespmem:$0x17610] =	vst v63  }
0x243: {  	s16 =	rddreg [dreg:$0x10]  }
0x244: {  	[tilespmem:s30], [sflag:$0x3] =	stream.linear.gather [hbm4b:s16+s18], $0x190, $0x38;
	[tilespmem:$0x17610] =	vst v63  }
0x245: {  	_ = 	snop  }
0x246: {  	[tilespmem:s25], [sflag:$0x4] =	stream.indirect.gather [hbm4b:s5+s21], $0x40, s21, s21, $0xb8;
	[tilespmem:$0x17610] =	vst v63  }
0x247: {  	v0 =	vmov s18;
	_ =	swait.ge [sflag:s13], $0x6400  }
0x248: {  	[sflag:s13] =	ssyncset.done $0x0  }
0x249: {  	s11 =	simm.s32 $0x7230;
	[sflag:s13] =	ssyncadd.s32 $0xFFFF9C00  }
0x24a: {  	v2 =	vld [tilespmem:s11+$0xFFFFFFF0]  }
0x24b: {  	v3 =	vld [tilespmem:s11+$0x10]  }
0x24c: {  	v5 =	vld.idx.msk [tilespmem:v0+s20+$0x0], $0xffff  }
0x24d: {  	v0 =	vld [tilespmem:s11+$0xFFFFFFE0]  }
0x24e: {  	v6 =	vld [tilespmem:s11+$0x0];
	_ =	sdelay $0x3  }
0x24f: {  	s18 =	simm.s32 $0x1;
	v1 =	vmul.f32 v0, v5;
	v4 =	vmul.f32 v3, v5  }
0x250: {  	s4 =	simm.s32 $0x7230;
	s12 =	simm.s32 $0x2;
	v0 =	vmov s18;
	v3 =	vmul.f32 v2, v5;
	v2 =	vmul.f32 v6, v5  }
.LBB2_22:
0x251: {  	p0 =	sne.s32 s12, $0x18F  }
0x252: {  	[tilespmem:s11+$0x10] =	vst v4;
	s4 =	sadd.s32 $0x40, s4;
	s15 =	smov.u32 s12;
	s12 =	sadd.s32 $0x1, s12  }
0x253: {  	[tilespmem:s11+$0xFFFFFFE0] =	vst v1  }
0x254: {  	v5 =	vld [tilespmem:s4+$0xFFFFFFF0];
	[tilespmem:s11+$0xFFFFFFF0] =	vst v3  }
0x255: {  	v3 =	vld [tilespmem:s4+$0x10];
	[tilespmem:s11+$0x0] =	vst v2;
	s11 =	smov.u32 s4  }
0x256: {  	v2 =	vld.idx.msk [tilespmem:v0+s20+$0x0], $0xffff  }
0x257: {  	v0 =	vld [tilespmem:s4+$0xFFFFFFE0]  }
0x258: {  	v6 =	vld [tilespmem:s4+$0x0]  }
.Ltmp10:
0x259: {  	(pc) =	sbr.rel @p0 .LBB2_22-.Ltmp10, $3  }
0x25a: {  	_ =	sdelay $0x1  }
0x25b: {  	v4 =	vmul.f32 v3, v2;
	v1 =	vmul.f32 v0, v2  }
0x25c: {  	v3 =	vmul.f32 v5, v2;
	v0 =	vmov s15;
	v2 =	vmul.f32 v6, v2  }
0x25d: {  	[tilespmem:s11+$0x10] =	vst v4  }
0x25e: {  	s4 =	sadd.s32 $0x40, s4;
	[tilespmem:s11+$0xFFFFFFE0] =	vst v1  }
0x25f: {  	v1 =	vld [tilespmem:s4+$0xFFFFFFF0];
	[tilespmem:s11+$0xFFFFFFF0] =	vst v3  }
0x260: {  	v3 =	vld [tilespmem:s4+$0x10];
	[tilespmem:s11+$0x0] =	vst v2  }
0x261: {  	v0 =	vld.idx.msk [tilespmem:v0+s20+$0x0], $0xffff  }
0x262: {  	v2 =	vld [tilespmem:s4+$0xFFFFFFE0];
	_ =	sdelay $0x1  }
0x263: {  	v4 =	vld [tilespmem:s4+$0x0];
	_ =	sdelay $0x1  }
0x264: {  	v3 =	vmul.f32 v3, v0  }
0x265: {  	v2 =	vmul.f32 v2, v0  }
0x266: {  	v1 =	vmul.f32 v1, v0;
	[tilespmem:s4+$0x10] =	vst v3  }
0x267: {  	v0 =	vmul.f32 v4, v0;
	[tilespmem:s4+$0xFFFFFFE0] =	vst v2  }
0x268: {  	[tilespmem:s4+$0xFFFFFFF0] =	vst v1  }
0x269: {  	[tilespmem:s4+$0x0] =	vst v0  }
0x26a: {  	[spmem:s3] =	stream.indirect.scatter.add.f32 [tilespmem:s31], [sflag:$0x7], $0x40, s19, s21, $0xb8;
	[tilespmem:$0x17610] =	vst v63  }
0x26b: {  	_ =	swait.ge [sflag:s1], $0x190  }
0x26c: {  	[sflag:s1] =	ssyncset.done $0x0  }
0x26d: {  	[sflag:s1] =	ssyncadd.s32 $0xFFFFFE70  }
0x26e: {  	_ =	swait.ge [sflag:s1], $0x190  }
0x26f: {  	[sflag:s1] =	ssyncset.done $0x0  }
0x270: {  	[sflag:s1] =	ssyncadd.s32 $0xFFFFFE70  }
0x271: {  	_ =	swait.ge [sflag:s1], $0x190  }
0x272: {  	[sflag:s1] =	ssyncset.done $0x0  }
0x273: {  	[sflag:s1] =	ssyncadd.s32 $0xFFFFFE70  }
0x274: {  	_ =	swait.ge [sflag:s14], $0x6400  }
0x275: {  	[sflag:s14] =	ssyncset.done $0x0  }
0x276: {  	s18 =	simm.s32 $0x0;
	s12 =	rddreg [dreg:$0x1f];
	[sflag:s14] =	ssyncadd.s32 $0xFFFF9C00  }
0x277: {  	[tilespmem:s18], [sflag:$0x1] =	stream.linear.gather [hbm4b:s12+s18], $0x190, $0x38;
	[tilespmem:$0x17610] =	vst v63  }
0x278: {  	s15 =	rddreg [dreg:$0x13]  }
0x279: {  	[tilespmem:s19], [sflag:$0x1] =	stream.linear.gather [hbm4b:s15+s18], $0x190, $0x38;
	[tilespmem:$0x17610] =	vst v63  }
0x27a: {  	s16 =	rddreg [dreg:$0x14]  }
0x27b: {  	[tilespmem:s20], [sflag:$0x1] =	stream.linear.gather [hbm4b:s16+s18], $0x190, $0x38;
	[tilespmem:$0x17610] =	vst v63  }
0x27c: {  	_ = 	snop  }
0x27d: {  	[tilespmem:s31], [sflag:$0x5] =	stream.indirect.gather [hbm4b:s5+s21], $0x40, s28, s21, $0xb8;
	[tilespmem:$0x17610] =	vst v63  }
0x27e: {  	v0 =	vmov s18;
	_ =	swait.ge [sflag:s0], $0x6400  }
0x27f: {  	[sflag:s0] =	ssyncset.done $0x0  }
0x280: {  	s11 =	simm.s32 $0xE30;
	[sflag:s0] =	ssyncadd.s32 $0xFFFF9C00  }
0x281: {  	v2 =	vld [tilespmem:s11+$0xFFFFFFF0]  }
0x282: {  	v3 =	vld [tilespmem:s11+$0x10]  }
0x283: {  	v5 =	vld.idx.msk [tilespmem:v0+s23+$0x0], $0xffff  }
0x284: {  	v0 =	vld [tilespmem:s11+$0xFFFFFFE0]  }
0x285: {  	v6 =	vld [tilespmem:s11+$0x0];
	_ =	sdelay $0x3  }
0x286: {  	s18 =	simm.s32 $0x1;
	v1 =	vmul.f32 v0, v5;
	v4 =	vmul.f32 v3, v5  }
0x287: {  	s4 =	simm.s32 $0xE30;
	s12 =	simm.s32 $0x2;
	v0 =	vmov s18;
	v3 =	vmul.f32 v2, v5;
	v2 =	vmul.f32 v6, v5  }
.LBB2_24:
0x288: {  	p0 =	sne.s32 s12, $0x18F  }
0x289: {  	[tilespmem:s11+$0x10] =	vst v4;
	s4 =	sadd.s32 $0x40, s4;
	s15 =	smov.u32 s12;
	s12 =	sadd.s32 $0x1, s12  }
0x28a: {  	[tilespmem:s11+$0xFFFFFFE0] =	vst v1  }
0x28b: {  	v5 =	vld [tilespmem:s4+$0xFFFFFFF0];
	[tilespmem:s11+$0xFFFFFFF0] =	vst v3  }
0x28c: {  	v3 =	vld [tilespmem:s4+$0x10];
	[tilespmem:s11+$0x0] =	vst v2;
	s11 =	smov.u32 s4  }
0x28d: {  	v2 =	vld.idx.msk [tilespmem:v0+s23+$0x0], $0xffff  }
0x28e: {  	v0 =	vld [tilespmem:s4+$0xFFFFFFE0]  }
0x28f: {  	v6 =	vld [tilespmem:s4+$0x0]  }
.Ltmp11:
0x290: {  	(pc) =	sbr.rel @p0 .LBB2_24-.Ltmp11, $3  }
0x291: {  	_ =	sdelay $0x1  }
0x292: {  	v4 =	vmul.f32 v3, v2;
	v1 =	vmul.f32 v0, v2  }
0x293: {  	v3 =	vmul.f32 v5, v2;
	v0 =	vmov s15;
	v2 =	vmul.f32 v6, v2  }
0x294: {  	[tilespmem:s11+$0x10] =	vst v4  }
0x295: {  	s4 =	sadd.s32 $0x40, s4;
	[tilespmem:s11+$0xFFFFFFE0] =	vst v1  }
0x296: {  	v1 =	vld [tilespmem:s4+$0xFFFFFFF0];
	[tilespmem:s11+$0xFFFFFFF0] =	vst v3  }
0x297: {  	v3 =	vld [tilespmem:s4+$0x10];
	[tilespmem:s11+$0x0] =	vst v2  }
0x298: {  	v0 =	vld.idx.msk [tilespmem:v0+s23+$0x0], $0xffff  }
0x299: {  	v2 =	vld [tilespmem:s4+$0xFFFFFFE0];
	_ =	sdelay $0x1  }
0x29a: {  	v4 =	vld [tilespmem:s4+$0x0];
	_ =	sdelay $0x1  }
0x29b: {  	v3 =	vmul.f32 v3, v0  }
0x29c: {  	v2 =	vmul.f32 v2, v0  }
0x29d: {  	v1 =	vmul.f32 v1, v0;
	[tilespmem:s4+$0x10] =	vst v3  }
0x29e: {  	v0 =	vmul.f32 v4, v0;
	[tilespmem:s4+$0xFFFFFFE0] =	vst v2  }
0x29f: {  	[tilespmem:s4+$0xFFFFFFF0] =	vst v1  }
0x2a0: {  	[tilespmem:s4+$0x0] =	vst v0  }
0x2a1: {  	[spmem:s3] =	stream.indirect.scatter.add.f32 [tilespmem:s25], [sflag:$0x6], $0x40, s22, s21, $0xb8;
	[tilespmem:$0x17610] =	vst v63  }
0x2a2: {  	_ =	swait.ge [sflag:s24], $0x190  }
0x2a3: {  	[sflag:s24] =	ssyncset.done $0x0  }
0x2a4: {  	[sflag:s24] =	ssyncadd.s32 $0xFFFFFE70  }
0x2a5: {  	_ =	swait.ge [sflag:s24], $0x190  }
0x2a6: {  	[sflag:s24] =	ssyncset.done $0x0  }
0x2a7: {  	[sflag:s24] =	ssyncadd.s32 $0xFFFFFE70  }
0x2a8: {  	_ =	swait.ge [sflag:s24], $0x190  }
0x2a9: {  	[sflag:s24] =	ssyncset.done $0x0  }
0x2aa: {  	[sflag:s24] =	ssyncadd.s32 $0xFFFFFE70  }
0x2ab: {  	_ =	swait.ge [sflag:s9], $0x6400  }
0x2ac: {  	s12 =	sld [smem:$0x7FD]  }
0x2ad: {  	[sflag:s9] =	ssyncset.done $0x0  }
0x2ae: {  	s18 =	simm.s32 $0x0;
	[sflag:s9] =	ssyncadd.s32 $0xFFFF9C00  }
0x2af: {  	[tilespmem:s21], [sflag:$0x2] =	stream.linear.gather [hbm4b:s12+s18], $0x190, $0x38;
	[tilespmem:$0x17610] =	vst v63  }
0x2b0: {  	s15 =	rddreg [dreg:$0x15]  }
0x2b1: {  	[tilespmem:s22], [sflag:$0x2] =	stream.linear.gather [hbm4b:s15+s18], $0x190, $0x38;
	[tilespmem:$0x17610] =	vst v63  }
0x2b2: {  	s16 =	rddreg [dreg:$0x16]  }
0x2b3: {  	[tilespmem:s23], [sflag:$0x2] =	stream.linear.gather [hbm4b:s16+s18], $0x190, $0x38;
	[tilespmem:$0x17610] =	vst v63  }
0x2b4: {  	_ = 	snop  }
0x2b5: {  	[tilespmem:s25], [sflag:$0x4] =	stream.indirect.gather [hbm4b:s5+s21], $0x40, s18, s21, $0xb8;
	[tilespmem:$0x17610] =	vst v63  }
0x2b6: {  	v0 =	vmov s18;
	_ =	swait.ge [sflag:s13], $0x6400  }
0x2b7: {  	[sflag:s13] =	ssyncset.done $0x0  }
0x2b8: {  	s11 =	simm.s32 $0x7230;
	[sflag:s13] =	ssyncadd.s32 $0xFFFF9C00  }
0x2b9: {  	v2 =	vld [tilespmem:s11+$0xFFFFFFF0]  }
0x2ba: {  	v3 =	vld [tilespmem:s11+$0x10]  }
0x2bb: {  	v5 =	vld.idx.msk [tilespmem:v0+s30+$0x0], $0xffff  }
0x2bc: {  	v0 =	vld [tilespmem:s11+$0xFFFFFFE0]  }
0x2bd: {  	v6 =	vld [tilespmem:s11+$0x0];
	_ =	sdelay $0x3  }
0x2be: {  	s18 =	simm.s32 $0x1;
	v1 =	vmul.f32 v0, v5;
	v4 =	vmul.f32 v3, v5  }
0x2bf: {  	s4 =	simm.s32 $0x7230;
	s12 =	simm.s32 $0x2;
	v0 =	vmov s18;
	v3 =	vmul.f32 v2, v5;
	v2 =	vmul.f32 v6, v5  }
.LBB2_26:
0x2c0: {  	p0 =	sne.s32 s12, $0x18F  }
0x2c1: {  	[tilespmem:s11+$0x10] =	vst v4;
	s4 =	sadd.s32 $0x40, s4;
	s15 =	smov.u32 s12;
	s12 =	sadd.s32 $0x1, s12  }
0x2c2: {  	[tilespmem:s11+$0xFFFFFFE0] =	vst v1  }
0x2c3: {  	v5 =	vld [tilespmem:s4+$0xFFFFFFF0];
	[tilespmem:s11+$0xFFFFFFF0] =	vst v3  }
0x2c4: {  	v3 =	vld [tilespmem:s4+$0x10];
	[tilespmem:s11+$0x0] =	vst v2;
	s11 =	smov.u32 s4  }
0x2c5: {  	v2 =	vld.idx.msk [tilespmem:v0+s30+$0x0], $0xffff  }
0x2c6: {  	v0 =	vld [tilespmem:s4+$0xFFFFFFE0]  }
0x2c7: {  	v6 =	vld [tilespmem:s4+$0x0]  }
.Ltmp12:
0x2c8: {  	(pc) =	sbr.rel @p0 .LBB2_26-.Ltmp12, $3  }
0x2c9: {  	_ =	sdelay $0x1  }
0x2ca: {  	v4 =	vmul.f32 v3, v2;
	v1 =	vmul.f32 v0, v2  }
0x2cb: {  	v3 =	vmul.f32 v5, v2;
	v0 =	vmov s15;
	v2 =	vmul.f32 v6, v2  }
0x2cc: {  	[tilespmem:s11+$0x10] =	vst v4  }
0x2cd: {  	s4 =	sadd.s32 $0x40, s4;
	[tilespmem:s11+$0xFFFFFFE0] =	vst v1  }
0x2ce: {  	v1 =	vld [tilespmem:s4+$0xFFFFFFF0];
	[tilespmem:s11+$0xFFFFFFF0] =	vst v3  }
0x2cf: {  	v3 =	vld [tilespmem:s4+$0x10];
	[tilespmem:s11+$0x0] =	vst v2  }
0x2d0: {  	v0 =	vld.idx.msk [tilespmem:v0+s30+$0x0], $0xffff  }
0x2d1: {  	v2 =	vld [tilespmem:s4+$0xFFFFFFE0];
	_ =	sdelay $0x1  }
0x2d2: {  	v4 =	vld [tilespmem:s4+$0x0];
	_ =	sdelay $0x1  }
0x2d3: {  	v3 =	vmul.f32 v3, v0  }
0x2d4: {  	v2 =	vmul.f32 v2, v0  }
0x2d5: {  	v1 =	vmul.f32 v1, v0;
	[tilespmem:s4+$0x10] =	vst v3  }
0x2d6: {  	v0 =	vmul.f32 v4, v0;
	[tilespmem:s4+$0xFFFFFFE0] =	vst v2  }
0x2d7: {  	[tilespmem:s4+$0xFFFFFFF0] =	vst v1  }
0x2d8: {  	[tilespmem:s4+$0x0] =	vst v0  }
0x2d9: {  	[spmem:s3] =	stream.indirect.scatter.add.f32 [tilespmem:s31], [sflag:$0x7], $0x40, s29, s21, $0xb8;
	[tilespmem:$0x17610] =	vst v63  }
0x2da: {  	_ =	swait.ge [sflag:s26], $0x190  }
0x2db: {  	[sflag:s26] =	ssyncset.done $0x0  }
0x2dc: {  	[sflag:s26] =	ssyncadd.s32 $0xFFFFFE70  }
0x2dd: {  	_ =	swait.ge [sflag:s26], $0x190  }
0x2de: {  	[sflag:s26] =	ssyncset.done $0x0  }
0x2df: {  	[sflag:s26] =	ssyncadd.s32 $0xFFFFFE70  }
0x2e0: {  	_ =	swait.ge [sflag:s26], $0x190  }
0x2e1: {  	[sflag:s26] =	ssyncset.done $0x0  }
0x2e2: {  	[sflag:s26] =	ssyncadd.s32 $0xFFFFFE70  }
0x2e3: {  	_ =	swait.ge [sflag:s14], $0x6400  }
0x2e4: {  	[sflag:s14] =	ssyncset.done $0x0  }
0x2e5: {  	s16 =	simm.s32 $0x0;
	[sflag:s14] =	ssyncadd.s32 $0xFFFF9C00  }
0x2e6: {  	[tilespmem:s31], [sflag:$0x5] =	stream.indirect.gather [hbm4b:s5+s21], $0x40, s21, s21, $0xb8;
	[tilespmem:$0x17610] =	vst v63  }
0x2e7: {  	v0 =	vmov s16;
	_ =	swait.ge [sflag:s0], $0x6400  }
0x2e8: {  	[sflag:s0] =	ssyncset.done $0x0  }
0x2e9: {  	s11 =	simm.s32 $0xE30;
	[sflag:s0] =	ssyncadd.s32 $0xFFFF9C00  }
0x2ea: {  	v2 =	vld [tilespmem:s11+$0xFFFFFFF0]  }
0x2eb: {  	v3 =	vld [tilespmem:s11+$0x10]  }
0x2ec: {  	v5 =	vld.idx.msk [tilespmem:v0+s20+$0x0], $0xffff  }
0x2ed: {  	v0 =	vld [tilespmem:s11+$0xFFFFFFE0]  }
0x2ee: {  	v6 =	vld [tilespmem:s11+$0x0];
	_ =	sdelay $0x3  }
0x2ef: {  	s18 =	simm.s32 $0x1;
	v1 =	vmul.f32 v0, v5;
	v4 =	vmul.f32 v3, v5  }
0x2f0: {  	s12 =	simm.s32 $0x2;
	s4 =	simm.s32 $0xE30;
	v0 =	vmov s18;
	v3 =	vmul.f32 v2, v5;
	v2 =	vmul.f32 v6, v5  }
.LBB2_28:
0x2f1: {  	p0 =	sne.s32 s12, $0x18F  }
0x2f2: {  	[tilespmem:s11+$0x10] =	vst v4;
	s4 =	sadd.s32 $0x40, s4;
	s15 =	smov.u32 s12;
	s12 =	sadd.s32 $0x1, s12  }
0x2f3: {  	[tilespmem:s11+$0xFFFFFFE0] =	vst v1  }
0x2f4: {  	v5 =	vld [tilespmem:s4+$0xFFFFFFF0];
	[tilespmem:s11+$0xFFFFFFF0] =	vst v3  }
0x2f5: {  	v3 =	vld [tilespmem:s4+$0x10];
	[tilespmem:s11+$0x0] =	vst v2;
	s11 =	smov.u32 s4  }
0x2f6: {  	v2 =	vld.idx.msk [tilespmem:v0+s20+$0x0], $0xffff  }
0x2f7: {  	v0 =	vld [tilespmem:s4+$0xFFFFFFE0]  }
0x2f8: {  	v6 =	vld [tilespmem:s4+$0x0]  }
.Ltmp13:
0x2f9: {  	(pc) =	sbr.rel @p0 .LBB2_28-.Ltmp13, $3  }
0x2fa: {  	_ =	sdelay $0x1  }
0x2fb: {  	v4 =	vmul.f32 v3, v2;
	v1 =	vmul.f32 v0, v2  }
0x2fc: {  	v3 =	vmul.f32 v5, v2;
	v0 =	vmov s15;
	v2 =	vmul.f32 v6, v2  }
0x2fd: {  	[tilespmem:s11+$0x10] =	vst v4  }
0x2fe: {  	s4 =	sadd.s32 $0x40, s4;
	[tilespmem:s11+$0xFFFFFFE0] =	vst v1  }
0x2ff: {  	v1 =	vld [tilespmem:s4+$0xFFFFFFF0];
	[tilespmem:s11+$0xFFFFFFF0] =	vst v3  }
0x300: {  	v3 =	vld [tilespmem:s4+$0x10];
	[tilespmem:s11+$0x0] =	vst v2  }
0x301: {  	v0 =	vld.idx.msk [tilespmem:v0+s20+$0x0], $0xffff  }
0x302: {  	v2 =	vld [tilespmem:s4+$0xFFFFFFE0];
	_ =	sdelay $0x1  }
0x303: {  	v4 =	vld [tilespmem:s4+$0x0];
	_ =	sdelay $0x1  }
0x304: {  	v3 =	vmul.f32 v3, v0  }
0x305: {  	v2 =	vmul.f32 v2, v0  }
0x306: {  	v1 =	vmul.f32 v1, v0;
	[tilespmem:s4+$0x10] =	vst v3  }
0x307: {  	v0 =	vmul.f32 v4, v0;
	[tilespmem:s4+$0xFFFFFFE0] =	vst v2  }
0x308: {  	[tilespmem:s4+$0xFFFFFFF0] =	vst v1  }
0x309: {  	s16 =	simm.s32 $0x0;
	[tilespmem:s4+$0x0] =	vst v0  }
0x30a: {  	[spmem:s3] =	stream.indirect.scatter.add.f32 [tilespmem:s25], [sflag:$0x6], $0x40, s19, s21, $0xb8;
	[tilespmem:$0x17610] =	vst v63  }
0x30b: {  	v0 =	vmov s16;
	_ =	swait.ge [sflag:s13], $0x6400  }
0x30c: {  	[sflag:s13] =	ssyncset.done $0x0  }
0x30d: {  	s11 =	simm.s32 $0x7230;
	[sflag:s13] =	ssyncadd.s32 $0xFFFF9C00  }
0x30e: {  	v2 =	vld [tilespmem:s11+$0xFFFFFFF0]  }
0x30f: {  	v3 =	vld [tilespmem:s11+$0x10]  }
0x310: {  	v5 =	vld.idx.msk [tilespmem:v0+s23+$0x0], $0xffff  }
0x311: {  	v0 =	vld [tilespmem:s11+$0xFFFFFFE0]  }
0x312: {  	v6 =	vld [tilespmem:s11+$0x0];
	_ =	sdelay $0x3  }
0x313: {  	s18 =	simm.s32 $0x1;
	v1 =	vmul.f32 v0, v5;
	v4 =	vmul.f32 v3, v5  }
0x314: {  	s12 =	simm.s32 $0x2;
	s4 =	simm.s32 $0x7230;
	v0 =	vmov s18;
	v3 =	vmul.f32 v2, v5;
	v2 =	vmul.f32 v6, v5  }
.LBB2_30:
0x315: {  	p0 =	sne.s32 s12, $0x18F  }
0x316: {  	[tilespmem:s11+$0x10] =	vst v4;
	s4 =	sadd.s32 $0x40, s4;
	s15 =	smov.u32 s12;
	s12 =	sadd.s32 $0x1, s12  }
0x317: {  	[tilespmem:s11+$0xFFFFFFE0] =	vst v1  }
0x318: {  	v5 =	vld [tilespmem:s4+$0xFFFFFFF0];
	[tilespmem:s11+$0xFFFFFFF0] =	vst v3  }
0x319: {  	v3 =	vld [tilespmem:s4+$0x10];
	[tilespmem:s11+$0x0] =	vst v2;
	s11 =	smov.u32 s4  }
0x31a: {  	v2 =	vld.idx.msk [tilespmem:v0+s23+$0x0], $0xffff  }
0x31b: {  	v0 =	vld [tilespmem:s4+$0xFFFFFFE0]  }
0x31c: {  	v6 =	vld [tilespmem:s4+$0x0]  }
.Ltmp14:
0x31d: {  	(pc) =	sbr.rel @p0 .LBB2_30-.Ltmp14, $3  }
0x31e: {  	_ =	sdelay $0x1  }
0x31f: {  	v4 =	vmul.f32 v3, v2;
	v1 =	vmul.f32 v0, v2  }
0x320: {  	v3 =	vmul.f32 v5, v2;
	v0 =	vmov s15;
	v2 =	vmul.f32 v6, v2  }
0x321: {  	[tilespmem:s11+$0x10] =	vst v4  }
0x322: {  	s4 =	sadd.s32 $0x40, s4;
	[tilespmem:s11+$0xFFFFFFE0] =	vst v1  }
0x323: {  	v1 =	vld [tilespmem:s4+$0xFFFFFFF0];
	[tilespmem:s11+$0xFFFFFFF0] =	vst v3  }
0x324: {  	v3 =	vld [tilespmem:s4+$0x10];
	[tilespmem:s11+$0x0] =	vst v2  }
0x325: {  	v0 =	vld.idx.msk [tilespmem:v0+s23+$0x0], $0xffff  }
0x326: {  	v2 =	vld [tilespmem:s4+$0xFFFFFFE0];
	_ =	sdelay $0x1  }
0x327: {  	v4 =	vld [tilespmem:s4+$0x0];
	_ =	sdelay $0x1  }
0x328: {  	v3 =	vmul.f32 v3, v0  }
0x329: {  	v2 =	vmul.f32 v2, v0  }
0x32a: {  	v1 =	vmul.f32 v1, v0;
	[tilespmem:s4+$0x10] =	vst v3  }
0x32b: {  	v0 =	vmul.f32 v4, v0;
	[tilespmem:s4+$0xFFFFFFE0] =	vst v2  }
0x32c: {  	[tilespmem:s4+$0xFFFFFFF0] =	vst v1  }
0x32d: {  	[tilespmem:s4+$0x0] =	vst v0  }
0x32e: {  	[spmem:s3] =	stream.indirect.scatter.add.f32 [tilespmem:s31], [sflag:$0x7], $0x40, s22, s21, $0xb8;
	[tilespmem:$0x17610] =	vst v63  }
0x32f: {  	_ =	swait.ge [sflag:s9], $0x6400  }
0x330: {  	[sflag:s9] =	ssyncset.done $0x0  }
0x331: {  	[sflag:s9] =	ssyncadd.s32 $0xFFFF9C00  }
0x332: {  	_ =	swait.ge [sflag:s14], $0x6400  }
0x333: {  	[sflag:s14] =	ssyncset.done $0x0  }
0x334: {  	[sflag:s14] =	ssyncadd.s32 $0xFFFF9C00  }
0x335: {  	[bflag:$0x0] =	sbarrier.arrive $0xFFFF  }
0x336: {  	s16 =	sld [smem:$0x7FC]  }
0x337: {  	s12 =	rddreg [dreg:$0x5]  }
0x338: {  	s11 =	simm.s32 $0x8;
	s15 =	rddreg [dreg:$0x18]  }
0x339: {  	[hbm:s15], [sflag:s12] =	dma.local [spmem:s16], $0x1400  }
0x33a: {  	_ =	swait.ge [sflag:s11], $0x1400  }
0x33b: {  	s15 =	sld [smem:$0x7FB];
	_ =	sdelay $0x2  }
0x33c: {  	s18 =	rddreg [dreg:$0x19];
	s15 =	sadd.s32 $0x1, s15  }
0x33d: {  	p0 =	sne.s32 s15, s18  }
.Ltmp15:
0x33e: {  	_ = 	snop;
	(pc) =	sbr.rel @p0 .LBB2_1-.Ltmp15, $3  }
0x33f: {  	_ =	sdelay $0x1  }
0x340: {  	[sflag:s11] =	ssyncset.done $0x0  }
0x341: {  	[sflag:s11] =	ssyncadd.s32 $0xFFFFEC00  }
0x342: {  	_ =	sfence.sel $0x180000  }
0x343: {  	[bflag:$0x0] =	sbarrier.arrive $0xFFFF  }
0x344: {  	_ =	strace $0x9000004D  }
0x345: {  	s0 =	stileid.u32;
	[bflag:$0x2] =	sbarrier.arrive $0xFFFF  }
0x346: {  	p0 =	sne.s32 s0, $0x0;
	s0 =	rddreg [dreg:$0x3]  }
0x347: {  	s0 =	sadd.s32 @!p0 $0x100000, s0  }
0x348: {  	[sflag:s0] =	ssyncadd.tile.s32 @!p0 $0x1;
	_ =	shalt  }
.Lfunc_end2:
_tile_overlayer_lowered:
.L_overlay_start_2:
0x349: {  	(tag) =	ssettag $0x2  }
0x34a: {  	s0 =	rddreg [dreg:$0x0];
	s2 =	stileid.u32  }
0x34b: {  	s1 =	rddreg [dreg:$0x1];
	p0 =	sne.s32 s2, $0x0  }
0x34c: {  	s3 =	rddreg [dreg:$0x2];
	[bflag:$0x3] =	sbarrier.arrive $0xFFFF;
	s2 =	simm.s32 @!p0 $0x1C08  }
0x34d: {  	[timem:s3], [sflag:s2] =	dma.local @!p0 [hbm:s0], s1  }
0x34e: {  	s0 =	simm.s32 @!p0 $0x8  }
0x34f: {  	_ =	swait.ge @!p0 [sflag:s0], s1  }
0x350: {  	s1 =	ssub.s32 @!p0 $0x0, s1;
	[sflag:s0] =	ssyncset.done @!p0 $0x0  }
0x351: {  	[sflag:s0] =	ssyncadd.s32 @!p0 s1  }
0x352: {  	[bflag:$0x3] =	sbarrier.arrive $0xFFFF  }
0x353: {  	_ =	shalt  }

// kernel: kernel.5.cloned.1.call-start
scs
__scs_entry_jumppad:
0x0: {  	(pc) =	sbr.rel $0x88, $3  }
0x1: {  	(tag) =	ssettag $0x0;
	lr =	simm.s32 $0x1  }
0x2: {  	[smem:$0x3F98] =	sst lr;
	_ =	strace $0xD0000000  }
0x3: {  	_ = 	snop  }
0x4: {  	_ = 	snop  }
0x5: {  	_ = 	snop  }
0x6: {  	_ = 	snop  }
0x7: {  	_ = 	snop  }
__scs_overlays_trampoline_lowered:
0x8: {  	[smem:$0x3FA7] =	sst s0  }
0x9: {  	[smem:$0x3FA8] =	sst s1  }
0xa: {  	[smem:$0x3FA9] =	sst s2  }
0xb: {  	[smem:$0x3FAA] =	sst s3  }
0xc: {  	[smem:$0x3FAB] =	sst s4  }
0xd: {  	[smem:$0x3FAC] =	sst s5  }
0xe: {  	[smem:$0x3FAD] =	sst s6  }
0xf: {  	[smem:$0x3FAE] =	sst s7  }
0x10: {  	[smem:$0x3FAF] =	sst s8  }
0x11: {  	[smem:$0x3FB0] =	sst s9;
	s0 =	simm.s32 @!p0 $0x0  }
0x12: {  	s1 =	sld [smem:$0x3F96];
	s0 =	simm.s32 @p0 $0x1  }
0x13: {  	[smem:$0x3FB1] =	sst s0;
	s0 =	simm.s32 @!p1 $0x0  }
0x14: {  	s2 =	sld [smem:$0x3F95];
	s0 =	simm.s32 @p1 $0x1  }
0x15: {  	[smem:$0x3FB2] =	sst s0;
	s0 =	simm.s32 @!p2 $0x0  }
0x16: {  	s3 =	sld [smem:$0x3FDB];
	s0 =	simm.s32 @p2 $0x1  }
0x17: {  	s4 =	simm.s32 $0x1BF5;
	[smem:$0x3FB4] =	sst s0  }
0x18: {  	s0 =	sld [smem:$0x3F97];
	_ =	swait.ge [sflag:s4], $0x0  }
0x19: {  	s7 =	sld [smem:$0x3F98]  }
0x1a: {  	s8 =	sadd.s32 $0xFFFFE003, lr  }
0x1b: {  	s9 =	sadd.s32 $0xFFFFFEF7, lr;
	s5 =	simm.s32 $0xFFFFFFFF;
	p2 =	slt.u32 s8, $0xFFFFF086  }
0x1c: {  	p1 =	slt.u32 s9, $0xF7A;
	s5 =	simm.s32 @!p2 $0x0  }
0x1d: {  	s5 =	simm.s32 @p1 $0x1;
	p0 =	seq.s32 s7, s2  }
0x1e: {  	s7 =	smul.u32 @!p0 $0xF7A, s2;
	p2 =	seq.s32 @!p0 s5, $0x0  }
0x1f: {  	s9 =	smul.u32 $0xF7A, s1;
	s8 =	simm.s32 @!p0 $0x1BF5;
	p2 =	por !p2, p0  }
0x20: {  	[sflag:s8] =	ssyncset.s32 @!p0 $0xFFFFF086;
	s6 =	sadd.s32 @!p0 s3, s7;
	s7 =	simm.s32 @!p0 $0x108  }
0x21: {  	s3 =	sadd.s32 s3, s9;
	s6 =	sadd.s32 @!p0 $0x88, s6;
	s7 =	simm.s32 @p2 $0x1082  }
0x22: {  	[simem:s7], [sflag:s8] =	dma.local @!p0 [hbm:s6], $0xF7A  }
0x23: {  	s9 =	sor.u32 $0xD0000000, s2;
	s6 =	simm.s32 $0x108;
	_ =	swait.ge @!p0 [sflag:s8], $0x0  }
0x24: {  	s3 =	sadd.s32 $0x88, s3;
	s6 =	simm.s32 @!p1 $0x1082;
	[sflag:s4] =	ssyncset.s32 $0xFFFFF086  }
0x25: {  	[simem:s6], [sflag:s4] =	dma.local [hbm:s3], $0xF7A  }
0x26: {  	[smem:$0x3F98] =	sst s1;
	(tag) =	ssettag s2;
	_ =	strace s9  }
0x27: {  	s1 =	sld [smem:$0x3FA8]  }
0x28: {  	s2 =	sld [smem:$0x3FA9]  }
0x29: {  	s4 =	sld [smem:$0x3FAB]  }
0x2a: {  	p0 =	seq.s32 s5, $0x0;
	s5 =	sld [smem:$0x3FAC]  }
0x2b: {  	s6 =	sld [smem:$0x3FAD]  }
0x2c: {  	s7 =	sld [smem:$0x3FAE]  }
0x2d: {  	s3 =	simm.s32 $0x108;
	s8 =	sld [smem:$0x3FAF]  }
0x2e: {  	s3 =	simm.s32 @!p0 $0x1082;
	s9 =	sld [smem:$0x3FB0]  }
0x2f: {  	lr =	sadd.s32 s0, s3;
	s0 =	sld [smem:$0x3FA7]  }
0x30: {  	s3 =	sld [smem:$0x3FAA]  }
0x31: {  	[smem:$0x3FB3] =	sst s10  }
0x32: {  	s10 =	sld [smem:$0x3FB1];
	_ =	sdelay $0x3  }
0x33: {  	p0 =	seq.s32 s10, $0x1;
	s10 =	sld [smem:$0x3FB3];
	_ =	sdelay $0x3  }
0x34: {  	[smem:$0x3FB3] =	sst s10  }
0x35: {  	s10 =	sld [smem:$0x3FB2];
	_ =	sdelay $0x3  }
0x36: {  	p1 =	seq.s32 s10, $0x1;
	s10 =	sld [smem:$0x3FB3];
	_ =	sdelay $0x3  }
0x37: {  	[smem:$0x3FB3] =	sst s10  }
0x38: {  	s10 =	sld [smem:$0x3FB4]  }
0x39: {  	_ = 	snop;
	(pc) =	sbr.ind lr, $3  }
0x3a: {  	_ = 	snop  }
0x3b: {  	_ = 	snop  }
0x3c: {  	p2 =	seq.s32 s10, $0x1;
	s10 =	sld [smem:$0x3FB3]  }
0x3d: {  	_ =	shalt  }
0x3e: {  	_ =	shalt  }
0x3f: {  	_ =	shalt  }
0x40: {  	_ =	shalt  }
0x41: {  	_ =	shalt  }
0x42: {  	_ =	shalt  }
0x43: {  	_ =	shalt  }
0x44: {  	_ =	shalt  }
0x45: {  	_ =	shalt  }
0x46: {  	_ =	shalt  }
0x47: {  	_ =	shalt  }
0x48: {  	_ =	shalt  }
0x49: {  	_ =	shalt  }
0x4a: {  	_ =	shalt  }
0x4b: {  	_ =	shalt  }
0x4c: {  	_ =	shalt  }
0x4d: {  	_ =	shalt  }
0x4e: {  	_ =	shalt  }
0x4f: {  	_ =	shalt  }
0x50: {  	_ =	shalt  }
0x51: {  	_ =	shalt  }
0x52: {  	_ =	shalt  }
0x53: {  	_ =	shalt  }
0x54: {  	_ =	shalt  }
0x55: {  	_ =	shalt  }
0x56: {  	_ =	shalt  }
0x57: {  	_ =	shalt  }
0x58: {  	_ =	shalt  }
0x59: {  	_ =	shalt  }
0x5a: {  	_ =	shalt  }
0x5b: {  	_ =	shalt  }
0x5c: {  	_ =	shalt  }
0x5d: {  	_ =	shalt  }
0x5e: {  	_ =	shalt  }
0x5f: {  	_ =	shalt  }
0x60: {  	_ =	shalt  }
0x61: {  	_ =	shalt  }
0x62: {  	_ =	shalt  }
0x63: {  	_ =	shalt  }
0x64: {  	_ =	shalt  }
0x65: {  	_ =	shalt  }
0x66: {  	_ =	shalt  }
0x67: {  	_ =	shalt  }
0x68: {  	_ =	shalt  }
0x69: {  	_ =	shalt  }
0x6a: {  	_ =	shalt  }
0x6b: {  	_ =	shalt  }
0x6c: {  	_ =	shalt  }
0x6d: {  	_ =	shalt  }
0x6e: {  	_ =	shalt  }
0x6f: {  	_ =	shalt  }
0x70: {  	_ =	shalt  }
0x71: {  	_ =	shalt  }
0x72: {  	_ =	shalt  }
0x73: {  	_ =	shalt  }
0x74: {  	_ =	shalt  }
0x75: {  	_ =	shalt  }
0x76: {  	_ =	shalt  }
0x77: {  	_ =	shalt  }
0x78: {  	_ =	shalt  }
0x79: {  	_ =	shalt  }
0x7a: {  	_ =	shalt  }
0x7b: {  	_ =	shalt  }
0x7c: {  	_ =	shalt  }
0x7d: {  	_ =	shalt  }
0x7e: {  	_ =	shalt  }
0x7f: {  	_ =	shalt  }
0x80: {  	_ =	shalt  }
0x81: {  	_ =	shalt  }
0x82: {  	_ =	shalt  }
0x83: {  	_ =	shalt  }
0x84: {  	_ =	shalt  }
0x85: {  	_ =	shalt  }
0x86: {  	_ =	shalt  }
0x87: {  	_ =	shalt  }
.Lfunc_end0:
.L_simem_size_0:
called_computation.1_lowered:
.L_overlay_start_0:
0x88: {  	s2 =	sld [smem:$0x3FD9]  }
0x89: {  	s3 =	sld [smem:$0x3FFE];
	_ =	sdelay $0x1  }
0x8a: {  	s1 =	srdreg.scid  }
0x8b: {  	s0 =	sand.u32 $0x1, s1  }
0x8c: {  	s17 =	sshll.u32 s0, $0xA;
	s2 =	sadd.s32 s3, s2  }
0x8d: {  	s2 =	sadd.s32 s2, s17  }
0x8e: {  	[smem:$0x3FBF] =	sst s2  }
0x8f: {  	_ = 	snop  }
0x90: {  	s2 =	sld [smem:$0x3FD0];
	(tm) =	ssettm $0x1  }
0x91: {  	s18 =	sld [smem:$0x3FFB];
	_ =	sdelay $0x3  }
0x92: {  	_ =	strace s18  }
0x93: {  	s3 =	sld [smem:$0x3FFC];
	_ =	sdelay $0x3  }
0x94: {  	_ =	strace s3  }
0x95: {  	s3 =	sld [smem:$0x3FFD];
	_ =	sdelay $0x3  }
0x96: {  	_ =	strace s3  }
0x97: {  	_ =	strace $0x8FFFFFFF  }
0x98: {  	s19 =	sld [smem:$0x3FDB];
	_ =	sdelay $0x1  }
0x99: {  	s4 =	simm.s32 $_scs_section_size  }
0x9a: {  	s5 =	simm.s32 $_size__tile_overlayer_lowered;
	s6 =	simm.s32 $_tile_overlayer_lowered  }
0x9b: {  	s22 =	simm.s32 $0x1BFF;
	s21 =	sshll.u32 s6, $0x1;
	s3 =	sadd.s32 s4, s19  }
0x9c: {  	s7 =	simm.s32 $0x0;
	s20 =	sshll.u32 s5, $0x1;
	s5 =	sadd.s32 s21, s3  }
0x9d: {  	[timem:s7], [sflag:s22] =	dma.local [hbm:s5], s20  }
0x9e: {  	_ =	swait.ge [sflag:s22], s20  }
0x9f: {  	s4 =	ssub.s32 $0x0, s20;
	[sflag:s22] =	ssyncset.done $0x0  }
0xa0: {  	[sflag:s22] =	ssyncadd.s32 s4;
	_ =	sdelay $0x1  }
0xa1: {  	s23 =	simm.s32 $0x1B8B  }
0xa2: {  	_ =	swait.ge [sflag:s23], $0x1  }
0xa3: {  	[sflag:s23] =	ssyncset.done $0x0  }
0xa4: {  	s25 =	simm.s32 $0x1B8E;
	s24 =	sld [smem:$0x3FFE];
	[sflag:s23] =	ssyncadd.s32 $0xFFFFFFFF  }
0xa5: {  	s26 =	simm.s32 $execute0_lowered;
	[smem:$0x3FD2] =	sst s25  }
0xa6: {  	s5 =	sshll.u32 s26, $0x1;
	_ =	strace $0x80000046;
	[dreg:$0x1] =	wrdreg $0xFFFFFFFF  }
0xa7: {  	s28 =	simm.s32 $_size_execute0_lowered;
	s3 =	sadd.s32 s3, s5;
	[dreg:$0x0] =	wrdreg $0x0  }
0xa8: {  	s5 =	sshll.u32 s28, $0x1;
	[dreg:$0x2] =	wrdreg s3  }
0xa9: {  	[dreg:$0x3] =	wrdreg s5  }
0xaa: {  	[dreg:$0x4] =	wrdreg $0xC0  }
0xab: {  	_ =	task [dreg:s7], $0x5FFFF  }
0xac: {  	[dreg:$0x1] =	wrdreg $0xFFFFFFFF  }
0xad: {  	[dreg:$0x0] =	wrdreg $0x60  }
0xae: {  	[dreg:$0x2] =	wrdreg s2  }
0xaf: {  	[dreg:$0x3] =	wrdreg s24  }
0xb0: {  	[dreg:$0x4] =	wrdreg $0x9  }
0xb1: {  	_ =	task.clear_ibuf [dreg:s7], $0x5FFFF;
	_ =	strace $0x90000046  }
0xb2: {  	s29 =	simm.s32 $0x9;
	_ =	strace $0x80000048  }
0xb3: {  	_ =	swait.ge [sflag:s29], $0x1  }
0xb4: {  	[sflag:s29] =	ssyncadd.s32 $0xFFFFFFFF  }
0xb5: {  	_ =	strace $0x90000048  }
0xb6: {  	_ =	sfence  }
0xb7: {  	s30 =	sld [smem:$0x0];
	_ =	sdelay $0x2  }
0xb8: {  	s31 =	sshll.u32 s1, $0xD;
	s1 =	sshrl.u32 s1, $0x2  }
0xb9: {  	s3 =	sand.u32 $0x4000, s31;
	s1 =	sadd.s32 s1, s30  }
0xba: {  	s0 =	sor.u32 s3, s0;
	s1 =	sshll.u32 s1, $0x11  }
0xbb: {  	s0 =	sor.u32 s1, s0  }
0xbc: {  	s0 =	sadd.s32 $0x8F2B, s0  }
0xbd: {  	[sflag:s0] =	ssyncadd.remote.s32 $0x1  }
0xbe: {  	_ =	sfence.sel $0xFFFF  }
0xbf: {  	[dreg:$0x0] =	wrdreg $0xFFFFFFFF;
	(pc) =	sbr.abs _section_cstart, $3  }
0xc0: {  	[dreg:$0x1] =	wrdreg $0xFFFFFFFF  }
0xc1: {  	_ =	task.clear_ibuf [dreg:s7], $0x2FFFF;
	_ =	strace $0x9FFFFFFF  }
0xc2: {  	(tm) =	ssettm $0x7FFFFFFF  }
0xc3: {  	_ =	shalt  }
tec
execute0_lowered:
.L_overlay_start_1:
0x0: {  	(tag) =	ssettag $0x1  }
0x1: {  	s2 =	rddreg [dreg:$0x0];
	s0 =	srdreg.scid  }
0x2: {  	s4 =	rddreg [dreg:$0x1];
	s1 =	stileid.u32  }
0x3: {  	s3 =	simm.s32 $0x0;
	s5 =	sand.u32 $0x1, s0;
	s7 =	smul.u32 $0x14400, s1  }
0x4: {  	v0 =	vimm.f32 $0.0e+00;
	v1 =	vimm.f32 $1.000000000e+00;
	s9 =	simm.s32 $0x0;
	[smem:$0x7FF] =	sst s3;
	s6 =	smul.u32 $0x144000, s5  }
0x5: {  	vm0 =	vcmask $0x704;
	vm1 =	vcmask $0xB08;
	vm14 =	vcmask $0x3F3C;
	s0 =	rddreg [dreg:$0x2];
	_ =	strace $0x80000047;
	s30 =	ssub.s32 $0x2, s5  }
0x6: {  	vm2 =	vcmask $0xF0C;
	vm3 =	vcmask $0x1310;
	vm4 =	vcmask $0x1714;
	s5 =	sshll.u32 s5, $0x4;
	s8 =	sshrl.u32 s30, $0x1;
	s6 =	sadd.s32 s7, s6  }
0x7: {  	vm5 =	vcmask $0x1B18;
	vm6 =	vcmask $0x1F1C;
	vm7 =	vcmask $0x2320;
	s31 =	sor.u32 s1, s5;
	s7 =	ssub.s32 s30, s8;
	s6 =	sshrl.u32 s6, $0x3  }
0x8: {  	vm8 =	vcmask $0x2724;
	vm9 =	vcmask $0x2B28;
	vm10 =	vcmask $0x2F2C;
	s8 =	simm.s32 $0x190;
	s6 =	sadd.s32 s6, s4;
	s4 =	smul.u32 $0x2710, s31  }
0x9: {  	vm11 =	vcmask $0x3330;
	vm12 =	vcmask $0x3734;
	vm13 =	vcmask $0x3B38;
	s5 =	sadd.s32 $0xD000, s6;
	s6 =	smax.u32 s7, $0x1;
	s7 =	simm.s32 $0x1  }
.LBB2_1:
0xa: {  	s11 =	simm.s32 $0x0;
	s10 =	simm.s32 $0x200  }
.LBB2_2:
0xb: {  	p0 =	sne.s32 s10, $0x50E00;
	[tilespmem:s11+$0x200] =	vst v0  }
0xc: {  	[tilespmem:s11+$0x190] =	vst v0  }
0xd: {  	[tilespmem:s11+$0x1A0] =	vst v0  }
.Ltmp0:
0xe: {  	[tilespmem:s11+$0x1B0] =	vst v0;
	(pc) =	sbr.rel @p0 .LBB2_2-.Ltmp0, $4  }
0xf: {  	[tilespmem:s11+$0x1C0] =	vst v0  }
0x10: {  	[tilespmem:s11+$0x1D0] =	vst v0  }
0x11: {  	[tilespmem:s11+$0x1E0] =	vst v0  }
0x12: {  	[tilespmem:s11+$0x1F0] =	vst v0;
	s11 =	sshra.s32 s10, $0x2;
	s10 =	sadd.s32 $0x200, s10  }
0x13: {  	[tilespmem:s11+$0x200] =	vst v0  }
0x14: {  	[tilespmem:s11+$0x190] =	vst v0  }
0x15: {  	[tilespmem:s11+$0x1A0] =	vst v0  }
0x16: {  	[tilespmem:s11+$0x1B0] =	vst v0  }
0x17: {  	[tilespmem:s11+$0x1C0] =	vst v0  }
0x18: {  	[tilespmem:s11+$0x1D0] =	vst v0  }
0x19: {  	[tilespmem:s11+$0x1E0] =	vst v0  }
0x1a: {  	s10 =	simm.s32 $0x0;
	[tilespmem:s11+$0x1F0] =	vst v0;
	s11 =	simm.s32 $0x0  }
.LBB2_4:
0x1b: {  	s12 =	smul.u32 $0x190, s11;
	_ =	sdelay $0x1  }
0x1c: {  	s12 =	sadd.s32 s4, s12  }
0x1d: {  	s12 =	sshrl.u32 s12, $0x3  }
0x1e: {  	s12 =	sadd.s32 s2, s12  }
0x1f: {  	[tilespmem:s10], [sflag:$0x1] =	stream.linear.gather [hbm4b:s12+s10], $0x190, $0x38;
	[tilespmem:$0x14590] =	vst v63  }
0x20: {  	_ =	swait.ge [sflag:s7], $0x190  }
0x21: {  	[sflag:s7] =	ssyncset.done $0x0  }
0x22: {  	s31 =	simm.s32 $0x0;
	[sflag:s7] =	ssyncadd.s32 $0xFFFFFE70  }
0x23: {  	v2 =	vld [tilespmem:s31+$0x0];
	_ =	sdelay $0x7  }
0x24: {  	[tilespmem:v2+s8+$0x0] =	vst.idx.add.f32.msk $0x1, v1  }
0x25: {  	[tilespmem:v2+s8+$0x0] =	vst.idx.add.f32.msk vm0, v1  }
0x26: {  	[tilespmem:v2+s8+$0x0] =	vst.idx.add.f32.msk vm1, v1  }
0x27: {  	[tilespmem:v2+s8+$0x0] =	vst.idx.add.f32.msk vm2, v1  }
0x28: {  	[tilespmem:v2+s8+$0x0] =	vst.idx.add.f32.msk vm3, v1  }
0x29: {  	[tilespmem:v2+s8+$0x0] =	vst.idx.add.f32.msk vm4, v1  }
0x2a: {  	[tilespmem:v2+s8+$0x0] =	vst.idx.add.f32.msk vm5, v1  }
0x2b: {  	[tilespmem:v2+s8+$0x0] =	vst.idx.add.f32.msk vm6, v1  }
0x2c: {  	[tilespmem:v2+s8+$0x0] =	vst.idx.add.f32.msk vm7, v1  }
0x2d: {  	[tilespmem:v2+s8+$0x0] =	vst.idx.add.f32.msk vm8, v1  }
0x2e: {  	[tilespmem:v2+s8+$0x0] =	vst.idx.add.f32.msk vm9, v1  }
0x2f: {  	[tilespmem:v2+s8+$0x0] =	vst.idx.add.f32.msk vm10, v1  }
0x30: {  	[tilespmem:v2+s8+$0x0] =	vst.idx.add.f32.msk vm11, v1  }
0x31: {  	[tilespmem:v2+s8+$0x0] =	vst.idx.add.f32.msk vm12, v1  }
0x32: {  	s13 =	simm.s32 $0x80;
	s12 =	simm.s32 $0x40;
	[tilespmem:v2+s8+$0x0] =	vst.idx.add.f32.msk vm13, v1  }
.LBB2_5:
0x33: {  	p0 =	sne.s32 s13, $0x600  }
0x34: {  	s14 =	sshra.s32 s12, $0x2;
	[tilespmem:v2+s8+$0x0] =	vst.idx.add.f32.msk vm14, v1;
	s12 =	smov.u32 s13;
	s13 =	sadd.s32 $0x40, s13  }
0x35: {  	v2 =	vld [tilespmem:s14+$0x0];
	_ =	sdelay $0x7  }
0x36: {  	[tilespmem:v2+s8+$0x0] =	vst.idx.add.f32.msk $0x1, v1  }
0x37: {  	[tilespmem:v2+s8+$0x0] =	vst.idx.add.f32.msk vm0, v1  }
0x38: {  	[tilespmem:v2+s8+$0x0] =	vst.idx.add.f32.msk vm1, v1  }
0x39: {  	[tilespmem:v2+s8+$0x0] =	vst.idx.add.f32.msk vm2, v1  }
0x3a: {  	[tilespmem:v2+s8+$0x0] =	vst.idx.add.f32.msk vm3, v1  }
0x3b: {  	[tilespmem:v2+s8+$0x0] =	vst.idx.add.f32.msk vm4, v1  }
0x3c: {  	[tilespmem:v2+s8+$0x0] =	vst.idx.add.f32.msk vm5, v1  }
0x3d: {  	[tilespmem:v2+s8+$0x0] =	vst.idx.add.f32.msk vm6, v1  }
0x3e: {  	[tilespmem:v2+s8+$0x0] =	vst.idx.add.f32.msk vm7, v1  }
0x3f: {  	[tilespmem:v2+s8+$0x0] =	vst.idx.add.f32.msk vm8, v1  }
.Ltmp1:
0x40: {  	[tilespmem:v2+s8+$0x0] =	vst.idx.add.f32.msk vm9, v1;
	(pc) =	sbr.rel @p0 .LBB2_5-.Ltmp1, $4  }
0x41: {  	[tilespmem:v2+s8+$0x0] =	vst.idx.add.f32.msk vm10, v1  }
0x42: {  	[tilespmem:v2+s8+$0x0] =	vst.idx.add.f32.msk vm11, v1  }
0x43: {  	[tilespmem:v2+s8+$0x0] =	vst.idx.add.f32.msk vm12, v1  }
0x44: {  	[tilespmem:v2+s8+$0x0] =	vst.idx.add.f32.msk vm13, v1  }
0x45: {  	_ =	sdelay $0x4  }
0x46: {  	s12 =	sshra.s32 s12, $0x2;
	[tilespmem:v2+s8+$0x0] =	vst.idx.add.f32.msk vm14, v1  }
0x47: {  	v2 =	vld [tilespmem:s12+$0x0];
	_ =	sdelay $0x7  }
0x48: {  	[tilespmem:v2+s8+$0x0] =	vst.idx.add.f32.msk $0x1, v1  }
0x49: {  	[tilespmem:v2+s8+$0x0] =	vst.idx.add.f32.msk vm0, v1  }
0x4a: {  	[tilespmem:v2+s8+$0x0] =	vst.idx.add.f32.msk vm1, v1  }
0x4b: {  	[tilespmem:v2+s8+$0x0] =	vst.idx.add.f32.msk vm2, v1  }
0x4c: {  	[tilespmem:v2+s8+$0x0] =	vst.idx.add.f32.msk vm3, v1  }
0x4d: {  	[tilespmem:v2+s8+$0x0] =	vst.idx.add.f32.msk vm4, v1  }
0x4e: {  	[tilespmem:v2+s8+$0x0] =	vst.idx.add.f32.msk vm5, v1  }
0x4f: {  	[tilespmem:v2+s8+$0x0] =	vst.idx.add.f32.msk vm6, v1  }
0x50: {  	[tilespmem:v2+s8+$0x0] =	vst.idx.add.f32.msk vm7, v1  }
0x51: {  	s11 =	sadd.s32 $0x1, s11;
	[tilespmem:v2+s8+$0x0] =	vst.idx.add.f32.msk vm8, v1  }
0x52: {  	p0 =	sne.s32 s11, $0x19;
	[tilespmem:v2+s8+$0x0] =	vst.idx.add.f32.msk vm9, v1  }
.Ltmp2:
0x53: {  	[tilespmem:v2+s8+$0x0] =	vst.idx.add.f32.msk vm10, v1;
	(pc) =	sbr.rel @p0 .LBB2_4-.Ltmp2, $4  }
0x54: {  	[tilespmem:v2+s8+$0x0] =	vst.idx.add.f32.msk vm11, v1  }
0x55: {  	[tilespmem:v2+s8+$0x0] =	vst.idx.add.f32.msk vm12, v1  }
0x56: {  	[tilespmem:v2+s8+$0x0] =	vst.idx.add.f32.msk vm13, v1  }
0x57: {  	[tilespmem:v2+s8+$0x0] =	vst.idx.add.f32.msk vm14, v1  }
0x58: {  	s9 =	sadd.s32 $0x1, s9  }
0x59: {  	p0 =	sne.s32 s9, s6  }
.Ltmp3:
0x5a: {  	_ = 	snop;
	(pc) =	sbr.rel @p0 .LBB2_1-.Ltmp3, $4  }
0x5b: {  	[hbm4b:s5+s3] =	stream.linear.scatter [tilespmem:s8], [sflag:$0x1], $0x14400, $0x38;
	[tilespmem:$0x14590] =	vst v63  }
0x5c: {  	_ =	swait.ge [sflag:s7], $0x14400  }
0x5d: {  	[sflag:s7] =	ssyncset.done $0x0  }
0x5e: {  	[sflag:s7] =	ssyncadd.s32 $0xFFFEBC00  }
0x5f: {  	_ =	sfence.sel $0x180000  }
0x60: {  	[bflag:$0x0] =	sbarrier.arrive $0xFFFF  }
0x61: {  	p0 =	sne.s32 s1, $0x0;
	_ =	strace $0x90000047  }
0x62: {  	s0 =	sadd.s32 @!p0 $0x100000, s0;
	[bflag:$0x2] =	sbarrier.arrive $0xFFFF  }
0x63: {  	[sflag:s0] =	ssyncadd.tile.s32 @!p0 $0x1;
	_ =	shalt  }
.Lfunc_end2:
_tile_overlayer_lowered:
.L_overlay_start_2:
0x64: {  	(tag) =	ssettag $0x2  }
0x65: {  	s0 =	rddreg [dreg:$0x0];
	s2 =	stileid.u32  }
0x66: {  	s1 =	rddreg [dreg:$0x1];
	p0 =	sne.s32 s2, $0x0  }
0x67: {  	s3 =	rddreg [dreg:$0x2];
	[bflag:$0x3] =	sbarrier.arrive $0xFFFF;
	s2 =	simm.s32 @!p0 $0x1C01  }
0x68: {  	[timem:s3], [sflag:s2] =	dma.local @!p0 [hbm:s0], s1  }
0x69: {  	s0 =	simm.s32 @!p0 $0x1  }
0x6a: {  	_ =	swait.ge @!p0 [sflag:s0], s1  }
0x6b: {  	s1 =	ssub.s32 @!p0 $0x0, s1;
	[sflag:s0] =	ssyncset.done @!p0 $0x0  }
0x6c: {  	[sflag:s0] =	ssyncadd.s32 @!p0 s1  }
0x6d: {  	[bflag:$0x3] =	sbarrier.arrive $0xFFFF  }
0x6e: {  	_ =	shalt  }

// kernel: kernel.8.cloned.1.call-start
scs
__scs_entry_jumppad:
0x0: {  	(pc) =	sbr.rel $0x88, $3  }
0x1: {  	(tag) =	ssettag $0x0;
	lr =	simm.s32 $0x1  }
0x2: {  	[smem:$0x3F98] =	sst lr;
	_ =	strace $0xD0000000  }
0x3: {  	_ = 	snop  }
0x4: {  	_ = 	snop  }
0x5: {  	_ = 	snop  }
0x6: {  	_ = 	snop  }
0x7: {  	_ = 	snop  }
__scs_overlays_trampoline_lowered:
0x8: {  	[smem:$0x3FA7] =	sst s0  }
0x9: {  	[smem:$0x3FA8] =	sst s1  }
0xa: {  	[smem:$0x3FA9] =	sst s2  }
0xb: {  	[smem:$0x3FAA] =	sst s3  }
0xc: {  	[smem:$0x3FAB] =	sst s4  }
0xd: {  	[smem:$0x3FAC] =	sst s5  }
0xe: {  	[smem:$0x3FAD] =	sst s6  }
0xf: {  	[smem:$0x3FAE] =	sst s7  }
0x10: {  	[smem:$0x3FAF] =	sst s8  }
0x11: {  	[smem:$0x3FB0] =	sst s9;
	s0 =	simm.s32 @!p0 $0x0  }
0x12: {  	s1 =	sld [smem:$0x3F96];
	s0 =	simm.s32 @p0 $0x1  }
0x13: {  	[smem:$0x3FB1] =	sst s0;
	s0 =	simm.s32 @!p1 $0x0  }
0x14: {  	s2 =	sld [smem:$0x3F95];
	s0 =	simm.s32 @p1 $0x1  }
0x15: {  	[smem:$0x3FB2] =	sst s0;
	s0 =	simm.s32 @!p2 $0x0  }
0x16: {  	s3 =	sld [smem:$0x3FDB];
	s0 =	simm.s32 @p2 $0x1  }
0x17: {  	s4 =	simm.s32 $0x1BF5;
	[smem:$0x3FB4] =	sst s0  }
0x18: {  	s0 =	sld [smem:$0x3F97];
	_ =	swait.ge [sflag:s4], $0x0  }
0x19: {  	s7 =	sld [smem:$0x3F98]  }
0x1a: {  	s8 =	sadd.s32 $0xFFFFE003, lr  }
0x1b: {  	s9 =	sadd.s32 $0xFFFFFEF7, lr;
	s5 =	simm.s32 $0xFFFFFFFF;
	p2 =	slt.u32 s8, $0xFFFFF086  }
0x1c: {  	p1 =	slt.u32 s9, $0xF7A;
	s5 =	simm.s32 @!p2 $0x0  }
0x1d: {  	s5 =	simm.s32 @p1 $0x1;
	p0 =	seq.s32 s7, s2  }
0x1e: {  	s7 =	smul.u32 @!p0 $0xF7A, s2;
	p2 =	seq.s32 @!p0 s5, $0x0  }
0x1f: {  	s9 =	smul.u32 $0xF7A, s1;
	s8 =	simm.s32 @!p0 $0x1BF5;
	p2 =	por !p2, p0  }
0x20: {  	[sflag:s8] =	ssyncset.s32 @!p0 $0xFFFFF086;
	s6 =	sadd.s32 @!p0 s3, s7;
	s7 =	simm.s32 @!p0 $0x108  }
0x21: {  	s3 =	sadd.s32 s3, s9;
	s6 =	sadd.s32 @!p0 $0x88, s6;
	s7 =	simm.s32 @p2 $0x1082  }
0x22: {  	[simem:s7], [sflag:s8] =	dma.local @!p0 [hbm:s6], $0xF7A  }
0x23: {  	s9 =	sor.u32 $0xD0000000, s2;
	s6 =	simm.s32 $0x108;
	_ =	swait.ge @!p0 [sflag:s8], $0x0  }
0x24: {  	s3 =	sadd.s32 $0x88, s3;
	s6 =	simm.s32 @!p1 $0x1082;
	[sflag:s4] =	ssyncset.s32 $0xFFFFF086  }
0x25: {  	[simem:s6], [sflag:s4] =	dma.local [hbm:s3], $0xF7A  }
0x26: {  	[smem:$0x3F98] =	sst s1;
	(tag) =	ssettag s2;
	_ =	strace s9  }
0x27: {  	s1 =	sld [smem:$0x3FA8]  }
0x28: {  	s2 =	sld [smem:$0x3FA9]  }
0x29: {  	s4 =	sld [smem:$0x3FAB]  }
0x2a: {  	p0 =	seq.s32 s5, $0x0;
	s5 =	sld [smem:$0x3FAC]  }
0x2b: {  	s6 =	sld [smem:$0x3FAD]  }
0x2c: {  	s7 =	sld [smem:$0x3FAE]  }
0x2d: {  	s3 =	simm.s32 $0x108;
	s8 =	sld [smem:$0x3FAF]  }
0x2e: {  	s3 =	simm.s32 @!p0 $0x1082;
	s9 =	sld [smem:$0x3FB0]  }
0x2f: {  	lr =	sadd.s32 s0, s3;
	s0 =	sld [smem:$0x3FA7]  }
0x30: {  	s3 =	sld [smem:$0x3FAA]  }
0x31: {  	[smem:$0x3FB3] =	sst s10  }
0x32: {  	s10 =	sld [smem:$0x3FB1];
	_ =	sdelay $0x3  }
0x33: {  	p0 =	seq.s32 s10, $0x1;
	s10 =	sld [smem:$0x3FB3];
	_ =	sdelay $0x3  }
0x34: {  	[smem:$0x3FB3] =	sst s10  }
0x35: {  	s10 =	sld [smem:$0x3FB2];
	_ =	sdelay $0x3  }
0x36: {  	p1 =	seq.s32 s10, $0x1;
	s10 =	sld [smem:$0x3FB3];
	_ =	sdelay $0x3  }
0x37: {  	[smem:$0x3FB3] =	sst s10  }
0x38: {  	s10 =	sld [smem:$0x3FB4]  }
0x39: {  	_ = 	snop;
	(pc) =	sbr.ind lr, $3  }
0x3a: {  	_ = 	snop  }
0x3b: {  	_ = 	snop  }
0x3c: {  	p2 =	seq.s32 s10, $0x1;
	s10 =	sld [smem:$0x3FB3]  }
0x3d: {  	_ =	shalt  }
0x3e: {  	_ =	shalt  }
0x3f: {  	_ =	shalt  }
0x40: {  	_ =	shalt  }
0x41: {  	_ =	shalt  }
0x42: {  	_ =	shalt  }
0x43: {  	_ =	shalt  }
0x44: {  	_ =	shalt  }
0x45: {  	_ =	shalt  }
0x46: {  	_ =	shalt  }
0x47: {  	_ =	shalt  }
0x48: {  	_ =	shalt  }
0x49: {  	_ =	shalt  }
0x4a: {  	_ =	shalt  }
0x4b: {  	_ =	shalt  }
0x4c: {  	_ =	shalt  }
0x4d: {  	_ =	shalt  }
0x4e: {  	_ =	shalt  }
0x4f: {  	_ =	shalt  }
0x50: {  	_ =	shalt  }
0x51: {  	_ =	shalt  }
0x52: {  	_ =	shalt  }
0x53: {  	_ =	shalt  }
0x54: {  	_ =	shalt  }
0x55: {  	_ =	shalt  }
0x56: {  	_ =	shalt  }
0x57: {  	_ =	shalt  }
0x58: {  	_ =	shalt  }
0x59: {  	_ =	shalt  }
0x5a: {  	_ =	shalt  }
0x5b: {  	_ =	shalt  }
0x5c: {  	_ =	shalt  }
0x5d: {  	_ =	shalt  }
0x5e: {  	_ =	shalt  }
0x5f: {  	_ =	shalt  }
0x60: {  	_ =	shalt  }
0x61: {  	_ =	shalt  }
0x62: {  	_ =	shalt  }
0x63: {  	_ =	shalt  }
0x64: {  	_ =	shalt  }
0x65: {  	_ =	shalt  }
0x66: {  	_ =	shalt  }
0x67: {  	_ =	shalt  }
0x68: {  	_ =	shalt  }
0x69: {  	_ =	shalt  }
0x6a: {  	_ =	shalt  }
0x6b: {  	_ =	shalt  }
0x6c: {  	_ =	shalt  }
0x6d: {  	_ =	shalt  }
0x6e: {  	_ =	shalt  }
0x6f: {  	_ =	shalt  }
0x70: {  	_ =	shalt  }
0x71: {  	_ =	shalt  }
0x72: {  	_ =	shalt  }
0x73: {  	_ =	shalt  }
0x74: {  	_ =	shalt  }
0x75: {  	_ =	shalt  }
0x76: {  	_ =	shalt  }
0x77: {  	_ =	shalt  }
0x78: {  	_ =	shalt  }
0x79: {  	_ =	shalt  }
0x7a: {  	_ =	shalt  }
0x7b: {  	_ =	shalt  }
0x7c: {  	_ =	shalt  }
0x7d: {  	_ =	shalt  }
0x7e: {  	_ =	shalt  }
0x7f: {  	_ =	shalt  }
0x80: {  	_ =	shalt  }
0x81: {  	_ =	shalt  }
0x82: {  	_ =	shalt  }
0x83: {  	_ =	shalt  }
0x84: {  	_ =	shalt  }
0x85: {  	_ =	shalt  }
0x86: {  	_ =	shalt  }
0x87: {  	_ =	shalt  }
.Lfunc_end0:
.L_simem_size_0:
called_computation.2_lowered:
.L_overlay_start_0:
0x88: {  	s2 =	sld [smem:$0x3FD9]  }
0x89: {  	s3 =	sld [smem:$0x3FFE];
	_ =	sdelay $0x1  }
0x8a: {  	s1 =	srdreg.scid  }
0x8b: {  	s0 =	sand.u32 $0x1, s1  }
0x8c: {  	s17 =	sshll.u32 s0, $0xA;
	s2 =	sadd.s32 s3, s2  }
0x8d: {  	s2 =	sadd.s32 s2, s17  }
0x8e: {  	[smem:$0x3FBF] =	sst s2  }
0x8f: {  	_ = 	snop  }
0x90: {  	s2 =	sld [smem:$0x3FD0];
	(tm) =	ssettm $0x1  }
0x91: {  	s18 =	sld [smem:$0x3FFB];
	_ =	sdelay $0x3  }
0x92: {  	_ =	strace s18  }
0x93: {  	s3 =	sld [smem:$0x3FFC];
	_ =	sdelay $0x3  }
0x94: {  	_ =	strace s3  }
0x95: {  	s3 =	sld [smem:$0x3FFD];
	_ =	sdelay $0x3  }
0x96: {  	_ =	strace s3  }
0x97: {  	_ =	strace $0x8FFFFFFF  }
0x98: {  	s19 =	sld [smem:$0x3FDB];
	_ =	sdelay $0x1  }
0x99: {  	s4 =	simm.s32 $_scs_section_size  }
0x9a: {  	s5 =	simm.s32 $_size__tile_overlayer_lowered;
	s6 =	simm.s32 $_tile_overlayer_lowered  }
0x9b: {  	s22 =	simm.s32 $0x1BFF;
	s21 =	sshll.u32 s6, $0x1;
	s3 =	sadd.s32 s4, s19  }
0x9c: {  	s7 =	simm.s32 $0x0;
	s20 =	sshll.u32 s5, $0x1;
	s5 =	sadd.s32 s21, s3  }
0x9d: {  	[timem:s7], [sflag:s22] =	dma.local [hbm:s5], s20  }
0x9e: {  	_ =	swait.ge [sflag:s22], s20  }
0x9f: {  	s4 =	ssub.s32 $0x0, s20;
	[sflag:s22] =	ssyncset.done $0x0  }
0xa0: {  	[sflag:s22] =	ssyncadd.s32 s4;
	_ =	sdelay $0x1  }
0xa1: {  	s23 =	simm.s32 $0x1B8B  }
0xa2: {  	_ =	swait.ge [sflag:s23], $0x1  }
0xa3: {  	[sflag:s23] =	ssyncset.done $0x0  }
0xa4: {  	s25 =	simm.s32 $0x1B8E;
	s24 =	sld [smem:$0x3FFE];
	[sflag:s23] =	ssyncadd.s32 $0xFFFFFFFF  }
0xa5: {  	s26 =	simm.s32 $execute0_lowered;
	[smem:$0x3FD2] =	sst s25  }
0xa6: {  	s5 =	sshll.u32 s26, $0x1;
	_ =	strace $0x80000049;
	[dreg:$0x1] =	wrdreg $0xFFFFFFFF  }
0xa7: {  	s28 =	simm.s32 $_size_execute0_lowered;
	s3 =	sadd.s32 s3, s5;
	[dreg:$0x0] =	wrdreg $0x0  }
0xa8: {  	s5 =	sshll.u32 s28, $0x1;
	[dreg:$0x2] =	wrdreg s3  }
0xa9: {  	[dreg:$0x3] =	wrdreg s5  }
0xaa: {  	[dreg:$0x4] =	wrdreg $0xC0  }
0xab: {  	_ =	task [dreg:s7], $0x5FFFF  }
0xac: {  	[dreg:$0x1] =	wrdreg $0xFFFFFFFF  }
0xad: {  	[dreg:$0x0] =	wrdreg $0x60  }
0xae: {  	[dreg:$0x2] =	wrdreg s24  }
0xaf: {  	[dreg:$0x3] =	wrdreg s2  }
0xb0: {  	[dreg:$0x4] =	wrdreg $0x9  }
0xb1: {  	_ =	task.clear_ibuf [dreg:s7], $0x5FFFF;
	_ =	strace $0x90000049  }
0xb2: {  	s29 =	simm.s32 $0x9;
	_ =	strace $0x8000004B  }
0xb3: {  	_ =	swait.ge [sflag:s29], $0x1  }
0xb4: {  	[sflag:s29] =	ssyncadd.s32 $0xFFFFFFFF  }
0xb5: {  	_ =	strace $0x9000004B  }
0xb6: {  	_ =	sfence  }
0xb7: {  	s30 =	sld [smem:$0x0];
	_ =	sdelay $0x2  }
0xb8: {  	s31 =	sshll.u32 s1, $0xD;
	s1 =	sshrl.u32 s1, $0x2  }
0xb9: {  	s3 =	sand.u32 $0x4000, s31;
	s1 =	sadd.s32 s1, s30  }
0xba: {  	s0 =	sor.u32 s3, s0;
	s1 =	sshll.u32 s1, $0x11  }
0xbb: {  	s0 =	sor.u32 s1, s0  }
0xbc: {  	s0 =	sadd.s32 $0x8F2B, s0  }
0xbd: {  	[sflag:s0] =	ssyncadd.remote.s32 $0x1  }
0xbe: {  	_ =	sfence.sel $0xFFFF  }
0xbf: {  	[dreg:$0x0] =	wrdreg $0xFFFFFFFF;
	(pc) =	sbr.abs _section_cstart, $3  }
0xc0: {  	[dreg:$0x1] =	wrdreg $0xFFFFFFFF  }
0xc1: {  	_ =	task.clear_ibuf [dreg:s7], $0x2FFFF;
	_ =	strace $0x9FFFFFFF  }
0xc2: {  	(tm) =	ssettm $0x7FFFFFFF  }
0xc3: {  	_ =	shalt  }
tec
execute0_lowered:
.L_overlay_start_1:
0x0: {  	(tag) =	ssettag $0x1  }
0x1: {  	s5 =	rddreg [dreg:$0x0]  }
0x2: {  	s1 =	rddreg [dreg:$0x1]  }
0x3: {  	s0 =	rddreg [dreg:$0x2];
	s2 =	simm.s32 $0x0  }
0x4: {  	s3 =	srdreg.scid;
	s9 =	simm.s32 $0x14400;
	s10 =	simm.s32 $0x14BD0  }
0x5: {  	s11 =	simm.s32 $0x0;
	[smem:$0x7FF] =	sst s2;
	s6 =	sand.u32 $0x1, s3  }
0x6: {  	s4 =	sadd.s32 $0xD000, s5;
	s3 =	stileid.u32;
	s7 =	ssub.s32 $0x2, s6  }
0x7: {  	s5 =	sadd.s32 $0xFA00, s5;
	s6 =	sshll.u32 s6, $0x4;
	s8 =	sshrl.u32 s7, $0x1  }
0x8: {  	_ =	strace $0x8000004A;
	s6 =	sor.u32 s3, s6;
	s7 =	ssub.s32 s7, s8  }
0x9: {  	s6 =	smul.u32 $0x2710, s6;
	s8 =	simm.s32 $0x1;
	s7 =	smax.u32 s7, $0x1  }
.LBB2_1:
0xa: {  	[tilespmem:s2], [sflag:$0x1] =	stream.linear.gather [hbm4b:s4+s2], $0x14400, $0x38;
	[tilespmem:$0x153A0] =	vst v63  }
0xb: {  	_ =	swait.ge [sflag:s8], $0x14400  }
0xc: {  	[sflag:s8] =	ssyncset.done $0x0  }
0xd: {  	s12 =	simm.s32 $0x0;
	[sflag:s8] =	ssyncadd.s32 $0xFFFEBC00  }
.LBB2_2:
0xe: {  	s13 =	smul.u32 $0x7D0, s12;
	_ =	sdelay $0x1  }
0xf: {  	s13 =	sadd.s32 s6, s13  }
0x10: {  	s13 =	sshrl.u32 s13, $0x3  }
0x11: {  	s15 =	simm.s32 $0x0;
	s14 =	sadd.s32 s1, s13  }
0x12: {  	[tilespmem:s9], [sflag:$0x1] =	stream.linear.gather [hbm4b:s14+s15], $0x7D0, $0x38;
	[tilespmem:$0x153A0] =	vst v63  }
0x13: {  	_ =	swait.ge [sflag:s8], $0x7D0  }
0x14: {  	[sflag:s8] =	ssyncset.done $0x0  }
0x15: {  	s14 =	simm.s32 $0x0;
	[sflag:s8] =	ssyncadd.s32 $0xFFFFF830  }
0x16: {  	v0 =	vld [tilespmem:s14+$0x14400];
	_ =	sdelay $0x7  }
0x17: {  	s16 =	simm.s32 $0x80;
	s15 =	simm.s32 $0x10;
	v0 =	vld.idx.msk [tilespmem:v0+s2+$0x0], $0xffff  }
.LBB2_3:
0x18: {  	p0 =	sne.s32 s16, $0x1F00;
	v1 =	vld [tilespmem:s15+$0x14400];
	_ =	sdelay $0x3  }
.Ltmp0:
0x19: {  	(pc) =	sbr.rel @p0 .LBB2_3-.Ltmp0, $2  }
0x1a: {  	[tilespmem:s14+$0x14BD0] =	vst v0;
	s14 =	smov.u32 s15;
	_ =	sdelay $0x2  }
0x1b: {  	s15 =	sshra.s32 s16, $0x2;
	s16 =	sadd.s32 $0x40, s16;
	v0 =	vld.idx.msk [tilespmem:v1+s2+$0x0], $0xffff  }
0x1c: {  	v1 =	vld [tilespmem:s15+$0x14400];
	_ =	sdelay $0x6  }
0x1d: {  	[tilespmem:s14+$0x14BD0] =	vst v0  }
0x1e: {  	v0 =	vld.idx.msk [tilespmem:v1+s2+$0x0], $0xffff;
	_ =	sdelay $0x2  }
0x1f: {  	s12 =	sadd.s32 $0x1, s12  }
0x20: {  	p0 =	sne.s32 s12, $0x5  }
.Ltmp1:
0x21: {  	s13 =	sadd.s32 s5, s13;
	[tilespmem:s15+$0x14BD0] =	vst v0;
	(pc) =	sbr.rel @p0 .LBB2_2-.Ltmp1, $4  }
0x22: {  	[hbm4b:s13+s2] =	stream.linear.scatter [tilespmem:s10], [sflag:$0x1], $0x7D0, $0x38;
	[tilespmem:$0x153A0] =	vst v63  }
0x23: {  	_ =	swait.ge [sflag:s8], $0x7D0  }
0x24: {  	[sflag:s8] =	ssyncset.done $0x0  }
0x25: {  	[sflag:s8] =	ssyncadd.s32 $0xFFFFF830  }
0x26: {  	s11 =	sadd.s32 $0x1, s11  }
0x27: {  	p0 =	sne.s32 s11, s7  }
.Ltmp2:
0x28: {  	_ = 	snop;
	(pc) =	sbr.rel @p0 .LBB2_1-.Ltmp2, $1  }
0x29: {  	_ =	sdelay $0x3  }
0x2a: {  	_ =	sfence.sel $0x180000  }
0x2b: {  	[bflag:$0x0] =	sbarrier.arrive $0xFFFF  }
0x2c: {  	p0 =	sne.s32 s3, $0x0;
	_ =	strace $0x9000004A  }
0x2d: {  	s0 =	sadd.s32 @!p0 $0x100000, s0;
	[bflag:$0x2] =	sbarrier.arrive $0xFFFF  }
0x2e: {  	[sflag:s0] =	ssyncadd.tile.s32 @!p0 $0x1;
	_ =	shalt  }
.Lfunc_end2:
_tile_overlayer_lowered:
.L_overlay_start_2:
0x2f: {  	(tag) =	ssettag $0x2  }
0x30: {  	s0 =	rddreg [dreg:$0x0];
	s2 =	stileid.u32  }
0x31: {  	s1 =	rddreg [dreg:$0x1];
	p0 =	sne.s32 s2, $0x0  }
0x32: {  	s3 =	rddreg [dreg:$0x2];
	[bflag:$0x3] =	sbarrier.arrive $0xFFFF;
	s2 =	simm.s32 @!p0 $0x1C01  }
0x33: {  	[timem:s3], [sflag:s2] =	dma.local @!p0 [hbm:s0], s1  }
0x34: {  	s0 =	simm.s32 @!p0 $0x1  }
0x35: {  	_ =	swait.ge @!p0 [sflag:s0], s1  }
0x36: {  	s1 =	ssub.s32 @!p0 $0x0, s1;
	[sflag:s0] =	ssyncset.done @!p0 $0x0  }
0x37: {  	[sflag:s0] =	ssyncadd.s32 @!p0 s1  }
0x38: {  	[bflag:$0x3] =	sbarrier.arrive $0xFFFF  }
0x39: {  	_ =	shalt  }

</sc_bundles>
